<compile_context>
chip_gen: v7x
topology: tpu7x:2x2x1
jax: 0.10.2.dev20260603
libtpu: 0.0.44.dev20260713+nightly
codegen_flags: <defaults>
</compile_context>

<pallas_src>
import functools

import jax
import jax.numpy as jnp
from jax import lax
from jax.experimental import pallas as pl
from jax.experimental.pallas import tpu as pltpu
from jax.experimental.pallas import tpu_sc as plsc

N_NODES = 10000
N_PAD = 10240
N_EDGES = 160000
D = 256
DH = 128
NC = 2
NS = 16
EP = N_EDGES // NS
G = 80
NCH = EP // G
RSH = N_PAD // NS
ZR = 128

_f32 = jnp.float32
_bf16 = jnp.bfloat16
_i32 = jnp.int32


def _norm_from_deg(deg):
    return jnp.where(deg > 0, lax.rsqrt(jnp.maximum(deg, 1.0)), 0.0)


@functools.partial(
    pl.kernel,
    out_type=[
        jax.ShapeDtypeStruct((N_PAD,), _f32),
        jax.ShapeDtypeStruct((N_PAD,), _f32),
    ],
    mesh=plsc.VectorSubcoreMesh(core_axis_name="c", subcore_axis_name="s"),
    scratch_types=[
        pltpu.VMEM((NCH, G), _i32),
        pltpu.VMEM((G,), _f32),
        pltpu.VMEM((RSH,), _f32),
        pltpu.VMEM_SHARED((N_PAD,), _f32),
    ],
)
def _sc_degrees(srcr, dstr, dout, din, idx_v, ones_v, buf_v, acc_sh):
    c = lax.axis_index("c")
    s = lax.axis_index("s")

    @pl.when(c == 0)
    def _():
        pltpu.sync_copy(srcr.at[s], idx_v)

    @pl.when(c == 1)
    def _():
        pltpu.sync_copy(dstr.at[s], idx_v)

    one16 = jnp.ones((16,), _f32)
    zero16 = jnp.zeros((16,), _f32)
    for k in range(G // 16):
        ones_v[pl.ds(k * 16, 16)] = one16

    def _zb(k, carry):
        buf_v[pl.ds(k * 16, 16)] = zero16
        return carry

    lax.fori_loop(0, RSH // 16, _zb, None)
    pltpu.sync_copy(buf_v, acc_sh.at[pl.ds(s * RSH, RSH)])
    plsc.subcore_barrier()

    def _body(i, carry):
        pltpu.sync_copy(ones_v, acc_sh.at[idx_v.at[i]], add=True)
        return carry

    lax.fori_loop(0, NCH, _body, None)
    plsc.subcore_barrier()

    pltpu.sync_copy(acc_sh.at[pl.ds(s * RSH, RSH)], buf_v)

    @pl.when(c == 0)
    def _():
        pltpu.sync_copy(buf_v, dout.at[pl.ds(s * RSH, RSH)])

    @pl.when(c == 1)
    def _():
        pltpu.sync_copy(buf_v, din.at[pl.ds(s * RSH, RSH)])


GC = 128
E_PAD = 163840
EPS = E_PAD // NS
NCHQ = EPS // GC
NB = 4


@functools.partial(
    pl.kernel,
    out_type=[jax.ShapeDtypeStruct((N_PAD, DH), _bf16) for _ in range(2)],
    mesh=plsc.VectorSubcoreMesh(core_axis_name="c", subcore_axis_name="s"),
    scratch_types=[
        pltpu.VMEM((NCHQ, GC), _i32),
        pltpu.VMEM((NCHQ, GC), _i32),
        [pltpu.VMEM((GC, DH), _bf16) for _ in range(NB)],
        pltpu.VMEM((ZR, DH), _bf16),
        pltpu.VMEM((ZR, DH), _bf16),
        [pltpu.SemaphoreType.DMA for _ in range(NB)],
        pltpu.VMEM_SHARED((N_PAD, DH), _bf16),
    ],
    compiler_params=pltpu.CompilerParams(use_tc_tiling_on_sc=False),
)
def _sc_scatter(
    t0, t1, zeros_h, srcr, dstr, o0, o1,
    src_v, dst_v, rbs, zbuf, cbuf, sems, acc_sh,
):
    c = lax.axis_index("c")
    s = lax.axis_index("s")

    pltpu.sync_copy(srcr.at[s], src_v)
    pltpu.sync_copy(dstr.at[s], dst_v)
    pltpu.sync_copy(zeros_h, zbuf)

    def _gather(i, b):
        @pl.when(c == 0)
        def _():
            pltpu.async_copy(t0.at[src_v.at[i]], rbs[b], sems[b])

        @pl.when(c == 1)
        def _():
            pltpu.async_copy(t1.at[src_v.at[i]], rbs[b], sems[b])

    for b in range(NB):
        _gather(b, b)
    for r in range(RSH // ZR):
        pltpu.sync_copy(zbuf, acc_sh.at[pl.ds(s * RSH + r * ZR, ZR)])
    plsc.subcore_barrier()

    def _body(j, carry):
        for b in range(NB):
            i = NB * j + b
            pltpu.make_async_copy(t0.at[src_v.at[i]], rbs[b], sems[b]).wait()
            pltpu.sync_copy(rbs[b], acc_sh.at[dst_v.at[i]], add=True)

            @pl.when(i + NB < NCHQ)
            def _():
                _gather(i + NB, b)

        return carry

    lax.fori_loop(0, NCHQ // NB, _body, None)
    plsc.subcore_barrier()

    for r in range(RSH // ZR):
        sl = pl.ds(s * RSH + r * ZR, ZR)
        pltpu.sync_copy(acc_sh.at[sl], cbuf)

        @pl.when(c == 0)
        def _():
            pltpu.sync_copy(cbuf, o0.at[sl])

        @pl.when(c == 1)
        def _():
            pltpu.sync_copy(cbuf, o1.at[sl])


_RB = 1000


def _tc_first_body(x_ref, w_ref, dout_ref, out0_ref, out1_ref):
    no = _norm_from_deg(dout_ref[...])
    res = (
        jnp.dot(
            x_ref[...].astype(_bf16),
            w_ref[...].astype(_bf16),
            preferred_element_type=_f32,
        )
        * no
    )
    out0_ref[...] = res[:, :DH].astype(_bf16)
    out1_ref[...] = res[:, DH:].astype(_bf16)


def _tc_mid_body(a0_ref, a1_ref, din_ref, b_ref, w_ref, dout_ref, out0_ref, out1_ref):
    ni = _norm_from_deg(din_ref[...])
    no = _norm_from_deg(dout_ref[...])
    a = (
        jnp.concatenate([a0_ref[...], a1_ref[...]], axis=1).astype(_f32) * ni
        + b_ref[...]
    )
    h_act = jnp.maximum(a, 0.0)
    res = (
        jnp.dot(
            h_act.astype(_bf16),
            w_ref[...].astype(_bf16),
            preferred_element_type=_f32,
        )
        * no
    )
    out0_ref[...] = res[:, :DH].astype(_bf16)
    out1_ref[...] = res[:, DH:].astype(_bf16)


def _tc_last_body(a0_ref, a1_ref, din_ref, b_ref, out_ref):
    ni = _norm_from_deg(din_ref[...])
    out_ref[...] = (
        jnp.concatenate([a0_ref[...], a1_ref[...]], axis=1).astype(_f32) * ni
        + b_ref[...]
    )


def _half_spec():
    return pl.BlockSpec((_RB, DH), lambda i: (i, 0))


def _half_out():
    return [
        pl.BlockSpec((_RB, DH), lambda i: (i, 0)),
        pl.BlockSpec((_RB, DH), lambda i: (i, 0)),
    ]


def _half_out_shape():
    return [
        jax.ShapeDtypeStruct((N_PAD, DH), _bf16),
        jax.ShapeDtypeStruct((N_PAD, DH), _bf16),
    ]


def _tc_first(x, w, dout):
    return pl.pallas_call(
        _tc_first_body,
        grid=(N_NODES // _RB,),
        in_specs=[
            pl.BlockSpec((_RB, D), lambda i: (i, 0)),
            pl.BlockSpec((D, D), lambda i: (0, 0)),
            pl.BlockSpec((_RB, 1), lambda i: (i, 0)),
        ],
        out_specs=_half_out(),
        out_shape=_half_out_shape(),
    )(x, w, dout)


def _tc_mid(a0, a1, din, b, w, dout):
    return pl.pallas_call(
        _tc_mid_body,
        grid=(N_NODES // _RB,),
        in_specs=[
            _half_spec(),
            _half_spec(),
            pl.BlockSpec((_RB, 1), lambda i: (i, 0)),
            pl.BlockSpec((1, D), lambda i: (0, 0)),
            pl.BlockSpec((D, D), lambda i: (0, 0)),
            pl.BlockSpec((_RB, 1), lambda i: (i, 0)),
        ],
        out_specs=_half_out(),
        out_shape=_half_out_shape(),
    )(a0, a1, din, b, w, dout)


def _tc_last(a0, a1, din, b):
    return pl.pallas_call(
        _tc_last_body,
        grid=(N_NODES // _RB,),
        in_specs=[
            _half_spec(),
            _half_spec(),
            pl.BlockSpec((_RB, 1), lambda i: (i, 0)),
            pl.BlockSpec((1, D), lambda i: (0, 0)),
        ],
        out_specs=pl.BlockSpec((_RB, D), lambda i: (i, 0)),
        out_shape=jax.ShapeDtypeStruct((N_NODES, D), _f32),
    )(a0, a1, din, b)


def kernel(x, edge_index, W0, b0, W1, b1, W2, b2):
    src = edge_index[0].astype(_i32)
    dst = edge_index[1].astype(_i32)
    srcr = src.reshape(NS, NCH, G)
    dstr = dst.reshape(NS, NCH, G)

    npad = E_PAD - N_EDGES
    pad_iota = jnp.arange(npad, dtype=_i32)
    src_p = jnp.concatenate([src, pad_iota % N_NODES]).reshape(NS, NCHQ, GC)
    dst_p = jnp.concatenate([dst, N_NODES + pad_iota % (N_PAD - N_NODES)]).reshape(
        NS, NCHQ, GC
    )

    zeros_h = jnp.zeros((ZR, DH), _bf16)

    dout_p, din_p = _sc_degrees(srcr, dstr)
    dout = dout_p.reshape(N_PAD, 1)
    din = din_p.reshape(N_PAD, 1)

    b0r = b0.reshape(1, D)
    b1r = b1.reshape(1, D)
    b2r = b2.reshape(1, D)

    p0, p1 = _tc_first(x, W0, dout)
    a0, a1 = _sc_scatter(p0, p1, zeros_h, src_p, dst_p)
    p0, p1 = _tc_mid(a0, a1, din, b0r, W1, dout)
    a0, a1 = _sc_scatter(p0, p1, zeros_h, src_p, dst_p)
    p0, p1 = _tc_mid(a0, a1, din, b1r, W2, dout)
    a0, a1 = _sc_scatter(p0, p1, zeros_h, src_p, dst_p)
    return _tc_last(a0, a1, din, b2r)

# --- scband reference (transcript-rebuilt; emitter-appended) ---
"""Pipeline reference for scband-net-19713899888641 (READ-ONLY COPY).

The authoritative reference and input builder live on the scoring server;
editing this copy changes nothing except your own understanding.
"""

import jax, jax.numpy as jnp
import numpy as np

N_NODES = 10000
N_EDGES = 160000
D_IN = 256
D_HID = 256
D_OUT = 256


def setup_inputs(seed: int = 0) -> dict:
    key = jax.random.key(seed)
    ks = jax.random.split(key, 10)
    x = jax.random.normal(ks[0], (N_NODES, D_IN), dtype=jnp.float32)
    edge_index = jax.random.randint(ks[1], (2, N_EDGES), 0, N_NODES, dtype=jnp.int32)
    s0 = 1.0 / np.sqrt(D_IN)
    s1 = 1.0 / np.sqrt(D_HID)
    W0 = jax.random.normal(ks[2], (D_IN, D_HID), dtype=jnp.float32) * s0
    b0 = jnp.zeros((D_HID,), dtype=jnp.float32)
    W1 = jax.random.normal(ks[3], (D_HID, D_HID), dtype=jnp.float32) * s1
    b1 = jnp.zeros((D_HID,), dtype=jnp.float32)
    W2 = jax.random.normal(ks[4], (D_HID, D_OUT), dtype=jnp.float32) * s1
    b2 = jnp.zeros((D_OUT,), dtype=jnp.float32)
    return {"x": x, "edge_index": edge_index, "W0": W0, "b0": b0, "W1": W1, "b1": b1, "W2": W2, "b2": b2}


def _gcn_layer(h, W, b, src, dst, norm_out, norm_in, activation):
    # DGL GraphConv with norm='both': weight first (equal dims), symmetric degree norm
    h = h @ W
    h = h * norm_out[:, None]
    m = jnp.take(h, src, axis=0)
    agg = jax.ops.segment_sum(m, dst, num_segments=N_NODES)
    agg = agg * norm_in[:, None]
    agg = agg + b
    if activation is not None:
        agg = activation(agg)
    return agg


def reference(x, edge_index, W0, b0, W1, b1, W2, b2):
    src = edge_index[0]
    dst = edge_index[1]
    ones = jnp.ones((N_EDGES,), dtype=jnp.float32)
    deg_out = jax.ops.segment_sum(ones, src, num_segments=N_NODES)
    deg_in = jax.ops.segment_sum(ones, dst, num_segments=N_NODES)
    norm_out = jnp.where(deg_out > 0, 1.0 / jnp.sqrt(jnp.maximum(deg_out, 1.0)), 0.0)
    norm_in = jnp.where(deg_in > 0, 1.0 / jnp.sqrt(jnp.maximum(deg_in, 1.0)), 0.0)
    h = _gcn_layer(x, W0, b0, src, dst, norm_out, norm_in, jax.nn.relu)
    h = _gcn_layer(h, W1, b1, src, dst, norm_out, norm_in, jax.nn.relu)
    h = _gcn_layer(h, W2, b2, src, dst, norm_out, norm_in, None)
    return h

if __name__ == "__main__":
    import jax
    _d = setup_inputs()
    print(jax.jit(kernel)(*tuple(_d.values())))

</pallas_src>

<mosaic_0001>
#map = affine_map<(d0, d1) -> (0, 0, 0)>
#map1 = affine_map<(d0, d1) -> (0)>
module attributes {stable_mosaic.version = 14 : i64} {
  func.func @_sc_degrees(%arg0: i32, %arg1: i32, %arg2: memref<16x125x80xi32, #tpu.memory_space<hbm>>, %arg3: memref<16x125x80xi32, #tpu.memory_space<hbm>>, %arg4: memref<10240xf32, #tpu.memory_space<hbm>>, %arg5: memref<10240xf32, #tpu.memory_space<hbm>>, %arg6: memref<125x80xi32, #tpu.memory_space<vmem>>, %arg7: memref<80xf32, #tpu.memory_space<vmem>>, %arg8: memref<640xf32, #tpu.memory_space<vmem>>, %arg9: memref<10240xf32, #tpu.memory_space<vmem_shared>>) attributes {dimension_semantics = [#tpu.dimension_semantics<core_parallel>, #tpu.dimension_semantics<subcore_parallel>], iteration_bounds = array<i64: 2, 16>, scalar_prefetch = 0 : i64, scratch_operands = 4 : i64, tpu.core_type = #tpu.core_type<sc_vector_subcore>, window_params = [{transform_indices = #map}, {transform_indices = #map}, {transform_indices = #map1}, {transform_indices = #map1}]} {
    %eq3A = arith.constant 0 : i32
    %eq3A_0 = arith.cmpi eq, %arg0, %eq3A : i32
    %convert_element_type3A = arith.extui %eq3A_0 : i1 to i32
    %cond3A = arith.constant 0 : i32
    %cond3A_1 = arith.cmpi ne, %convert_element_type3A, %cond3A : i32
    scf.if %cond3A_1 {
      "tpu.region"() ({
        %run_scoped3A = tpu.sem_alloc : memref<!tpu.dma_semaphore, #tpu.memory_space<semaphore_mem>>
        %dma_start3A = arith.constant 0 : i32
        %dma_start3A_52 = arith.constant 0 : i32
        %dma_start3A_53 = tpu.memref_slice %arg2[%arg1, %dma_start3A, %dma_start3A_52] : memref<16x125x80xi32, #tpu.memory_space<hbm>> -> memref<1x125x80xi32, #tpu.memory_space<hbm>>
        %dma_start3A_54 = tpu.memref_squeeze %dma_start3A_53 : memref<1x125x80xi32, #tpu.memory_space<hbm>> -> memref<125x80xi32, #tpu.memory_space<hbm>>
        %dma_start3A_55 = arith.constant 0 : i32
        %dma_start3A_56 = arith.constant 0 : i32
        %dma_start3A_57 = tpu.memref_slice %arg2[%arg1, %dma_start3A_55, %dma_start3A_56] : memref<16x125x80xi32, #tpu.memory_space<hbm>> -> memref<1x125x80xi32, #tpu.memory_space<hbm>>
        %dma_start3A_58 = tpu.memref_squeeze %dma_start3A_57 : memref<1x125x80xi32, #tpu.memory_space<hbm>> -> memref<125x80xi32, #tpu.memory_space<hbm>>
        tpu.enqueue_dma source(%dma_start3A_58 : memref<125x80xi32, #tpu.memory_space<hbm>>) target(%arg6 : memref<125x80xi32, #tpu.memory_space<vmem>>) target_semaphore(%run_scoped3A : memref<!tpu.dma_semaphore, #tpu.memory_space<semaphore_mem>>)
        %dma_wait3A = arith.constant 0 : i32
        %dma_wait3A_59 = arith.constant 0 : i32
        %dma_wait3A_60 = tpu.memref_slice %arg2[%arg1, %dma_wait3A, %dma_wait3A_59] : memref<16x125x80xi32, #tpu.memory_space<hbm>> -> memref<1x125x80xi32, #tpu.memory_space<hbm>>
        %dma_wait3A_61 = tpu.memref_squeeze %dma_wait3A_60 : memref<1x125x80xi32, #tpu.memory_space<hbm>> -> memref<125x80xi32, #tpu.memory_space<hbm>>
        %dma_wait3A_62 = arith.constant 0 : i32
        %dma_wait3A_63 = arith.constant 0 : i32
        %dma_wait3A_64 = tpu.memref_slice %arg2[%arg1, %dma_wait3A_62, %dma_wait3A_63] : memref<16x125x80xi32, #tpu.memory_space<hbm>> -> memref<1x125x80xi32, #tpu.memory_space<hbm>>
        %dma_wait3A_65 = tpu.memref_squeeze %dma_wait3A_64 : memref<1x125x80xi32, #tpu.memory_space<hbm>> -> memref<125x80xi32, #tpu.memory_space<hbm>>
        tpu.wait_dma2 semaphore(%run_scoped3A : memref<!tpu.dma_semaphore, #tpu.memory_space<semaphore_mem>>) src(%dma_wait3A_65 : memref<125x80xi32, #tpu.memory_space<hbm>>) dst(%arg6 : memref<125x80xi32, #tpu.memory_space<vmem>>)
        tpu.yield
      }) : () -> ()
    } else {
    }
    %eq3A_2 = arith.constant 1 : i32
    %eq3A_3 = arith.cmpi eq, %arg0, %eq3A_2 : i32
    %convert_element_type3A_4 = arith.extui %eq3A_3 : i1 to i32
    %cond3A_5 = arith.constant 0 : i32
    %cond3A_6 = arith.cmpi ne, %convert_element_type3A_4, %cond3A_5 : i32
    scf.if %cond3A_6 {
      "tpu.region"() ({
        %run_scoped3A = tpu.sem_alloc : memref<!tpu.dma_semaphore, #tpu.memory_space<semaphore_mem>>
        %dma_start3A = arith.constant 0 : i32
        %dma_start3A_52 = arith.constant 0 : i32
        %dma_start3A_53 = tpu.memref_slice %arg3[%arg1, %dma_start3A, %dma_start3A_52] : memref<16x125x80xi32, #tpu.memory_space<hbm>> -> memref<1x125x80xi32, #tpu.memory_space<hbm>>
        %dma_start3A_54 = tpu.memref_squeeze %dma_start3A_53 : memref<1x125x80xi32, #tpu.memory_space<hbm>> -> memref<125x80xi32, #tpu.memory_space<hbm>>
        %dma_start3A_55 = arith.constant 0 : i32
        %dma_start3A_56 = arith.constant 0 : i32
        %dma_start3A_57 = tpu.memref_slice %arg3[%arg1, %dma_start3A_55, %dma_start3A_56] : memref<16x125x80xi32, #tpu.memory_space<hbm>> -> memref<1x125x80xi32, #tpu.memory_space<hbm>>
        %dma_start3A_58 = tpu.memref_squeeze %dma_start3A_57 : memref<1x125x80xi32, #tpu.memory_space<hbm>> -> memref<125x80xi32, #tpu.memory_space<hbm>>
        tpu.enqueue_dma source(%dma_start3A_58 : memref<125x80xi32, #tpu.memory_space<hbm>>) target(%arg6 : memref<125x80xi32, #tpu.memory_space<vmem>>) target_semaphore(%run_scoped3A : memref<!tpu.dma_semaphore, #tpu.memory_space<semaphore_mem>>)
        %dma_wait3A = arith.constant 0 : i32
        %dma_wait3A_59 = arith.constant 0 : i32
        %dma_wait3A_60 = tpu.memref_slice %arg3[%arg1, %dma_wait3A, %dma_wait3A_59] : memref<16x125x80xi32, #tpu.memory_space<hbm>> -> memref<1x125x80xi32, #tpu.memory_space<hbm>>
        %dma_wait3A_61 = tpu.memref_squeeze %dma_wait3A_60 : memref<1x125x80xi32, #tpu.memory_space<hbm>> -> memref<125x80xi32, #tpu.memory_space<hbm>>
        %dma_wait3A_62 = arith.constant 0 : i32
        %dma_wait3A_63 = arith.constant 0 : i32
        %dma_wait3A_64 = tpu.memref_slice %arg3[%arg1, %dma_wait3A_62, %dma_wait3A_63] : memref<16x125x80xi32, #tpu.memory_space<hbm>> -> memref<1x125x80xi32, #tpu.memory_space<hbm>>
        %dma_wait3A_65 = tpu.memref_squeeze %dma_wait3A_64 : memref<1x125x80xi32, #tpu.memory_space<hbm>> -> memref<125x80xi32, #tpu.memory_space<hbm>>
        tpu.wait_dma2 semaphore(%run_scoped3A : memref<!tpu.dma_semaphore, #tpu.memory_space<semaphore_mem>>) src(%dma_wait3A_65 : memref<125x80xi32, #tpu.memory_space<hbm>>) dst(%arg6 : memref<125x80xi32, #tpu.memory_space<vmem>>)
        tpu.yield
      }) : () -> ()
    } else {
    }
    %broadcast_in_dim3A = arith.constant 1.000000e+00 : f32
    %broadcast_in_dim3A_7 = vector.broadcast %broadcast_in_dim3A : f32 to vector<16xf32>
    %broadcast_in_dim3A_8 = arith.constant 0.000000e+00 : f32
    %broadcast_in_dim3A_9 = vector.broadcast %broadcast_in_dim3A_8 : f32 to vector<16xf32>
    %swap3A = arith.constant 0 : index
    %swap3A_10 = tpu.vector_load %arg7[%swap3A] {strides = array<i32>} : memref<80xf32, #tpu.memory_space<vmem>>, vector<16xf32>,
    %swap3A_11 = vector.shape_cast %swap3A_10 : vector<16xf32> to vector<16xf32>
    %swap3A_12 = vector.shape_cast %broadcast_in_dim3A_7 : vector<16xf32> to vector<16xf32>
    tpu.vector_store %arg7[%swap3A], %swap3A_12 {strides = array<i32>} : memref<80xf32, #tpu.memory_space<vmem>>, vector<16xf32>,
    %swap3A_13 = arith.constant 16 : index
    %swap3A_14 = tpu.vector_load %arg7[%swap3A_13] {strides = array<i32>} : memref<80xf32, #tpu.memory_space<vmem>>, vector<16xf32>,
    %swap3A_15 = vector.shape_cast %swap3A_14 : vector<16xf32> to vector<16xf32>
    %swap3A_16 = vector.shape_cast %broadcast_in_dim3A_7 : vector<16xf32> to vector<16xf32>
    tpu.vector_store %arg7[%swap3A_13], %swap3A_16 {strides = array<i32>} : memref<80xf32, #tpu.memory_space<vmem>>, vector<16xf32>,
    %swap3A_17 = arith.constant 32 : index
    %swap3A_18 = tpu.vector_load %arg7[%swap3A_17] {strides = array<i32>} : memref<80xf32, #tpu.memory_space<vmem>>, vector<16xf32>,
    %swap3A_19 = vector.shape_cast %swap3A_18 : vector<16xf32> to vector<16xf32>
    %swap3A_20 = vector.shape_cast %broadcast_in_dim3A_7 : vector<16xf32> to vector<16xf32>
    tpu.vector_store %arg7[%swap3A_17], %swap3A_20 {strides = array<i32>} : memref<80xf32, #tpu.memory_space<vmem>>, vector<16xf32>,
    %swap3A_21 = arith.constant 48 : index
    %swap3A_22 = tpu.vector_load %arg7[%swap3A_21] {strides = array<i32>} : memref<80xf32, #tpu.memory_space<vmem>>, vector<16xf32>,
    %swap3A_23 = vector.shape_cast %swap3A_22 : vector<16xf32> to vector<16xf32>
    %swap3A_24 = vector.shape_cast %broadcast_in_dim3A_7 : vector<16xf32> to vector<16xf32>
    tpu.vector_store %arg7[%swap3A_21], %swap3A_24 {strides = array<i32>} : memref<80xf32, #tpu.memory_space<vmem>>, vector<16xf32>,
    %swap3A_25 = arith.constant 64 : index
    %swap3A_26 = tpu.vector_load %arg7[%swap3A_25] {strides = array<i32>} : memref<80xf32, #tpu.memory_space<vmem>>, vector<16xf32>,
    %swap3A_27 = vector.shape_cast %swap3A_26 : vector<16xf32> to vector<16xf32>
    %swap3A_28 = vector.shape_cast %broadcast_in_dim3A_7 : vector<16xf32> to vector<16xf32>
    tpu.vector_store %arg7[%swap3A_25], %swap3A_28 {strides = array<i32>} : memref<80xf32, #tpu.memory_space<vmem>>, vector<16xf32>,
    %scan3A = arith.constant 0 : i32
    %scan3A_29 = arith.constant 40 : i32
    %scan3A_30 = arith.addi %scan3A, %scan3A_29 : i32
    %scan3A_31 = arith.constant 1 : i32
    scf.for %scan3A_52 = %scan3A to %scan3A_30 step %scan3A_31  : i32 {
      %mul3A_53 = arith.constant 16 : i32
      %mul3A_54 = arith.muli %scan3A_52, %mul3A_53 : i32
      %swap3A_55 = arith.index_cast %mul3A_54 : i32 to index
      %swap3A_56 = tpu.vector_load %arg8[%swap3A_55] {strides = array<i32>} : memref<640xf32, #tpu.memory_space<vmem>>, vector<16xf32>,
      %swap3A_57 = vector.shape_cast %swap3A_56 : vector<16xf32> to vector<16xf32>
      %swap3A_58 = vector.shape_cast %broadcast_in_dim3A_9 : vector<16xf32> to vector<16xf32>
      tpu.vector_store %arg8[%swap3A_55], %swap3A_58 {strides = array<i32>} : memref<640xf32, #tpu.memory_space<vmem>>, vector<16xf32>,
    }
    %scan3A_32 = arith.constant 40 : i32
    %mul3A = arith.constant 640 : i32
    %mul3A_33 = arith.muli %arg1, %mul3A : i32
    "tpu.region"() ({
      %run_scoped3A = tpu.sem_alloc : memref<!tpu.dma_semaphore, #tpu.memory_space<semaphore_mem>>
      %dma_start3A = tpu.memref_slice %arg9[%mul3A_33] : memref<10240xf32, #tpu.memory_space<vmem_shared>> -> memref<640xf32, #tpu.memory_space<vmem_shared>>
      %dma_start3A_52 = tpu.memref_slice %arg9[%mul3A_33] : memref<10240xf32, #tpu.memory_space<vmem_shared>> -> memref<640xf32, #tpu.memory_space<vmem_shared>>
      tpu.enqueue_dma source(%arg8 : memref<640xf32, #tpu.memory_space<vmem>>) target(%dma_start3A_52 : memref<640xf32, #tpu.memory_space<vmem_shared>>) target_semaphore(%run_scoped3A : memref<!tpu.dma_semaphore, #tpu.memory_space<semaphore_mem>>)
      %dma_wait3A = tpu.memref_slice %arg9[%mul3A_33] : memref<10240xf32, #tpu.memory_space<vmem_shared>> -> memref<640xf32, #tpu.memory_space<vmem_shared>>
      %dma_wait3A_53 = tpu.memref_slice %arg9[%mul3A_33] : memref<10240xf32, #tpu.memory_space<vmem_shared>> -> memref<640xf32, #tpu.memory_space<vmem_shared>>
      tpu.wait_dma2 semaphore(%run_scoped3A : memref<!tpu.dma_semaphore, #tpu.memory_space<semaphore_mem>>) src(%arg8 : memref<640xf32, #tpu.memory_space<vmem>>) dst(%dma_wait3A_53 : memref<640xf32, #tpu.memory_space<vmem_shared>>)
      tpu.yield
    }) : () -> ()
    %barrier3A = arith.constant 0 : index
    tpu.barrier barrier_id(%barrier3A)
    %scan3A_34 = arith.constant 0 : i32
    %scan3A_35 = arith.constant 125 : i32
    %scan3A_36 = arith.addi %scan3A_34, %scan3A_35 : i32
    %scan3A_37 = arith.constant 1 : i32
    scf.for %scan3A_52 = %scan3A_34 to %scan3A_36 step %scan3A_37  : i32 {
      "tpu.region"() ({
        %run_scoped3A = tpu.sem_alloc : memref<!tpu.dma_semaphore, #tpu.memory_space<semaphore_mem>>
        %dma_start3A = arith.constant 0 : i32
        %dma_start3A_53 = tpu.memref_slice %arg6[%scan3A_52, %dma_start3A] : memref<125x80xi32, #tpu.memory_space<vmem>> -> memref<1x80xi32, #tpu.memory_space<vmem>>
        %dma_start3A_54 = tpu.memref_squeeze %dma_start3A_53 : memref<1x80xi32, #tpu.memory_space<vmem>> -> memref<80xi32, #tpu.memory_space<vmem>>
        %dma_start3A_55 = arith.constant 0 : i32
        %dma_start3A_56 = tpu.memref_slice %arg9[%dma_start3A_55] : memref<10240xf32, #tpu.memory_space<vmem_shared>> -> memref<10240xf32, #tpu.memory_space<vmem_shared>>
        tpu.enqueue_indirect_dma source(%arg7 : memref<80xf32, #tpu.memory_space<vmem>>) target(%dma_start3A_56 : memref<10240xf32, #tpu.memory_space<vmem_shared>>) offsets(%dma_start3A_54 : memref<80xi32, #tpu.memory_space<vmem>>) semaphore(%run_scoped3A : memref<!tpu.dma_semaphore, #tpu.memory_space<semaphore_mem>>) {add = true}
        %dma_wait3A = arith.constant 0 : i32
        %dma_wait3A_57 = tpu.memref_slice %arg6[%scan3A_52, %dma_wait3A] : memref<125x80xi32, #tpu.memory_space<vmem>> -> memref<1x80xi32, #tpu.memory_space<vmem>>
        %dma_wait3A_58 = tpu.memref_squeeze %dma_wait3A_57 : memref<1x80xi32, #tpu.memory_space<vmem>> -> memref<80xi32, #tpu.memory_space<vmem>>
        %dma_wait3A_59 = arith.constant 0 : i32
        %dma_wait3A_60 = tpu.memref_slice %arg9[%dma_wait3A_59] : memref<10240xf32, #tpu.memory_space<vmem_shared>> -> memref<10240xf32, #tpu.memory_space<vmem_shared>>
        tpu.wait_indirect_dma semaphore(%run_scoped3A : memref<!tpu.dma_semaphore, #tpu.memory_space<semaphore_mem>>) src(%arg7 : memref<80xf32, #tpu.memory_space<vmem>>) dst(%dma_wait3A_60 : memref<10240xf32, #tpu.memory_space<vmem_shared>>)
        tpu.yield
      }) : () -> ()
    }
    %scan3A_38 = arith.constant 125 : i32
    %barrier3A_39 = arith.constant 0 : index
    tpu.barrier barrier_id(%barrier3A_39)
    %mul3A_40 = arith.constant 640 : i32
    %mul3A_41 = arith.muli %arg1, %mul3A_40 : i32
    "tpu.region"() ({
      %run_scoped3A = tpu.sem_alloc : memref<!tpu.dma_semaphore, #tpu.memory_space<semaphore_mem>>
      %dma_start3A = tpu.memref_slice %arg9[%mul3A_41] : memref<10240xf32, #tpu.memory_space<vmem_shared>> -> memref<640xf32, #tpu.memory_space<vmem_shared>>
      %dma_start3A_52 = tpu.memref_slice %arg9[%mul3A_41] : memref<10240xf32, #tpu.memory_space<vmem_shared>> -> memref<640xf32, #tpu.memory_space<vmem_shared>>
      tpu.enqueue_dma source(%dma_start3A_52 : memref<640xf32, #tpu.memory_space<vmem_shared>>) target(%arg8 : memref<640xf32, #tpu.memory_space<vmem>>) target_semaphore(%run_scoped3A : memref<!tpu.dma_semaphore, #tpu.memory_space<semaphore_mem>>)
      %dma_wait3A = tpu.memref_slice %arg9[%mul3A_41] : memref<10240xf32, #tpu.memory_space<vmem_shared>> -> memref<640xf32, #tpu.memory_space<vmem_shared>>
      %dma_wait3A_53 = tpu.memref_slice %arg9[%mul3A_41] : memref<10240xf32, #tpu.memory_space<vmem_shared>> -> memref<640xf32, #tpu.memory_space<vmem_shared>>
      tpu.wait_dma2 semaphore(%run_scoped3A : memref<!tpu.dma_semaphore, #tpu.memory_space<semaphore_mem>>) src(%dma_wait3A_53 : memref<640xf32, #tpu.memory_space<vmem_shared>>) dst(%arg8 : memref<640xf32, #tpu.memory_space<vmem>>)
      tpu.yield
    }) : () -> ()
    %eq3A_42 = arith.constant 0 : i32
    %eq3A_43 = arith.cmpi eq, %arg0, %eq3A_42 : i32
    %convert_element_type3A_44 = arith.extui %eq3A_43 : i1 to i32
    %cond3A_45 = arith.constant 0 : i32
    %cond3A_46 = arith.cmpi ne, %convert_element_type3A_44, %cond3A_45 : i32
    scf.if %cond3A_46 {
      %mul3A_52 = arith.constant 640 : i32
      %mul3A_53 = arith.muli %arg1, %mul3A_52 : i32
      "tpu.region"() ({
        %run_scoped3A = tpu.sem_alloc : memref<!tpu.dma_semaphore, #tpu.memory_space<semaphore_mem>>
        %dma_start3A = tpu.memref_slice %arg4[%mul3A_53] : memref<10240xf32, #tpu.memory_space<hbm>> -> memref<640xf32, #tpu.memory_space<hbm>>
        %dma_start3A_54 = tpu.memref_slice %arg4[%mul3A_53] : memref<10240xf32, #tpu.memory_space<hbm>> -> memref<640xf32, #tpu.memory_space<hbm>>
        tpu.enqueue_dma source(%arg8 : memref<640xf32, #tpu.memory_space<vmem>>) target(%dma_start3A_54 : memref<640xf32, #tpu.memory_space<hbm>>) target_semaphore(%run_scoped3A : memref<!tpu.dma_semaphore, #tpu.memory_space<semaphore_mem>>)
        %dma_wait3A = tpu.memref_slice %arg4[%mul3A_53] : memref<10240xf32, #tpu.memory_space<hbm>> -> memref<640xf32, #tpu.memory_space<hbm>>
        %dma_wait3A_55 = tpu.memref_slice %arg4[%mul3A_53] : memref<10240xf32, #tpu.memory_space<hbm>> -> memref<640xf32, #tpu.memory_space<hbm>>
        tpu.wait_dma2 semaphore(%run_scoped3A : memref<!tpu.dma_semaphore, #tpu.memory_space<semaphore_mem>>) src(%arg8 : memref<640xf32, #tpu.memory_space<vmem>>) dst(%dma_wait3A_55 : memref<640xf32, #tpu.memory_space<hbm>>)
        tpu.yield
      }) : () -> ()
    } else {
    }
    %eq3A_47 = arith.constant 1 : i32
    %eq3A_48 = arith.cmpi eq, %arg0, %eq3A_47 : i32
    %convert_element_type3A_49 = arith.extui %eq3A_48 : i1 to i32
    %cond3A_50 = arith.constant 0 : i32
    %cond3A_51 = arith.cmpi ne, %convert_element_type3A_49, %cond3A_50 : i32
    scf.if %cond3A_51 {
      %mul3A_52 = arith.constant 640 : i32
      %mul3A_53 = arith.muli %arg1, %mul3A_52 : i32
      "tpu.region"() ({
        %run_scoped3A = tpu.sem_alloc : memref<!tpu.dma_semaphore, #tpu.memory_space<semaphore_mem>>
        %dma_start3A = tpu.memref_slice %arg5[%mul3A_53] : memref<10240xf32, #tpu.memory_space<hbm>> -> memref<640xf32, #tpu.memory_space<hbm>>
        %dma_start3A_54 = tpu.memref_slice %arg5[%mul3A_53] : memref<10240xf32, #tpu.memory_space<hbm>> -> memref<640xf32, #tpu.memory_space<hbm>>
        tpu.enqueue_dma source(%arg8 : memref<640xf32, #tpu.memory_space<vmem>>) target(%dma_start3A_54 : memref<640xf32, #tpu.memory_space<hbm>>) target_semaphore(%run_scoped3A : memref<!tpu.dma_semaphore, #tpu.memory_space<semaphore_mem>>)
        %dma_wait3A = tpu.memref_slice %arg5[%mul3A_53] : memref<10240xf32, #tpu.memory_space<hbm>> -> memref<640xf32, #tpu.memory_space<hbm>>
        %dma_wait3A_55 = tpu.memref_slice %arg5[%mul3A_53] : memref<10240xf32, #tpu.memory_space<hbm>> -> memref<640xf32, #tpu.memory_space<hbm>>
        tpu.wait_dma2 semaphore(%run_scoped3A : memref<!tpu.dma_semaphore, #tpu.memory_space<semaphore_mem>>) src(%arg8 : memref<640xf32, #tpu.memory_space<vmem>>) dst(%dma_wait3A_55 : memref<640xf32, #tpu.memory_space<hbm>>)
        tpu.yield
      }) : () -> ()
    } else {
    }
    return
  }
}

#map = affine_map<(d0, d1) -> (0, 0)>
#map1 = affine_map<(d0, d1) -> (0, 0, 0)>
module attributes {stable_mosaic.version = 14 : i64} {
  func.func @_sc_scatter(%arg0: i32, %arg1: i32, %arg2: memref<10240x128xbf16, #tpu.memory_space<hbm>>, %arg3: memref<10240x128xbf16, #tpu.memory_space<hbm>>, %arg4: memref<128x128xbf16, #tpu.memory_space<hbm>>, %arg5: memref<16x80x128xi32, #tpu.memory_space<hbm>>, %arg6: memref<16x80x128xi32, #tpu.memory_space<hbm>>, %arg7: memref<10240x128xbf16, #tpu.memory_space<hbm>>, %arg8: memref<10240x128xbf16, #tpu.memory_space<hbm>>, %arg9: memref<80x128xi32, #tpu.memory_space<vmem>>, %arg10: memref<80x128xi32, #tpu.memory_space<vmem>>, %arg11: memref<128x128xbf16, #tpu.memory_space<vmem>>, %arg12: memref<128x128xbf16, #tpu.memory_space<vmem>>, %arg13: memref<128x128xbf16, #tpu.memory_space<vmem>>, %arg14: memref<128x128xbf16, #tpu.memory_space<vmem>>, %arg15: memref<128x128xbf16, #tpu.memory_space<vmem>>, %arg16: memref<128x128xbf16, #tpu.memory_space<vmem>>, %arg17: memref<!tpu.dma_semaphore, #tpu.memory_space<semaphore_mem>>, %arg18: memref<!tpu.dma_semaphore, #tpu.memory_space<semaphore_mem>>, %arg19: memref<!tpu.dma_semaphore, #tpu.memory_space<semaphore_mem>>, %arg20: memref<!tpu.dma_semaphore, #tpu.memory_space<semaphore_mem>>, %arg21: memref<10240x128xbf16, #tpu.memory_space<vmem_shared>>) attributes {dimension_semantics = [#tpu.dimension_semantics<core_parallel>, #tpu.dimension_semantics<subcore_parallel>], iteration_bounds = array<i64: 2, 16>, scalar_prefetch = 0 : i64, scratch_operands = 13 : i64, tpu.core_type = #tpu.core_type<sc_vector_subcore>, window_params = [{transform_indices = #map}, {transform_indices = #map}, {transform_indices = #map}, {transform_indices = #map1}, {transform_indices = #map1}, {transform_indices = #map}, {transform_indices = #map}]} {
    "tpu.region"() ({
      %run_scoped3A = tpu.sem_alloc : memref<!tpu.dma_semaphore, #tpu.memory_space<semaphore_mem>>
      %dma_start3A = arith.constant 0 : i32
      %dma_start3A_130 = arith.constant 0 : i32
      %dma_start3A_131 = tpu.memref_slice %arg5[%arg1, %dma_start3A, %dma_start3A_130] : memref<16x80x128xi32, #tpu.memory_space<hbm>> -> memref<1x80x128xi32, #tpu.memory_space<hbm>>
      %dma_start3A_132 = tpu.memref_squeeze %dma_start3A_131 : memref<1x80x128xi32, #tpu.memory_space<hbm>> -> memref<80x128xi32, #tpu.memory_space<hbm>>
      %dma_start3A_133 = arith.constant 0 : i32
      %dma_start3A_134 = arith.constant 0 : i32
      %dma_start3A_135 = tpu.memref_slice %arg5[%arg1, %dma_start3A_133, %dma_start3A_134] : memref<16x80x128xi32, #tpu.memory_space<hbm>> -> memref<1x80x128xi32, #tpu.memory_space<hbm>>
      %dma_start3A_136 = tpu.memref_squeeze %dma_start3A_135 : memref<1x80x128xi32, #tpu.memory_space<hbm>> -> memref<80x128xi32, #tpu.memory_space<hbm>>
      tpu.enqueue_dma source(%dma_start3A_136 : memref<80x128xi32, #tpu.memory_space<hbm>>) target(%arg9 : memref<80x128xi32, #tpu.memory_space<vmem>>) target_semaphore(%run_scoped3A : memref<!tpu.dma_semaphore, #tpu.memory_space<semaphore_mem>>)
      %dma_wait3A = arith.constant 0 : i32
      %dma_wait3A_137 = arith.constant 0 : i32
      %dma_wait3A_138 = tpu.memref_slice %arg5[%arg1, %dma_wait3A, %dma_wait3A_137] : memref<16x80x128xi32, #tpu.memory_space<hbm>> -> memref<1x80x128xi32, #tpu.memory_space<hbm>>
      %dma_wait3A_139 = tpu.memref_squeeze %dma_wait3A_138 : memref<1x80x128xi32, #tpu.memory_space<hbm>> -> memref<80x128xi32, #tpu.memory_space<hbm>>
      %dma_wait3A_140 = arith.constant 0 : i32
      %dma_wait3A_141 = arith.constant 0 : i32
      %dma_wait3A_142 = tpu.memref_slice %arg5[%arg1, %dma_wait3A_140, %dma_wait3A_141] : memref<16x80x128xi32, #tpu.memory_space<hbm>> -> memref<1x80x128xi32, #tpu.memory_space<hbm>>
      %dma_wait3A_143 = tpu.memref_squeeze %dma_wait3A_142 : memref<1x80x128xi32, #tpu.memory_space<hbm>> -> memref<80x128xi32, #tpu.memory_space<hbm>>
      tpu.wait_dma2 semaphore(%run_scoped3A : memref<!tpu.dma_semaphore, #tpu.memory_space<semaphore_mem>>) src(%dma_wait3A_143 : memref<80x128xi32, #tpu.memory_space<hbm>>) dst(%arg9 : memref<80x128xi32, #tpu.memory_space<vmem>>)
      tpu.yield
    }) : () -> ()
    "tpu.region"() ({
      %run_scoped3A = tpu.sem_alloc : memref<!tpu.dma_semaphore, #tpu.memory_space<semaphore_mem>>
      %dma_start3A = arith.constant 0 : i32
      %dma_start3A_130 = arith.constant 0 : i32
      %dma_start3A_131 = tpu.memref_slice %arg6[%arg1, %dma_start3A, %dma_start3A_130] : memref<16x80x128xi32, #tpu.memory_space<hbm>> -> memref<1x80x128xi32, #tpu.memory_space<hbm>>
      %dma_start3A_132 = tpu.memref_squeeze %dma_start3A_131 : memref<1x80x128xi32, #tpu.memory_space<hbm>> -> memref<80x128xi32, #tpu.memory_space<hbm>>
      %dma_start3A_133 = arith.constant 0 : i32
      %dma_start3A_134 = arith.constant 0 : i32
      %dma_start3A_135 = tpu.memref_slice %arg6[%arg1, %dma_start3A_133, %dma_start3A_134] : memref<16x80x128xi32, #tpu.memory_space<hbm>> -> memref<1x80x128xi32, #tpu.memory_space<hbm>>
      %dma_start3A_136 = tpu.memref_squeeze %dma_start3A_135 : memref<1x80x128xi32, #tpu.memory_space<hbm>> -> memref<80x128xi32, #tpu.memory_space<hbm>>
      tpu.enqueue_dma source(%dma_start3A_136 : memref<80x128xi32, #tpu.memory_space<hbm>>) target(%arg10 : memref<80x128xi32, #tpu.memory_space<vmem>>) target_semaphore(%run_scoped3A : memref<!tpu.dma_semaphore, #tpu.memory_space<semaphore_mem>>)
      %dma_wait3A = arith.constant 0 : i32
      %dma_wait3A_137 = arith.constant 0 : i32
      %dma_wait3A_138 = tpu.memref_slice %arg6[%arg1, %dma_wait3A, %dma_wait3A_137] : memref<16x80x128xi32, #tpu.memory_space<hbm>> -> memref<1x80x128xi32, #tpu.memory_space<hbm>>
      %dma_wait3A_139 = tpu.memref_squeeze %dma_wait3A_138 : memref<1x80x128xi32, #tpu.memory_space<hbm>> -> memref<80x128xi32, #tpu.memory_space<hbm>>
      %dma_wait3A_140 = arith.constant 0 : i32
      %dma_wait3A_141 = arith.constant 0 : i32
      %dma_wait3A_142 = tpu.memref_slice %arg6[%arg1, %dma_wait3A_140, %dma_wait3A_141] : memref<16x80x128xi32, #tpu.memory_space<hbm>> -> memref<1x80x128xi32, #tpu.memory_space<hbm>>
      %dma_wait3A_143 = tpu.memref_squeeze %dma_wait3A_142 : memref<1x80x128xi32, #tpu.memory_space<hbm>> -> memref<80x128xi32, #tpu.memory_space<hbm>>
      tpu.wait_dma2 semaphore(%run_scoped3A : memref<!tpu.dma_semaphore, #tpu.memory_space<semaphore_mem>>) src(%dma_wait3A_143 : memref<80x128xi32, #tpu.memory_space<hbm>>) dst(%arg10 : memref<80x128xi32, #tpu.memory_space<vmem>>)
      tpu.yield
    }) : () -> ()
    "tpu.region"() ({
      %run_scoped3A = tpu.sem_alloc : memref<!tpu.dma_semaphore, #tpu.memory_space<semaphore_mem>>
      tpu.enqueue_dma source(%arg4 : memref<128x128xbf16, #tpu.memory_space<hbm>>) target(%arg15 : memref<128x128xbf16, #tpu.memory_space<vmem>>) target_semaphore(%run_scoped3A : memref<!tpu.dma_semaphore, #tpu.memory_space<semaphore_mem>>)
      tpu.wait_dma2 semaphore(%run_scoped3A : memref<!tpu.dma_semaphore, #tpu.memory_space<semaphore_mem>>) src(%arg4 : memref<128x128xbf16, #tpu.memory_space<hbm>>) dst(%arg15 : memref<128x128xbf16, #tpu.memory_space<vmem>>)
      tpu.yield
    }) : () -> ()
    %eq3A = arith.constant 0 : i32
    %eq3A_0 = arith.cmpi eq, %arg0, %eq3A : i32
    %convert_element_type3A = arith.extui %eq3A_0 : i1 to i32
    %cond3A = arith.constant 0 : i32
    %cond3A_1 = arith.cmpi ne, %convert_element_type3A, %cond3A : i32
    scf.if %cond3A_1 {
      %dma_start3A = arith.constant 0 : i32
      %dma_start3A_130 = arith.constant 0 : i32
      %dma_start3A_131 = tpu.memref_slice %arg9[%dma_start3A, %dma_start3A_130] : memref<80x128xi32, #tpu.memory_space<vmem>> -> memref<1x128xi32, #tpu.memory_space<vmem>>
      %dma_start3A_132 = tpu.memref_squeeze %dma_start3A_131 : memref<1x128xi32, #tpu.memory_space<vmem>> -> memref<128xi32, #tpu.memory_space<vmem>>
      %dma_start3A_133 = arith.constant 0 : i32
      %dma_start3A_134 = arith.constant 0 : i32
      %dma_start3A_135 = tpu.memref_slice %arg2[%dma_start3A_133, %dma_start3A_134] : memref<10240x128xbf16, #tpu.memory_space<hbm>> -> memref<10240x128xbf16, #tpu.memory_space<hbm>>
      tpu.enqueue_indirect_dma source(%dma_start3A_135 : memref<10240x128xbf16, #tpu.memory_space<hbm>>) target(%arg11 : memref<128x128xbf16, #tpu.memory_space<vmem>>) offsets(%dma_start3A_132 : memref<128xi32, #tpu.memory_space<vmem>>) semaphore(%arg17 : memref<!tpu.dma_semaphore, #tpu.memory_space<semaphore_mem>>)
    } else {
    }
    %eq3A_2 = arith.constant 1 : i32
    %eq3A_3 = arith.cmpi eq, %arg0, %eq3A_2 : i32
    %convert_element_type3A_4 = arith.extui %eq3A_3 : i1 to i32
    %cond3A_5 = arith.constant 0 : i32
    %cond3A_6 = arith.cmpi ne, %convert_element_type3A_4, %cond3A_5 : i32
    scf.if %cond3A_6 {
      %dma_start3A = arith.constant 0 : i32
      %dma_start3A_130 = arith.constant 0 : i32
      %dma_start3A_131 = tpu.memref_slice %arg9[%dma_start3A, %dma_start3A_130] : memref<80x128xi32, #tpu.memory_space<vmem>> -> memref<1x128xi32, #tpu.memory_space<vmem>>
      %dma_start3A_132 = tpu.memref_squeeze %dma_start3A_131 : memref<1x128xi32, #tpu.memory_space<vmem>> -> memref<128xi32, #tpu.memory_space<vmem>>
      %dma_start3A_133 = arith.constant 0 : i32
      %dma_start3A_134 = arith.constant 0 : i32
      %dma_start3A_135 = tpu.memref_slice %arg3[%dma_start3A_133, %dma_start3A_134] : memref<10240x128xbf16, #tpu.memory_space<hbm>> -> memref<10240x128xbf16, #tpu.memory_space<hbm>>
      tpu.enqueue_indirect_dma source(%dma_start3A_135 : memref<10240x128xbf16, #tpu.memory_space<hbm>>) target(%arg11 : memref<128x128xbf16, #tpu.memory_space<vmem>>) offsets(%dma_start3A_132 : memref<128xi32, #tpu.memory_space<vmem>>) semaphore(%arg17 : memref<!tpu.dma_semaphore, #tpu.memory_space<semaphore_mem>>)
    } else {
    }
    %eq3A_7 = arith.constant 0 : i32
    %eq3A_8 = arith.cmpi eq, %arg0, %eq3A_7 : i32
    %convert_element_type3A_9 = arith.extui %eq3A_8 : i1 to i32
    %cond3A_10 = arith.constant 0 : i32
    %cond3A_11 = arith.cmpi ne, %convert_element_type3A_9, %cond3A_10 : i32
    scf.if %cond3A_11 {
      %dma_start3A = arith.constant 1 : i32
      %dma_start3A_130 = arith.constant 0 : i32
      %dma_start3A_131 = tpu.memref_slice %arg9[%dma_start3A, %dma_start3A_130] : memref<80x128xi32, #tpu.memory_space<vmem>> -> memref<1x128xi32, #tpu.memory_space<vmem>>
      %dma_start3A_132 = tpu.memref_squeeze %dma_start3A_131 : memref<1x128xi32, #tpu.memory_space<vmem>> -> memref<128xi32, #tpu.memory_space<vmem>>
      %dma_start3A_133 = arith.constant 0 : i32
      %dma_start3A_134 = arith.constant 0 : i32
      %dma_start3A_135 = tpu.memref_slice %arg2[%dma_start3A_133, %dma_start3A_134] : memref<10240x128xbf16, #tpu.memory_space<hbm>> -> memref<10240x128xbf16, #tpu.memory_space<hbm>>
      tpu.enqueue_indirect_dma source(%dma_start3A_135 : memref<10240x128xbf16, #tpu.memory_space<hbm>>) target(%arg12 : memref<128x128xbf16, #tpu.memory_space<vmem>>) offsets(%dma_start3A_132 : memref<128xi32, #tpu.memory_space<vmem>>) semaphore(%arg18 : memref<!tpu.dma_semaphore, #tpu.memory_space<semaphore_mem>>)
    } else {
    }
    %eq3A_12 = arith.constant 1 : i32
    %eq3A_13 = arith.cmpi eq, %arg0, %eq3A_12 : i32
    %convert_element_type3A_14 = arith.extui %eq3A_13 : i1 to i32
    %cond3A_15 = arith.constant 0 : i32
    %cond3A_16 = arith.cmpi ne, %convert_element_type3A_14, %cond3A_15 : i32
    scf.if %cond3A_16 {
      %dma_start3A = arith.constant 1 : i32
      %dma_start3A_130 = arith.constant 0 : i32
      %dma_start3A_131 = tpu.memref_slice %arg9[%dma_start3A, %dma_start3A_130] : memref<80x128xi32, #tpu.memory_space<vmem>> -> memref<1x128xi32, #tpu.memory_space<vmem>>
      %dma_start3A_132 = tpu.memref_squeeze %dma_start3A_131 : memref<1x128xi32, #tpu.memory_space<vmem>> -> memref<128xi32, #tpu.memory_space<vmem>>
      %dma_start3A_133 = arith.constant 0 : i32
      %dma_start3A_134 = arith.constant 0 : i32
      %dma_start3A_135 = tpu.memref_slice %arg3[%dma_start3A_133, %dma_start3A_134] : memref<10240x128xbf16, #tpu.memory_space<hbm>> -> memref<10240x128xbf16, #tpu.memory_space<hbm>>
      tpu.enqueue_indirect_dma source(%dma_start3A_135 : memref<10240x128xbf16, #tpu.memory_space<hbm>>) target(%arg12 : memref<128x128xbf16, #tpu.memory_space<vmem>>) offsets(%dma_start3A_132 : memref<128xi32, #tpu.memory_space<vmem>>) semaphore(%arg18 : memref<!tpu.dma_semaphore, #tpu.memory_space<semaphore_mem>>)
    } else {
    }
    %eq3A_17 = arith.constant 0 : i32
    %eq3A_18 = arith.cmpi eq, %arg0, %eq3A_17 : i32
    %convert_element_type3A_19 = arith.extui %eq3A_18 : i1 to i32
    %cond3A_20 = arith.constant 0 : i32
    %cond3A_21 = arith.cmpi ne, %convert_element_type3A_19, %cond3A_20 : i32
    scf.if %cond3A_21 {
      %dma_start3A = arith.constant 2 : i32
      %dma_start3A_130 = arith.constant 0 : i32
      %dma_start3A_131 = tpu.memref_slice %arg9[%dma_start3A, %dma_start3A_130] : memref<80x128xi32, #tpu.memory_space<vmem>> -> memref<1x128xi32, #tpu.memory_space<vmem>>
      %dma_start3A_132 = tpu.memref_squeeze %dma_start3A_131 : memref<1x128xi32, #tpu.memory_space<vmem>> -> memref<128xi32, #tpu.memory_space<vmem>>
      %dma_start3A_133 = arith.constant 0 : i32
      %dma_start3A_134 = arith.constant 0 : i32
      %dma_start3A_135 = tpu.memref_slice %arg2[%dma_start3A_133, %dma_start3A_134] : memref<10240x128xbf16, #tpu.memory_space<hbm>> -> memref<10240x128xbf16, #tpu.memory_space<hbm>>
      tpu.enqueue_indirect_dma source(%dma_start3A_135 : memref<10240x128xbf16, #tpu.memory_space<hbm>>) target(%arg13 : memref<128x128xbf16, #tpu.memory_space<vmem>>) offsets(%dma_start3A_132 : memref<128xi32, #tpu.memory_space<vmem>>) semaphore(%arg19 : memref<!tpu.dma_semaphore, #tpu.memory_space<semaphore_mem>>)
    } else {
    }
    %eq3A_22 = arith.constant 1 : i32
    %eq3A_23 = arith.cmpi eq, %arg0, %eq3A_22 : i32
    %convert_element_type3A_24 = arith.extui %eq3A_23 : i1 to i32
    %cond3A_25 = arith.constant 0 : i32
    %cond3A_26 = arith.cmpi ne, %convert_element_type3A_24, %cond3A_25 : i32
    scf.if %cond3A_26 {
      %dma_start3A = arith.constant 2 : i32
      %dma_start3A_130 = arith.constant 0 : i32
      %dma_start3A_131 = tpu.memref_slice %arg9[%dma_start3A, %dma_start3A_130] : memref<80x128xi32, #tpu.memory_space<vmem>> -> memref<1x128xi32, #tpu.memory_space<vmem>>
      %dma_start3A_132 = tpu.memref_squeeze %dma_start3A_131 : memref<1x128xi32, #tpu.memory_space<vmem>> -> memref<128xi32, #tpu.memory_space<vmem>>
      %dma_start3A_133 = arith.constant 0 : i32
      %dma_start3A_134 = arith.constant 0 : i32
      %dma_start3A_135 = tpu.memref_slice %arg3[%dma_start3A_133, %dma_start3A_134] : memref<10240x128xbf16, #tpu.memory_space<hbm>> -> memref<10240x128xbf16, #tpu.memory_space<hbm>>
      tpu.enqueue_indirect_dma source(%dma_start3A_135 : memref<10240x128xbf16, #tpu.memory_space<hbm>>) target(%arg13 : memref<128x128xbf16, #tpu.memory_space<vmem>>) offsets(%dma_start3A_132 : memref<128xi32, #tpu.memory_space<vmem>>) semaphore(%arg19 : memref<!tpu.dma_semaphore, #tpu.memory_space<semaphore_mem>>)
    } else {
    }
    %eq3A_27 = arith.constant 0 : i32
    %eq3A_28 = arith.cmpi eq, %arg0, %eq3A_27 : i32
    %convert_element_type3A_29 = arith.extui %eq3A_28 : i1 to i32
    %cond3A_30 = arith.constant 0 : i32
    %cond3A_31 = arith.cmpi ne, %convert_element_type3A_29, %cond3A_30 : i32
    scf.if %cond3A_31 {
      %dma_start3A = arith.constant 3 : i32
      %dma_start3A_130 = arith.constant 0 : i32
      %dma_start3A_131 = tpu.memref_slice %arg9[%dma_start3A, %dma_start3A_130] : memref<80x128xi32, #tpu.memory_space<vmem>> -> memref<1x128xi32, #tpu.memory_space<vmem>>
      %dma_start3A_132 = tpu.memref_squeeze %dma_start3A_131 : memref<1x128xi32, #tpu.memory_space<vmem>> -> memref<128xi32, #tpu.memory_space<vmem>>
      %dma_start3A_133 = arith.constant 0 : i32
      %dma_start3A_134 = arith.constant 0 : i32
      %dma_start3A_135 = tpu.memref_slice %arg2[%dma_start3A_133, %dma_start3A_134] : memref<10240x128xbf16, #tpu.memory_space<hbm>> -> memref<10240x128xbf16, #tpu.memory_space<hbm>>
      tpu.enqueue_indirect_dma source(%dma_start3A_135 : memref<10240x128xbf16, #tpu.memory_space<hbm>>) target(%arg14 : memref<128x128xbf16, #tpu.memory_space<vmem>>) offsets(%dma_start3A_132 : memref<128xi32, #tpu.memory_space<vmem>>) semaphore(%arg20 : memref<!tpu.dma_semaphore, #tpu.memory_space<semaphore_mem>>)
    } else {
    }
    %eq3A_32 = arith.constant 1 : i32
    %eq3A_33 = arith.cmpi eq, %arg0, %eq3A_32 : i32
    %convert_element_type3A_34 = arith.extui %eq3A_33 : i1 to i32
    %cond3A_35 = arith.constant 0 : i32
    %cond3A_36 = arith.cmpi ne, %convert_element_type3A_34, %cond3A_35 : i32
    scf.if %cond3A_36 {
      %dma_start3A = arith.constant 3 : i32
      %dma_start3A_130 = arith.constant 0 : i32
      %dma_start3A_131 = tpu.memref_slice %arg9[%dma_start3A, %dma_start3A_130] : memref<80x128xi32, #tpu.memory_space<vmem>> -> memref<1x128xi32, #tpu.memory_space<vmem>>
      %dma_start3A_132 = tpu.memref_squeeze %dma_start3A_131 : memref<1x128xi32, #tpu.memory_space<vmem>> -> memref<128xi32, #tpu.memory_space<vmem>>
      %dma_start3A_133 = arith.constant 0 : i32
      %dma_start3A_134 = arith.constant 0 : i32
      %dma_start3A_135 = tpu.memref_slice %arg3[%dma_start3A_133, %dma_start3A_134] : memref<10240x128xbf16, #tpu.memory_space<hbm>> -> memref<10240x128xbf16, #tpu.memory_space<hbm>>
      tpu.enqueue_indirect_dma source(%dma_start3A_135 : memref<10240x128xbf16, #tpu.memory_space<hbm>>) target(%arg14 : memref<128x128xbf16, #tpu.memory_space<vmem>>) offsets(%dma_start3A_132 : memref<128xi32, #tpu.memory_space<vmem>>) semaphore(%arg20 : memref<!tpu.dma_semaphore, #tpu.memory_space<semaphore_mem>>)
    } else {
    }
    %mul3A = arith.constant 640 : i32
    %mul3A_37 = arith.muli %arg1, %mul3A : i32
    %add3A = arith.constant 0 : i32
    %add3A_38 = arith.addi %mul3A_37, %add3A : i32
    "tpu.region"() ({
      %run_scoped3A = tpu.sem_alloc : memref<!tpu.dma_semaphore, #tpu.memory_space<semaphore_mem>>
      %dma_start3A = arith.constant 0 : i32
      %dma_start3A_130 = tpu.memref_slice %arg21[%add3A_38, %dma_start3A] : memref<10240x128xbf16, #tpu.memory_space<vmem_shared>> -> memref<128x128xbf16, #tpu.memory_space<vmem_shared>>
      %dma_start3A_131 = arith.constant 0 : i32
      %dma_start3A_132 = tpu.memref_slice %arg21[%add3A_38, %dma_start3A_131] : memref<10240x128xbf16, #tpu.memory_space<vmem_shared>> -> memref<128x128xbf16, #tpu.memory_space<vmem_shared>>
      tpu.enqueue_dma source(%arg15 : memref<128x128xbf16, #tpu.memory_space<vmem>>) target(%dma_start3A_132 : memref<128x128xbf16, #tpu.memory_space<vmem_shared>>) target_semaphore(%run_scoped3A : memref<!tpu.dma_semaphore, #tpu.memory_space<semaphore_mem>>)
      %dma_wait3A = arith.constant 0 : i32
      %dma_wait3A_133 = tpu.memref_slice %arg21[%add3A_38, %dma_wait3A] : memref<10240x128xbf16, #tpu.memory_space<vmem_shared>> -> memref<128x128xbf16, #tpu.memory_space<vmem_shared>>
      %dma_wait3A_134 = arith.constant 0 : i32
      %dma_wait3A_135 = tpu.memref_slice %arg21[%add3A_38, %dma_wait3A_134] : memref<10240x128xbf16, #tpu.memory_space<vmem_shared>> -> memref<128x128xbf16, #tpu.memory_space<vmem_shared>>
      tpu.wait_dma2 semaphore(%run_scoped3A : memref<!tpu.dma_semaphore, #tpu.memory_space<semaphore_mem>>) src(%arg15 : memref<128x128xbf16, #tpu.memory_space<vmem>>) dst(%dma_wait3A_135 : memref<128x128xbf16, #tpu.memory_space<vmem_shared>>)
      tpu.yield
    }) : () -> ()
    %mul3A_39 = arith.constant 640 : i32
    %mul3A_40 = arith.muli %arg1, %mul3A_39 : i32
    %add3A_41 = arith.constant 128 : i32
    %add3A_42 = arith.addi %mul3A_40, %add3A_41 : i32
    "tpu.region"() ({
      %run_scoped3A = tpu.sem_alloc : memref<!tpu.dma_semaphore, #tpu.memory_space<semaphore_mem>>
      %dma_start3A = arith.constant 0 : i32
      %dma_start3A_130 = tpu.memref_slice %arg21[%add3A_42, %dma_start3A] : memref<10240x128xbf16, #tpu.memory_space<vmem_shared>> -> memref<128x128xbf16, #tpu.memory_space<vmem_shared>>
      %dma_start3A_131 = arith.constant 0 : i32
      %dma_start3A_132 = tpu.memref_slice %arg21[%add3A_42, %dma_start3A_131] : memref<10240x128xbf16, #tpu.memory_space<vmem_shared>> -> memref<128x128xbf16, #tpu.memory_space<vmem_shared>>
      tpu.enqueue_dma source(%arg15 : memref<128x128xbf16, #tpu.memory_space<vmem>>) target(%dma_start3A_132 : memref<128x128xbf16, #tpu.memory_space<vmem_shared>>) target_semaphore(%run_scoped3A : memref<!tpu.dma_semaphore, #tpu.memory_space<semaphore_mem>>)
      %dma_wait3A = arith.constant 0 : i32
      %dma_wait3A_133 = tpu.memref_slice %arg21[%add3A_42, %dma_wait3A] : memref<10240x128xbf16, #tpu.memory_space<vmem_shared>> -> memref<128x128xbf16, #tpu.memory_space<vmem_shared>>
      %dma_wait3A_134 = arith.constant 0 : i32
      %dma_wait3A_135 = tpu.memref_slice %arg21[%add3A_42, %dma_wait3A_134] : memref<10240x128xbf16, #tpu.memory_space<vmem_shared>> -> memref<128x128xbf16, #tpu.memory_space<vmem_shared>>
      tpu.wait_dma2 semaphore(%run_scoped3A : memref<!tpu.dma_semaphore, #tpu.memory_space<semaphore_mem>>) src(%arg15 : memref<128x128xbf16, #tpu.memory_space<vmem>>) dst(%dma_wait3A_135 : memref<128x128xbf16, #tpu.memory_space<vmem_shared>>)
      tpu.yield
    }) : () -> ()
    %mul3A_43 = arith.constant 640 : i32
    %mul3A_44 = arith.muli %arg1, %mul3A_43 : i32
    %add3A_45 = arith.constant 256 : i32
    %add3A_46 = arith.addi %mul3A_44, %add3A_45 : i32
    "tpu.region"() ({
      %run_scoped3A = tpu.sem_alloc : memref<!tpu.dma_semaphore, #tpu.memory_space<semaphore_mem>>
      %dma_start3A = arith.constant 0 : i32
      %dma_start3A_130 = tpu.memref_slice %arg21[%add3A_46, %dma_start3A] : memref<10240x128xbf16, #tpu.memory_space<vmem_shared>> -> memref<128x128xbf16, #tpu.memory_space<vmem_shared>>
      %dma_start3A_131 = arith.constant 0 : i32
      %dma_start3A_132 = tpu.memref_slice %arg21[%add3A_46, %dma_start3A_131] : memref<10240x128xbf16, #tpu.memory_space<vmem_shared>> -> memref<128x128xbf16, #tpu.memory_space<vmem_shared>>
      tpu.enqueue_dma source(%arg15 : memref<128x128xbf16, #tpu.memory_space<vmem>>) target(%dma_start3A_132 : memref<128x128xbf16, #tpu.memory_space<vmem_shared>>) target_semaphore(%run_scoped3A : memref<!tpu.dma_semaphore, #tpu.memory_space<semaphore_mem>>)
      %dma_wait3A = arith.constant 0 : i32
      %dma_wait3A_133 = tpu.memref_slice %arg21[%add3A_46, %dma_wait3A] : memref<10240x128xbf16, #tpu.memory_space<vmem_shared>> -> memref<128x128xbf16, #tpu.memory_space<vmem_shared>>
      %dma_wait3A_134 = arith.constant 0 : i32
      %dma_wait3A_135 = tpu.memref_slice %arg21[%add3A_46, %dma_wait3A_134] : memref<10240x128xbf16, #tpu.memory_space<vmem_shared>> -> memref<128x128xbf16, #tpu.memory_space<vmem_shared>>
      tpu.wait_dma2 semaphore(%run_scoped3A : memref<!tpu.dma_semaphore, #tpu.memory_space<semaphore_mem>>) src(%arg15 : memref<128x128xbf16, #tpu.memory_space<vmem>>) dst(%dma_wait3A_135 : memref<128x128xbf16, #tpu.memory_space<vmem_shared>>)
      tpu.yield
    }) : () -> ()
    %mul3A_47 = arith.constant 640 : i32
    %mul3A_48 = arith.muli %arg1, %mul3A_47 : i32
    %add3A_49 = arith.constant 384 : i32
    %add3A_50 = arith.addi %mul3A_48, %add3A_49 : i32
    "tpu.region"() ({
      %run_scoped3A = tpu.sem_alloc : memref<!tpu.dma_semaphore, #tpu.memory_space<semaphore_mem>>
      %dma_start3A = arith.constant 0 : i32
      %dma_start3A_130 = tpu.memref_slice %arg21[%add3A_50, %dma_start3A] : memref<10240x128xbf16, #tpu.memory_space<vmem_shared>> -> memref<128x128xbf16, #tpu.memory_space<vmem_shared>>
      %dma_start3A_131 = arith.constant 0 : i32
      %dma_start3A_132 = tpu.memref_slice %arg21[%add3A_50, %dma_start3A_131] : memref<10240x128xbf16, #tpu.memory_space<vmem_shared>> -> memref<128x128xbf16, #tpu.memory_space<vmem_shared>>
      tpu.enqueue_dma source(%arg15 : memref<128x128xbf16, #tpu.memory_space<vmem>>) target(%dma_start3A_132 : memref<128x128xbf16, #tpu.memory_space<vmem_shared>>) target_semaphore(%run_scoped3A : memref<!tpu.dma_semaphore, #tpu.memory_space<semaphore_mem>>)
      %dma_wait3A = arith.constant 0 : i32
      %dma_wait3A_133 = tpu.memref_slice %arg21[%add3A_50, %dma_wait3A] : memref<10240x128xbf16, #tpu.memory_space<vmem_shared>> -> memref<128x128xbf16, #tpu.memory_space<vmem_shared>>
      %dma_wait3A_134 = arith.constant 0 : i32
      %dma_wait3A_135 = tpu.memref_slice %arg21[%add3A_50, %dma_wait3A_134] : memref<10240x128xbf16, #tpu.memory_space<vmem_shared>> -> memref<128x128xbf16, #tpu.memory_space<vmem_shared>>
      tpu.wait_dma2 semaphore(%run_scoped3A : memref<!tpu.dma_semaphore, #tpu.memory_space<semaphore_mem>>) src(%arg15 : memref<128x128xbf16, #tpu.memory_space<vmem>>) dst(%dma_wait3A_135 : memref<128x128xbf16, #tpu.memory_space<vmem_shared>>)
      tpu.yield
    }) : () -> ()
    %mul3A_51 = arith.constant 640 : i32
    %mul3A_52 = arith.muli %arg1, %mul3A_51 : i32
    %add3A_53 = arith.constant 512 : i32
    %add3A_54 = arith.addi %mul3A_52, %add3A_53 : i32
    "tpu.region"() ({
      %run_scoped3A = tpu.sem_alloc : memref<!tpu.dma_semaphore, #tpu.memory_space<semaphore_mem>>
      %dma_start3A = arith.constant 0 : i32
      %dma_start3A_130 = tpu.memref_slice %arg21[%add3A_54, %dma_start3A] : memref<10240x128xbf16, #tpu.memory_space<vmem_shared>> -> memref<128x128xbf16, #tpu.memory_space<vmem_shared>>
      %dma_start3A_131 = arith.constant 0 : i32
      %dma_start3A_132 = tpu.memref_slice %arg21[%add3A_54, %dma_start3A_131] : memref<10240x128xbf16, #tpu.memory_space<vmem_shared>> -> memref<128x128xbf16, #tpu.memory_space<vmem_shared>>
      tpu.enqueue_dma source(%arg15 : memref<128x128xbf16, #tpu.memory_space<vmem>>) target(%dma_start3A_132 : memref<128x128xbf16, #tpu.memory_space<vmem_shared>>) target_semaphore(%run_scoped3A : memref<!tpu.dma_semaphore, #tpu.memory_space<semaphore_mem>>)
      %dma_wait3A = arith.constant 0 : i32
      %dma_wait3A_133 = tpu.memref_slice %arg21[%add3A_54, %dma_wait3A] : memref<10240x128xbf16, #tpu.memory_space<vmem_shared>> -> memref<128x128xbf16, #tpu.memory_space<vmem_shared>>
      %dma_wait3A_134 = arith.constant 0 : i32
      %dma_wait3A_135 = tpu.memref_slice %arg21[%add3A_54, %dma_wait3A_134] : memref<10240x128xbf16, #tpu.memory_space<vmem_shared>> -> memref<128x128xbf16, #tpu.memory_space<vmem_shared>>
      tpu.wait_dma2 semaphore(%run_scoped3A : memref<!tpu.dma_semaphore, #tpu.memory_space<semaphore_mem>>) src(%arg15 : memref<128x128xbf16, #tpu.memory_space<vmem>>) dst(%dma_wait3A_135 : memref<128x128xbf16, #tpu.memory_space<vmem_shared>>)
      tpu.yield
    }) : () -> ()
    %barrier3A = arith.constant 0 : index
    tpu.barrier barrier_id(%barrier3A)
    %scan3A = arith.constant 0 : i32
    %scan3A_55 = arith.constant 20 : i32
    %scan3A_56 = arith.addi %scan3A, %scan3A_55 : i32
    %scan3A_57 = arith.constant 1 : i32
    scf.for %scan3A_130 = %scan3A to %scan3A_56 step %scan3A_57  : i32 {
      %mul3A_131 = arith.constant 4 : i32
      %mul3A_132 = arith.muli %mul3A_131, %scan3A_130 : i32
      %add3A_133 = arith.constant 0 : i32
      %add3A_134 = arith.addi %mul3A_132, %add3A_133 : i32
      %dma_wait3A = arith.constant 0 : i32
      %dma_wait3A_135 = tpu.memref_slice %arg9[%add3A_134, %dma_wait3A] : memref<80x128xi32, #tpu.memory_space<vmem>> -> memref<1x128xi32, #tpu.memory_space<vmem>>
      %dma_wait3A_136 = tpu.memref_squeeze %dma_wait3A_135 : memref<1x128xi32, #tpu.memory_space<vmem>> -> memref<128xi32, #tpu.memory_space<vmem>>
      %dma_wait3A_137 = arith.constant 0 : i32
      %dma_wait3A_138 = arith.constant 0 : i32
      %dma_wait3A_139 = tpu.memref_slice %arg2[%dma_wait3A_137, %dma_wait3A_138] : memref<10240x128xbf16, #tpu.memory_space<hbm>> -> memref<10240x128xbf16, #tpu.memory_space<hbm>>
      tpu.wait_indirect_dma semaphore(%arg17 : memref<!tpu.dma_semaphore, #tpu.memory_space<semaphore_mem>>) src(%dma_wait3A_139 : memref<10240x128xbf16, #tpu.memory_space<hbm>>) dst(%arg11 : memref<128x128xbf16, #tpu.memory_space<vmem>>)
      "tpu.region"() ({
        %run_scoped3A = tpu.sem_alloc : memref<!tpu.dma_semaphore, #tpu.memory_space<semaphore_mem>>
        %dma_start3A = arith.constant 0 : i32
        %dma_start3A_197 = tpu.memref_slice %arg10[%add3A_134, %dma_start3A] : memref<80x128xi32, #tpu.memory_space<vmem>> -> memref<1x128xi32, #tpu.memory_space<vmem>>
        %dma_start3A_198 = tpu.memref_squeeze %dma_start3A_197 : memref<1x128xi32, #tpu.memory_space<vmem>> -> memref<128xi32, #tpu.memory_space<vmem>>
        %dma_start3A_199 = arith.constant 0 : i32
        %dma_start3A_200 = arith.constant 0 : i32
        %dma_start3A_201 = tpu.memref_slice %arg21[%dma_start3A_199, %dma_start3A_200] : memref<10240x128xbf16, #tpu.memory_space<vmem_shared>> -> memref<10240x128xbf16, #tpu.memory_space<vmem_shared>>
        tpu.enqueue_indirect_dma source(%arg11 : memref<128x128xbf16, #tpu.memory_space<vmem>>) target(%dma_start3A_201 : memref<10240x128xbf16, #tpu.memory_space<vmem_shared>>) offsets(%dma_start3A_198 : memref<128xi32, #tpu.memory_space<vmem>>) semaphore(%run_scoped3A : memref<!tpu.dma_semaphore, #tpu.memory_space<semaphore_mem>>) {add = true}
        %dma_wait3A_202 = arith.constant 0 : i32
        %dma_wait3A_203 = tpu.memref_slice %arg10[%add3A_134, %dma_wait3A_202] : memref<80x128xi32, #tpu.memory_space<vmem>> -> memref<1x128xi32, #tpu.memory_space<vmem>>
        %dma_wait3A_204 = tpu.memref_squeeze %dma_wait3A_203 : memref<1x128xi32, #tpu.memory_space<vmem>> -> memref<128xi32, #tpu.memory_space<vmem>>
        %dma_wait3A_205 = arith.constant 0 : i32
        %dma_wait3A_206 = arith.constant 0 : i32
        %dma_wait3A_207 = tpu.memref_slice %arg21[%dma_wait3A_205, %dma_wait3A_206] : memref<10240x128xbf16, #tpu.memory_space<vmem_shared>> -> memref<10240x128xbf16, #tpu.memory_space<vmem_shared>>
        tpu.wait_indirect_dma semaphore(%run_scoped3A : memref<!tpu.dma_semaphore, #tpu.memory_space<semaphore_mem>>) src(%arg11 : memref<128x128xbf16, #tpu.memory_space<vmem>>) dst(%dma_wait3A_207 : memref<10240x128xbf16, #tpu.memory_space<vmem_shared>>)
        tpu.yield
      }) : () -> ()
      %add3A_140 = arith.constant 4 : i32
      %add3A_141 = arith.addi %add3A_134, %add3A_140 : i32
      %lt3A = arith.constant 80 : i32
      %lt3A_142 = arith.cmpi slt, %add3A_141, %lt3A : i32
      %convert_element_type3A_143 = arith.extui %lt3A_142 : i1 to i32
      %cond3A_144 = arith.constant 0 : i32
      %cond3A_145 = arith.cmpi ne, %convert_element_type3A_143, %cond3A_144 : i32
      scf.if %cond3A_145 {
        %add3A_197 = arith.constant 4 : i32
        %add3A_198 = arith.addi %add3A_134, %add3A_197 : i32
        %eq3A_199 = arith.constant 0 : i32
        %eq3A_200 = arith.cmpi eq, %arg0, %eq3A_199 : i32
        %convert_element_type3A_201 = arith.extui %eq3A_200 : i1 to i32
        %cond3A_202 = arith.constant 0 : i32
        %cond3A_203 = arith.cmpi ne, %convert_element_type3A_201, %cond3A_202 : i32
        scf.if %cond3A_203 {
          %dma_start3A = arith.constant 0 : i32
          %dma_start3A_209 = tpu.memref_slice %arg9[%add3A_198, %dma_start3A] : memref<80x128xi32, #tpu.memory_space<vmem>> -> memref<1x128xi32, #tpu.memory_space<vmem>>
          %dma_start3A_210 = tpu.memref_squeeze %dma_start3A_209 : memref<1x128xi32, #tpu.memory_space<vmem>> -> memref<128xi32, #tpu.memory_space<vmem>>
          %dma_start3A_211 = arith.constant 0 : i32
          %dma_start3A_212 = arith.constant 0 : i32
          %dma_start3A_213 = tpu.memref_slice %arg2[%dma_start3A_211, %dma_start3A_212] : memref<10240x128xbf16, #tpu.memory_space<hbm>> -> memref<10240x128xbf16, #tpu.memory_space<hbm>>
          tpu.enqueue_indirect_dma source(%dma_start3A_213 : memref<10240x128xbf16, #tpu.memory_space<hbm>>) target(%arg11 : memref<128x128xbf16, #tpu.memory_space<vmem>>) offsets(%dma_start3A_210 : memref<128xi32, #tpu.memory_space<vmem>>) semaphore(%arg17 : memref<!tpu.dma_semaphore, #tpu.memory_space<semaphore_mem>>)
        } else {
        }
        %eq3A_204 = arith.constant 1 : i32
        %eq3A_205 = arith.cmpi eq, %arg0, %eq3A_204 : i32
        %convert_element_type3A_206 = arith.extui %eq3A_205 : i1 to i32
        %cond3A_207 = arith.constant 0 : i32
        %cond3A_208 = arith.cmpi ne, %convert_element_type3A_206, %cond3A_207 : i32
        scf.if %cond3A_208 {
          %dma_start3A = arith.constant 0 : i32
          %dma_start3A_209 = tpu.memref_slice %arg9[%add3A_198, %dma_start3A] : memref<80x128xi32, #tpu.memory_space<vmem>> -> memref<1x128xi32, #tpu.memory_space<vmem>>
          %dma_start3A_210 = tpu.memref_squeeze %dma_start3A_209 : memref<1x128xi32, #tpu.memory_space<vmem>> -> memref<128xi32, #tpu.memory_space<vmem>>
          %dma_start3A_211 = arith.constant 0 : i32
          %dma_start3A_212 = arith.constant 0 : i32
          %dma_start3A_213 = tpu.memref_slice %arg3[%dma_start3A_211, %dma_start3A_212] : memref<10240x128xbf16, #tpu.memory_space<hbm>> -> memref<10240x128xbf16, #tpu.memory_space<hbm>>
          tpu.enqueue_indirect_dma source(%dma_start3A_213 : memref<10240x128xbf16, #tpu.memory_space<hbm>>) target(%arg11 : memref<128x128xbf16, #tpu.memory_space<vmem>>) offsets(%dma_start3A_210 : memref<128xi32, #tpu.memory_space<vmem>>) semaphore(%arg17 : memref<!tpu.dma_semaphore, #tpu.memory_space<semaphore_mem>>)
        } else {
        }
      } else {
      }
      %mul3A_146 = arith.constant 4 : i32
      %mul3A_147 = arith.muli %mul3A_146, %scan3A_130 : i32
      %add3A_148 = arith.constant 1 : i32
      %add3A_149 = arith.addi %mul3A_147, %add3A_148 : i32
      %dma_wait3A_150 = arith.constant 0 : i32
      %dma_wait3A_151 = tpu.memref_slice %arg9[%add3A_149, %dma_wait3A_150] : memref<80x128xi32, #tpu.memory_space<vmem>> -> memref<1x128xi32, #tpu.memory_space<vmem>>
      %dma_wait3A_152 = tpu.memref_squeeze %dma_wait3A_151 : memref<1x128xi32, #tpu.memory_space<vmem>> -> memref<128xi32, #tpu.memory_space<vmem>>
      %dma_wait3A_153 = arith.constant 0 : i32
      %dma_wait3A_154 = arith.constant 0 : i32
      %dma_wait3A_155 = tpu.memref_slice %arg2[%dma_wait3A_153, %dma_wait3A_154] : memref<10240x128xbf16, #tpu.memory_space<hbm>> -> memref<10240x128xbf16, #tpu.memory_space<hbm>>
      tpu.wait_indirect_dma semaphore(%arg18 : memref<!tpu.dma_semaphore, #tpu.memory_space<semaphore_mem>>) src(%dma_wait3A_155 : memref<10240x128xbf16, #tpu.memory_space<hbm>>) dst(%arg12 : memref<128x128xbf16, #tpu.memory_space<vmem>>)
      "tpu.region"() ({
        %run_scoped3A = tpu.sem_alloc : memref<!tpu.dma_semaphore, #tpu.memory_space<semaphore_mem>>
        %dma_start3A = arith.constant 0 : i32
        %dma_start3A_197 = tpu.memref_slice %arg10[%add3A_149, %dma_start3A] : memref<80x128xi32, #tpu.memory_space<vmem>> -> memref<1x128xi32, #tpu.memory_space<vmem>>
        %dma_start3A_198 = tpu.memref_squeeze %dma_start3A_197 : memref<1x128xi32, #tpu.memory_space<vmem>> -> memref<128xi32, #tpu.memory_space<vmem>>
        %dma_start3A_199 = arith.constant 0 : i32
        %dma_start3A_200 = arith.constant 0 : i32
        %dma_start3A_201 = tpu.memref_slice %arg21[%dma_start3A_199, %dma_start3A_200] : memref<10240x128xbf16, #tpu.memory_space<vmem_shared>> -> memref<10240x128xbf16, #tpu.memory_space<vmem_shared>>
        tpu.enqueue_indirect_dma source(%arg12 : memref<128x128xbf16, #tpu.memory_space<vmem>>) target(%dma_start3A_201 : memref<10240x128xbf16, #tpu.memory_space<vmem_shared>>) offsets(%dma_start3A_198 : memref<128xi32, #tpu.memory_space<vmem>>) semaphore(%run_scoped3A : memref<!tpu.dma_semaphore, #tpu.memory_space<semaphore_mem>>) {add = true}
        %dma_wait3A_202 = arith.constant 0 : i32
        %dma_wait3A_203 = tpu.memref_slice %arg10[%add3A_149, %dma_wait3A_202] : memref<80x128xi32, #tpu.memory_space<vmem>> -> memref<1x128xi32, #tpu.memory_space<vmem>>
        %dma_wait3A_204 = tpu.memref_squeeze %dma_wait3A_203 : memref<1x128xi32, #tpu.memory_space<vmem>> -> memref<128xi32, #tpu.memory_space<vmem>>
        %dma_wait3A_205 = arith.constant 0 : i32
        %dma_wait3A_206 = arith.constant 0 : i32
        %dma_wait3A_207 = tpu.memref_slice %arg21[%dma_wait3A_205, %dma_wait3A_206] : memref<10240x128xbf16, #tpu.memory_space<vmem_shared>> -> memref<10240x128xbf16, #tpu.memory_space<vmem_shared>>
        tpu.wait_indirect_dma semaphore(%run_scoped3A : memref<!tpu.dma_semaphore, #tpu.memory_space<semaphore_mem>>) src(%arg12 : memref<128x128xbf16, #tpu.memory_space<vmem>>) dst(%dma_wait3A_207 : memref<10240x128xbf16, #tpu.memory_space<vmem_shared>>)
        tpu.yield
      }) : () -> ()
      %add3A_156 = arith.constant 4 : i32
      %add3A_157 = arith.addi %add3A_149, %add3A_156 : i32
      %lt3A_158 = arith.constant 80 : i32
      %lt3A_159 = arith.cmpi slt, %add3A_157, %lt3A_158 : i32
      %convert_element_type3A_160 = arith.extui %lt3A_159 : i1 to i32
      %cond3A_161 = arith.constant 0 : i32
      %cond3A_162 = arith.cmpi ne, %convert_element_type3A_160, %cond3A_161 : i32
      scf.if %cond3A_162 {
        %add3A_197 = arith.constant 4 : i32
        %add3A_198 = arith.addi %add3A_149, %add3A_197 : i32
        %eq3A_199 = arith.constant 0 : i32
        %eq3A_200 = arith.cmpi eq, %arg0, %eq3A_199 : i32
        %convert_element_type3A_201 = arith.extui %eq3A_200 : i1 to i32
        %cond3A_202 = arith.constant 0 : i32
        %cond3A_203 = arith.cmpi ne, %convert_element_type3A_201, %cond3A_202 : i32
        scf.if %cond3A_203 {
          %dma_start3A = arith.constant 0 : i32
          %dma_start3A_209 = tpu.memref_slice %arg9[%add3A_198, %dma_start3A] : memref<80x128xi32, #tpu.memory_space<vmem>> -> memref<1x128xi32, #tpu.memory_space<vmem>>
          %dma_start3A_210 = tpu.memref_squeeze %dma_start3A_209 : memref<1x128xi32, #tpu.memory_space<vmem>> -> memref<128xi32, #tpu.memory_space<vmem>>
          %dma_start3A_211 = arith.constant 0 : i32
          %dma_start3A_212 = arith.constant 0 : i32
          %dma_start3A_213 = tpu.memref_slice %arg2[%dma_start3A_211, %dma_start3A_212] : memref<10240x128xbf16, #tpu.memory_space<hbm>> -> memref<10240x128xbf16, #tpu.memory_space<hbm>>
          tpu.enqueue_indirect_dma source(%dma_start3A_213 : memref<10240x128xbf16, #tpu.memory_space<hbm>>) target(%arg12 : memref<128x128xbf16, #tpu.memory_space<vmem>>) offsets(%dma_start3A_210 : memref<128xi32, #tpu.memory_space<vmem>>) semaphore(%arg18 : memref<!tpu.dma_semaphore, #tpu.memory_space<semaphore_mem>>)
        } else {
        }
        %eq3A_204 = arith.constant 1 : i32
        %eq3A_205 = arith.cmpi eq, %arg0, %eq3A_204 : i32
        %convert_element_type3A_206 = arith.extui %eq3A_205 : i1 to i32
        %cond3A_207 = arith.constant 0 : i32
        %cond3A_208 = arith.cmpi ne, %convert_element_type3A_206, %cond3A_207 : i32
        scf.if %cond3A_208 {
          %dma_start3A = arith.constant 0 : i32
          %dma_start3A_209 = tpu.memref_slice %arg9[%add3A_198, %dma_start3A] : memref<80x128xi32, #tpu.memory_space<vmem>> -> memref<1x128xi32, #tpu.memory_space<vmem>>
          %dma_start3A_210 = tpu.memref_squeeze %dma_start3A_209 : memref<1x128xi32, #tpu.memory_space<vmem>> -> memref<128xi32, #tpu.memory_space<vmem>>
          %dma_start3A_211 = arith.constant 0 : i32
          %dma_start3A_212 = arith.constant 0 : i32
          %dma_start3A_213 = tpu.memref_slice %arg3[%dma_start3A_211, %dma_start3A_212] : memref<10240x128xbf16, #tpu.memory_space<hbm>> -> memref<10240x128xbf16, #tpu.memory_space<hbm>>
          tpu.enqueue_indirect_dma source(%dma_start3A_213 : memref<10240x128xbf16, #tpu.memory_space<hbm>>) target(%arg12 : memref<128x128xbf16, #tpu.memory_space<vmem>>) offsets(%dma_start3A_210 : memref<128xi32, #tpu.memory_space<vmem>>) semaphore(%arg18 : memref<!tpu.dma_semaphore, #tpu.memory_space<semaphore_mem>>)
        } else {
        }
      } else {
      }
      %mul3A_163 = arith.constant 4 : i32
      %mul3A_164 = arith.muli %mul3A_163, %scan3A_130 : i32
      %add3A_165 = arith.constant 2 : i32
      %add3A_166 = arith.addi %mul3A_164, %add3A_165 : i32
      %dma_wait3A_167 = arith.constant 0 : i32
      %dma_wait3A_168 = tpu.memref_slice %arg9[%add3A_166, %dma_wait3A_167] : memref<80x128xi32, #tpu.memory_space<vmem>> -> memref<1x128xi32, #tpu.memory_space<vmem>>
      %dma_wait3A_169 = tpu.memref_squeeze %dma_wait3A_168 : memref<1x128xi32, #tpu.memory_space<vmem>> -> memref<128xi32, #tpu.memory_space<vmem>>
      %dma_wait3A_170 = arith.constant 0 : i32
      %dma_wait3A_171 = arith.constant 0 : i32
      %dma_wait3A_172 = tpu.memref_slice %arg2[%dma_wait3A_170, %dma_wait3A_171] : memref<10240x128xbf16, #tpu.memory_space<hbm>> -> memref<10240x128xbf16, #tpu.memory_space<hbm>>
      tpu.wait_indirect_dma semaphore(%arg19 : memref<!tpu.dma_semaphore, #tpu.memory_space<semaphore_mem>>) src(%dma_wait3A_172 : memref<10240x128xbf16, #tpu.memory_space<hbm>>) dst(%arg13 : memref<128x128xbf16, #tpu.memory_space<vmem>>)
      "tpu.region"() ({
        %run_scoped3A = tpu.sem_alloc : memref<!tpu.dma_semaphore, #tpu.memory_space<semaphore_mem>>
        %dma_start3A = arith.constant 0 : i32
        %dma_start3A_197 = tpu.memref_slice %arg10[%add3A_166, %dma_start3A] : memref<80x128xi32, #tpu.memory_space<vmem>> -> memref<1x128xi32, #tpu.memory_space<vmem>>
        %dma_start3A_198 = tpu.memref_squeeze %dma_start3A_197 : memref<1x128xi32, #tpu.memory_space<vmem>> -> memref<128xi32, #tpu.memory_space<vmem>>
        %dma_start3A_199 = arith.constant 0 : i32
        %dma_start3A_200 = arith.constant 0 : i32
        %dma_start3A_201 = tpu.memref_slice %arg21[%dma_start3A_199, %dma_start3A_200] : memref<10240x128xbf16, #tpu.memory_space<vmem_shared>> -> memref<10240x128xbf16, #tpu.memory_space<vmem_shared>>
        tpu.enqueue_indirect_dma source(%arg13 : memref<128x128xbf16, #tpu.memory_space<vmem>>) target(%dma_start3A_201 : memref<10240x128xbf16, #tpu.memory_space<vmem_shared>>) offsets(%dma_start3A_198 : memref<128xi32, #tpu.memory_space<vmem>>) semaphore(%run_scoped3A : memref<!tpu.dma_semaphore, #tpu.memory_space<semaphore_mem>>) {add = true}
        %dma_wait3A_202 = arith.constant 0 : i32
        %dma_wait3A_203 = tpu.memref_slice %arg10[%add3A_166, %dma_wait3A_202] : memref<80x128xi32, #tpu.memory_space<vmem>> -> memref<1x128xi32, #tpu.memory_space<vmem>>
        %dma_wait3A_204 = tpu.memref_squeeze %dma_wait3A_203 : memref<1x128xi32, #tpu.memory_space<vmem>> -> memref<128xi32, #tpu.memory_space<vmem>>
        %dma_wait3A_205 = arith.constant 0 : i32
        %dma_wait3A_206 = arith.constant 0 : i32
        %dma_wait3A_207 = tpu.memref_slice %arg21[%dma_wait3A_205, %dma_wait3A_206] : memref<10240x128xbf16, #tpu.memory_space<vmem_shared>> -> memref<10240x128xbf16, #tpu.memory_space<vmem_shared>>
        tpu.wait_indirect_dma semaphore(%run_scoped3A : memref<!tpu.dma_semaphore, #tpu.memory_space<semaphore_mem>>) src(%arg13 : memref<128x128xbf16, #tpu.memory_space<vmem>>) dst(%dma_wait3A_207 : memref<10240x128xbf16, #tpu.memory_space<vmem_shared>>)
        tpu.yield
      }) : () -> ()
      %add3A_173 = arith.constant 4 : i32
      %add3A_174 = arith.addi %add3A_166, %add3A_173 : i32
      %lt3A_175 = arith.constant 80 : i32
      %lt3A_176 = arith.cmpi slt, %add3A_174, %lt3A_175 : i32
      %convert_element_type3A_177 = arith.extui %lt3A_176 : i1 to i32
      %cond3A_178 = arith.constant 0 : i32
      %cond3A_179 = arith.cmpi ne, %convert_element_type3A_177, %cond3A_178 : i32
      scf.if %cond3A_179 {
        %add3A_197 = arith.constant 4 : i32
        %add3A_198 = arith.addi %add3A_166, %add3A_197 : i32
        %eq3A_199 = arith.constant 0 : i32
        %eq3A_200 = arith.cmpi eq, %arg0, %eq3A_199 : i32
        %convert_element_type3A_201 = arith.extui %eq3A_200 : i1 to i32
        %cond3A_202 = arith.constant 0 : i32
        %cond3A_203 = arith.cmpi ne, %convert_element_type3A_201, %cond3A_202 : i32
        scf.if %cond3A_203 {
          %dma_start3A = arith.constant 0 : i32
          %dma_start3A_209 = tpu.memref_slice %arg9[%add3A_198, %dma_start3A] : memref<80x128xi32, #tpu.memory_space<vmem>> -> memref<1x128xi32, #tpu.memory_space<vmem>>
          %dma_start3A_210 = tpu.memref_squeeze %dma_start3A_209 : memref<1x128xi32, #tpu.memory_space<vmem>> -> memref<128xi32, #tpu.memory_space<vmem>>
          %dma_start3A_211 = arith.constant 0 : i32
          %dma_start3A_212 = arith.constant 0 : i32
          %dma_start3A_213 = tpu.memref_slice %arg2[%dma_start3A_211, %dma_start3A_212] : memref<10240x128xbf16, #tpu.memory_space<hbm>> -> memref<10240x128xbf16, #tpu.memory_space<hbm>>
          tpu.enqueue_indirect_dma source(%dma_start3A_213 : memref<10240x128xbf16, #tpu.memory_space<hbm>>) target(%arg13 : memref<128x128xbf16, #tpu.memory_space<vmem>>) offsets(%dma_start3A_210 : memref<128xi32, #tpu.memory_space<vmem>>) semaphore(%arg19 : memref<!tpu.dma_semaphore, #tpu.memory_space<semaphore_mem>>)
        } else {
        }
        %eq3A_204 = arith.constant 1 : i32
        %eq3A_205 = arith.cmpi eq, %arg0, %eq3A_204 : i32
        %convert_element_type3A_206 = arith.extui %eq3A_205 : i1 to i32
        %cond3A_207 = arith.constant 0 : i32
        %cond3A_208 = arith.cmpi ne, %convert_element_type3A_206, %cond3A_207 : i32
        scf.if %cond3A_208 {
          %dma_start3A = arith.constant 0 : i32
          %dma_start3A_209 = tpu.memref_slice %arg9[%add3A_198, %dma_start3A] : memref<80x128xi32, #tpu.memory_space<vmem>> -> memref<1x128xi32, #tpu.memory_space<vmem>>
          %dma_start3A_210 = tpu.memref_squeeze %dma_start3A_209 : memref<1x128xi32, #tpu.memory_space<vmem>> -> memref<128xi32, #tpu.memory_space<vmem>>
          %dma_start3A_211 = arith.constant 0 : i32
          %dma_start3A_212 = arith.constant 0 : i32
          %dma_start3A_213 = tpu.memref_slice %arg3[%dma_start3A_211, %dma_start3A_212] : memref<10240x128xbf16, #tpu.memory_space<hbm>> -> memref<10240x128xbf16, #tpu.memory_space<hbm>>
          tpu.enqueue_indirect_dma source(%dma_start3A_213 : memref<10240x128xbf16, #tpu.memory_space<hbm>>) target(%arg13 : memref<128x128xbf16, #tpu.memory_space<vmem>>) offsets(%dma_start3A_210 : memref<128xi32, #tpu.memory_space<vmem>>) semaphore(%arg19 : memref<!tpu.dma_semaphore, #tpu.memory_space<semaphore_mem>>)
        } else {
        }
      } else {
      }
      %mul3A_180 = arith.constant 4 : i32
      %mul3A_181 = arith.muli %mul3A_180, %scan3A_130 : i32
      %add3A_182 = arith.constant 3 : i32
      %add3A_183 = arith.addi %mul3A_181, %add3A_182 : i32
      %dma_wait3A_184 = arith.constant 0 : i32
      %dma_wait3A_185 = tpu.memref_slice %arg9[%add3A_183, %dma_wait3A_184] : memref<80x128xi32, #tpu.memory_space<vmem>> -> memref<1x128xi32, #tpu.memory_space<vmem>>
      %dma_wait3A_186 = tpu.memref_squeeze %dma_wait3A_185 : memref<1x128xi32, #tpu.memory_space<vmem>> -> memref<128xi32, #tpu.memory_space<vmem>>
      %dma_wait3A_187 = arith.constant 0 : i32
      %dma_wait3A_188 = arith.constant 0 : i32
      %dma_wait3A_189 = tpu.memref_slice %arg2[%dma_wait3A_187, %dma_wait3A_188] : memref<10240x128xbf16, #tpu.memory_space<hbm>> -> memref<10240x128xbf16, #tpu.memory_space<hbm>>
      tpu.wait_indirect_dma semaphore(%arg20 : memref<!tpu.dma_semaphore, #tpu.memory_space<semaphore_mem>>) src(%dma_wait3A_189 : memref<10240x128xbf16, #tpu.memory_space<hbm>>) dst(%arg14 : memref<128x128xbf16, #tpu.memory_space<vmem>>)
      "tpu.region"() ({
        %run_scoped3A = tpu.sem_alloc : memref<!tpu.dma_semaphore, #tpu.memory_space<semaphore_mem>>
        %dma_start3A = arith.constant 0 : i32
        %dma_start3A_197 = tpu.memref_slice %arg10[%add3A_183, %dma_start3A] : memref<80x128xi32, #tpu.memory_space<vmem>> -> memref<1x128xi32, #tpu.memory_space<vmem>>
        %dma_start3A_198 = tpu.memref_squeeze %dma_start3A_197 : memref<1x128xi32, #tpu.memory_space<vmem>> -> memref<128xi32, #tpu.memory_space<vmem>>
        %dma_start3A_199 = arith.constant 0 : i32
        %dma_start3A_200 = arith.constant 0 : i32
        %dma_start3A_201 = tpu.memref_slice %arg21[%dma_start3A_199, %dma_start3A_200] : memref<10240x128xbf16, #tpu.memory_space<vmem_shared>> -> memref<10240x128xbf16, #tpu.memory_space<vmem_shared>>
        tpu.enqueue_indirect_dma source(%arg14 : memref<128x128xbf16, #tpu.memory_space<vmem>>) target(%dma_start3A_201 : memref<10240x128xbf16, #tpu.memory_space<vmem_shared>>) offsets(%dma_start3A_198 : memref<128xi32, #tpu.memory_space<vmem>>) semaphore(%run_scoped3A : memref<!tpu.dma_semaphore, #tpu.memory_space<semaphore_mem>>) {add = true}
        %dma_wait3A_202 = arith.constant 0 : i32
        %dma_wait3A_203 = tpu.memref_slice %arg10[%add3A_183, %dma_wait3A_202] : memref<80x128xi32, #tpu.memory_space<vmem>> -> memref<1x128xi32, #tpu.memory_space<vmem>>
        %dma_wait3A_204 = tpu.memref_squeeze %dma_wait3A_203 : memref<1x128xi32, #tpu.memory_space<vmem>> -> memref<128xi32, #tpu.memory_space<vmem>>
        %dma_wait3A_205 = arith.constant 0 : i32
        %dma_wait3A_206 = arith.constant 0 : i32
        %dma_wait3A_207 = tpu.memref_slice %arg21[%dma_wait3A_205, %dma_wait3A_206] : memref<10240x128xbf16, #tpu.memory_space<vmem_shared>> -> memref<10240x128xbf16, #tpu.memory_space<vmem_shared>>
        tpu.wait_indirect_dma semaphore(%run_scoped3A : memref<!tpu.dma_semaphore, #tpu.memory_space<semaphore_mem>>) src(%arg14 : memref<128x128xbf16, #tpu.memory_space<vmem>>) dst(%dma_wait3A_207 : memref<10240x128xbf16, #tpu.memory_space<vmem_shared>>)
        tpu.yield
      }) : () -> ()
      %add3A_190 = arith.constant 4 : i32
      %add3A_191 = arith.addi %add3A_183, %add3A_190 : i32
      %lt3A_192 = arith.constant 80 : i32
      %lt3A_193 = arith.cmpi slt, %add3A_191, %lt3A_192 : i32
      %convert_element_type3A_194 = arith.extui %lt3A_193 : i1 to i32
      %cond3A_195 = arith.constant 0 : i32
      %cond3A_196 = arith.cmpi ne, %convert_element_type3A_194, %cond3A_195 : i32
      scf.if %cond3A_196 {
        %add3A_197 = arith.constant 4 : i32
        %add3A_198 = arith.addi %add3A_183, %add3A_197 : i32
        %eq3A_199 = arith.constant 0 : i32
        %eq3A_200 = arith.cmpi eq, %arg0, %eq3A_199 : i32
        %convert_element_type3A_201 = arith.extui %eq3A_200 : i1 to i32
        %cond3A_202 = arith.constant 0 : i32
        %cond3A_203 = arith.cmpi ne, %convert_element_type3A_201, %cond3A_202 : i32
        scf.if %cond3A_203 {
          %dma_start3A = arith.constant 0 : i32
          %dma_start3A_209 = tpu.memref_slice %arg9[%add3A_198, %dma_start3A] : memref<80x128xi32, #tpu.memory_space<vmem>> -> memref<1x128xi32, #tpu.memory_space<vmem>>
          %dma_start3A_210 = tpu.memref_squeeze %dma_start3A_209 : memref<1x128xi32, #tpu.memory_space<vmem>> -> memref<128xi32, #tpu.memory_space<vmem>>
          %dma_start3A_211 = arith.constant 0 : i32
          %dma_start3A_212 = arith.constant 0 : i32
          %dma_start3A_213 = tpu.memref_slice %arg2[%dma_start3A_211, %dma_start3A_212] : memref<10240x128xbf16, #tpu.memory_space<hbm>> -> memref<10240x128xbf16, #tpu.memory_space<hbm>>
          tpu.enqueue_indirect_dma source(%dma_start3A_213 : memref<10240x128xbf16, #tpu.memory_space<hbm>>) target(%arg14 : memref<128x128xbf16, #tpu.memory_space<vmem>>) offsets(%dma_start3A_210 : memref<128xi32, #tpu.memory_space<vmem>>) semaphore(%arg20 : memref<!tpu.dma_semaphore, #tpu.memory_space<semaphore_mem>>)
        } else {
        }
        %eq3A_204 = arith.constant 1 : i32
        %eq3A_205 = arith.cmpi eq, %arg0, %eq3A_204 : i32
        %convert_element_type3A_206 = arith.extui %eq3A_205 : i1 to i32
        %cond3A_207 = arith.constant 0 : i32
        %cond3A_208 = arith.cmpi ne, %convert_element_type3A_206, %cond3A_207 : i32
        scf.if %cond3A_208 {
          %dma_start3A = arith.constant 0 : i32
          %dma_start3A_209 = tpu.memref_slice %arg9[%add3A_198, %dma_start3A] : memref<80x128xi32, #tpu.memory_space<vmem>> -> memref<1x128xi32, #tpu.memory_space<vmem>>
          %dma_start3A_210 = tpu.memref_squeeze %dma_start3A_209 : memref<1x128xi32, #tpu.memory_space<vmem>> -> memref<128xi32, #tpu.memory_space<vmem>>
          %dma_start3A_211 = arith.constant 0 : i32
          %dma_start3A_212 = arith.constant 0 : i32
          %dma_start3A_213 = tpu.memref_slice %arg3[%dma_start3A_211, %dma_start3A_212] : memref<10240x128xbf16, #tpu.memory_space<hbm>> -> memref<10240x128xbf16, #tpu.memory_space<hbm>>
          tpu.enqueue_indirect_dma source(%dma_start3A_213 : memref<10240x128xbf16, #tpu.memory_space<hbm>>) target(%arg14 : memref<128x128xbf16, #tpu.memory_space<vmem>>) offsets(%dma_start3A_210 : memref<128xi32, #tpu.memory_space<vmem>>) semaphore(%arg20 : memref<!tpu.dma_semaphore, #tpu.memory_space<semaphore_mem>>)
        } else {
        }
      } else {
      }
    }
    %scan3A_58 = arith.constant 20 : i32
    %barrier3A_59 = arith.constant 0 : index
    tpu.barrier barrier_id(%barrier3A_59)
    %mul3A_60 = arith.constant 640 : i32
    %mul3A_61 = arith.muli %arg1, %mul3A_60 : i32
    %add3A_62 = arith.constant 0 : i32
    %add3A_63 = arith.addi %mul3A_61, %add3A_62 : i32
    "tpu.region"() ({
      %run_scoped3A = tpu.sem_alloc : memref<!tpu.dma_semaphore, #tpu.memory_space<semaphore_mem>>
      %dma_start3A = arith.constant 0 : i32
      %dma_start3A_130 = tpu.memref_slice %arg21[%add3A_63, %dma_start3A] : memref<10240x128xbf16, #tpu.memory_space<vmem_shared>> -> memref<128x128xbf16, #tpu.memory_space<vmem_shared>>
      %dma_start3A_131 = arith.constant 0 : i32
      %dma_start3A_132 = tpu.memref_slice %arg21[%add3A_63, %dma_start3A_131] : memref<10240x128xbf16, #tpu.memory_space<vmem_shared>> -> memref<128x128xbf16, #tpu.memory_space<vmem_shared>>
      tpu.enqueue_dma source(%dma_start3A_132 : memref<128x128xbf16, #tpu.memory_space<vmem_shared>>) target(%arg16 : memref<128x128xbf16, #tpu.memory_space<vmem>>) target_semaphore(%run_scoped3A : memref<!tpu.dma_semaphore, #tpu.memory_space<semaphore_mem>>)
      %dma_wait3A = arith.constant 0 : i32
      %dma_wait3A_133 = tpu.memref_slice %arg21[%add3A_63, %dma_wait3A] : memref<10240x128xbf16, #tpu.memory_space<vmem_shared>> -> memref<128x128xbf16, #tpu.memory_space<vmem_shared>>
      %dma_wait3A_134 = arith.constant 0 : i32
      %dma_wait3A_135 = tpu.memref_slice %arg21[%add3A_63, %dma_wait3A_134] : memref<10240x128xbf16, #tpu.memory_space<vmem_shared>> -> memref<128x128xbf16, #tpu.memory_space<vmem_shared>>
      tpu.wait_dma2 semaphore(%run_scoped3A : memref<!tpu.dma_semaphore, #tpu.memory_space<semaphore_mem>>) src(%dma_wait3A_135 : memref<128x128xbf16, #tpu.memory_space<vmem_shared>>) dst(%arg16 : memref<128x128xbf16, #tpu.memory_space<vmem>>)
      tpu.yield
    }) : () -> ()
    %eq3A_64 = arith.constant 0 : i32
    %eq3A_65 = arith.cmpi eq, %arg0, %eq3A_64 : i32
    %convert_element_type3A_66 = arith.extui %eq3A_65 : i1 to i32
    %cond3A_67 = arith.constant 0 : i32
    %cond3A_68 = arith.cmpi ne, %convert_element_type3A_66, %cond3A_67 : i32
    scf.if %cond3A_68 {
      "tpu.region"() ({
        %run_scoped3A = tpu.sem_alloc : memref<!tpu.dma_semaphore, #tpu.memory_space<semaphore_mem>>
        %dma_start3A = arith.constant 0 : i32
        %dma_start3A_130 = tpu.memref_slice %arg7[%add3A_63, %dma_start3A] : memref<10240x128xbf16, #tpu.memory_space<hbm>> -> memref<128x128xbf16, #tpu.memory_space<hbm>>
        %dma_start3A_131 = arith.constant 0 : i32
        %dma_start3A_132 = tpu.memref_slice %arg7[%add3A_63, %dma_start3A_131] : memref<10240x128xbf16, #tpu.memory_space<hbm>> -> memref<128x128xbf16, #tpu.memory_space<hbm>>
        tpu.enqueue_dma source(%arg16 : memref<128x128xbf16, #tpu.memory_space<vmem>>) target(%dma_start3A_132 : memref<128x128xbf16, #tpu.memory_space<hbm>>) target_semaphore(%run_scoped3A : memref<!tpu.dma_semaphore, #tpu.memory_space<semaphore_mem>>)
        %dma_wait3A = arith.constant 0 : i32
        %dma_wait3A_133 = tpu.memref_slice %arg7[%add3A_63, %dma_wait3A] : memref<10240x128xbf16, #tpu.memory_space<hbm>> -> memref<128x128xbf16, #tpu.memory_space<hbm>>
        %dma_wait3A_134 = arith.constant 0 : i32
        %dma_wait3A_135 = tpu.memref_slice %arg7[%add3A_63, %dma_wait3A_134] : memref<10240x128xbf16, #tpu.memory_space<hbm>> -> memref<128x128xbf16, #tpu.memory_space<hbm>>
        tpu.wait_dma2 semaphore(%run_scoped3A : memref<!tpu.dma_semaphore, #tpu.memory_space<semaphore_mem>>) src(%arg16 : memref<128x128xbf16, #tpu.memory_space<vmem>>) dst(%dma_wait3A_135 : memref<128x128xbf16, #tpu.memory_space<hbm>>)
        tpu.yield
      }) : () -> ()
    } else {
    }
    %eq3A_69 = arith.constant 1 : i32
    %eq3A_70 = arith.cmpi eq, %arg0, %eq3A_69 : i32
    %convert_element_type3A_71 = arith.extui %eq3A_70 : i1 to i32
    %cond3A_72 = arith.constant 0 : i32
    %cond3A_73 = arith.cmpi ne, %convert_element_type3A_71, %cond3A_72 : i32
    scf.if %cond3A_73 {
      "tpu.region"() ({
        %run_scoped3A = tpu.sem_alloc : memref<!tpu.dma_semaphore, #tpu.memory_space<semaphore_mem>>
        %dma_start3A = arith.constant 0 : i32
        %dma_start3A_130 = tpu.memref_slice %arg8[%add3A_63, %dma_start3A] : memref<10240x128xbf16, #tpu.memory_space<hbm>> -> memref<128x128xbf16, #tpu.memory_space<hbm>>
        %dma_start3A_131 = arith.constant 0 : i32
        %dma_start3A_132 = tpu.memref_slice %arg8[%add3A_63, %dma_start3A_131] : memref<10240x128xbf16, #tpu.memory_space<hbm>> -> memref<128x128xbf16, #tpu.memory_space<hbm>>
        tpu.enqueue_dma source(%arg16 : memref<128x128xbf16, #tpu.memory_space<vmem>>) target(%dma_start3A_132 : memref<128x128xbf16, #tpu.memory_space<hbm>>) target_semaphore(%run_scoped3A : memref<!tpu.dma_semaphore, #tpu.memory_space<semaphore_mem>>)
        %dma_wait3A = arith.constant 0 : i32
        %dma_wait3A_133 = tpu.memref_slice %arg8[%add3A_63, %dma_wait3A] : memref<10240x128xbf16, #tpu.memory_space<hbm>> -> memref<128x128xbf16, #tpu.memory_space<hbm>>
        %dma_wait3A_134 = arith.constant 0 : i32
        %dma_wait3A_135 = tpu.memref_slice %arg8[%add3A_63, %dma_wait3A_134] : memref<10240x128xbf16, #tpu.memory_space<hbm>> -> memref<128x128xbf16, #tpu.memory_space<hbm>>
        tpu.wait_dma2 semaphore(%run_scoped3A : memref<!tpu.dma_semaphore, #tpu.memory_space<semaphore_mem>>) src(%arg16 : memref<128x128xbf16, #tpu.memory_space<vmem>>) dst(%dma_wait3A_135 : memref<128x128xbf16, #tpu.memory_space<hbm>>)
        tpu.yield
      }) : () -> ()
    } else {
    }
    %mul3A_74 = arith.constant 640 : i32
    %mul3A_75 = arith.muli %arg1, %mul3A_74 : i32
    %add3A_76 = arith.constant 128 : i32
    %add3A_77 = arith.addi %mul3A_75, %add3A_76 : i32
    "tpu.region"() ({
      %run_scoped3A = tpu.sem_alloc : memref<!tpu.dma_semaphore, #tpu.memory_space<semaphore_mem>>
      %dma_start3A = arith.constant 0 : i32
      %dma_start3A_130 = tpu.memref_slice %arg21[%add3A_77, %dma_start3A] : memref<10240x128xbf16, #tpu.memory_space<vmem_shared>> -> memref<128x128xbf16, #tpu.memory_space<vmem_shared>>
      %dma_start3A_131 = arith.constant 0 : i32
      %dma_start3A_132 = tpu.memref_slice %arg21[%add3A_77, %dma_start3A_131] : memref<10240x128xbf16, #tpu.memory_space<vmem_shared>> -> memref<128x128xbf16, #tpu.memory_space<vmem_shared>>
      tpu.enqueue_dma source(%dma_start3A_132 : memref<128x128xbf16, #tpu.memory_space<vmem_shared>>) target(%arg16 : memref<128x128xbf16, #tpu.memory_space<vmem>>) target_semaphore(%run_scoped3A : memref<!tpu.dma_semaphore, #tpu.memory_space<semaphore_mem>>)
      %dma_wait3A = arith.constant 0 : i32
      %dma_wait3A_133 = tpu.memref_slice %arg21[%add3A_77, %dma_wait3A] : memref<10240x128xbf16, #tpu.memory_space<vmem_shared>> -> memref<128x128xbf16, #tpu.memory_space<vmem_shared>>
      %dma_wait3A_134 = arith.constant 0 : i32
      %dma_wait3A_135 = tpu.memref_slice %arg21[%add3A_77, %dma_wait3A_134] : memref<10240x128xbf16, #tpu.memory_space<vmem_shared>> -> memref<128x128xbf16, #tpu.memory_space<vmem_shared>>
      tpu.wait_dma2 semaphore(%run_scoped3A : memref<!tpu.dma_semaphore, #tpu.memory_space<semaphore_mem>>) src(%dma_wait3A_135 : memref<128x128xbf16, #tpu.memory_space<vmem_shared>>) dst(%arg16 : memref<128x128xbf16, #tpu.memory_space<vmem>>)
      tpu.yield
    }) : () -> ()
    %eq3A_78 = arith.constant 0 : i32
    %eq3A_79 = arith.cmpi eq, %arg0, %eq3A_78 : i32
    %convert_element_type3A_80 = arith.extui %eq3A_79 : i1 to i32
    %cond3A_81 = arith.constant 0 : i32
    %cond3A_82 = arith.cmpi ne, %convert_element_type3A_80, %cond3A_81 : i32
    scf.if %cond3A_82 {
      "tpu.region"() ({
        %run_scoped3A = tpu.sem_alloc : memref<!tpu.dma_semaphore, #tpu.memory_space<semaphore_mem>>
        %dma_start3A = arith.constant 0 : i32
        %dma_start3A_130 = tpu.memref_slice %arg7[%add3A_77, %dma_start3A] : memref<10240x128xbf16, #tpu.memory_space<hbm>> -> memref<128x128xbf16, #tpu.memory_space<hbm>>
        %dma_start3A_131 = arith.constant 0 : i32
        %dma_start3A_132 = tpu.memref_slice %arg7[%add3A_77, %dma_start3A_131] : memref<10240x128xbf16, #tpu.memory_space<hbm>> -> memref<128x128xbf16, #tpu.memory_space<hbm>>
        tpu.enqueue_dma source(%arg16 : memref<128x128xbf16, #tpu.memory_space<vmem>>) target(%dma_start3A_132 : memref<128x128xbf16, #tpu.memory_space<hbm>>) target_semaphore(%run_scoped3A : memref<!tpu.dma_semaphore, #tpu.memory_space<semaphore_mem>>)
        %dma_wait3A = arith.constant 0 : i32
        %dma_wait3A_133 = tpu.memref_slice %arg7[%add3A_77, %dma_wait3A] : memref<10240x128xbf16, #tpu.memory_space<hbm>> -> memref<128x128xbf16, #tpu.memory_space<hbm>>
        %dma_wait3A_134 = arith.constant 0 : i32
        %dma_wait3A_135 = tpu.memref_slice %arg7[%add3A_77, %dma_wait3A_134] : memref<10240x128xbf16, #tpu.memory_space<hbm>> -> memref<128x128xbf16, #tpu.memory_space<hbm>>
        tpu.wait_dma2 semaphore(%run_scoped3A : memref<!tpu.dma_semaphore, #tpu.memory_space<semaphore_mem>>) src(%arg16 : memref<128x128xbf16, #tpu.memory_space<vmem>>) dst(%dma_wait3A_135 : memref<128x128xbf16, #tpu.memory_space<hbm>>)
        tpu.yield
      }) : () -> ()
    } else {
    }
    %eq3A_83 = arith.constant 1 : i32
    %eq3A_84 = arith.cmpi eq, %arg0, %eq3A_83 : i32
    %convert_element_type3A_85 = arith.extui %eq3A_84 : i1 to i32
    %cond3A_86 = arith.constant 0 : i32
    %cond3A_87 = arith.cmpi ne, %convert_element_type3A_85, %cond3A_86 : i32
    scf.if %cond3A_87 {
      "tpu.region"() ({
        %run_scoped3A = tpu.sem_alloc : memref<!tpu.dma_semaphore, #tpu.memory_space<semaphore_mem>>
        %dma_start3A = arith.constant 0 : i32
        %dma_start3A_130 = tpu.memref_slice %arg8[%add3A_77, %dma_start3A] : memref<10240x128xbf16, #tpu.memory_space<hbm>> -> memref<128x128xbf16, #tpu.memory_space<hbm>>
        %dma_start3A_131 = arith.constant 0 : i32
        %dma_start3A_132 = tpu.memref_slice %arg8[%add3A_77, %dma_start3A_131] : memref<10240x128xbf16, #tpu.memory_space<hbm>> -> memref<128x128xbf16, #tpu.memory_space<hbm>>
        tpu.enqueue_dma source(%arg16 : memref<128x128xbf16, #tpu.memory_space<vmem>>) target(%dma_start3A_132 : memref<128x128xbf16, #tpu.memory_space<hbm>>) target_semaphore(%run_scoped3A : memref<!tpu.dma_semaphore, #tpu.memory_space<semaphore_mem>>)
        %dma_wait3A = arith.constant 0 : i32
        %dma_wait3A_133 = tpu.memref_slice %arg8[%add3A_77, %dma_wait3A] : memref<10240x128xbf16, #tpu.memory_space<hbm>> -> memref<128x128xbf16, #tpu.memory_space<hbm>>
        %dma_wait3A_134 = arith.constant 0 : i32
        %dma_wait3A_135 = tpu.memref_slice %arg8[%add3A_77, %dma_wait3A_134] : memref<10240x128xbf16, #tpu.memory_space<hbm>> -> memref<128x128xbf16, #tpu.memory_space<hbm>>
        tpu.wait_dma2 semaphore(%run_scoped3A : memref<!tpu.dma_semaphore, #tpu.memory_space<semaphore_mem>>) src(%arg16 : memref<128x128xbf16, #tpu.memory_space<vmem>>) dst(%dma_wait3A_135 : memref<128x128xbf16, #tpu.memory_space<hbm>>)
        tpu.yield
      }) : () -> ()
    } else {
    }
    %mul3A_88 = arith.constant 640 : i32
    %mul3A_89 = arith.muli %arg1, %mul3A_88 : i32
    %add3A_90 = arith.constant 256 : i32
    %add3A_91 = arith.addi %mul3A_89, %add3A_90 : i32
    "tpu.region"() ({
      %run_scoped3A = tpu.sem_alloc : memref<!tpu.dma_semaphore, #tpu.memory_space<semaphore_mem>>
      %dma_start3A = arith.constant 0 : i32
      %dma_start3A_130 = tpu.memref_slice %arg21[%add3A_91, %dma_start3A] : memref<10240x128xbf16, #tpu.memory_space<vmem_shared>> -> memref<128x128xbf16, #tpu.memory_space<vmem_shared>>
      %dma_start3A_131 = arith.constant 0 : i32
      %dma_start3A_132 = tpu.memref_slice %arg21[%add3A_91, %dma_start3A_131] : memref<10240x128xbf16, #tpu.memory_space<vmem_shared>> -> memref<128x128xbf16, #tpu.memory_space<vmem_shared>>
      tpu.enqueue_dma source(%dma_start3A_132 : memref<128x128xbf16, #tpu.memory_space<vmem_shared>>) target(%arg16 : memref<128x128xbf16, #tpu.memory_space<vmem>>) target_semaphore(%run_scoped3A : memref<!tpu.dma_semaphore, #tpu.memory_space<semaphore_mem>>)
      %dma_wait3A = arith.constant 0 : i32
      %dma_wait3A_133 = tpu.memref_slice %arg21[%add3A_91, %dma_wait3A] : memref<10240x128xbf16, #tpu.memory_space<vmem_shared>> -> memref<128x128xbf16, #tpu.memory_space<vmem_shared>>
      %dma_wait3A_134 = arith.constant 0 : i32
      %dma_wait3A_135 = tpu.memref_slice %arg21[%add3A_91, %dma_wait3A_134] : memref<10240x128xbf16, #tpu.memory_space<vmem_shared>> -> memref<128x128xbf16, #tpu.memory_space<vmem_shared>>
      tpu.wait_dma2 semaphore(%run_scoped3A : memref<!tpu.dma_semaphore, #tpu.memory_space<semaphore_mem>>) src(%dma_wait3A_135 : memref<128x128xbf16, #tpu.memory_space<vmem_shared>>) dst(%arg16 : memref<128x128xbf16, #tpu.memory_space<vmem>>)
      tpu.yield
    }) : () -> ()
    %eq3A_92 = arith.constant 0 : i32
    %eq3A_93 = arith.cmpi eq, %arg0, %eq3A_92 : i32
    %convert_element_type3A_94 = arith.extui %eq3A_93 : i1 to i32
    %cond3A_95 = arith.constant 0 : i32
    %cond3A_96 = arith.cmpi ne, %convert_element_type3A_94, %cond3A_95 : i32
    scf.if %cond3A_96 {
      "tpu.region"() ({
        %run_scoped3A = tpu.sem_alloc : memref<!tpu.dma_semaphore, #tpu.memory_space<semaphore_mem>>
        %dma_start3A = arith.constant 0 : i32
        %dma_start3A_130 = tpu.memref_slice %arg7[%add3A_91, %dma_start3A] : memref<10240x128xbf16, #tpu.memory_space<hbm>> -> memref<128x128xbf16, #tpu.memory_space<hbm>>
        %dma_start3A_131 = arith.constant 0 : i32
        %dma_start3A_132 = tpu.memref_slice %arg7[%add3A_91, %dma_start3A_131] : memref<10240x128xbf16, #tpu.memory_space<hbm>> -> memref<128x128xbf16, #tpu.memory_space<hbm>>
        tpu.enqueue_dma source(%arg16 : memref<128x128xbf16, #tpu.memory_space<vmem>>) target(%dma_start3A_132 : memref<128x128xbf16, #tpu.memory_space<hbm>>) target_semaphore(%run_scoped3A : memref<!tpu.dma_semaphore, #tpu.memory_space<semaphore_mem>>)
        %dma_wait3A = arith.constant 0 : i32
        %dma_wait3A_133 = tpu.memref_slice %arg7[%add3A_91, %dma_wait3A] : memref<10240x128xbf16, #tpu.memory_space<hbm>> -> memref<128x128xbf16, #tpu.memory_space<hbm>>
        %dma_wait3A_134 = arith.constant 0 : i32
        %dma_wait3A_135 = tpu.memref_slice %arg7[%add3A_91, %dma_wait3A_134] : memref<10240x128xbf16, #tpu.memory_space<hbm>> -> memref<128x128xbf16, #tpu.memory_space<hbm>>
        tpu.wait_dma2 semaphore(%run_scoped3A : memref<!tpu.dma_semaphore, #tpu.memory_space<semaphore_mem>>) src(%arg16 : memref<128x128xbf16, #tpu.memory_space<vmem>>) dst(%dma_wait3A_135 : memref<128x128xbf16, #tpu.memory_space<hbm>>)
        tpu.yield
      }) : () -> ()
    } else {
    }
    %eq3A_97 = arith.constant 1 : i32
    %eq3A_98 = arith.cmpi eq, %arg0, %eq3A_97 : i32
    %convert_element_type3A_99 = arith.extui %eq3A_98 : i1 to i32
    %cond3A_100 = arith.constant 0 : i32
    %cond3A_101 = arith.cmpi ne, %convert_element_type3A_99, %cond3A_100 : i32
    scf.if %cond3A_101 {
      "tpu.region"() ({
        %run_scoped3A = tpu.sem_alloc : memref<!tpu.dma_semaphore, #tpu.memory_space<semaphore_mem>>
        %dma_start3A = arith.constant 0 : i32
        %dma_start3A_130 = tpu.memref_slice %arg8[%add3A_91, %dma_start3A] : memref<10240x128xbf16, #tpu.memory_space<hbm>> -> memref<128x128xbf16, #tpu.memory_space<hbm>>
        %dma_start3A_131 = arith.constant 0 : i32
        %dma_start3A_132 = tpu.memref_slice %arg8[%add3A_91, %dma_start3A_131] : memref<10240x128xbf16, #tpu.memory_space<hbm>> -> memref<128x128xbf16, #tpu.memory_space<hbm>>
        tpu.enqueue_dma source(%arg16 : memref<128x128xbf16, #tpu.memory_space<vmem>>) target(%dma_start3A_132 : memref<128x128xbf16, #tpu.memory_space<hbm>>) target_semaphore(%run_scoped3A : memref<!tpu.dma_semaphore, #tpu.memory_space<semaphore_mem>>)
        %dma_wait3A = arith.constant 0 : i32
        %dma_wait3A_133 = tpu.memref_slice %arg8[%add3A_91, %dma_wait3A] : memref<10240x128xbf16, #tpu.memory_space<hbm>> -> memref<128x128xbf16, #tpu.memory_space<hbm>>
        %dma_wait3A_134 = arith.constant 0 : i32
        %dma_wait3A_135 = tpu.memref_slice %arg8[%add3A_91, %dma_wait3A_134] : memref<10240x128xbf16, #tpu.memory_space<hbm>> -> memref<128x128xbf16, #tpu.memory_space<hbm>>
        tpu.wait_dma2 semaphore(%run_scoped3A : memref<!tpu.dma_semaphore, #tpu.memory_space<semaphore_mem>>) src(%arg16 : memref<128x128xbf16, #tpu.memory_space<vmem>>) dst(%dma_wait3A_135 : memref<128x128xbf16, #tpu.memory_space<hbm>>)
        tpu.yield
      }) : () -> ()
    } else {
    }
    %mul3A_102 = arith.constant 640 : i32
    %mul3A_103 = arith.muli %arg1, %mul3A_102 : i32
    %add3A_104 = arith.constant 384 : i32
    %add3A_105 = arith.addi %mul3A_103, %add3A_104 : i32
    "tpu.region"() ({
      %run_scoped3A = tpu.sem_alloc : memref<!tpu.dma_semaphore, #tpu.memory_space<semaphore_mem>>
      %dma_start3A = arith.constant 0 : i32
      %dma_start3A_130 = tpu.memref_slice %arg21[%add3A_105, %dma_start3A] : memref<10240x128xbf16, #tpu.memory_space<vmem_shared>> -> memref<128x128xbf16, #tpu.memory_space<vmem_shared>>
      %dma_start3A_131 = arith.constant 0 : i32
      %dma_start3A_132 = tpu.memref_slice %arg21[%add3A_105, %dma_start3A_131] : memref<10240x128xbf16, #tpu.memory_space<vmem_shared>> -> memref<128x128xbf16, #tpu.memory_space<vmem_shared>>
      tpu.enqueue_dma source(%dma_start3A_132 : memref<128x128xbf16, #tpu.memory_space<vmem_shared>>) target(%arg16 : memref<128x128xbf16, #tpu.memory_space<vmem>>) target_semaphore(%run_scoped3A : memref<!tpu.dma_semaphore, #tpu.memory_space<semaphore_mem>>)
      %dma_wait3A = arith.constant 0 : i32
      %dma_wait3A_133 = tpu.memref_slice %arg21[%add3A_105, %dma_wait3A] : memref<10240x128xbf16, #tpu.memory_space<vmem_shared>> -> memref<128x128xbf16, #tpu.memory_space<vmem_shared>>
      %dma_wait3A_134 = arith.constant 0 : i32
      %dma_wait3A_135 = tpu.memref_slice %arg21[%add3A_105, %dma_wait3A_134] : memref<10240x128xbf16, #tpu.memory_space<vmem_shared>> -> memref<128x128xbf16, #tpu.memory_space<vmem_shared>>
      tpu.wait_dma2 semaphore(%run_scoped3A : memref<!tpu.dma_semaphore, #tpu.memory_space<semaphore_mem>>) src(%dma_wait3A_135 : memref<128x128xbf16, #tpu.memory_space<vmem_shared>>) dst(%arg16 : memref<128x128xbf16, #tpu.memory_space<vmem>>)
      tpu.yield
    }) : () -> ()
    %eq3A_106 = arith.constant 0 : i32
    %eq3A_107 = arith.cmpi eq, %arg0, %eq3A_106 : i32
    %convert_element_type3A_108 = arith.extui %eq3A_107 : i1 to i32
    %cond3A_109 = arith.constant 0 : i32
    %cond3A_110 = arith.cmpi ne, %convert_element_type3A_108, %cond3A_109 : i32
    scf.if %cond3A_110 {
      "tpu.region"() ({
        %run_scoped3A = tpu.sem_alloc : memref<!tpu.dma_semaphore, #tpu.memory_space<semaphore_mem>>
        %dma_start3A = arith.constant 0 : i32
        %dma_start3A_130 = tpu.memref_slice %arg7[%add3A_105, %dma_start3A] : memref<10240x128xbf16, #tpu.memory_space<hbm>> -> memref<128x128xbf16, #tpu.memory_space<hbm>>
        %dma_start3A_131 = arith.constant 0 : i32
        %dma_start3A_132 = tpu.memref_slice %arg7[%add3A_105, %dma_start3A_131] : memref<10240x128xbf16, #tpu.memory_space<hbm>> -> memref<128x128xbf16, #tpu.memory_space<hbm>>
        tpu.enqueue_dma source(%arg16 : memref<128x128xbf16, #tpu.memory_space<vmem>>) target(%dma_start3A_132 : memref<128x128xbf16, #tpu.memory_space<hbm>>) target_semaphore(%run_scoped3A : memref<!tpu.dma_semaphore, #tpu.memory_space<semaphore_mem>>)
        %dma_wait3A = arith.constant 0 : i32
        %dma_wait3A_133 = tpu.memref_slice %arg7[%add3A_105, %dma_wait3A] : memref<10240x128xbf16, #tpu.memory_space<hbm>> -> memref<128x128xbf16, #tpu.memory_space<hbm>>
        %dma_wait3A_134 = arith.constant 0 : i32
        %dma_wait3A_135 = tpu.memref_slice %arg7[%add3A_105, %dma_wait3A_134] : memref<10240x128xbf16, #tpu.memory_space<hbm>> -> memref<128x128xbf16, #tpu.memory_space<hbm>>
        tpu.wait_dma2 semaphore(%run_scoped3A : memref<!tpu.dma_semaphore, #tpu.memory_space<semaphore_mem>>) src(%arg16 : memref<128x128xbf16, #tpu.memory_space<vmem>>) dst(%dma_wait3A_135 : memref<128x128xbf16, #tpu.memory_space<hbm>>)
        tpu.yield
      }) : () -> ()
    } else {
    }
    %eq3A_111 = arith.constant 1 : i32
    %eq3A_112 = arith.cmpi eq, %arg0, %eq3A_111 : i32
    %convert_element_type3A_113 = arith.extui %eq3A_112 : i1 to i32
    %cond3A_114 = arith.constant 0 : i32
    %cond3A_115 = arith.cmpi ne, %convert_element_type3A_113, %cond3A_114 : i32
    scf.if %cond3A_115 {
      "tpu.region"() ({
        %run_scoped3A = tpu.sem_alloc : memref<!tpu.dma_semaphore, #tpu.memory_space<semaphore_mem>>
        %dma_start3A = arith.constant 0 : i32
        %dma_start3A_130 = tpu.memref_slice %arg8[%add3A_105, %dma_start3A] : memref<10240x128xbf16, #tpu.memory_space<hbm>> -> memref<128x128xbf16, #tpu.memory_space<hbm>>
        %dma_start3A_131 = arith.constant 0 : i32
        %dma_start3A_132 = tpu.memref_slice %arg8[%add3A_105, %dma_start3A_131] : memref<10240x128xbf16, #tpu.memory_space<hbm>> -> memref<128x128xbf16, #tpu.memory_space<hbm>>
        tpu.enqueue_dma source(%arg16 : memref<128x128xbf16, #tpu.memory_space<vmem>>) target(%dma_start3A_132 : memref<128x128xbf16, #tpu.memory_space<hbm>>) target_semaphore(%run_scoped3A : memref<!tpu.dma_semaphore, #tpu.memory_space<semaphore_mem>>)
        %dma_wait3A = arith.constant 0 : i32
        %dma_wait3A_133 = tpu.memref_slice %arg8[%add3A_105, %dma_wait3A] : memref<10240x128xbf16, #tpu.memory_space<hbm>> -> memref<128x128xbf16, #tpu.memory_space<hbm>>
        %dma_wait3A_134 = arith.constant 0 : i32
        %dma_wait3A_135 = tpu.memref_slice %arg8[%add3A_105, %dma_wait3A_134] : memref<10240x128xbf16, #tpu.memory_space<hbm>> -> memref<128x128xbf16, #tpu.memory_space<hbm>>
        tpu.wait_dma2 semaphore(%run_scoped3A : memref<!tpu.dma_semaphore, #tpu.memory_space<semaphore_mem>>) src(%arg16 : memref<128x128xbf16, #tpu.memory_space<vmem>>) dst(%dma_wait3A_135 : memref<128x128xbf16, #tpu.memory_space<hbm>>)
        tpu.yield
      }) : () -> ()
    } else {
    }
    %mul3A_116 = arith.constant 640 : i32
    %mul3A_117 = arith.muli %arg1, %mul3A_116 : i32
    %add3A_118 = arith.constant 512 : i32
    %add3A_119 = arith.addi %mul3A_117, %add3A_118 : i32
    "tpu.region"() ({
      %run_scoped3A = tpu.sem_alloc : memref<!tpu.dma_semaphore, #tpu.memory_space<semaphore_mem>>
      %dma_start3A = arith.constant 0 : i32
      %dma_start3A_130 = tpu.memref_slice %arg21[%add3A_119, %dma_start3A] : memref<10240x128xbf16, #tpu.memory_space<vmem_shared>> -> memref<128x128xbf16, #tpu.memory_space<vmem_shared>>
      %dma_start3A_131 = arith.constant 0 : i32
      %dma_start3A_132 = tpu.memref_slice %arg21[%add3A_119, %dma_start3A_131] : memref<10240x128xbf16, #tpu.memory_space<vmem_shared>> -> memref<128x128xbf16, #tpu.memory_space<vmem_shared>>
      tpu.enqueue_dma source(%dma_start3A_132 : memref<128x128xbf16, #tpu.memory_space<vmem_shared>>) target(%arg16 : memref<128x128xbf16, #tpu.memory_space<vmem>>) target_semaphore(%run_scoped3A : memref<!tpu.dma_semaphore, #tpu.memory_space<semaphore_mem>>)
      %dma_wait3A = arith.constant 0 : i32
      %dma_wait3A_133 = tpu.memref_slice %arg21[%add3A_119, %dma_wait3A] : memref<10240x128xbf16, #tpu.memory_space<vmem_shared>> -> memref<128x128xbf16, #tpu.memory_space<vmem_shared>>
      %dma_wait3A_134 = arith.constant 0 : i32
      %dma_wait3A_135 = tpu.memref_slice %arg21[%add3A_119, %dma_wait3A_134] : memref<10240x128xbf16, #tpu.memory_space<vmem_shared>> -> memref<128x128xbf16, #tpu.memory_space<vmem_shared>>
      tpu.wait_dma2 semaphore(%run_scoped3A : memref<!tpu.dma_semaphore, #tpu.memory_space<semaphore_mem>>) src(%dma_wait3A_135 : memref<128x128xbf16, #tpu.memory_space<vmem_shared>>) dst(%arg16 : memref<128x128xbf16, #tpu.memory_space<vmem>>)
      tpu.yield
    }) : () -> ()
    %eq3A_120 = arith.constant 0 : i32
    %eq3A_121 = arith.cmpi eq, %arg0, %eq3A_120 : i32
    %convert_element_type3A_122 = arith.extui %eq3A_121 : i1 to i32
    %cond3A_123 = arith.constant 0 : i32
    %cond3A_124 = arith.cmpi ne, %convert_element_type3A_122, %cond3A_123 : i32
    scf.if %cond3A_124 {
      "tpu.region"() ({
        %run_scoped3A = tpu.sem_alloc : memref<!tpu.dma_semaphore, #tpu.memory_space<semaphore_mem>>
        %dma_start3A = arith.constant 0 : i32
        %dma_start3A_130 = tpu.memref_slice %arg7[%add3A_119, %dma_start3A] : memref<10240x128xbf16, #tpu.memory_space<hbm>> -> memref<128x128xbf16, #tpu.memory_space<hbm>>
        %dma_start3A_131 = arith.constant 0 : i32
        %dma_start3A_132 = tpu.memref_slice %arg7[%add3A_119, %dma_start3A_131] : memref<10240x128xbf16, #tpu.memory_space<hbm>> -> memref<128x128xbf16, #tpu.memory_space<hbm>>
        tpu.enqueue_dma source(%arg16 : memref<128x128xbf16, #tpu.memory_space<vmem>>) target(%dma_start3A_132 : memref<128x128xbf16, #tpu.memory_space<hbm>>) target_semaphore(%run_scoped3A : memref<!tpu.dma_semaphore, #tpu.memory_space<semaphore_mem>>)
        %dma_wait3A = arith.constant 0 : i32
        %dma_wait3A_133 = tpu.memref_slice %arg7[%add3A_119, %dma_wait3A] : memref<10240x128xbf16, #tpu.memory_space<hbm>> -> memref<128x128xbf16, #tpu.memory_space<hbm>>
        %dma_wait3A_134 = arith.constant 0 : i32
        %dma_wait3A_135 = tpu.memref_slice %arg7[%add3A_119, %dma_wait3A_134] : memref<10240x128xbf16, #tpu.memory_space<hbm>> -> memref<128x128xbf16, #tpu.memory_space<hbm>>
        tpu.wait_dma2 semaphore(%run_scoped3A : memref<!tpu.dma_semaphore, #tpu.memory_space<semaphore_mem>>) src(%arg16 : memref<128x128xbf16, #tpu.memory_space<vmem>>) dst(%dma_wait3A_135 : memref<128x128xbf16, #tpu.memory_space<hbm>>)
        tpu.yield
      }) : () -> ()
    } else {
    }
    %eq3A_125 = arith.constant 1 : i32
    %eq3A_126 = arith.cmpi eq, %arg0, %eq3A_125 : i32
    %convert_element_type3A_127 = arith.extui %eq3A_126 : i1 to i32
    %cond3A_128 = arith.constant 0 : i32
    %cond3A_129 = arith.cmpi ne, %convert_element_type3A_127, %cond3A_128 : i32
    scf.if %cond3A_129 {
      "tpu.region"() ({
        %run_scoped3A = tpu.sem_alloc : memref<!tpu.dma_semaphore, #tpu.memory_space<semaphore_mem>>
        %dma_start3A = arith.constant 0 : i32
        %dma_start3A_130 = tpu.memref_slice %arg8[%add3A_119, %dma_start3A] : memref<10240x128xbf16, #tpu.memory_space<hbm>> -> memref<128x128xbf16, #tpu.memory_space<hbm>>
        %dma_start3A_131 = arith.constant 0 : i32
        %dma_start3A_132 = tpu.memref_slice %arg8[%add3A_119, %dma_start3A_131] : memref<10240x128xbf16, #tpu.memory_space<hbm>> -> memref<128x128xbf16, #tpu.memory_space<hbm>>
        tpu.enqueue_dma source(%arg16 : memref<128x128xbf16, #tpu.memory_space<vmem>>) target(%dma_start3A_132 : memref<128x128xbf16, #tpu.memory_space<hbm>>) target_semaphore(%run_scoped3A : memref<!tpu.dma_semaphore, #tpu.memory_space<semaphore_mem>>)
        %dma_wait3A = arith.constant 0 : i32
        %dma_wait3A_133 = tpu.memref_slice %arg8[%add3A_119, %dma_wait3A] : memref<10240x128xbf16, #tpu.memory_space<hbm>> -> memref<128x128xbf16, #tpu.memory_space<hbm>>
        %dma_wait3A_134 = arith.constant 0 : i32
        %dma_wait3A_135 = tpu.memref_slice %arg8[%add3A_119, %dma_wait3A_134] : memref<10240x128xbf16, #tpu.memory_space<hbm>> -> memref<128x128xbf16, #tpu.memory_space<hbm>>
        tpu.wait_dma2 semaphore(%run_scoped3A : memref<!tpu.dma_semaphore, #tpu.memory_space<semaphore_mem>>) src(%arg16 : memref<128x128xbf16, #tpu.memory_space<vmem>>) dst(%dma_wait3A_135 : memref<128x128xbf16, #tpu.memory_space<hbm>>)
        tpu.yield
      }) : () -> ()
    } else {
    }
    return
  }
}

#map = affine_map<(d0, d1) -> (0, 0)>
#map1 = affine_map<(d0, d1) -> (0, 0, 0)>
module attributes {stable_mosaic.version = 14 : i64} {
  func.func @_sc_scatter(%arg0: i32, %arg1: i32, %arg2: memref<10240x128xbf16, #tpu.memory_space<hbm>>, %arg3: memref<10240x128xbf16, #tpu.memory_space<hbm>>, %arg4: memref<128x128xbf16, #tpu.memory_space<hbm>>, %arg5: memref<16x80x128xi32, #tpu.memory_space<hbm>>, %arg6: memref<16x80x128xi32, #tpu.memory_space<hbm>>, %arg7: memref<10240x128xbf16, #tpu.memory_space<hbm>>, %arg8: memref<10240x128xbf16, #tpu.memory_space<hbm>>, %arg9: memref<80x128xi32, #tpu.memory_space<vmem>>, %arg10: memref<80x128xi32, #tpu.memory_space<vmem>>, %arg11: memref<128x128xbf16, #tpu.memory_space<vmem>>, %arg12: memref<128x128xbf16, #tpu.memory_space<vmem>>, %arg13: memref<128x128xbf16, #tpu.memory_space<vmem>>, %arg14: memref<128x128xbf16, #tpu.memory_space<vmem>>, %arg15: memref<128x128xbf16, #tpu.memory_space<vmem>>, %arg16: memref<128x128xbf16, #tpu.memory_space<vmem>>, %arg17: memref<!tpu.dma_semaphore, #tpu.memory_space<semaphore_mem>>, %arg18: memref<!tpu.dma_semaphore, #tpu.memory_space<semaphore_mem>>, %arg19: memref<!tpu.dma_semaphore, #tpu.memory_space<semaphore_mem>>, %arg20: memref<!tpu.dma_semaphore, #tpu.memory_space<semaphore_mem>>, %arg21: memref<10240x128xbf16, #tpu.memory_space<vmem_shared>>) attributes {dimension_semantics = [#tpu.dimension_semantics<core_parallel>, #tpu.dimension_semantics<subcore_parallel>], iteration_bounds = array<i64: 2, 16>, scalar_prefetch = 0 : i64, scratch_operands = 13 : i64, tpu.core_type = #tpu.core_type<sc_vector_subcore>, window_params = [{transform_indices = #map}, {transform_indices = #map}, {transform_indices = #map}, {transform_indices = #map1}, {transform_indices = #map1}, {transform_indices = #map}, {transform_indices = #map}]} {
    "tpu.region"() ({
      %run_scoped3A = tpu.sem_alloc : memref<!tpu.dma_semaphore, #tpu.memory_space<semaphore_mem>>
      %dma_start3A = arith.constant 0 : i32
      %dma_start3A_130 = arith.constant 0 : i32
      %dma_start3A_131 = tpu.memref_slice %arg5[%arg1, %dma_start3A, %dma_start3A_130] : memref<16x80x128xi32, #tpu.memory_space<hbm>> -> memref<1x80x128xi32, #tpu.memory_space<hbm>>
      %dma_start3A_132 = tpu.memref_squeeze %dma_start3A_131 : memref<1x80x128xi32, #tpu.memory_space<hbm>> -> memref<80x128xi32, #tpu.memory_space<hbm>>
      %dma_start3A_133 = arith.constant 0 : i32
      %dma_start3A_134 = arith.constant 0 : i32
      %dma_start3A_135 = tpu.memref_slice %arg5[%arg1, %dma_start3A_133, %dma_start3A_134] : memref<16x80x128xi32, #tpu.memory_space<hbm>> -> memref<1x80x128xi32, #tpu.memory_space<hbm>>
      %dma_start3A_136 = tpu.memref_squeeze %dma_start3A_135 : memref<1x80x128xi32, #tpu.memory_space<hbm>> -> memref<80x128xi32, #tpu.memory_space<hbm>>
      tpu.enqueue_dma source(%dma_start3A_136 : memref<80x128xi32, #tpu.memory_space<hbm>>) target(%arg9 : memref<80x128xi32, #tpu.memory_space<vmem>>) target_semaphore(%run_scoped3A : memref<!tpu.dma_semaphore, #tpu.memory_space<semaphore_mem>>)
      %dma_wait3A = arith.constant 0 : i32
      %dma_wait3A_137 = arith.constant 0 : i32
      %dma_wait3A_138 = tpu.memref_slice %arg5[%arg1, %dma_wait3A, %dma_wait3A_137] : memref<16x80x128xi32, #tpu.memory_space<hbm>> -> memref<1x80x128xi32, #tpu.memory_space<hbm>>
      %dma_wait3A_139 = tpu.memref_squeeze %dma_wait3A_138 : memref<1x80x128xi32, #tpu.memory_space<hbm>> -> memref<80x128xi32, #tpu.memory_space<hbm>>
      %dma_wait3A_140 = arith.constant 0 : i32
      %dma_wait3A_141 = arith.constant 0 : i32
      %dma_wait3A_142 = tpu.memref_slice %arg5[%arg1, %dma_wait3A_140, %dma_wait3A_141] : memref<16x80x128xi32, #tpu.memory_space<hbm>> -> memref<1x80x128xi32, #tpu.memory_space<hbm>>
      %dma_wait3A_143 = tpu.memref_squeeze %dma_wait3A_142 : memref<1x80x128xi32, #tpu.memory_space<hbm>> -> memref<80x128xi32, #tpu.memory_space<hbm>>
      tpu.wait_dma2 semaphore(%run_scoped3A : memref<!tpu.dma_semaphore, #tpu.memory_space<semaphore_mem>>) src(%dma_wait3A_143 : memref<80x128xi32, #tpu.memory_space<hbm>>) dst(%arg9 : memref<80x128xi32, #tpu.memory_space<vmem>>)
      tpu.yield
    }) : () -> ()
    "tpu.region"() ({
      %run_scoped3A = tpu.sem_alloc : memref<!tpu.dma_semaphore, #tpu.memory_space<semaphore_mem>>
      %dma_start3A = arith.constant 0 : i32
      %dma_start3A_130 = arith.constant 0 : i32
      %dma_start3A_131 = tpu.memref_slice %arg6[%arg1, %dma_start3A, %dma_start3A_130] : memref<16x80x128xi32, #tpu.memory_space<hbm>> -> memref<1x80x128xi32, #tpu.memory_space<hbm>>
      %dma_start3A_132 = tpu.memref_squeeze %dma_start3A_131 : memref<1x80x128xi32, #tpu.memory_space<hbm>> -> memref<80x128xi32, #tpu.memory_space<hbm>>
      %dma_start3A_133 = arith.constant 0 : i32
      %dma_start3A_134 = arith.constant 0 : i32
      %dma_start3A_135 = tpu.memref_slice %arg6[%arg1, %dma_start3A_133, %dma_start3A_134] : memref<16x80x128xi32, #tpu.memory_space<hbm>> -> memref<1x80x128xi32, #tpu.memory_space<hbm>>
      %dma_start3A_136 = tpu.memref_squeeze %dma_start3A_135 : memref<1x80x128xi32, #tpu.memory_space<hbm>> -> memref<80x128xi32, #tpu.memory_space<hbm>>
      tpu.enqueue_dma source(%dma_start3A_136 : memref<80x128xi32, #tpu.memory_space<hbm>>) target(%arg10 : memref<80x128xi32, #tpu.memory_space<vmem>>) target_semaphore(%run_scoped3A : memref<!tpu.dma_semaphore, #tpu.memory_space<semaphore_mem>>)
      %dma_wait3A = arith.constant 0 : i32
      %dma_wait3A_137 = arith.constant 0 : i32
      %dma_wait3A_138 = tpu.memref_slice %arg6[%arg1, %dma_wait3A, %dma_wait3A_137] : memref<16x80x128xi32, #tpu.memory_space<hbm>> -> memref<1x80x128xi32, #tpu.memory_space<hbm>>
      %dma_wait3A_139 = tpu.memref_squeeze %dma_wait3A_138 : memref<1x80x128xi32, #tpu.memory_space<hbm>> -> memref<80x128xi32, #tpu.memory_space<hbm>>
      %dma_wait3A_140 = arith.constant 0 : i32
      %dma_wait3A_141 = arith.constant 0 : i32
      %dma_wait3A_142 = tpu.memref_slice %arg6[%arg1, %dma_wait3A_140, %dma_wait3A_141] : memref<16x80x128xi32, #tpu.memory_space<hbm>> -> memref<1x80x128xi32, #tpu.memory_space<hbm>>
      %dma_wait3A_143 = tpu.memref_squeeze %dma_wait3A_142 : memref<1x80x128xi32, #tpu.memory_space<hbm>> -> memref<80x128xi32, #tpu.memory_space<hbm>>
      tpu.wait_dma2 semaphore(%run_scoped3A : memref<!tpu.dma_semaphore, #tpu.memory_space<semaphore_mem>>) src(%dma_wait3A_143 : memref<80x128xi32, #tpu.memory_space<hbm>>) dst(%arg10 : memref<80x128xi32, #tpu.memory_space<vmem>>)
      tpu.yield
    }) : () -> ()
    "tpu.region"() ({
      %run_scoped3A = tpu.sem_alloc : memref<!tpu.dma_semaphore, #tpu.memory_space<semaphore_mem>>
      tpu.enqueue_dma source(%arg4 : memref<128x128xbf16, #tpu.memory_space<hbm>>) target(%arg15 : memref<128x128xbf16, #tpu.memory_space<vmem>>) target_semaphore(%run_scoped3A : memref<!tpu.dma_semaphore, #tpu.memory_space<semaphore_mem>>)
      tpu.wait_dma2 semaphore(%run_scoped3A : memref<!tpu.dma_semaphore, #tpu.memory_space<semaphore_mem>>) src(%arg4 : memref<128x128xbf16, #tpu.memory_space<hbm>>) dst(%arg15 : memref<128x128xbf16, #tpu.memory_space<vmem>>)
      tpu.yield
    }) : () -> ()
    %eq3A = arith.constant 0 : i32
    %eq3A_0 = arith.cmpi eq, %arg0, %eq3A : i32
    %convert_element_type3A = arith.extui %eq3A_0 : i1 to i32
    %cond3A = arith.constant 0 : i32
    %cond3A_1 = arith.cmpi ne, %convert_element_type3A, %cond3A : i32
    scf.if %cond3A_1 {
      %dma_start3A = arith.constant 0 : i32
      %dma_start3A_130 = arith.constant 0 : i32
      %dma_start3A_131 = tpu.memref_slice %arg9[%dma_start3A, %dma_start3A_130] : memref<80x128xi32, #tpu.memory_space<vmem>> -> memref<1x128xi32, #tpu.memory_space<vmem>>
      %dma_start3A_132 = tpu.memref_squeeze %dma_start3A_131 : memref<1x128xi32, #tpu.memory_space<vmem>> -> memref<128xi32, #tpu.memory_space<vmem>>
      %dma_start3A_133 = arith.constant 0 : i32
      %dma_start3A_134 = arith.constant 0 : i32
      %dma_start3A_135 = tpu.memref_slice %arg2[%dma_start3A_133, %dma_start3A_134] : memref<10240x128xbf16, #tpu.memory_space<hbm>> -> memref<10240x128xbf16, #tpu.memory_space<hbm>>
      tpu.enqueue_indirect_dma source(%dma_start3A_135 : memref<10240x128xbf16, #tpu.memory_space<hbm>>) target(%arg11 : memref<128x128xbf16, #tpu.memory_space<vmem>>) offsets(%dma_start3A_132 : memref<128xi32, #tpu.memory_space<vmem>>) semaphore(%arg17 : memref<!tpu.dma_semaphore, #tpu.memory_space<semaphore_mem>>)
    } else {
    }
    %eq3A_2 = arith.constant 1 : i32
    %eq3A_3 = arith.cmpi eq, %arg0, %eq3A_2 : i32
    %convert_element_type3A_4 = arith.extui %eq3A_3 : i1 to i32
    %cond3A_5 = arith.constant 0 : i32
    %cond3A_6 = arith.cmpi ne, %convert_element_type3A_4, %cond3A_5 : i32
    scf.if %cond3A_6 {
      %dma_start3A = arith.constant 0 : i32
      %dma_start3A_130 = arith.constant 0 : i32
      %dma_start3A_131 = tpu.memref_slice %arg9[%dma_start3A, %dma_start3A_130] : memref<80x128xi32, #tpu.memory_space<vmem>> -> memref<1x128xi32, #tpu.memory_space<vmem>>
      %dma_start3A_132 = tpu.memref_squeeze %dma_start3A_131 : memref<1x128xi32, #tpu.memory_space<vmem>> -> memref<128xi32, #tpu.memory_space<vmem>>
      %dma_start3A_133 = arith.constant 0 : i32
      %dma_start3A_134 = arith.constant 0 : i32
      %dma_start3A_135 = tpu.memref_slice %arg3[%dma_start3A_133, %dma_start3A_134] : memref<10240x128xbf16, #tpu.memory_space<hbm>> -> memref<10240x128xbf16, #tpu.memory_space<hbm>>
      tpu.enqueue_indirect_dma source(%dma_start3A_135 : memref<10240x128xbf16, #tpu.memory_space<hbm>>) target(%arg11 : memref<128x128xbf16, #tpu.memory_space<vmem>>) offsets(%dma_start3A_132 : memref<128xi32, #tpu.memory_space<vmem>>) semaphore(%arg17 : memref<!tpu.dma_semaphore, #tpu.memory_space<semaphore_mem>>)
    } else {
    }
    %eq3A_7 = arith.constant 0 : i32
    %eq3A_8 = arith.cmpi eq, %arg0, %eq3A_7 : i32
    %convert_element_type3A_9 = arith.extui %eq3A_8 : i1 to i32
    %cond3A_10 = arith.constant 0 : i32
    %cond3A_11 = arith.cmpi ne, %convert_element_type3A_9, %cond3A_10 : i32
    scf.if %cond3A_11 {
      %dma_start3A = arith.constant 1 : i32
      %dma_start3A_130 = arith.constant 0 : i32
      %dma_start3A_131 = tpu.memref_slice %arg9[%dma_start3A, %dma_start3A_130] : memref<80x128xi32, #tpu.memory_space<vmem>> -> memref<1x128xi32, #tpu.memory_space<vmem>>
      %dma_start3A_132 = tpu.memref_squeeze %dma_start3A_131 : memref<1x128xi32, #tpu.memory_space<vmem>> -> memref<128xi32, #tpu.memory_space<vmem>>
      %dma_start3A_133 = arith.constant 0 : i32
      %dma_start3A_134 = arith.constant 0 : i32
      %dma_start3A_135 = tpu.memref_slice %arg2[%dma_start3A_133, %dma_start3A_134] : memref<10240x128xbf16, #tpu.memory_space<hbm>> -> memref<10240x128xbf16, #tpu.memory_space<hbm>>
      tpu.enqueue_indirect_dma source(%dma_start3A_135 : memref<10240x128xbf16, #tpu.memory_space<hbm>>) target(%arg12 : memref<128x128xbf16, #tpu.memory_space<vmem>>) offsets(%dma_start3A_132 : memref<128xi32, #tpu.memory_space<vmem>>) semaphore(%arg18 : memref<!tpu.dma_semaphore, #tpu.memory_space<semaphore_mem>>)
    } else {
    }
    %eq3A_12 = arith.constant 1 : i32
    %eq3A_13 = arith.cmpi eq, %arg0, %eq3A_12 : i32
    %convert_element_type3A_14 = arith.extui %eq3A_13 : i1 to i32
    %cond3A_15 = arith.constant 0 : i32
    %cond3A_16 = arith.cmpi ne, %convert_element_type3A_14, %cond3A_15 : i32
    scf.if %cond3A_16 {
      %dma_start3A = arith.constant 1 : i32
      %dma_start3A_130 = arith.constant 0 : i32
      %dma_start3A_131 = tpu.memref_slice %arg9[%dma_start3A, %dma_start3A_130] : memref<80x128xi32, #tpu.memory_space<vmem>> -> memref<1x128xi32, #tpu.memory_space<vmem>>
      %dma_start3A_132 = tpu.memref_squeeze %dma_start3A_131 : memref<1x128xi32, #tpu.memory_space<vmem>> -> memref<128xi32, #tpu.memory_space<vmem>>
      %dma_start3A_133 = arith.constant 0 : i32
      %dma_start3A_134 = arith.constant 0 : i32
      %dma_start3A_135 = tpu.memref_slice %arg3[%dma_start3A_133, %dma_start3A_134] : memref<10240x128xbf16, #tpu.memory_space<hbm>> -> memref<10240x128xbf16, #tpu.memory_space<hbm>>
      tpu.enqueue_indirect_dma source(%dma_start3A_135 : memref<10240x128xbf16, #tpu.memory_space<hbm>>) target(%arg12 : memref<128x128xbf16, #tpu.memory_space<vmem>>) offsets(%dma_start3A_132 : memref<128xi32, #tpu.memory_space<vmem>>) semaphore(%arg18 : memref<!tpu.dma_semaphore, #tpu.memory_space<semaphore_mem>>)
    } else {
    }
    %eq3A_17 = arith.constant 0 : i32
    %eq3A_18 = arith.cmpi eq, %arg0, %eq3A_17 : i32
    %convert_element_type3A_19 = arith.extui %eq3A_18 : i1 to i32
    %cond3A_20 = arith.constant 0 : i32
    %cond3A_21 = arith.cmpi ne, %convert_element_type3A_19, %cond3A_20 : i32
    scf.if %cond3A_21 {
      %dma_start3A = arith.constant 2 : i32
      %dma_start3A_130 = arith.constant 0 : i32
      %dma_start3A_131 = tpu.memref_slice %arg9[%dma_start3A, %dma_start3A_130] : memref<80x128xi32, #tpu.memory_space<vmem>> -> memref<1x128xi32, #tpu.memory_space<vmem>>
      %dma_start3A_132 = tpu.memref_squeeze %dma_start3A_131 : memref<1x128xi32, #tpu.memory_space<vmem>> -> memref<128xi32, #tpu.memory_space<vmem>>
      %dma_start3A_133 = arith.constant 0 : i32
      %dma_start3A_134 = arith.constant 0 : i32
      %dma_start3A_135 = tpu.memref_slice %arg2[%dma_start3A_133, %dma_start3A_134] : memref<10240x128xbf16, #tpu.memory_space<hbm>> -> memref<10240x128xbf16, #tpu.memory_space<hbm>>
      tpu.enqueue_indirect_dma source(%dma_start3A_135 : memref<10240x128xbf16, #tpu.memory_space<hbm>>) target(%arg13 : memref<128x128xbf16, #tpu.memory_space<vmem>>) offsets(%dma_start3A_132 : memref<128xi32, #tpu.memory_space<vmem>>) semaphore(%arg19 : memref<!tpu.dma_semaphore, #tpu.memory_space<semaphore_mem>>)
    } else {
    }
    %eq3A_22 = arith.constant 1 : i32
    %eq3A_23 = arith.cmpi eq, %arg0, %eq3A_22 : i32
    %convert_element_type3A_24 = arith.extui %eq3A_23 : i1 to i32
    %cond3A_25 = arith.constant 0 : i32
    %cond3A_26 = arith.cmpi ne, %convert_element_type3A_24, %cond3A_25 : i32
    scf.if %cond3A_26 {
      %dma_start3A = arith.constant 2 : i32
      %dma_start3A_130 = arith.constant 0 : i32
      %dma_start3A_131 = tpu.memref_slice %arg9[%dma_start3A, %dma_start3A_130] : memref<80x128xi32, #tpu.memory_space<vmem>> -> memref<1x128xi32, #tpu.memory_space<vmem>>
      %dma_start3A_132 = tpu.memref_squeeze %dma_start3A_131 : memref<1x128xi32, #tpu.memory_space<vmem>> -> memref<128xi32, #tpu.memory_space<vmem>>
      %dma_start3A_133 = arith.constant 0 : i32
      %dma_start3A_134 = arith.constant 0 : i32
      %dma_start3A_135 = tpu.memref_slice %arg3[%dma_start3A_133, %dma_start3A_134] : memref<10240x128xbf16, #tpu.memory_space<hbm>> -> memref<10240x128xbf16, #tpu.memory_space<hbm>>
      tpu.enqueue_indirect_dma source(%dma_start3A_135 : memref<10240x128xbf16, #tpu.memory_space<hbm>>) target(%arg13 : memref<128x128xbf16, #tpu.memory_space<vmem>>) offsets(%dma_start3A_132 : memref<128xi32, #tpu.memory_space<vmem>>) semaphore(%arg19 : memref<!tpu.dma_semaphore, #tpu.memory_space<semaphore_mem>>)
    } else {
    }
    %eq3A_27 = arith.constant 0 : i32
    %eq3A_28 = arith.cmpi eq, %arg0, %eq3A_27 : i32
    %convert_element_type3A_29 = arith.extui %eq3A_28 : i1 to i32
    %cond3A_30 = arith.constant 0 : i32
    %cond3A_31 = arith.cmpi ne, %convert_element_type3A_29, %cond3A_30 : i32
    scf.if %cond3A_31 {
      %dma_start3A = arith.constant 3 : i32
      %dma_start3A_130 = arith.constant 0 : i32
      %dma_start3A_131 = tpu.memref_slice %arg9[%dma_start3A, %dma_start3A_130] : memref<80x128xi32, #tpu.memory_space<vmem>> -> memref<1x128xi32, #tpu.memory_space<vmem>>
      %dma_start3A_132 = tpu.memref_squeeze %dma_start3A_131 : memref<1x128xi32, #tpu.memory_space<vmem>> -> memref<128xi32, #tpu.memory_space<vmem>>
      %dma_start3A_133 = arith.constant 0 : i32
      %dma_start3A_134 = arith.constant 0 : i32
      %dma_start3A_135 = tpu.memref_slice %arg2[%dma_start3A_133, %dma_start3A_134] : memref<10240x128xbf16, #tpu.memory_space<hbm>> -> memref<10240x128xbf16, #tpu.memory_space<hbm>>
      tpu.enqueue_indirect_dma source(%dma_start3A_135 : memref<10240x128xbf16, #tpu.memory_space<hbm>>) target(%arg14 : memref<128x128xbf16, #tpu.memory_space<vmem>>) offsets(%dma_start3A_132 : memref<128xi32, #tpu.memory_space<vmem>>) semaphore(%arg20 : memref<!tpu.dma_semaphore, #tpu.memory_space<semaphore_mem>>)
    } else {
    }
    %eq3A_32 = arith.constant 1 : i32
    %eq3A_33 = arith.cmpi eq, %arg0, %eq3A_32 : i32
    %convert_element_type3A_34 = arith.extui %eq3A_33 : i1 to i32
    %cond3A_35 = arith.constant 0 : i32
    %cond3A_36 = arith.cmpi ne, %convert_element_type3A_34, %cond3A_35 : i32
    scf.if %cond3A_36 {
      %dma_start3A = arith.constant 3 : i32
      %dma_start3A_130 = arith.constant 0 : i32
      %dma_start3A_131 = tpu.memref_slice %arg9[%dma_start3A, %dma_start3A_130] : memref<80x128xi32, #tpu.memory_space<vmem>> -> memref<1x128xi32, #tpu.memory_space<vmem>>
      %dma_start3A_132 = tpu.memref_squeeze %dma_start3A_131 : memref<1x128xi32, #tpu.memory_space<vmem>> -> memref<128xi32, #tpu.memory_space<vmem>>
      %dma_start3A_133 = arith.constant 0 : i32
      %dma_start3A_134 = arith.constant 0 : i32
      %dma_start3A_135 = tpu.memref_slice %arg3[%dma_start3A_133, %dma_start3A_134] : memref<10240x128xbf16, #tpu.memory_space<hbm>> -> memref<10240x128xbf16, #tpu.memory_space<hbm>>
      tpu.enqueue_indirect_dma source(%dma_start3A_135 : memref<10240x128xbf16, #tpu.memory_space<hbm>>) target(%arg14 : memref<128x128xbf16, #tpu.memory_space<vmem>>) offsets(%dma_start3A_132 : memref<128xi32, #tpu.memory_space<vmem>>) semaphore(%arg20 : memref<!tpu.dma_semaphore, #tpu.memory_space<semaphore_mem>>)
    } else {
    }
    %mul3A = arith.constant 640 : i32
    %mul3A_37 = arith.muli %arg1, %mul3A : i32
    %add3A = arith.constant 0 : i32
    %add3A_38 = arith.addi %mul3A_37, %add3A : i32
    "tpu.region"() ({
      %run_scoped3A = tpu.sem_alloc : memref<!tpu.dma_semaphore, #tpu.memory_space<semaphore_mem>>
      %dma_start3A = arith.constant 0 : i32
      %dma_start3A_130 = tpu.memref_slice %arg21[%add3A_38, %dma_start3A] : memref<10240x128xbf16, #tpu.memory_space<vmem_shared>> -> memref<128x128xbf16, #tpu.memory_space<vmem_shared>>
      %dma_start3A_131 = arith.constant 0 : i32
      %dma_start3A_132 = tpu.memref_slice %arg21[%add3A_38, %dma_start3A_131] : memref<10240x128xbf16, #tpu.memory_space<vmem_shared>> -> memref<128x128xbf16, #tpu.memory_space<vmem_shared>>
      tpu.enqueue_dma source(%arg15 : memref<128x128xbf16, #tpu.memory_space<vmem>>) target(%dma_start3A_132 : memref<128x128xbf16, #tpu.memory_space<vmem_shared>>) target_semaphore(%run_scoped3A : memref<!tpu.dma_semaphore, #tpu.memory_space<semaphore_mem>>)
      %dma_wait3A = arith.constant 0 : i32
      %dma_wait3A_133 = tpu.memref_slice %arg21[%add3A_38, %dma_wait3A] : memref<10240x128xbf16, #tpu.memory_space<vmem_shared>> -> memref<128x128xbf16, #tpu.memory_space<vmem_shared>>
      %dma_wait3A_134 = arith.constant 0 : i32
      %dma_wait3A_135 = tpu.memref_slice %arg21[%add3A_38, %dma_wait3A_134] : memref<10240x128xbf16, #tpu.memory_space<vmem_shared>> -> memref<128x128xbf16, #tpu.memory_space<vmem_shared>>
      tpu.wait_dma2 semaphore(%run_scoped3A : memref<!tpu.dma_semaphore, #tpu.memory_space<semaphore_mem>>) src(%arg15 : memref<128x128xbf16, #tpu.memory_space<vmem>>) dst(%dma_wait3A_135 : memref<128x128xbf16, #tpu.memory_space<vmem_shared>>)
      tpu.yield
    }) : () -> ()
    %mul3A_39 = arith.constant 640 : i32
    %mul3A_40 = arith.muli %arg1, %mul3A_39 : i32
    %add3A_41 = arith.constant 128 : i32
    %add3A_42 = arith.addi %mul3A_40, %add3A_41 : i32
    "tpu.region"() ({
      %run_scoped3A = tpu.sem_alloc : memref<!tpu.dma_semaphore, #tpu.memory_space<semaphore_mem>>
      %dma_start3A = arith.constant 0 : i32
      %dma_start3A_130 = tpu.memref_slice %arg21[%add3A_42, %dma_start3A] : memref<10240x128xbf16, #tpu.memory_space<vmem_shared>> -> memref<128x128xbf16, #tpu.memory_space<vmem_shared>>
      %dma_start3A_131 = arith.constant 0 : i32
      %dma_start3A_132 = tpu.memref_slice %arg21[%add3A_42, %dma_start3A_131] : memref<10240x128xbf16, #tpu.memory_space<vmem_shared>> -> memref<128x128xbf16, #tpu.memory_space<vmem_shared>>
      tpu.enqueue_dma source(%arg15 : memref<128x128xbf16, #tpu.memory_space<vmem>>) target(%dma_start3A_132 : memref<128x128xbf16, #tpu.memory_space<vmem_shared>>) target_semaphore(%run_scoped3A : memref<!tpu.dma_semaphore, #tpu.memory_space<semaphore_mem>>)
      %dma_wait3A = arith.constant 0 : i32
      %dma_wait3A_133 = tpu.memref_slice %arg21[%add3A_42, %dma_wait3A] : memref<10240x128xbf16, #tpu.memory_space<vmem_shared>> -> memref<128x128xbf16, #tpu.memory_space<vmem_shared>>
      %dma_wait3A_134 = arith.constant 0 : i32
      %dma_wait3A_135 = tpu.memref_slice %arg21[%add3A_42, %dma_wait3A_134] : memref<10240x128xbf16, #tpu.memory_space<vmem_shared>> -> memref<128x128xbf16, #tpu.memory_space<vmem_shared>>
      tpu.wait_dma2 semaphore(%run_scoped3A : memref<!tpu.dma_semaphore, #tpu.memory_space<semaphore_mem>>) src(%arg15 : memref<128x128xbf16, #tpu.memory_space<vmem>>) dst(%dma_wait3A_135 : memref<128x128xbf16, #tpu.memory_space<vmem_shared>>)
      tpu.yield
    }) : () -> ()
    %mul3A_43 = arith.constant 640 : i32
    %mul3A_44 = arith.muli %arg1, %mul3A_43 : i32
    %add3A_45 = arith.constant 256 : i32
    %add3A_46 = arith.addi %mul3A_44, %add3A_45 : i32
    "tpu.region"() ({
      %run_scoped3A = tpu.sem_alloc : memref<!tpu.dma_semaphore, #tpu.memory_space<semaphore_mem>>
      %dma_start3A = arith.constant 0 : i32
      %dma_start3A_130 = tpu.memref_slice %arg21[%add3A_46, %dma_start3A] : memref<10240x128xbf16, #tpu.memory_space<vmem_shared>> -> memref<128x128xbf16, #tpu.memory_space<vmem_shared>>
      %dma_start3A_131 = arith.constant 0 : i32
      %dma_start3A_132 = tpu.memref_slice %arg21[%add3A_46, %dma_start3A_131] : memref<10240x128xbf16, #tpu.memory_space<vmem_shared>> -> memref<128x128xbf16, #tpu.memory_space<vmem_shared>>
      tpu.enqueue_dma source(%arg15 : memref<128x128xbf16, #tpu.memory_space<vmem>>) target(%dma_start3A_132 : memref<128x128xbf16, #tpu.memory_space<vmem_shared>>) target_semaphore(%run_scoped3A : memref<!tpu.dma_semaphore, #tpu.memory_space<semaphore_mem>>)
      %dma_wait3A = arith.constant 0 : i32
      %dma_wait3A_133 = tpu.memref_slice %arg21[%add3A_46, %dma_wait3A] : memref<10240x128xbf16, #tpu.memory_space<vmem_shared>> -> memref<128x128xbf16, #tpu.memory_space<vmem_shared>>
      %dma_wait3A_134 = arith.constant 0 : i32
      %dma_wait3A_135 = tpu.memref_slice %arg21[%add3A_46, %dma_wait3A_134] : memref<10240x128xbf16, #tpu.memory_space<vmem_shared>> -> memref<128x128xbf16, #tpu.memory_space<vmem_shared>>
      tpu.wait_dma2 semaphore(%run_scoped3A : memref<!tpu.dma_semaphore, #tpu.memory_space<semaphore_mem>>) src(%arg15 : memref<128x128xbf16, #tpu.memory_space<vmem>>) dst(%dma_wait3A_135 : memref<128x128xbf16, #tpu.memory_space<vmem_shared>>)
      tpu.yield
    }) : () -> ()
    %mul3A_47 = arith.constant 640 : i32
    %mul3A_48 = arith.muli %arg1, %mul3A_47 : i32
    %add3A_49 = arith.constant 384 : i32
    %add3A_50 = arith.addi %mul3A_48, %add3A_49 : i32
    "tpu.region"() ({
      %run_scoped3A = tpu.sem_alloc : memref<!tpu.dma_semaphore, #tpu.memory_space<semaphore_mem>>
      %dma_start3A = arith.constant 0 : i32
      %dma_start3A_130 = tpu.memref_slice %arg21[%add3A_50, %dma_start3A] : memref<10240x128xbf16, #tpu.memory_space<vmem_shared>> -> memref<128x128xbf16, #tpu.memory_space<vmem_shared>>
      %dma_start3A_131 = arith.constant 0 : i32
      %dma_start3A_132 = tpu.memref_slice %arg21[%add3A_50, %dma_start3A_131] : memref<10240x128xbf16, #tpu.memory_space<vmem_shared>> -> memref<128x128xbf16, #tpu.memory_space<vmem_shared>>
      tpu.enqueue_dma source(%arg15 : memref<128x128xbf16, #tpu.memory_space<vmem>>) target(%dma_start3A_132 : memref<128x128xbf16, #tpu.memory_space<vmem_shared>>) target_semaphore(%run_scoped3A : memref<!tpu.dma_semaphore, #tpu.memory_space<semaphore_mem>>)
      %dma_wait3A = arith.constant 0 : i32
      %dma_wait3A_133 = tpu.memref_slice %arg21[%add3A_50, %dma_wait3A] : memref<10240x128xbf16, #tpu.memory_space<vmem_shared>> -> memref<128x128xbf16, #tpu.memory_space<vmem_shared>>
      %dma_wait3A_134 = arith.constant 0 : i32
      %dma_wait3A_135 = tpu.memref_slice %arg21[%add3A_50, %dma_wait3A_134] : memref<10240x128xbf16, #tpu.memory_space<vmem_shared>> -> memref<128x128xbf16, #tpu.memory_space<vmem_shared>>
      tpu.wait_dma2 semaphore(%run_scoped3A : memref<!tpu.dma_semaphore, #tpu.memory_space<semaphore_mem>>) src(%arg15 : memref<128x128xbf16, #tpu.memory_space<vmem>>) dst(%dma_wait3A_135 : memref<128x128xbf16, #tpu.memory_space<vmem_shared>>)
      tpu.yield
    }) : () -> ()
    %mul3A_51 = arith.constant 640 : i32
    %mul3A_52 = arith.muli %arg1, %mul3A_51 : i32
    %add3A_53 = arith.constant 512 : i32
    %add3A_54 = arith.addi %mul3A_52, %add3A_53 : i32
    "tpu.region"() ({
      %run_scoped3A = tpu.sem_alloc : memref<!tpu.dma_semaphore, #tpu.memory_space<semaphore_mem>>
      %dma_start3A = arith.constant 0 : i32
      %dma_start3A_130 = tpu.memref_slice %arg21[%add3A_54, %dma_start3A] : memref<10240x128xbf16, #tpu.memory_space<vmem_shared>> -> memref<128x128xbf16, #tpu.memory_space<vmem_shared>>
      %dma_start3A_131 = arith.constant 0 : i32
      %dma_start3A_132 = tpu.memref_slice %arg21[%add3A_54, %dma_start3A_131] : memref<10240x128xbf16, #tpu.memory_space<vmem_shared>> -> memref<128x128xbf16, #tpu.memory_space<vmem_shared>>
      tpu.enqueue_dma source(%arg15 : memref<128x128xbf16, #tpu.memory_space<vmem>>) target(%dma_start3A_132 : memref<128x128xbf16, #tpu.memory_space<vmem_shared>>) target_semaphore(%run_scoped3A : memref<!tpu.dma_semaphore, #tpu.memory_space<semaphore_mem>>)
      %dma_wait3A = arith.constant 0 : i32
      %dma_wait3A_133 = tpu.memref_slice %arg21[%add3A_54, %dma_wait3A] : memref<10240x128xbf16, #tpu.memory_space<vmem_shared>> -> memref<128x128xbf16, #tpu.memory_space<vmem_shared>>
      %dma_wait3A_134 = arith.constant 0 : i32
      %dma_wait3A_135 = tpu.memref_slice %arg21[%add3A_54, %dma_wait3A_134] : memref<10240x128xbf16, #tpu.memory_space<vmem_shared>> -> memref<128x128xbf16, #tpu.memory_space<vmem_shared>>
      tpu.wait_dma2 semaphore(%run_scoped3A : memref<!tpu.dma_semaphore, #tpu.memory_space<semaphore_mem>>) src(%arg15 : memref<128x128xbf16, #tpu.memory_space<vmem>>) dst(%dma_wait3A_135 : memref<128x128xbf16, #tpu.memory_space<vmem_shared>>)
      tpu.yield
    }) : () -> ()
    %barrier3A = arith.constant 0 : index
    tpu.barrier barrier_id(%barrier3A)
    %scan3A = arith.constant 0 : i32
    %scan3A_55 = arith.constant 20 : i32
    %scan3A_56 = arith.addi %scan3A, %scan3A_55 : i32
    %scan3A_57 = arith.constant 1 : i32
    scf.for %scan3A_130 = %scan3A to %scan3A_56 step %scan3A_57  : i32 {
      %mul3A_131 = arith.constant 4 : i32
      %mul3A_132 = arith.muli %mul3A_131, %scan3A_130 : i32
      %add3A_133 = arith.constant 0 : i32
      %add3A_134 = arith.addi %mul3A_132, %add3A_133 : i32
      %dma_wait3A = arith.constant 0 : i32
      %dma_wait3A_135 = tpu.memref_slice %arg9[%add3A_134, %dma_wait3A] : memref<80x128xi32, #tpu.memory_space<vmem>> -> memref<1x128xi32, #tpu.memory_space<vmem>>
      %dma_wait3A_136 = tpu.memref_squeeze %dma_wait3A_135 : memref<1x128xi32, #tpu.memory_space<vmem>> -> memref<128xi32, #tpu.memory_space<vmem>>
      %dma_wait3A_137 = arith.constant 0 : i32
      %dma_wait3A_138 = arith.constant 0 : i32
      %dma_wait3A_139 = tpu.memref_slice %arg2[%dma_wait3A_137, %dma_wait3A_138] : memref<10240x128xbf16, #tpu.memory_space<hbm>> -> memref<10240x128xbf16, #tpu.memory_space<hbm>>
      tpu.wait_indirect_dma semaphore(%arg17 : memref<!tpu.dma_semaphore, #tpu.memory_space<semaphore_mem>>) src(%dma_wait3A_139 : memref<10240x128xbf16, #tpu.memory_space<hbm>>) dst(%arg11 : memref<128x128xbf16, #tpu.memory_space<vmem>>)
      "tpu.region"() ({
        %run_scoped3A = tpu.sem_alloc : memref<!tpu.dma_semaphore, #tpu.memory_space<semaphore_mem>>
        %dma_start3A = arith.constant 0 : i32
        %dma_start3A_197 = tpu.memref_slice %arg10[%add3A_134, %dma_start3A] : memref<80x128xi32, #tpu.memory_space<vmem>> -> memref<1x128xi32, #tpu.memory_space<vmem>>
        %dma_start3A_198 = tpu.memref_squeeze %dma_start3A_197 : memref<1x128xi32, #tpu.memory_space<vmem>> -> memref<128xi32, #tpu.memory_space<vmem>>
        %dma_start3A_199 = arith.constant 0 : i32
        %dma_start3A_200 = arith.constant 0 : i32
        %dma_start3A_201 = tpu.memref_slice %arg21[%dma_start3A_199, %dma_start3A_200] : memref<10240x128xbf16, #tpu.memory_space<vmem_shared>> -> memref<10240x128xbf16, #tpu.memory_space<vmem_shared>>
        tpu.enqueue_indirect_dma source(%arg11 : memref<128x128xbf16, #tpu.memory_space<vmem>>) target(%dma_start3A_201 : memref<10240x128xbf16, #tpu.memory_space<vmem_shared>>) offsets(%dma_start3A_198 : memref<128xi32, #tpu.memory_space<vmem>>) semaphore(%run_scoped3A : memref<!tpu.dma_semaphore, #tpu.memory_space<semaphore_mem>>) {add = true}
        %dma_wait3A_202 = arith.constant 0 : i32
        %dma_wait3A_203 = tpu.memref_slice %arg10[%add3A_134, %dma_wait3A_202] : memref<80x128xi32, #tpu.memory_space<vmem>> -> memref<1x128xi32, #tpu.memory_space<vmem>>
        %dma_wait3A_204 = tpu.memref_squeeze %dma_wait3A_203 : memref<1x128xi32, #tpu.memory_space<vmem>> -> memref<128xi32, #tpu.memory_space<vmem>>
        %dma_wait3A_205 = arith.constant 0 : i32
        %dma_wait3A_206 = arith.constant 0 : i32
        %dma_wait3A_207 = tpu.memref_slice %arg21[%dma_wait3A_205, %dma_wait3A_206] : memref<10240x128xbf16, #tpu.memory_space<vmem_shared>> -> memref<10240x128xbf16, #tpu.memory_space<vmem_shared>>
        tpu.wait_indirect_dma semaphore(%run_scoped3A : memref<!tpu.dma_semaphore, #tpu.memory_space<semaphore_mem>>) src(%arg11 : memref<128x128xbf16, #tpu.memory_space<vmem>>) dst(%dma_wait3A_207 : memref<10240x128xbf16, #tpu.memory_space<vmem_shared>>)
        tpu.yield
      }) : () -> ()
      %add3A_140 = arith.constant 4 : i32
      %add3A_141 = arith.addi %add3A_134, %add3A_140 : i32
      %lt3A = arith.constant 80 : i32
      %lt3A_142 = arith.cmpi slt, %add3A_141, %lt3A : i32
      %convert_element_type3A_143 = arith.extui %lt3A_142 : i1 to i32
      %cond3A_144 = arith.constant 0 : i32
      %cond3A_145 = arith.cmpi ne, %convert_element_type3A_143, %cond3A_144 : i32
      scf.if %cond3A_145 {
        %add3A_197 = arith.constant 4 : i32
        %add3A_198 = arith.addi %add3A_134, %add3A_197 : i32
        %eq3A_199 = arith.constant 0 : i32
        %eq3A_200 = arith.cmpi eq, %arg0, %eq3A_199 : i32
        %convert_element_type3A_201 = arith.extui %eq3A_200 : i1 to i32
        %cond3A_202 = arith.constant 0 : i32
        %cond3A_203 = arith.cmpi ne, %convert_element_type3A_201, %cond3A_202 : i32
        scf.if %cond3A_203 {
          %dma_start3A = arith.constant 0 : i32
          %dma_start3A_209 = tpu.memref_slice %arg9[%add3A_198, %dma_start3A] : memref<80x128xi32, #tpu.memory_space<vmem>> -> memref<1x128xi32, #tpu.memory_space<vmem>>
          %dma_start3A_210 = tpu.memref_squeeze %dma_start3A_209 : memref<1x128xi32, #tpu.memory_space<vmem>> -> memref<128xi32, #tpu.memory_space<vmem>>
          %dma_start3A_211 = arith.constant 0 : i32
          %dma_start3A_212 = arith.constant 0 : i32
          %dma_start3A_213 = tpu.memref_slice %arg2[%dma_start3A_211, %dma_start3A_212] : memref<10240x128xbf16, #tpu.memory_space<hbm>> -> memref<10240x128xbf16, #tpu.memory_space<hbm>>
          tpu.enqueue_indirect_dma source(%dma_start3A_213 : memref<10240x128xbf16, #tpu.memory_space<hbm>>) target(%arg11 : memref<128x128xbf16, #tpu.memory_space<vmem>>) offsets(%dma_start3A_210 : memref<128xi32, #tpu.memory_space<vmem>>) semaphore(%arg17 : memref<!tpu.dma_semaphore, #tpu.memory_space<semaphore_mem>>)
        } else {
        }
        %eq3A_204 = arith.constant 1 : i32
        %eq3A_205 = arith.cmpi eq, %arg0, %eq3A_204 : i32
        %convert_element_type3A_206 = arith.extui %eq3A_205 : i1 to i32
        %cond3A_207 = arith.constant 0 : i32
        %cond3A_208 = arith.cmpi ne, %convert_element_type3A_206, %cond3A_207 : i32
        scf.if %cond3A_208 {
          %dma_start3A = arith.constant 0 : i32
          %dma_start3A_209 = tpu.memref_slice %arg9[%add3A_198, %dma_start3A] : memref<80x128xi32, #tpu.memory_space<vmem>> -> memref<1x128xi32, #tpu.memory_space<vmem>>
          %dma_start3A_210 = tpu.memref_squeeze %dma_start3A_209 : memref<1x128xi32, #tpu.memory_space<vmem>> -> memref<128xi32, #tpu.memory_space<vmem>>
          %dma_start3A_211 = arith.constant 0 : i32
          %dma_start3A_212 = arith.constant 0 : i32
          %dma_start3A_213 = tpu.memref_slice %arg3[%dma_start3A_211, %dma_start3A_212] : memref<10240x128xbf16, #tpu.memory_space<hbm>> -> memref<10240x128xbf16, #tpu.memory_space<hbm>>
          tpu.enqueue_indirect_dma source(%dma_start3A_213 : memref<10240x128xbf16, #tpu.memory_space<hbm>>) target(%arg11 : memref<128x128xbf16, #tpu.memory_space<vmem>>) offsets(%dma_start3A_210 : memref<128xi32, #tpu.memory_space<vmem>>) semaphore(%arg17 : memref<!tpu.dma_semaphore, #tpu.memory_space<semaphore_mem>>)
        } else {
        }
      } else {
      }
      %mul3A_146 = arith.constant 4 : i32
      %mul3A_147 = arith.muli %mul3A_146, %scan3A_130 : i32
      %add3A_148 = arith.constant 1 : i32
      %add3A_149 = arith.addi %mul3A_147, %add3A_148 : i32
      %dma_wait3A_150 = arith.constant 0 : i32
      %dma_wait3A_151 = tpu.memref_slice %arg9[%add3A_149, %dma_wait3A_150] : memref<80x128xi32, #tpu.memory_space<vmem>> -> memref<1x128xi32, #tpu.memory_space<vmem>>
      %dma_wait3A_152 = tpu.memref_squeeze %dma_wait3A_151 : memref<1x128xi32, #tpu.memory_space<vmem>> -> memref<128xi32, #tpu.memory_space<vmem>>
      %dma_wait3A_153 = arith.constant 0 : i32
      %dma_wait3A_154 = arith.constant 0 : i32
      %dma_wait3A_155 = tpu.memref_slice %arg2[%dma_wait3A_153, %dma_wait3A_154] : memref<10240x128xbf16, #tpu.memory_space<hbm>> -> memref<10240x128xbf16, #tpu.memory_space<hbm>>
      tpu.wait_indirect_dma semaphore(%arg18 : memref<!tpu.dma_semaphore, #tpu.memory_space<semaphore_mem>>) src(%dma_wait3A_155 : memref<10240x128xbf16, #tpu.memory_space<hbm>>) dst(%arg12 : memref<128x128xbf16, #tpu.memory_space<vmem>>)
      "tpu.region"() ({
        %run_scoped3A = tpu.sem_alloc : memref<!tpu.dma_semaphore, #tpu.memory_space<semaphore_mem>>
        %dma_start3A = arith.constant 0 : i32
        %dma_start3A_197 = tpu.memref_slice %arg10[%add3A_149, %dma_start3A] : memref<80x128xi32, #tpu.memory_space<vmem>> -> memref<1x128xi32, #tpu.memory_space<vmem>>
        %dma_start3A_198 = tpu.memref_squeeze %dma_start3A_197 : memref<1x128xi32, #tpu.memory_space<vmem>> -> memref<128xi32, #tpu.memory_space<vmem>>
        %dma_start3A_199 = arith.constant 0 : i32
        %dma_start3A_200 = arith.constant 0 : i32
        %dma_start3A_201 = tpu.memref_slice %arg21[%dma_start3A_199, %dma_start3A_200] : memref<10240x128xbf16, #tpu.memory_space<vmem_shared>> -> memref<10240x128xbf16, #tpu.memory_space<vmem_shared>>
        tpu.enqueue_indirect_dma source(%arg12 : memref<128x128xbf16, #tpu.memory_space<vmem>>) target(%dma_start3A_201 : memref<10240x128xbf16, #tpu.memory_space<vmem_shared>>) offsets(%dma_start3A_198 : memref<128xi32, #tpu.memory_space<vmem>>) semaphore(%run_scoped3A : memref<!tpu.dma_semaphore, #tpu.memory_space<semaphore_mem>>) {add = true}
        %dma_wait3A_202 = arith.constant 0 : i32
        %dma_wait3A_203 = tpu.memref_slice %arg10[%add3A_149, %dma_wait3A_202] : memref<80x128xi32, #tpu.memory_space<vmem>> -> memref<1x128xi32, #tpu.memory_space<vmem>>
        %dma_wait3A_204 = tpu.memref_squeeze %dma_wait3A_203 : memref<1x128xi32, #tpu.memory_space<vmem>> -> memref<128xi32, #tpu.memory_space<vmem>>
        %dma_wait3A_205 = arith.constant 0 : i32
        %dma_wait3A_206 = arith.constant 0 : i32
        %dma_wait3A_207 = tpu.memref_slice %arg21[%dma_wait3A_205, %dma_wait3A_206] : memref<10240x128xbf16, #tpu.memory_space<vmem_shared>> -> memref<10240x128xbf16, #tpu.memory_space<vmem_shared>>
        tpu.wait_indirect_dma semaphore(%run_scoped3A : memref<!tpu.dma_semaphore, #tpu.memory_space<semaphore_mem>>) src(%arg12 : memref<128x128xbf16, #tpu.memory_space<vmem>>) dst(%dma_wait3A_207 : memref<10240x128xbf16, #tpu.memory_space<vmem_shared>>)
        tpu.yield
      }) : () -> ()
      %add3A_156 = arith.constant 4 : i32
      %add3A_157 = arith.addi %add3A_149, %add3A_156 : i32
      %lt3A_158 = arith.constant 80 : i32
      %lt3A_159 = arith.cmpi slt, %add3A_157, %lt3A_158 : i32
      %convert_element_type3A_160 = arith.extui %lt3A_159 : i1 to i32
      %cond3A_161 = arith.constant 0 : i32
      %cond3A_162 = arith.cmpi ne, %convert_element_type3A_160, %cond3A_161 : i32
      scf.if %cond3A_162 {
        %add3A_197 = arith.constant 4 : i32
        %add3A_198 = arith.addi %add3A_149, %add3A_197 : i32
        %eq3A_199 = arith.constant 0 : i32
        %eq3A_200 = arith.cmpi eq, %arg0, %eq3A_199 : i32
        %convert_element_type3A_201 = arith.extui %eq3A_200 : i1 to i32
        %cond3A_202 = arith.constant 0 : i32
        %cond3A_203 = arith.cmpi ne, %convert_element_type3A_201, %cond3A_202 : i32
        scf.if %cond3A_203 {
          %dma_start3A = arith.constant 0 : i32
          %dma_start3A_209 = tpu.memref_slice %arg9[%add3A_198, %dma_start3A] : memref<80x128xi32, #tpu.memory_space<vmem>> -> memref<1x128xi32, #tpu.memory_space<vmem>>
          %dma_start3A_210 = tpu.memref_squeeze %dma_start3A_209 : memref<1x128xi32, #tpu.memory_space<vmem>> -> memref<128xi32, #tpu.memory_space<vmem>>
          %dma_start3A_211 = arith.constant 0 : i32
          %dma_start3A_212 = arith.constant 0 : i32
          %dma_start3A_213 = tpu.memref_slice %arg2[%dma_start3A_211, %dma_start3A_212] : memref<10240x128xbf16, #tpu.memory_space<hbm>> -> memref<10240x128xbf16, #tpu.memory_space<hbm>>
          tpu.enqueue_indirect_dma source(%dma_start3A_213 : memref<10240x128xbf16, #tpu.memory_space<hbm>>) target(%arg12 : memref<128x128xbf16, #tpu.memory_space<vmem>>) offsets(%dma_start3A_210 : memref<128xi32, #tpu.memory_space<vmem>>) semaphore(%arg18 : memref<!tpu.dma_semaphore, #tpu.memory_space<semaphore_mem>>)
        } else {
        }
        %eq3A_204 = arith.constant 1 : i32
        %eq3A_205 = arith.cmpi eq, %arg0, %eq3A_204 : i32
        %convert_element_type3A_206 = arith.extui %eq3A_205 : i1 to i32
        %cond3A_207 = arith.constant 0 : i32
        %cond3A_208 = arith.cmpi ne, %convert_element_type3A_206, %cond3A_207 : i32
        scf.if %cond3A_208 {
          %dma_start3A = arith.constant 0 : i32
          %dma_start3A_209 = tpu.memref_slice %arg9[%add3A_198, %dma_start3A] : memref<80x128xi32, #tpu.memory_space<vmem>> -> memref<1x128xi32, #tpu.memory_space<vmem>>
          %dma_start3A_210 = tpu.memref_squeeze %dma_start3A_209 : memref<1x128xi32, #tpu.memory_space<vmem>> -> memref<128xi32, #tpu.memory_space<vmem>>
          %dma_start3A_211 = arith.constant 0 : i32
          %dma_start3A_212 = arith.constant 0 : i32
          %dma_start3A_213 = tpu.memref_slice %arg3[%dma_start3A_211, %dma_start3A_212] : memref<10240x128xbf16, #tpu.memory_space<hbm>> -> memref<10240x128xbf16, #tpu.memory_space<hbm>>
          tpu.enqueue_indirect_dma source(%dma_start3A_213 : memref<10240x128xbf16, #tpu.memory_space<hbm>>) target(%arg12 : memref<128x128xbf16, #tpu.memory_space<vmem>>) offsets(%dma_start3A_210 : memref<128xi32, #tpu.memory_space<vmem>>) semaphore(%arg18 : memref<!tpu.dma_semaphore, #tpu.memory_space<semaphore_mem>>)
        } else {
        }
      } else {
      }
      %mul3A_163 = arith.constant 4 : i32
      %mul3A_164 = arith.muli %mul3A_163, %scan3A_130 : i32
      %add3A_165 = arith.constant 2 : i32
      %add3A_166 = arith.addi %mul3A_164, %add3A_165 : i32
      %dma_wait3A_167 = arith.constant 0 : i32
      %dma_wait3A_168 = tpu.memref_slice %arg9[%add3A_166, %dma_wait3A_167] : memref<80x128xi32, #tpu.memory_space<vmem>> -> memref<1x128xi32, #tpu.memory_space<vmem>>
      %dma_wait3A_169 = tpu.memref_squeeze %dma_wait3A_168 : memref<1x128xi32, #tpu.memory_space<vmem>> -> memref<128xi32, #tpu.memory_space<vmem>>
      %dma_wait3A_170 = arith.constant 0 : i32
      %dma_wait3A_171 = arith.constant 0 : i32
      %dma_wait3A_172 = tpu.memref_slice %arg2[%dma_wait3A_170, %dma_wait3A_171] : memref<10240x128xbf16, #tpu.memory_space<hbm>> -> memref<10240x128xbf16, #tpu.memory_space<hbm>>
      tpu.wait_indirect_dma semaphore(%arg19 : memref<!tpu.dma_semaphore, #tpu.memory_space<semaphore_mem>>) src(%dma_wait3A_172 : memref<10240x128xbf16, #tpu.memory_space<hbm>>) dst(%arg13 : memref<128x128xbf16, #tpu.memory_space<vmem>>)
      "tpu.region"() ({
        %run_scoped3A = tpu.sem_alloc : memref<!tpu.dma_semaphore, #tpu.memory_space<semaphore_mem>>
        %dma_start3A = arith.constant 0 : i32
        %dma_start3A_197 = tpu.memref_slice %arg10[%add3A_166, %dma_start3A] : memref<80x128xi32, #tpu.memory_space<vmem>> -> memref<1x128xi32, #tpu.memory_space<vmem>>
        %dma_start3A_198 = tpu.memref_squeeze %dma_start3A_197 : memref<1x128xi32, #tpu.memory_space<vmem>> -> memref<128xi32, #tpu.memory_space<vmem>>
        %dma_start3A_199 = arith.constant 0 : i32
        %dma_start3A_200 = arith.constant 0 : i32
        %dma_start3A_201 = tpu.memref_slice %arg21[%dma_start3A_199, %dma_start3A_200] : memref<10240x128xbf16, #tpu.memory_space<vmem_shared>> -> memref<10240x128xbf16, #tpu.memory_space<vmem_shared>>
        tpu.enqueue_indirect_dma source(%arg13 : memref<128x128xbf16, #tpu.memory_space<vmem>>) target(%dma_start3A_201 : memref<10240x128xbf16, #tpu.memory_space<vmem_shared>>) offsets(%dma_start3A_198 : memref<128xi32, #tpu.memory_space<vmem>>) semaphore(%run_scoped3A : memref<!tpu.dma_semaphore, #tpu.memory_space<semaphore_mem>>) {add = true}
        %dma_wait3A_202 = arith.constant 0 : i32
        %dma_wait3A_203 = tpu.memref_slice %arg10[%add3A_166, %dma_wait3A_202] : memref<80x128xi32, #tpu.memory_space<vmem>> -> memref<1x128xi32, #tpu.memory_space<vmem>>
        %dma_wait3A_204 = tpu.memref_squeeze %dma_wait3A_203 : memref<1x128xi32, #tpu.memory_space<vmem>> -> memref<128xi32, #tpu.memory_space<vmem>>
        %dma_wait3A_205 = arith.constant 0 : i32
        %dma_wait3A_206 = arith.constant 0 : i32
        %dma_wait3A_207 = tpu.memref_slice %arg21[%dma_wait3A_205, %dma_wait3A_206] : memref<10240x128xbf16, #tpu.memory_space<vmem_shared>> -> memref<10240x128xbf16, #tpu.memory_space<vmem_shared>>
        tpu.wait_indirect_dma semaphore(%run_scoped3A : memref<!tpu.dma_semaphore, #tpu.memory_space<semaphore_mem>>) src(%arg13 : memref<128x128xbf16, #tpu.memory_space<vmem>>) dst(%dma_wait3A_207 : memref<10240x128xbf16, #tpu.memory_space<vmem_shared>>)
        tpu.yield
      }) : () -> ()
      %add3A_173 = arith.constant 4 : i32
      %add3A_174 = arith.addi %add3A_166, %add3A_173 : i32
      %lt3A_175 = arith.constant 80 : i32
      %lt3A_176 = arith.cmpi slt, %add3A_174, %lt3A_175 : i32
      %convert_element_type3A_177 = arith.extui %lt3A_176 : i1 to i32
      %cond3A_178 = arith.constant 0 : i32
      %cond3A_179 = arith.cmpi ne, %convert_element_type3A_177, %cond3A_178 : i32
      scf.if %cond3A_179 {
        %add3A_197 = arith.constant 4 : i32
        %add3A_198 = arith.addi %add3A_166, %add3A_197 : i32
        %eq3A_199 = arith.constant 0 : i32
        %eq3A_200 = arith.cmpi eq, %arg0, %eq3A_199 : i32
        %convert_element_type3A_201 = arith.extui %eq3A_200 : i1 to i32
        %cond3A_202 = arith.constant 0 : i32
        %cond3A_203 = arith.cmpi ne, %convert_element_type3A_201, %cond3A_202 : i32
        scf.if %cond3A_203 {
          %dma_start3A = arith.constant 0 : i32
          %dma_start3A_209 = tpu.memref_slice %arg9[%add3A_198, %dma_start3A] : memref<80x128xi32, #tpu.memory_space<vmem>> -> memref<1x128xi32, #tpu.memory_space<vmem>>
          %dma_start3A_210 = tpu.memref_squeeze %dma_start3A_209 : memref<1x128xi32, #tpu.memory_space<vmem>> -> memref<128xi32, #tpu.memory_space<vmem>>
          %dma_start3A_211 = arith.constant 0 : i32
          %dma_start3A_212 = arith.constant 0 : i32
          %dma_start3A_213 = tpu.memref_slice %arg2[%dma_start3A_211, %dma_start3A_212] : memref<10240x128xbf16, #tpu.memory_space<hbm>> -> memref<10240x128xbf16, #tpu.memory_space<hbm>>
          tpu.enqueue_indirect_dma source(%dma_start3A_213 : memref<10240x128xbf16, #tpu.memory_space<hbm>>) target(%arg13 : memref<128x128xbf16, #tpu.memory_space<vmem>>) offsets(%dma_start3A_210 : memref<128xi32, #tpu.memory_space<vmem>>) semaphore(%arg19 : memref<!tpu.dma_semaphore, #tpu.memory_space<semaphore_mem>>)
        } else {
        }
        %eq3A_204 = arith.constant 1 : i32
        %eq3A_205 = arith.cmpi eq, %arg0, %eq3A_204 : i32
        %convert_element_type3A_206 = arith.extui %eq3A_205 : i1 to i32
        %cond3A_207 = arith.constant 0 : i32
        %cond3A_208 = arith.cmpi ne, %convert_element_type3A_206, %cond3A_207 : i32
        scf.if %cond3A_208 {
          %dma_start3A = arith.constant 0 : i32
          %dma_start3A_209 = tpu.memref_slice %arg9[%add3A_198, %dma_start3A] : memref<80x128xi32, #tpu.memory_space<vmem>> -> memref<1x128xi32, #tpu.memory_space<vmem>>
          %dma_start3A_210 = tpu.memref_squeeze %dma_start3A_209 : memref<1x128xi32, #tpu.memory_space<vmem>> -> memref<128xi32, #tpu.memory_space<vmem>>
          %dma_start3A_211 = arith.constant 0 : i32
          %dma_start3A_212 = arith.constant 0 : i32
          %dma_start3A_213 = tpu.memref_slice %arg3[%dma_start3A_211, %dma_start3A_212] : memref<10240x128xbf16, #tpu.memory_space<hbm>> -> memref<10240x128xbf16, #tpu.memory_space<hbm>>
          tpu.enqueue_indirect_dma source(%dma_start3A_213 : memref<10240x128xbf16, #tpu.memory_space<hbm>>) target(%arg13 : memref<128x128xbf16, #tpu.memory_space<vmem>>) offsets(%dma_start3A_210 : memref<128xi32, #tpu.memory_space<vmem>>) semaphore(%arg19 : memref<!tpu.dma_semaphore, #tpu.memory_space<semaphore_mem>>)
        } else {
        }
      } else {
      }
      %mul3A_180 = arith.constant 4 : i32
      %mul3A_181 = arith.muli %mul3A_180, %scan3A_130 : i32
      %add3A_182 = arith.constant 3 : i32
      %add3A_183 = arith.addi %mul3A_181, %add3A_182 : i32
      %dma_wait3A_184 = arith.constant 0 : i32
      %dma_wait3A_185 = tpu.memref_slice %arg9[%add3A_183, %dma_wait3A_184] : memref<80x128xi32, #tpu.memory_space<vmem>> -> memref<1x128xi32, #tpu.memory_space<vmem>>
      %dma_wait3A_186 = tpu.memref_squeeze %dma_wait3A_185 : memref<1x128xi32, #tpu.memory_space<vmem>> -> memref<128xi32, #tpu.memory_space<vmem>>
      %dma_wait3A_187 = arith.constant 0 : i32
      %dma_wait3A_188 = arith.constant 0 : i32
      %dma_wait3A_189 = tpu.memref_slice %arg2[%dma_wait3A_187, %dma_wait3A_188] : memref<10240x128xbf16, #tpu.memory_space<hbm>> -> memref<10240x128xbf16, #tpu.memory_space<hbm>>
      tpu.wait_indirect_dma semaphore(%arg20 : memref<!tpu.dma_semaphore, #tpu.memory_space<semaphore_mem>>) src(%dma_wait3A_189 : memref<10240x128xbf16, #tpu.memory_space<hbm>>) dst(%arg14 : memref<128x128xbf16, #tpu.memory_space<vmem>>)
      "tpu.region"() ({
        %run_scoped3A = tpu.sem_alloc : memref<!tpu.dma_semaphore, #tpu.memory_space<semaphore_mem>>
        %dma_start3A = arith.constant 0 : i32
        %dma_start3A_197 = tpu.memref_slice %arg10[%add3A_183, %dma_start3A] : memref<80x128xi32, #tpu.memory_space<vmem>> -> memref<1x128xi32, #tpu.memory_space<vmem>>
        %dma_start3A_198 = tpu.memref_squeeze %dma_start3A_197 : memref<1x128xi32, #tpu.memory_space<vmem>> -> memref<128xi32, #tpu.memory_space<vmem>>
        %dma_start3A_199 = arith.constant 0 : i32
        %dma_start3A_200 = arith.constant 0 : i32
        %dma_start3A_201 = tpu.memref_slice %arg21[%dma_start3A_199, %dma_start3A_200] : memref<10240x128xbf16, #tpu.memory_space<vmem_shared>> -> memref<10240x128xbf16, #tpu.memory_space<vmem_shared>>
        tpu.enqueue_indirect_dma source(%arg14 : memref<128x128xbf16, #tpu.memory_space<vmem>>) target(%dma_start3A_201 : memref<10240x128xbf16, #tpu.memory_space<vmem_shared>>) offsets(%dma_start3A_198 : memref<128xi32, #tpu.memory_space<vmem>>) semaphore(%run_scoped3A : memref<!tpu.dma_semaphore, #tpu.memory_space<semaphore_mem>>) {add = true}
        %dma_wait3A_202 = arith.constant 0 : i32
        %dma_wait3A_203 = tpu.memref_slice %arg10[%add3A_183, %dma_wait3A_202] : memref<80x128xi32, #tpu.memory_space<vmem>> -> memref<1x128xi32, #tpu.memory_space<vmem>>
        %dma_wait3A_204 = tpu.memref_squeeze %dma_wait3A_203 : memref<1x128xi32, #tpu.memory_space<vmem>> -> memref<128xi32, #tpu.memory_space<vmem>>
        %dma_wait3A_205 = arith.constant 0 : i32
        %dma_wait3A_206 = arith.constant 0 : i32
        %dma_wait3A_207 = tpu.memref_slice %arg21[%dma_wait3A_205, %dma_wait3A_206] : memref<10240x128xbf16, #tpu.memory_space<vmem_shared>> -> memref<10240x128xbf16, #tpu.memory_space<vmem_shared>>
        tpu.wait_indirect_dma semaphore(%run_scoped3A : memref<!tpu.dma_semaphore, #tpu.memory_space<semaphore_mem>>) src(%arg14 : memref<128x128xbf16, #tpu.memory_space<vmem>>) dst(%dma_wait3A_207 : memref<10240x128xbf16, #tpu.memory_space<vmem_shared>>)
        tpu.yield
      }) : () -> ()
      %add3A_190 = arith.constant 4 : i32
      %add3A_191 = arith.addi %add3A_183, %add3A_190 : i32
      %lt3A_192 = arith.constant 80 : i32
      %lt3A_193 = arith.cmpi slt, %add3A_191, %lt3A_192 : i32
      %convert_element_type3A_194 = arith.extui %lt3A_193 : i1 to i32
      %cond3A_195 = arith.constant 0 : i32
      %cond3A_196 = arith.cmpi ne, %convert_element_type3A_194, %cond3A_195 : i32
      scf.if %cond3A_196 {
        %add3A_197 = arith.constant 4 : i32
        %add3A_198 = arith.addi %add3A_183, %add3A_197 : i32
        %eq3A_199 = arith.constant 0 : i32
        %eq3A_200 = arith.cmpi eq, %arg0, %eq3A_199 : i32
        %convert_element_type3A_201 = arith.extui %eq3A_200 : i1 to i32
        %cond3A_202 = arith.constant 0 : i32
        %cond3A_203 = arith.cmpi ne, %convert_element_type3A_201, %cond3A_202 : i32
        scf.if %cond3A_203 {
          %dma_start3A = arith.constant 0 : i32
          %dma_start3A_209 = tpu.memref_slice %arg9[%add3A_198, %dma_start3A] : memref<80x128xi32, #tpu.memory_space<vmem>> -> memref<1x128xi32, #tpu.memory_space<vmem>>
          %dma_start3A_210 = tpu.memref_squeeze %dma_start3A_209 : memref<1x128xi32, #tpu.memory_space<vmem>> -> memref<128xi32, #tpu.memory_space<vmem>>
          %dma_start3A_211 = arith.constant 0 : i32
          %dma_start3A_212 = arith.constant 0 : i32
          %dma_start3A_213 = tpu.memref_slice %arg2[%dma_start3A_211, %dma_start3A_212] : memref<10240x128xbf16, #tpu.memory_space<hbm>> -> memref<10240x128xbf16, #tpu.memory_space<hbm>>
          tpu.enqueue_indirect_dma source(%dma_start3A_213 : memref<10240x128xbf16, #tpu.memory_space<hbm>>) target(%arg14 : memref<128x128xbf16, #tpu.memory_space<vmem>>) offsets(%dma_start3A_210 : memref<128xi32, #tpu.memory_space<vmem>>) semaphore(%arg20 : memref<!tpu.dma_semaphore, #tpu.memory_space<semaphore_mem>>)
        } else {
        }
        %eq3A_204 = arith.constant 1 : i32
        %eq3A_205 = arith.cmpi eq, %arg0, %eq3A_204 : i32
        %convert_element_type3A_206 = arith.extui %eq3A_205 : i1 to i32
        %cond3A_207 = arith.constant 0 : i32
        %cond3A_208 = arith.cmpi ne, %convert_element_type3A_206, %cond3A_207 : i32
        scf.if %cond3A_208 {
          %dma_start3A = arith.constant 0 : i32
          %dma_start3A_209 = tpu.memref_slice %arg9[%add3A_198, %dma_start3A] : memref<80x128xi32, #tpu.memory_space<vmem>> -> memref<1x128xi32, #tpu.memory_space<vmem>>
          %dma_start3A_210 = tpu.memref_squeeze %dma_start3A_209 : memref<1x128xi32, #tpu.memory_space<vmem>> -> memref<128xi32, #tpu.memory_space<vmem>>
          %dma_start3A_211 = arith.constant 0 : i32
          %dma_start3A_212 = arith.constant 0 : i32
          %dma_start3A_213 = tpu.memref_slice %arg3[%dma_start3A_211, %dma_start3A_212] : memref<10240x128xbf16, #tpu.memory_space<hbm>> -> memref<10240x128xbf16, #tpu.memory_space<hbm>>
          tpu.enqueue_indirect_dma source(%dma_start3A_213 : memref<10240x128xbf16, #tpu.memory_space<hbm>>) target(%arg14 : memref<128x128xbf16, #tpu.memory_space<vmem>>) offsets(%dma_start3A_210 : memref<128xi32, #tpu.memory_space<vmem>>) semaphore(%arg20 : memref<!tpu.dma_semaphore, #tpu.memory_space<semaphore_mem>>)
        } else {
        }
      } else {
      }
    }
    %scan3A_58 = arith.constant 20 : i32
    %barrier3A_59 = arith.constant 0 : index
    tpu.barrier barrier_id(%barrier3A_59)
    %mul3A_60 = arith.constant 640 : i32
    %mul3A_61 = arith.muli %arg1, %mul3A_60 : i32
    %add3A_62 = arith.constant 0 : i32
    %add3A_63 = arith.addi %mul3A_61, %add3A_62 : i32
    "tpu.region"() ({
      %run_scoped3A = tpu.sem_alloc : memref<!tpu.dma_semaphore, #tpu.memory_space<semaphore_mem>>
      %dma_start3A = arith.constant 0 : i32
      %dma_start3A_130 = tpu.memref_slice %arg21[%add3A_63, %dma_start3A] : memref<10240x128xbf16, #tpu.memory_space<vmem_shared>> -> memref<128x128xbf16, #tpu.memory_space<vmem_shared>>
      %dma_start3A_131 = arith.constant 0 : i32
      %dma_start3A_132 = tpu.memref_slice %arg21[%add3A_63, %dma_start3A_131] : memref<10240x128xbf16, #tpu.memory_space<vmem_shared>> -> memref<128x128xbf16, #tpu.memory_space<vmem_shared>>
      tpu.enqueue_dma source(%dma_start3A_132 : memref<128x128xbf16, #tpu.memory_space<vmem_shared>>) target(%arg16 : memref<128x128xbf16, #tpu.memory_space<vmem>>) target_semaphore(%run_scoped3A : memref<!tpu.dma_semaphore, #tpu.memory_space<semaphore_mem>>)
      %dma_wait3A = arith.constant 0 : i32
      %dma_wait3A_133 = tpu.memref_slice %arg21[%add3A_63, %dma_wait3A] : memref<10240x128xbf16, #tpu.memory_space<vmem_shared>> -> memref<128x128xbf16, #tpu.memory_space<vmem_shared>>
      %dma_wait3A_134 = arith.constant 0 : i32
      %dma_wait3A_135 = tpu.memref_slice %arg21[%add3A_63, %dma_wait3A_134] : memref<10240x128xbf16, #tpu.memory_space<vmem_shared>> -> memref<128x128xbf16, #tpu.memory_space<vmem_shared>>
      tpu.wait_dma2 semaphore(%run_scoped3A : memref<!tpu.dma_semaphore, #tpu.memory_space<semaphore_mem>>) src(%dma_wait3A_135 : memref<128x128xbf16, #tpu.memory_space<vmem_shared>>) dst(%arg16 : memref<128x128xbf16, #tpu.memory_space<vmem>>)
      tpu.yield
    }) : () -> ()
    %eq3A_64 = arith.constant 0 : i32
    %eq3A_65 = arith.cmpi eq, %arg0, %eq3A_64 : i32
    %convert_element_type3A_66 = arith.extui %eq3A_65 : i1 to i32
    %cond3A_67 = arith.constant 0 : i32
    %cond3A_68 = arith.cmpi ne, %convert_element_type3A_66, %cond3A_67 : i32
    scf.if %cond3A_68 {
      "tpu.region"() ({
        %run_scoped3A = tpu.sem_alloc : memref<!tpu.dma_semaphore, #tpu.memory_space<semaphore_mem>>
        %dma_start3A = arith.constant 0 : i32
        %dma_start3A_130 = tpu.memref_slice %arg7[%add3A_63, %dma_start3A] : memref<10240x128xbf16, #tpu.memory_space<hbm>> -> memref<128x128xbf16, #tpu.memory_space<hbm>>
        %dma_start3A_131 = arith.constant 0 : i32
        %dma_start3A_132 = tpu.memref_slice %arg7[%add3A_63, %dma_start3A_131] : memref<10240x128xbf16, #tpu.memory_space<hbm>> -> memref<128x128xbf16, #tpu.memory_space<hbm>>
        tpu.enqueue_dma source(%arg16 : memref<128x128xbf16, #tpu.memory_space<vmem>>) target(%dma_start3A_132 : memref<128x128xbf16, #tpu.memory_space<hbm>>) target_semaphore(%run_scoped3A : memref<!tpu.dma_semaphore, #tpu.memory_space<semaphore_mem>>)
        %dma_wait3A = arith.constant 0 : i32
        %dma_wait3A_133 = tpu.memref_slice %arg7[%add3A_63, %dma_wait3A] : memref<10240x128xbf16, #tpu.memory_space<hbm>> -> memref<128x128xbf16, #tpu.memory_space<hbm>>
        %dma_wait3A_134 = arith.constant 0 : i32
        %dma_wait3A_135 = tpu.memref_slice %arg7[%add3A_63, %dma_wait3A_134] : memref<10240x128xbf16, #tpu.memory_space<hbm>> -> memref<128x128xbf16, #tpu.memory_space<hbm>>
        tpu.wait_dma2 semaphore(%run_scoped3A : memref<!tpu.dma_semaphore, #tpu.memory_space<semaphore_mem>>) src(%arg16 : memref<128x128xbf16, #tpu.memory_space<vmem>>) dst(%dma_wait3A_135 : memref<128x128xbf16, #tpu.memory_space<hbm>>)
        tpu.yield
      }) : () -> ()
    } else {
    }
    %eq3A_69 = arith.constant 1 : i32
    %eq3A_70 = arith.cmpi eq, %arg0, %eq3A_69 : i32
    %convert_element_type3A_71 = arith.extui %eq3A_70 : i1 to i32
    %cond3A_72 = arith.constant 0 : i32
    %cond3A_73 = arith.cmpi ne, %convert_element_type3A_71, %cond3A_72 : i32
    scf.if %cond3A_73 {
      "tpu.region"() ({
        %run_scoped3A = tpu.sem_alloc : memref<!tpu.dma_semaphore, #tpu.memory_space<semaphore_mem>>
        %dma_start3A = arith.constant 0 : i32
        %dma_start3A_130 = tpu.memref_slice %arg8[%add3A_63, %dma_start3A] : memref<10240x128xbf16, #tpu.memory_space<hbm>> -> memref<128x128xbf16, #tpu.memory_space<hbm>>
        %dma_start3A_131 = arith.constant 0 : i32
        %dma_start3A_132 = tpu.memref_slice %arg8[%add3A_63, %dma_start3A_131] : memref<10240x128xbf16, #tpu.memory_space<hbm>> -> memref<128x128xbf16, #tpu.memory_space<hbm>>
        tpu.enqueue_dma source(%arg16 : memref<128x128xbf16, #tpu.memory_space<vmem>>) target(%dma_start3A_132 : memref<128x128xbf16, #tpu.memory_space<hbm>>) target_semaphore(%run_scoped3A : memref<!tpu.dma_semaphore, #tpu.memory_space<semaphore_mem>>)
        %dma_wait3A = arith.constant 0 : i32
        %dma_wait3A_133 = tpu.memref_slice %arg8[%add3A_63, %dma_wait3A] : memref<10240x128xbf16, #tpu.memory_space<hbm>> -> memref<128x128xbf16, #tpu.memory_space<hbm>>
        %dma_wait3A_134 = arith.constant 0 : i32
        %dma_wait3A_135 = tpu.memref_slice %arg8[%add3A_63, %dma_wait3A_134] : memref<10240x128xbf16, #tpu.memory_space<hbm>> -> memref<128x128xbf16, #tpu.memory_space<hbm>>
        tpu.wait_dma2 semaphore(%run_scoped3A : memref<!tpu.dma_semaphore, #tpu.memory_space<semaphore_mem>>) src(%arg16 : memref<128x128xbf16, #tpu.memory_space<vmem>>) dst(%dma_wait3A_135 : memref<128x128xbf16, #tpu.memory_space<hbm>>)
        tpu.yield
      }) : () -> ()
    } else {
    }
    %mul3A_74 = arith.constant 640 : i32
    %mul3A_75 = arith.muli %arg1, %mul3A_74 : i32
    %add3A_76 = arith.constant 128 : i32
    %add3A_77 = arith.addi %mul3A_75, %add3A_76 : i32
    "tpu.region"() ({
      %run_scoped3A = tpu.sem_alloc : memref<!tpu.dma_semaphore, #tpu.memory_space<semaphore_mem>>
      %dma_start3A = arith.constant 0 : i32
      %dma_start3A_130 = tpu.memref_slice %arg21[%add3A_77, %dma_start3A] : memref<10240x128xbf16, #tpu.memory_space<vmem_shared>> -> memref<128x128xbf16, #tpu.memory_space<vmem_shared>>
      %dma_start3A_131 = arith.constant 0 : i32
      %dma_start3A_132 = tpu.memref_slice %arg21[%add3A_77, %dma_start3A_131] : memref<10240x128xbf16, #tpu.memory_space<vmem_shared>> -> memref<128x128xbf16, #tpu.memory_space<vmem_shared>>
      tpu.enqueue_dma source(%dma_start3A_132 : memref<128x128xbf16, #tpu.memory_space<vmem_shared>>) target(%arg16 : memref<128x128xbf16, #tpu.memory_space<vmem>>) target_semaphore(%run_scoped3A : memref<!tpu.dma_semaphore, #tpu.memory_space<semaphore_mem>>)
      %dma_wait3A = arith.constant 0 : i32
      %dma_wait3A_133 = tpu.memref_slice %arg21[%add3A_77, %dma_wait3A] : memref<10240x128xbf16, #tpu.memory_space<vmem_shared>> -> memref<128x128xbf16, #tpu.memory_space<vmem_shared>>
      %dma_wait3A_134 = arith.constant 0 : i32
      %dma_wait3A_135 = tpu.memref_slice %arg21[%add3A_77, %dma_wait3A_134] : memref<10240x128xbf16, #tpu.memory_space<vmem_shared>> -> memref<128x128xbf16, #tpu.memory_space<vmem_shared>>
      tpu.wait_dma2 semaphore(%run_scoped3A : memref<!tpu.dma_semaphore, #tpu.memory_space<semaphore_mem>>) src(%dma_wait3A_135 : memref<128x128xbf16, #tpu.memory_space<vmem_shared>>) dst(%arg16 : memref<128x128xbf16, #tpu.memory_space<vmem>>)
      tpu.yield
    }) : () -> ()
    %eq3A_78 = arith.constant 0 : i32
    %eq3A_79 = arith.cmpi eq, %arg0, %eq3A_78 : i32
    %convert_element_type3A_80 = arith.extui %eq3A_79 : i1 to i32
    %cond3A_81 = arith.constant 0 : i32
    %cond3A_82 = arith.cmpi ne, %convert_element_type3A_80, %cond3A_81 : i32
    scf.if %cond3A_82 {
      "tpu.region"() ({
        %run_scoped3A = tpu.sem_alloc : memref<!tpu.dma_semaphore, #tpu.memory_space<semaphore_mem>>
        %dma_start3A = arith.constant 0 : i32
        %dma_start3A_130 = tpu.memref_slice %arg7[%add3A_77, %dma_start3A] : memref<10240x128xbf16, #tpu.memory_space<hbm>> -> memref<128x128xbf16, #tpu.memory_space<hbm>>
        %dma_start3A_131 = arith.constant 0 : i32
        %dma_start3A_132 = tpu.memref_slice %arg7[%add3A_77, %dma_start3A_131] : memref<10240x128xbf16, #tpu.memory_space<hbm>> -> memref<128x128xbf16, #tpu.memory_space<hbm>>
        tpu.enqueue_dma source(%arg16 : memref<128x128xbf16, #tpu.memory_space<vmem>>) target(%dma_start3A_132 : memref<128x128xbf16, #tpu.memory_space<hbm>>) target_semaphore(%run_scoped3A : memref<!tpu.dma_semaphore, #tpu.memory_space<semaphore_mem>>)
        %dma_wait3A = arith.constant 0 : i32
        %dma_wait3A_133 = tpu.memref_slice %arg7[%add3A_77, %dma_wait3A] : memref<10240x128xbf16, #tpu.memory_space<hbm>> -> memref<128x128xbf16, #tpu.memory_space<hbm>>
        %dma_wait3A_134 = arith.constant 0 : i32
        %dma_wait3A_135 = tpu.memref_slice %arg7[%add3A_77, %dma_wait3A_134] : memref<10240x128xbf16, #tpu.memory_space<hbm>> -> memref<128x128xbf16, #tpu.memory_space<hbm>>
        tpu.wait_dma2 semaphore(%run_scoped3A : memref<!tpu.dma_semaphore, #tpu.memory_space<semaphore_mem>>) src(%arg16 : memref<128x128xbf16, #tpu.memory_space<vmem>>) dst(%dma_wait3A_135 : memref<128x128xbf16, #tpu.memory_space<hbm>>)
        tpu.yield
      }) : () -> ()
    } else {
    }
    %eq3A_83 = arith.constant 1 : i32
    %eq3A_84 = arith.cmpi eq, %arg0, %eq3A_83 : i32
    %convert_element_type3A_85 = arith.extui %eq3A_84 : i1 to i32
    %cond3A_86 = arith.constant 0 : i32
    %cond3A_87 = arith.cmpi ne, %convert_element_type3A_85, %cond3A_86 : i32
    scf.if %cond3A_87 {
      "tpu.region"() ({
        %run_scoped3A = tpu.sem_alloc : memref<!tpu.dma_semaphore, #tpu.memory_space<semaphore_mem>>
        %dma_start3A = arith.constant 0 : i32
        %dma_start3A_130 = tpu.memref_slice %arg8[%add3A_77, %dma_start3A] : memref<10240x128xbf16, #tpu.memory_space<hbm>> -> memref<128x128xbf16, #tpu.memory_space<hbm>>
        %dma_start3A_131 = arith.constant 0 : i32
        %dma_start3A_132 = tpu.memref_slice %arg8[%add3A_77, %dma_start3A_131] : memref<10240x128xbf16, #tpu.memory_space<hbm>> -> memref<128x128xbf16, #tpu.memory_space<hbm>>
        tpu.enqueue_dma source(%arg16 : memref<128x128xbf16, #tpu.memory_space<vmem>>) target(%dma_start3A_132 : memref<128x128xbf16, #tpu.memory_space<hbm>>) target_semaphore(%run_scoped3A : memref<!tpu.dma_semaphore, #tpu.memory_space<semaphore_mem>>)
        %dma_wait3A = arith.constant 0 : i32
        %dma_wait3A_133 = tpu.memref_slice %arg8[%add3A_77, %dma_wait3A] : memref<10240x128xbf16, #tpu.memory_space<hbm>> -> memref<128x128xbf16, #tpu.memory_space<hbm>>
        %dma_wait3A_134 = arith.constant 0 : i32
        %dma_wait3A_135 = tpu.memref_slice %arg8[%add3A_77, %dma_wait3A_134] : memref<10240x128xbf16, #tpu.memory_space<hbm>> -> memref<128x128xbf16, #tpu.memory_space<hbm>>
        tpu.wait_dma2 semaphore(%run_scoped3A : memref<!tpu.dma_semaphore, #tpu.memory_space<semaphore_mem>>) src(%arg16 : memref<128x128xbf16, #tpu.memory_space<vmem>>) dst(%dma_wait3A_135 : memref<128x128xbf16, #tpu.memory_space<hbm>>)
        tpu.yield
      }) : () -> ()
    } else {
    }
    %mul3A_88 = arith.constant 640 : i32
    %mul3A_89 = arith.muli %arg1, %mul3A_88 : i32
    %add3A_90 = arith.constant 256 : i32
    %add3A_91 = arith.addi %mul3A_89, %add3A_90 : i32
    "tpu.region"() ({
      %run_scoped3A = tpu.sem_alloc : memref<!tpu.dma_semaphore, #tpu.memory_space<semaphore_mem>>
      %dma_start3A = arith.constant 0 : i32
      %dma_start3A_130 = tpu.memref_slice %arg21[%add3A_91, %dma_start3A] : memref<10240x128xbf16, #tpu.memory_space<vmem_shared>> -> memref<128x128xbf16, #tpu.memory_space<vmem_shared>>
      %dma_start3A_131 = arith.constant 0 : i32
      %dma_start3A_132 = tpu.memref_slice %arg21[%add3A_91, %dma_start3A_131] : memref<10240x128xbf16, #tpu.memory_space<vmem_shared>> -> memref<128x128xbf16, #tpu.memory_space<vmem_shared>>
      tpu.enqueue_dma source(%dma_start3A_132 : memref<128x128xbf16, #tpu.memory_space<vmem_shared>>) target(%arg16 : memref<128x128xbf16, #tpu.memory_space<vmem>>) target_semaphore(%run_scoped3A : memref<!tpu.dma_semaphore, #tpu.memory_space<semaphore_mem>>)
      %dma_wait3A = arith.constant 0 : i32
      %dma_wait3A_133 = tpu.memref_slice %arg21[%add3A_91, %dma_wait3A] : memref<10240x128xbf16, #tpu.memory_space<vmem_shared>> -> memref<128x128xbf16, #tpu.memory_space<vmem_shared>>
      %dma_wait3A_134 = arith.constant 0 : i32
      %dma_wait3A_135 = tpu.memref_slice %arg21[%add3A_91, %dma_wait3A_134] : memref<10240x128xbf16, #tpu.memory_space<vmem_shared>> -> memref<128x128xbf16, #tpu.memory_space<vmem_shared>>
      tpu.wait_dma2 semaphore(%run_scoped3A : memref<!tpu.dma_semaphore, #tpu.memory_space<semaphore_mem>>) src(%dma_wait3A_135 : memref<128x128xbf16, #tpu.memory_space<vmem_shared>>) dst(%arg16 : memref<128x128xbf16, #tpu.memory_space<vmem>>)
      tpu.yield
    }) : () -> ()
    %eq3A_92 = arith.constant 0 : i32
    %eq3A_93 = arith.cmpi eq, %arg0, %eq3A_92 : i32
    %convert_element_type3A_94 = arith.extui %eq3A_93 : i1 to i32
    %cond3A_95 = arith.constant 0 : i32
    %cond3A_96 = arith.cmpi ne, %convert_element_type3A_94, %cond3A_95 : i32
    scf.if %cond3A_96 {
      "tpu.region"() ({
        %run_scoped3A = tpu.sem_alloc : memref<!tpu.dma_semaphore, #tpu.memory_space<semaphore_mem>>
        %dma_start3A = arith.constant 0 : i32
        %dma_start3A_130 = tpu.memref_slice %arg7[%add3A_91, %dma_start3A] : memref<10240x128xbf16, #tpu.memory_space<hbm>> -> memref<128x128xbf16, #tpu.memory_space<hbm>>
        %dma_start3A_131 = arith.constant 0 : i32
        %dma_start3A_132 = tpu.memref_slice %arg7[%add3A_91, %dma_start3A_131] : memref<10240x128xbf16, #tpu.memory_space<hbm>> -> memref<128x128xbf16, #tpu.memory_space<hbm>>
        tpu.enqueue_dma source(%arg16 : memref<128x128xbf16, #tpu.memory_space<vmem>>) target(%dma_start3A_132 : memref<128x128xbf16, #tpu.memory_space<hbm>>) target_semaphore(%run_scoped3A : memref<!tpu.dma_semaphore, #tpu.memory_space<semaphore_mem>>)
        %dma_wait3A = arith.constant 0 : i32
        %dma_wait3A_133 = tpu.memref_slice %arg7[%add3A_91, %dma_wait3A] : memref<10240x128xbf16, #tpu.memory_space<hbm>> -> memref<128x128xbf16, #tpu.memory_space<hbm>>
        %dma_wait3A_134 = arith.constant 0 : i32
        %dma_wait3A_135 = tpu.memref_slice %arg7[%add3A_91, %dma_wait3A_134] : memref<10240x128xbf16, #tpu.memory_space<hbm>> -> memref<128x128xbf16, #tpu.memory_space<hbm>>
        tpu.wait_dma2 semaphore(%run_scoped3A : memref<!tpu.dma_semaphore, #tpu.memory_space<semaphore_mem>>) src(%arg16 : memref<128x128xbf16, #tpu.memory_space<vmem>>) dst(%dma_wait3A_135 : memref<128x128xbf16, #tpu.memory_space<hbm>>)
        tpu.yield
      }) : () -> ()
    } else {
    }
    %eq3A_97 = arith.constant 1 : i32
    %eq3A_98 = arith.cmpi eq, %arg0, %eq3A_97 : i32
    %convert_element_type3A_99 = arith.extui %eq3A_98 : i1 to i32
    %cond3A_100 = arith.constant 0 : i32
    %cond3A_101 = arith.cmpi ne, %convert_element_type3A_99, %cond3A_100 : i32
    scf.if %cond3A_101 {
      "tpu.region"() ({
        %run_scoped3A = tpu.sem_alloc : memref<!tpu.dma_semaphore, #tpu.memory_space<semaphore_mem>>
        %dma_start3A = arith.constant 0 : i32
        %dma_start3A_130 = tpu.memref_slice %arg8[%add3A_91, %dma_start3A] : memref<10240x128xbf16, #tpu.memory_space<hbm>> -> memref<128x128xbf16, #tpu.memory_space<hbm>>
        %dma_start3A_131 = arith.constant 0 : i32
        %dma_start3A_132 = tpu.memref_slice %arg8[%add3A_91, %dma_start3A_131] : memref<10240x128xbf16, #tpu.memory_space<hbm>> -> memref<128x128xbf16, #tpu.memory_space<hbm>>
        tpu.enqueue_dma source(%arg16 : memref<128x128xbf16, #tpu.memory_space<vmem>>) target(%dma_start3A_132 : memref<128x128xbf16, #tpu.memory_space<hbm>>) target_semaphore(%run_scoped3A : memref<!tpu.dma_semaphore, #tpu.memory_space<semaphore_mem>>)
        %dma_wait3A = arith.constant 0 : i32
        %dma_wait3A_133 = tpu.memref_slice %arg8[%add3A_91, %dma_wait3A] : memref<10240x128xbf16, #tpu.memory_space<hbm>> -> memref<128x128xbf16, #tpu.memory_space<hbm>>
        %dma_wait3A_134 = arith.constant 0 : i32
        %dma_wait3A_135 = tpu.memref_slice %arg8[%add3A_91, %dma_wait3A_134] : memref<10240x128xbf16, #tpu.memory_space<hbm>> -> memref<128x128xbf16, #tpu.memory_space<hbm>>
        tpu.wait_dma2 semaphore(%run_scoped3A : memref<!tpu.dma_semaphore, #tpu.memory_space<semaphore_mem>>) src(%arg16 : memref<128x128xbf16, #tpu.memory_space<vmem>>) dst(%dma_wait3A_135 : memref<128x128xbf16, #tpu.memory_space<hbm>>)
        tpu.yield
      }) : () -> ()
    } else {
    }
    %mul3A_102 = arith.constant 640 : i32
    %mul3A_103 = arith.muli %arg1, %mul3A_102 : i32
    %add3A_104 = arith.constant 384 : i32
    %add3A_105 = arith.addi %mul3A_103, %add3A_104 : i32
    "tpu.region"() ({
      %run_scoped3A = tpu.sem_alloc : memref<!tpu.dma_semaphore, #tpu.memory_space<semaphore_mem>>
      %dma_start3A = arith.constant 0 : i32
      %dma_start3A_130 = tpu.memref_slice %arg21[%add3A_105, %dma_start3A] : memref<10240x128xbf16, #tpu.memory_space<vmem_shared>> -> memref<128x128xbf16, #tpu.memory_space<vmem_shared>>
      %dma_start3A_131 = arith.constant 0 : i32
      %dma_start3A_132 = tpu.memref_slice %arg21[%add3A_105, %dma_start3A_131] : memref<10240x128xbf16, #tpu.memory_space<vmem_shared>> -> memref<128x128xbf16, #tpu.memory_space<vmem_shared>>
      tpu.enqueue_dma source(%dma_start3A_132 : memref<128x128xbf16, #tpu.memory_space<vmem_shared>>) target(%arg16 : memref<128x128xbf16, #tpu.memory_space<vmem>>) target_semaphore(%run_scoped3A : memref<!tpu.dma_semaphore, #tpu.memory_space<semaphore_mem>>)
      %dma_wait3A = arith.constant 0 : i32
      %dma_wait3A_133 = tpu.memref_slice %arg21[%add3A_105, %dma_wait3A] : memref<10240x128xbf16, #tpu.memory_space<vmem_shared>> -> memref<128x128xbf16, #tpu.memory_space<vmem_shared>>
      %dma_wait3A_134 = arith.constant 0 : i32
      %dma_wait3A_135 = tpu.memref_slice %arg21[%add3A_105, %dma_wait3A_134] : memref<10240x128xbf16, #tpu.memory_space<vmem_shared>> -> memref<128x128xbf16, #tpu.memory_space<vmem_shared>>
      tpu.wait_dma2 semaphore(%run_scoped3A : memref<!tpu.dma_semaphore, #tpu.memory_space<semaphore_mem>>) src(%dma_wait3A_135 : memref<128x128xbf16, #tpu.memory_space<vmem_shared>>) dst(%arg16 : memref<128x128xbf16, #tpu.memory_space<vmem>>)
      tpu.yield
    }) : () -> ()
    %eq3A_106 = arith.constant 0 : i32
    %eq3A_107 = arith.cmpi eq, %arg0, %eq3A_106 : i32
    %convert_element_type3A_108 = arith.extui %eq3A_107 : i1 to i32
    %cond3A_109 = arith.constant 0 : i32
    %cond3A_110 = arith.cmpi ne, %convert_element_type3A_108, %cond3A_109 : i32
    scf.if %cond3A_110 {
      "tpu.region"() ({
        %run_scoped3A = tpu.sem_alloc : memref<!tpu.dma_semaphore, #tpu.memory_space<semaphore_mem>>
        %dma_start3A = arith.constant 0 : i32
        %dma_start3A_130 = tpu.memref_slice %arg7[%add3A_105, %dma_start3A] : memref<10240x128xbf16, #tpu.memory_space<hbm>> -> memref<128x128xbf16, #tpu.memory_space<hbm>>
        %dma_start3A_131 = arith.constant 0 : i32
        %dma_start3A_132 = tpu.memref_slice %arg7[%add3A_105, %dma_start3A_131] : memref<10240x128xbf16, #tpu.memory_space<hbm>> -> memref<128x128xbf16, #tpu.memory_space<hbm>>
        tpu.enqueue_dma source(%arg16 : memref<128x128xbf16, #tpu.memory_space<vmem>>) target(%dma_start3A_132 : memref<128x128xbf16, #tpu.memory_space<hbm>>) target_semaphore(%run_scoped3A : memref<!tpu.dma_semaphore, #tpu.memory_space<semaphore_mem>>)
        %dma_wait3A = arith.constant 0 : i32
        %dma_wait3A_133 = tpu.memref_slice %arg7[%add3A_105, %dma_wait3A] : memref<10240x128xbf16, #tpu.memory_space<hbm>> -> memref<128x128xbf16, #tpu.memory_space<hbm>>
        %dma_wait3A_134 = arith.constant 0 : i32
        %dma_wait3A_135 = tpu.memref_slice %arg7[%add3A_105, %dma_wait3A_134] : memref<10240x128xbf16, #tpu.memory_space<hbm>> -> memref<128x128xbf16, #tpu.memory_space<hbm>>
        tpu.wait_dma2 semaphore(%run_scoped3A : memref<!tpu.dma_semaphore, #tpu.memory_space<semaphore_mem>>) src(%arg16 : memref<128x128xbf16, #tpu.memory_space<vmem>>) dst(%dma_wait3A_135 : memref<128x128xbf16, #tpu.memory_space<hbm>>)
        tpu.yield
      }) : () -> ()
    } else {
    }
    %eq3A_111 = arith.constant 1 : i32
    %eq3A_112 = arith.cmpi eq, %arg0, %eq3A_111 : i32
    %convert_element_type3A_113 = arith.extui %eq3A_112 : i1 to i32
    %cond3A_114 = arith.constant 0 : i32
    %cond3A_115 = arith.cmpi ne, %convert_element_type3A_113, %cond3A_114 : i32
    scf.if %cond3A_115 {
      "tpu.region"() ({
        %run_scoped3A = tpu.sem_alloc : memref<!tpu.dma_semaphore, #tpu.memory_space<semaphore_mem>>
        %dma_start3A = arith.constant 0 : i32
        %dma_start3A_130 = tpu.memref_slice %arg8[%add3A_105, %dma_start3A] : memref<10240x128xbf16, #tpu.memory_space<hbm>> -> memref<128x128xbf16, #tpu.memory_space<hbm>>
        %dma_start3A_131 = arith.constant 0 : i32
        %dma_start3A_132 = tpu.memref_slice %arg8[%add3A_105, %dma_start3A_131] : memref<10240x128xbf16, #tpu.memory_space<hbm>> -> memref<128x128xbf16, #tpu.memory_space<hbm>>
        tpu.enqueue_dma source(%arg16 : memref<128x128xbf16, #tpu.memory_space<vmem>>) target(%dma_start3A_132 : memref<128x128xbf16, #tpu.memory_space<hbm>>) target_semaphore(%run_scoped3A : memref<!tpu.dma_semaphore, #tpu.memory_space<semaphore_mem>>)
        %dma_wait3A = arith.constant 0 : i32
        %dma_wait3A_133 = tpu.memref_slice %arg8[%add3A_105, %dma_wait3A] : memref<10240x128xbf16, #tpu.memory_space<hbm>> -> memref<128x128xbf16, #tpu.memory_space<hbm>>
        %dma_wait3A_134 = arith.constant 0 : i32
        %dma_wait3A_135 = tpu.memref_slice %arg8[%add3A_105, %dma_wait3A_134] : memref<10240x128xbf16, #tpu.memory_space<hbm>> -> memref<128x128xbf16, #tpu.memory_space<hbm>>
        tpu.wait_dma2 semaphore(%run_scoped3A : memref<!tpu.dma_semaphore, #tpu.memory_space<semaphore_mem>>) src(%arg16 : memref<128x128xbf16, #tpu.memory_space<vmem>>) dst(%dma_wait3A_135 : memref<128x128xbf16, #tpu.memory_space<hbm>>)
        tpu.yield
      }) : () -> ()
    } else {
    }
    %mul3A_116 = arith.constant 640 : i32
    %mul3A_117 = arith.muli %arg1, %mul3A_116 : i32
    %add3A_118 = arith.constant 512 : i32
    %add3A_119 = arith.addi %mul3A_117, %add3A_118 : i32
    "tpu.region"() ({
      %run_scoped3A = tpu.sem_alloc : memref<!tpu.dma_semaphore, #tpu.memory_space<semaphore_mem>>
      %dma_start3A = arith.constant 0 : i32
      %dma_start3A_130 = tpu.memref_slice %arg21[%add3A_119, %dma_start3A] : memref<10240x128xbf16, #tpu.memory_space<vmem_shared>> -> memref<128x128xbf16, #tpu.memory_space<vmem_shared>>
      %dma_start3A_131 = arith.constant 0 : i32
      %dma_start3A_132 = tpu.memref_slice %arg21[%add3A_119, %dma_start3A_131] : memref<10240x128xbf16, #tpu.memory_space<vmem_shared>> -> memref<128x128xbf16, #tpu.memory_space<vmem_shared>>
      tpu.enqueue_dma source(%dma_start3A_132 : memref<128x128xbf16, #tpu.memory_space<vmem_shared>>) target(%arg16 : memref<128x128xbf16, #tpu.memory_space<vmem>>) target_semaphore(%run_scoped3A : memref<!tpu.dma_semaphore, #tpu.memory_space<semaphore_mem>>)
      %dma_wait3A = arith.constant 0 : i32
      %dma_wait3A_133 = tpu.memref_slice %arg21[%add3A_119, %dma_wait3A] : memref<10240x128xbf16, #tpu.memory_space<vmem_shared>> -> memref<128x128xbf16, #tpu.memory_space<vmem_shared>>
      %dma_wait3A_134 = arith.constant 0 : i32
      %dma_wait3A_135 = tpu.memref_slice %arg21[%add3A_119, %dma_wait3A_134] : memref<10240x128xbf16, #tpu.memory_space<vmem_shared>> -> memref<128x128xbf16, #tpu.memory_space<vmem_shared>>
      tpu.wait_dma2 semaphore(%run_scoped3A : memref<!tpu.dma_semaphore, #tpu.memory_space<semaphore_mem>>) src(%dma_wait3A_135 : memref<128x128xbf16, #tpu.memory_space<vmem_shared>>) dst(%arg16 : memref<128x128xbf16, #tpu.memory_space<vmem>>)
      tpu.yield
    }) : () -> ()
    %eq3A_120 = arith.constant 0 : i32
    %eq3A_121 = arith.cmpi eq, %arg0, %eq3A_120 : i32
    %convert_element_type3A_122 = arith.extui %eq3A_121 : i1 to i32
    %cond3A_123 = arith.constant 0 : i32
    %cond3A_124 = arith.cmpi ne, %convert_element_type3A_122, %cond3A_123 : i32
    scf.if %cond3A_124 {
      "tpu.region"() ({
        %run_scoped3A = tpu.sem_alloc : memref<!tpu.dma_semaphore, #tpu.memory_space<semaphore_mem>>
        %dma_start3A = arith.constant 0 : i32
        %dma_start3A_130 = tpu.memref_slice %arg7[%add3A_119, %dma_start3A] : memref<10240x128xbf16, #tpu.memory_space<hbm>> -> memref<128x128xbf16, #tpu.memory_space<hbm>>
        %dma_start3A_131 = arith.constant 0 : i32
        %dma_start3A_132 = tpu.memref_slice %arg7[%add3A_119, %dma_start3A_131] : memref<10240x128xbf16, #tpu.memory_space<hbm>> -> memref<128x128xbf16, #tpu.memory_space<hbm>>
        tpu.enqueue_dma source(%arg16 : memref<128x128xbf16, #tpu.memory_space<vmem>>) target(%dma_start3A_132 : memref<128x128xbf16, #tpu.memory_space<hbm>>) target_semaphore(%run_scoped3A : memref<!tpu.dma_semaphore, #tpu.memory_space<semaphore_mem>>)
        %dma_wait3A = arith.constant 0 : i32
        %dma_wait3A_133 = tpu.memref_slice %arg7[%add3A_119, %dma_wait3A] : memref<10240x128xbf16, #tpu.memory_space<hbm>> -> memref<128x128xbf16, #tpu.memory_space<hbm>>
        %dma_wait3A_134 = arith.constant 0 : i32
        %dma_wait3A_135 = tpu.memref_slice %arg7[%add3A_119, %dma_wait3A_134] : memref<10240x128xbf16, #tpu.memory_space<hbm>> -> memref<128x128xbf16, #tpu.memory_space<hbm>>
        tpu.wait_dma2 semaphore(%run_scoped3A : memref<!tpu.dma_semaphore, #tpu.memory_space<semaphore_mem>>) src(%arg16 : memref<128x128xbf16, #tpu.memory_space<vmem>>) dst(%dma_wait3A_135 : memref<128x128xbf16, #tpu.memory_space<hbm>>)
        tpu.yield
      }) : () -> ()
    } else {
    }
    %eq3A_125 = arith.constant 1 : i32
    %eq3A_126 = arith.cmpi eq, %arg0, %eq3A_125 : i32
    %convert_element_type3A_127 = arith.extui %eq3A_126 : i1 to i32
    %cond3A_128 = arith.constant 0 : i32
    %cond3A_129 = arith.cmpi ne, %convert_element_type3A_127, %cond3A_128 : i32
    scf.if %cond3A_129 {
      "tpu.region"() ({
        %run_scoped3A = tpu.sem_alloc : memref<!tpu.dma_semaphore, #tpu.memory_space<semaphore_mem>>
        %dma_start3A = arith.constant 0 : i32
        %dma_start3A_130 = tpu.memref_slice %arg8[%add3A_119, %dma_start3A] : memref<10240x128xbf16, #tpu.memory_space<hbm>> -> memref<128x128xbf16, #tpu.memory_space<hbm>>
        %dma_start3A_131 = arith.constant 0 : i32
        %dma_start3A_132 = tpu.memref_slice %arg8[%add3A_119, %dma_start3A_131] : memref<10240x128xbf16, #tpu.memory_space<hbm>> -> memref<128x128xbf16, #tpu.memory_space<hbm>>
        tpu.enqueue_dma source(%arg16 : memref<128x128xbf16, #tpu.memory_space<vmem>>) target(%dma_start3A_132 : memref<128x128xbf16, #tpu.memory_space<hbm>>) target_semaphore(%run_scoped3A : memref<!tpu.dma_semaphore, #tpu.memory_space<semaphore_mem>>)
        %dma_wait3A = arith.constant 0 : i32
        %dma_wait3A_133 = tpu.memref_slice %arg8[%add3A_119, %dma_wait3A] : memref<10240x128xbf16, #tpu.memory_space<hbm>> -> memref<128x128xbf16, #tpu.memory_space<hbm>>
        %dma_wait3A_134 = arith.constant 0 : i32
        %dma_wait3A_135 = tpu.memref_slice %arg8[%add3A_119, %dma_wait3A_134] : memref<10240x128xbf16, #tpu.memory_space<hbm>> -> memref<128x128xbf16, #tpu.memory_space<hbm>>
        tpu.wait_dma2 semaphore(%run_scoped3A : memref<!tpu.dma_semaphore, #tpu.memory_space<semaphore_mem>>) src(%arg16 : memref<128x128xbf16, #tpu.memory_space<vmem>>) dst(%dma_wait3A_135 : memref<128x128xbf16, #tpu.memory_space<hbm>>)
        tpu.yield
      }) : () -> ()
    } else {
    }
    return
  }
}

#map = affine_map<(d0, d1) -> (0, 0)>
#map1 = affine_map<(d0, d1) -> (0, 0, 0)>
module attributes {stable_mosaic.version = 14 : i64} {
  func.func @_sc_scatter(%arg0: i32, %arg1: i32, %arg2: memref<10240x128xbf16, #tpu.memory_space<hbm>>, %arg3: memref<10240x128xbf16, #tpu.memory_space<hbm>>, %arg4: memref<128x128xbf16, #tpu.memory_space<hbm>>, %arg5: memref<16x80x128xi32, #tpu.memory_space<hbm>>, %arg6: memref<16x80x128xi32, #tpu.memory_space<hbm>>, %arg7: memref<10240x128xbf16, #tpu.memory_space<hbm>>, %arg8: memref<10240x128xbf16, #tpu.memory_space<hbm>>, %arg9: memref<80x128xi32, #tpu.memory_space<vmem>>, %arg10: memref<80x128xi32, #tpu.memory_space<vmem>>, %arg11: memref<128x128xbf16, #tpu.memory_space<vmem>>, %arg12: memref<128x128xbf16, #tpu.memory_space<vmem>>, %arg13: memref<128x128xbf16, #tpu.memory_space<vmem>>, %arg14: memref<128x128xbf16, #tpu.memory_space<vmem>>, %arg15: memref<128x128xbf16, #tpu.memory_space<vmem>>, %arg16: memref<128x128xbf16, #tpu.memory_space<vmem>>, %arg17: memref<!tpu.dma_semaphore, #tpu.memory_space<semaphore_mem>>, %arg18: memref<!tpu.dma_semaphore, #tpu.memory_space<semaphore_mem>>, %arg19: memref<!tpu.dma_semaphore, #tpu.memory_space<semaphore_mem>>, %arg20: memref<!tpu.dma_semaphore, #tpu.memory_space<semaphore_mem>>, %arg21: memref<10240x128xbf16, #tpu.memory_space<vmem_shared>>) attributes {dimension_semantics = [#tpu.dimension_semantics<core_parallel>, #tpu.dimension_semantics<subcore_parallel>], iteration_bounds = array<i64: 2, 16>, scalar_prefetch = 0 : i64, scratch_operands = 13 : i64, tpu.core_type = #tpu.core_type<sc_vector_subcore>, window_params = [{transform_indices = #map}, {transform_indices = #map}, {transform_indices = #map}, {transform_indices = #map1}, {transform_indices = #map1}, {transform_indices = #map}, {transform_indices = #map}]} {
    "tpu.region"() ({
      %run_scoped3A = tpu.sem_alloc : memref<!tpu.dma_semaphore, #tpu.memory_space<semaphore_mem>>
      %dma_start3A = arith.constant 0 : i32
      %dma_start3A_130 = arith.constant 0 : i32
      %dma_start3A_131 = tpu.memref_slice %arg5[%arg1, %dma_start3A, %dma_start3A_130] : memref<16x80x128xi32, #tpu.memory_space<hbm>> -> memref<1x80x128xi32, #tpu.memory_space<hbm>>
      %dma_start3A_132 = tpu.memref_squeeze %dma_start3A_131 : memref<1x80x128xi32, #tpu.memory_space<hbm>> -> memref<80x128xi32, #tpu.memory_space<hbm>>
      %dma_start3A_133 = arith.constant 0 : i32
      %dma_start3A_134 = arith.constant 0 : i32
      %dma_start3A_135 = tpu.memref_slice %arg5[%arg1, %dma_start3A_133, %dma_start3A_134] : memref<16x80x128xi32, #tpu.memory_space<hbm>> -> memref<1x80x128xi32, #tpu.memory_space<hbm>>
      %dma_start3A_136 = tpu.memref_squeeze %dma_start3A_135 : memref<1x80x128xi32, #tpu.memory_space<hbm>> -> memref<80x128xi32, #tpu.memory_space<hbm>>
      tpu.enqueue_dma source(%dma_start3A_136 : memref<80x128xi32, #tpu.memory_space<hbm>>) target(%arg9 : memref<80x128xi32, #tpu.memory_space<vmem>>) target_semaphore(%run_scoped3A : memref<!tpu.dma_semaphore, #tpu.memory_space<semaphore_mem>>)
      %dma_wait3A = arith.constant 0 : i32
      %dma_wait3A_137 = arith.constant 0 : i32
      %dma_wait3A_138 = tpu.memref_slice %arg5[%arg1, %dma_wait3A, %dma_wait3A_137] : memref<16x80x128xi32, #tpu.memory_space<hbm>> -> memref<1x80x128xi32, #tpu.memory_space<hbm>>
      %dma_wait3A_139 = tpu.memref_squeeze %dma_wait3A_138 : memref<1x80x128xi32, #tpu.memory_space<hbm>> -> memref<80x128xi32, #tpu.memory_space<hbm>>
      %dma_wait3A_140 = arith.constant 0 : i32
      %dma_wait3A_141 = arith.constant 0 : i32
      %dma_wait3A_142 = tpu.memref_slice %arg5[%arg1, %dma_wait3A_140, %dma_wait3A_141] : memref<16x80x128xi32, #tpu.memory_space<hbm>> -> memref<1x80x128xi32, #tpu.memory_space<hbm>>
      %dma_wait3A_143 = tpu.memref_squeeze %dma_wait3A_142 : memref<1x80x128xi32, #tpu.memory_space<hbm>> -> memref<80x128xi32, #tpu.memory_space<hbm>>
      tpu.wait_dma2 semaphore(%run_scoped3A : memref<!tpu.dma_semaphore, #tpu.memory_space<semaphore_mem>>) src(%dma_wait3A_143 : memref<80x128xi32, #tpu.memory_space<hbm>>) dst(%arg9 : memref<80x128xi32, #tpu.memory_space<vmem>>)
      tpu.yield
    }) : () -> ()
    "tpu.region"() ({
      %run_scoped3A = tpu.sem_alloc : memref<!tpu.dma_semaphore, #tpu.memory_space<semaphore_mem>>
      %dma_start3A = arith.constant 0 : i32
      %dma_start3A_130 = arith.constant 0 : i32
      %dma_start3A_131 = tpu.memref_slice %arg6[%arg1, %dma_start3A, %dma_start3A_130] : memref<16x80x128xi32, #tpu.memory_space<hbm>> -> memref<1x80x128xi32, #tpu.memory_space<hbm>>
      %dma_start3A_132 = tpu.memref_squeeze %dma_start3A_131 : memref<1x80x128xi32, #tpu.memory_space<hbm>> -> memref<80x128xi32, #tpu.memory_space<hbm>>
      %dma_start3A_133 = arith.constant 0 : i32
      %dma_start3A_134 = arith.constant 0 : i32
      %dma_start3A_135 = tpu.memref_slice %arg6[%arg1, %dma_start3A_133, %dma_start3A_134] : memref<16x80x128xi32, #tpu.memory_space<hbm>> -> memref<1x80x128xi32, #tpu.memory_space<hbm>>
      %dma_start3A_136 = tpu.memref_squeeze %dma_start3A_135 : memref<1x80x128xi32, #tpu.memory_space<hbm>> -> memref<80x128xi32, #tpu.memory_space<hbm>>
      tpu.enqueue_dma source(%dma_start3A_136 : memref<80x128xi32, #tpu.memory_space<hbm>>) target(%arg10 : memref<80x128xi32, #tpu.memory_space<vmem>>) target_semaphore(%run_scoped3A : memref<!tpu.dma_semaphore, #tpu.memory_space<semaphore_mem>>)
      %dma_wait3A = arith.constant 0 : i32
      %dma_wait3A_137 = arith.constant 0 : i32
      %dma_wait3A_138 = tpu.memref_slice %arg6[%arg1, %dma_wait3A, %dma_wait3A_137] : memref<16x80x128xi32, #tpu.memory_space<hbm>> -> memref<1x80x128xi32, #tpu.memory_space<hbm>>
      %dma_wait3A_139 = tpu.memref_squeeze %dma_wait3A_138 : memref<1x80x128xi32, #tpu.memory_space<hbm>> -> memref<80x128xi32, #tpu.memory_space<hbm>>
      %dma_wait3A_140 = arith.constant 0 : i32
      %dma_wait3A_141 = arith.constant 0 : i32
      %dma_wait3A_142 = tpu.memref_slice %arg6[%arg1, %dma_wait3A_140, %dma_wait3A_141] : memref<16x80x128xi32, #tpu.memory_space<hbm>> -> memref<1x80x128xi32, #tpu.memory_space<hbm>>
      %dma_wait3A_143 = tpu.memref_squeeze %dma_wait3A_142 : memref<1x80x128xi32, #tpu.memory_space<hbm>> -> memref<80x128xi32, #tpu.memory_space<hbm>>
      tpu.wait_dma2 semaphore(%run_scoped3A : memref<!tpu.dma_semaphore, #tpu.memory_space<semaphore_mem>>) src(%dma_wait3A_143 : memref<80x128xi32, #tpu.memory_space<hbm>>) dst(%arg10 : memref<80x128xi32, #tpu.memory_space<vmem>>)
      tpu.yield
    }) : () -> ()
    "tpu.region"() ({
      %run_scoped3A = tpu.sem_alloc : memref<!tpu.dma_semaphore, #tpu.memory_space<semaphore_mem>>
      tpu.enqueue_dma source(%arg4 : memref<128x128xbf16, #tpu.memory_space<hbm>>) target(%arg15 : memref<128x128xbf16, #tpu.memory_space<vmem>>) target_semaphore(%run_scoped3A : memref<!tpu.dma_semaphore, #tpu.memory_space<semaphore_mem>>)
      tpu.wait_dma2 semaphore(%run_scoped3A : memref<!tpu.dma_semaphore, #tpu.memory_space<semaphore_mem>>) src(%arg4 : memref<128x128xbf16, #tpu.memory_space<hbm>>) dst(%arg15 : memref<128x128xbf16, #tpu.memory_space<vmem>>)
      tpu.yield
    }) : () -> ()
    %eq3A = arith.constant 0 : i32
    %eq3A_0 = arith.cmpi eq, %arg0, %eq3A : i32
    %convert_element_type3A = arith.extui %eq3A_0 : i1 to i32
    %cond3A = arith.constant 0 : i32
    %cond3A_1 = arith.cmpi ne, %convert_element_type3A, %cond3A : i32
    scf.if %cond3A_1 {
      %dma_start3A = arith.constant 0 : i32
      %dma_start3A_130 = arith.constant 0 : i32
      %dma_start3A_131 = tpu.memref_slice %arg9[%dma_start3A, %dma_start3A_130] : memref<80x128xi32, #tpu.memory_space<vmem>> -> memref<1x128xi32, #tpu.memory_space<vmem>>
      %dma_start3A_132 = tpu.memref_squeeze %dma_start3A_131 : memref<1x128xi32, #tpu.memory_space<vmem>> -> memref<128xi32, #tpu.memory_space<vmem>>
      %dma_start3A_133 = arith.constant 0 : i32
      %dma_start3A_134 = arith.constant 0 : i32
      %dma_start3A_135 = tpu.memref_slice %arg2[%dma_start3A_133, %dma_start3A_134] : memref<10240x128xbf16, #tpu.memory_space<hbm>> -> memref<10240x128xbf16, #tpu.memory_space<hbm>>
      tpu.enqueue_indirect_dma source(%dma_start3A_135 : memref<10240x128xbf16, #tpu.memory_space<hbm>>) target(%arg11 : memref<128x128xbf16, #tpu.memory_space<vmem>>) offsets(%dma_start3A_132 : memref<128xi32, #tpu.memory_space<vmem>>) semaphore(%arg17 : memref<!tpu.dma_semaphore, #tpu.memory_space<semaphore_mem>>)
    } else {
    }
    %eq3A_2 = arith.constant 1 : i32
    %eq3A_3 = arith.cmpi eq, %arg0, %eq3A_2 : i32
    %convert_element_type3A_4 = arith.extui %eq3A_3 : i1 to i32
    %cond3A_5 = arith.constant 0 : i32
    %cond3A_6 = arith.cmpi ne, %convert_element_type3A_4, %cond3A_5 : i32
    scf.if %cond3A_6 {
      %dma_start3A = arith.constant 0 : i32
      %dma_start3A_130 = arith.constant 0 : i32
      %dma_start3A_131 = tpu.memref_slice %arg9[%dma_start3A, %dma_start3A_130] : memref<80x128xi32, #tpu.memory_space<vmem>> -> memref<1x128xi32, #tpu.memory_space<vmem>>
      %dma_start3A_132 = tpu.memref_squeeze %dma_start3A_131 : memref<1x128xi32, #tpu.memory_space<vmem>> -> memref<128xi32, #tpu.memory_space<vmem>>
      %dma_start3A_133 = arith.constant 0 : i32
      %dma_start3A_134 = arith.constant 0 : i32
      %dma_start3A_135 = tpu.memref_slice %arg3[%dma_start3A_133, %dma_start3A_134] : memref<10240x128xbf16, #tpu.memory_space<hbm>> -> memref<10240x128xbf16, #tpu.memory_space<hbm>>
      tpu.enqueue_indirect_dma source(%dma_start3A_135 : memref<10240x128xbf16, #tpu.memory_space<hbm>>) target(%arg11 : memref<128x128xbf16, #tpu.memory_space<vmem>>) offsets(%dma_start3A_132 : memref<128xi32, #tpu.memory_space<vmem>>) semaphore(%arg17 : memref<!tpu.dma_semaphore, #tpu.memory_space<semaphore_mem>>)
    } else {
    }
    %eq3A_7 = arith.constant 0 : i32
    %eq3A_8 = arith.cmpi eq, %arg0, %eq3A_7 : i32
    %convert_element_type3A_9 = arith.extui %eq3A_8 : i1 to i32
    %cond3A_10 = arith.constant 0 : i32
    %cond3A_11 = arith.cmpi ne, %convert_element_type3A_9, %cond3A_10 : i32
    scf.if %cond3A_11 {
      %dma_start3A = arith.constant 1 : i32
      %dma_start3A_130 = arith.constant 0 : i32
      %dma_start3A_131 = tpu.memref_slice %arg9[%dma_start3A, %dma_start3A_130] : memref<80x128xi32, #tpu.memory_space<vmem>> -> memref<1x128xi32, #tpu.memory_space<vmem>>
      %dma_start3A_132 = tpu.memref_squeeze %dma_start3A_131 : memref<1x128xi32, #tpu.memory_space<vmem>> -> memref<128xi32, #tpu.memory_space<vmem>>
      %dma_start3A_133 = arith.constant 0 : i32
      %dma_start3A_134 = arith.constant 0 : i32
      %dma_start3A_135 = tpu.memref_slice %arg2[%dma_start3A_133, %dma_start3A_134] : memref<10240x128xbf16, #tpu.memory_space<hbm>> -> memref<10240x128xbf16, #tpu.memory_space<hbm>>
      tpu.enqueue_indirect_dma source(%dma_start3A_135 : memref<10240x128xbf16, #tpu.memory_space<hbm>>) target(%arg12 : memref<128x128xbf16, #tpu.memory_space<vmem>>) offsets(%dma_start3A_132 : memref<128xi32, #tpu.memory_space<vmem>>) semaphore(%arg18 : memref<!tpu.dma_semaphore, #tpu.memory_space<semaphore_mem>>)
    } else {
    }
    %eq3A_12 = arith.constant 1 : i32
    %eq3A_13 = arith.cmpi eq, %arg0, %eq3A_12 : i32
    %convert_element_type3A_14 = arith.extui %eq3A_13 : i1 to i32
    %cond3A_15 = arith.constant 0 : i32
    %cond3A_16 = arith.cmpi ne, %convert_element_type3A_14, %cond3A_15 : i32
    scf.if %cond3A_16 {
      %dma_start3A = arith.constant 1 : i32
      %dma_start3A_130 = arith.constant 0 : i32
      %dma_start3A_131 = tpu.memref_slice %arg9[%dma_start3A, %dma_start3A_130] : memref<80x128xi32, #tpu.memory_space<vmem>> -> memref<1x128xi32, #tpu.memory_space<vmem>>
      %dma_start3A_132 = tpu.memref_squeeze %dma_start3A_131 : memref<1x128xi32, #tpu.memory_space<vmem>> -> memref<128xi32, #tpu.memory_space<vmem>>
      %dma_start3A_133 = arith.constant 0 : i32
      %dma_start3A_134 = arith.constant 0 : i32
      %dma_start3A_135 = tpu.memref_slice %arg3[%dma_start3A_133, %dma_start3A_134] : memref<10240x128xbf16, #tpu.memory_space<hbm>> -> memref<10240x128xbf16, #tpu.memory_space<hbm>>
      tpu.enqueue_indirect_dma source(%dma_start3A_135 : memref<10240x128xbf16, #tpu.memory_space<hbm>>) target(%arg12 : memref<128x128xbf16, #tpu.memory_space<vmem>>) offsets(%dma_start3A_132 : memref<128xi32, #tpu.memory_space<vmem>>) semaphore(%arg18 : memref<!tpu.dma_semaphore, #tpu.memory_space<semaphore_mem>>)
    } else {
    }
    %eq3A_17 = arith.constant 0 : i32
    %eq3A_18 = arith.cmpi eq, %arg0, %eq3A_17 : i32
    %convert_element_type3A_19 = arith.extui %eq3A_18 : i1 to i32
    %cond3A_20 = arith.constant 0 : i32
    %cond3A_21 = arith.cmpi ne, %convert_element_type3A_19, %cond3A_20 : i32
    scf.if %cond3A_21 {
      %dma_start3A = arith.constant 2 : i32
      %dma_start3A_130 = arith.constant 0 : i32
      %dma_start3A_131 = tpu.memref_slice %arg9[%dma_start3A, %dma_start3A_130] : memref<80x128xi32, #tpu.memory_space<vmem>> -> memref<1x128xi32, #tpu.memory_space<vmem>>
      %dma_start3A_132 = tpu.memref_squeeze %dma_start3A_131 : memref<1x128xi32, #tpu.memory_space<vmem>> -> memref<128xi32, #tpu.memory_space<vmem>>
      %dma_start3A_133 = arith.constant 0 : i32
      %dma_start3A_134 = arith.constant 0 : i32
      %dma_start3A_135 = tpu.memref_slice %arg2[%dma_start3A_133, %dma_start3A_134] : memref<10240x128xbf16, #tpu.memory_space<hbm>> -> memref<10240x128xbf16, #tpu.memory_space<hbm>>
      tpu.enqueue_indirect_dma source(%dma_start3A_135 : memref<10240x128xbf16, #tpu.memory_space<hbm>>) target(%arg13 : memref<128x128xbf16, #tpu.memory_space<vmem>>) offsets(%dma_start3A_132 : memref<128xi32, #tpu.memory_space<vmem>>) semaphore(%arg19 : memref<!tpu.dma_semaphore, #tpu.memory_space<semaphore_mem>>)
    } else {
    }
    %eq3A_22 = arith.constant 1 : i32
    %eq3A_23 = arith.cmpi eq, %arg0, %eq3A_22 : i32
    %convert_element_type3A_24 = arith.extui %eq3A_23 : i1 to i32
    %cond3A_25 = arith.constant 0 : i32
    %cond3A_26 = arith.cmpi ne, %convert_element_type3A_24, %cond3A_25 : i32
    scf.if %cond3A_26 {
      %dma_start3A = arith.constant 2 : i32
      %dma_start3A_130 = arith.constant 0 : i32
      %dma_start3A_131 = tpu.memref_slice %arg9[%dma_start3A, %dma_start3A_130] : memref<80x128xi32, #tpu.memory_space<vmem>> -> memref<1x128xi32, #tpu.memory_space<vmem>>
      %dma_start3A_132 = tpu.memref_squeeze %dma_start3A_131 : memref<1x128xi32, #tpu.memory_space<vmem>> -> memref<128xi32, #tpu.memory_space<vmem>>
      %dma_start3A_133 = arith.constant 0 : i32
      %dma_start3A_134 = arith.constant 0 : i32
      %dma_start3A_135 = tpu.memref_slice %arg3[%dma_start3A_133, %dma_start3A_134] : memref<10240x128xbf16, #tpu.memory_space<hbm>> -> memref<10240x128xbf16, #tpu.memory_space<hbm>>
      tpu.enqueue_indirect_dma source(%dma_start3A_135 : memref<10240x128xbf16, #tpu.memory_space<hbm>>) target(%arg13 : memref<128x128xbf16, #tpu.memory_space<vmem>>) offsets(%dma_start3A_132 : memref<128xi32, #tpu.memory_space<vmem>>) semaphore(%arg19 : memref<!tpu.dma_semaphore, #tpu.memory_space<semaphore_mem>>)
    } else {
    }
    %eq3A_27 = arith.constant 0 : i32
    %eq3A_28 = arith.cmpi eq, %arg0, %eq3A_27 : i32
    %convert_element_type3A_29 = arith.extui %eq3A_28 : i1 to i32
    %cond3A_30 = arith.constant 0 : i32
    %cond3A_31 = arith.cmpi ne, %convert_element_type3A_29, %cond3A_30 : i32
    scf.if %cond3A_31 {
      %dma_start3A = arith.constant 3 : i32
      %dma_start3A_130 = arith.constant 0 : i32
      %dma_start3A_131 = tpu.memref_slice %arg9[%dma_start3A, %dma_start3A_130] : memref<80x128xi32, #tpu.memory_space<vmem>> -> memref<1x128xi32, #tpu.memory_space<vmem>>
      %dma_start3A_132 = tpu.memref_squeeze %dma_start3A_131 : memref<1x128xi32, #tpu.memory_space<vmem>> -> memref<128xi32, #tpu.memory_space<vmem>>
      %dma_start3A_133 = arith.constant 0 : i32
      %dma_start3A_134 = arith.constant 0 : i32
      %dma_start3A_135 = tpu.memref_slice %arg2[%dma_start3A_133, %dma_start3A_134] : memref<10240x128xbf16, #tpu.memory_space<hbm>> -> memref<10240x128xbf16, #tpu.memory_space<hbm>>
      tpu.enqueue_indirect_dma source(%dma_start3A_135 : memref<10240x128xbf16, #tpu.memory_space<hbm>>) target(%arg14 : memref<128x128xbf16, #tpu.memory_space<vmem>>) offsets(%dma_start3A_132 : memref<128xi32, #tpu.memory_space<vmem>>) semaphore(%arg20 : memref<!tpu.dma_semaphore, #tpu.memory_space<semaphore_mem>>)
    } else {
    }
    %eq3A_32 = arith.constant 1 : i32
    %eq3A_33 = arith.cmpi eq, %arg0, %eq3A_32 : i32
    %convert_element_type3A_34 = arith.extui %eq3A_33 : i1 to i32
    %cond3A_35 = arith.constant 0 : i32
    %cond3A_36 = arith.cmpi ne, %convert_element_type3A_34, %cond3A_35 : i32
    scf.if %cond3A_36 {
      %dma_start3A = arith.constant 3 : i32
      %dma_start3A_130 = arith.constant 0 : i32
      %dma_start3A_131 = tpu.memref_slice %arg9[%dma_start3A, %dma_start3A_130] : memref<80x128xi32, #tpu.memory_space<vmem>> -> memref<1x128xi32, #tpu.memory_space<vmem>>
      %dma_start3A_132 = tpu.memref_squeeze %dma_start3A_131 : memref<1x128xi32, #tpu.memory_space<vmem>> -> memref<128xi32, #tpu.memory_space<vmem>>
      %dma_start3A_133 = arith.constant 0 : i32
      %dma_start3A_134 = arith.constant 0 : i32
      %dma_start3A_135 = tpu.memref_slice %arg3[%dma_start3A_133, %dma_start3A_134] : memref<10240x128xbf16, #tpu.memory_space<hbm>> -> memref<10240x128xbf16, #tpu.memory_space<hbm>>
      tpu.enqueue_indirect_dma source(%dma_start3A_135 : memref<10240x128xbf16, #tpu.memory_space<hbm>>) target(%arg14 : memref<128x128xbf16, #tpu.memory_space<vmem>>) offsets(%dma_start3A_132 : memref<128xi32, #tpu.memory_space<vmem>>) semaphore(%arg20 : memref<!tpu.dma_semaphore, #tpu.memory_space<semaphore_mem>>)
    } else {
    }
    %mul3A = arith.constant 640 : i32
    %mul3A_37 = arith.muli %arg1, %mul3A : i32
    %add3A = arith.constant 0 : i32
    %add3A_38 = arith.addi %mul3A_37, %add3A : i32
    "tpu.region"() ({
      %run_scoped3A = tpu.sem_alloc : memref<!tpu.dma_semaphore, #tpu.memory_space<semaphore_mem>>
      %dma_start3A = arith.constant 0 : i32
      %dma_start3A_130 = tpu.memref_slice %arg21[%add3A_38, %dma_start3A] : memref<10240x128xbf16, #tpu.memory_space<vmem_shared>> -> memref<128x128xbf16, #tpu.memory_space<vmem_shared>>
      %dma_start3A_131 = arith.constant 0 : i32
      %dma_start3A_132 = tpu.memref_slice %arg21[%add3A_38, %dma_start3A_131] : memref<10240x128xbf16, #tpu.memory_space<vmem_shared>> -> memref<128x128xbf16, #tpu.memory_space<vmem_shared>>
      tpu.enqueue_dma source(%arg15 : memref<128x128xbf16, #tpu.memory_space<vmem>>) target(%dma_start3A_132 : memref<128x128xbf16, #tpu.memory_space<vmem_shared>>) target_semaphore(%run_scoped3A : memref<!tpu.dma_semaphore, #tpu.memory_space<semaphore_mem>>)
      %dma_wait3A = arith.constant 0 : i32
      %dma_wait3A_133 = tpu.memref_slice %arg21[%add3A_38, %dma_wait3A] : memref<10240x128xbf16, #tpu.memory_space<vmem_shared>> -> memref<128x128xbf16, #tpu.memory_space<vmem_shared>>
      %dma_wait3A_134 = arith.constant 0 : i32
      %dma_wait3A_135 = tpu.memref_slice %arg21[%add3A_38, %dma_wait3A_134] : memref<10240x128xbf16, #tpu.memory_space<vmem_shared>> -> memref<128x128xbf16, #tpu.memory_space<vmem_shared>>
      tpu.wait_dma2 semaphore(%run_scoped3A : memref<!tpu.dma_semaphore, #tpu.memory_space<semaphore_mem>>) src(%arg15 : memref<128x128xbf16, #tpu.memory_space<vmem>>) dst(%dma_wait3A_135 : memref<128x128xbf16, #tpu.memory_space<vmem_shared>>)
      tpu.yield
    }) : () -> ()
    %mul3A_39 = arith.constant 640 : i32
    %mul3A_40 = arith.muli %arg1, %mul3A_39 : i32
    %add3A_41 = arith.constant 128 : i32
    %add3A_42 = arith.addi %mul3A_40, %add3A_41 : i32
    "tpu.region"() ({
      %run_scoped3A = tpu.sem_alloc : memref<!tpu.dma_semaphore, #tpu.memory_space<semaphore_mem>>
      %dma_start3A = arith.constant 0 : i32
      %dma_start3A_130 = tpu.memref_slice %arg21[%add3A_42, %dma_start3A] : memref<10240x128xbf16, #tpu.memory_space<vmem_shared>> -> memref<128x128xbf16, #tpu.memory_space<vmem_shared>>
      %dma_start3A_131 = arith.constant 0 : i32
      %dma_start3A_132 = tpu.memref_slice %arg21[%add3A_42, %dma_start3A_131] : memref<10240x128xbf16, #tpu.memory_space<vmem_shared>> -> memref<128x128xbf16, #tpu.memory_space<vmem_shared>>
      tpu.enqueue_dma source(%arg15 : memref<128x128xbf16, #tpu.memory_space<vmem>>) target(%dma_start3A_132 : memref<128x128xbf16, #tpu.memory_space<vmem_shared>>) target_semaphore(%run_scoped3A : memref<!tpu.dma_semaphore, #tpu.memory_space<semaphore_mem>>)
      %dma_wait3A = arith.constant 0 : i32
      %dma_wait3A_133 = tpu.memref_slice %arg21[%add3A_42, %dma_wait3A] : memref<10240x128xbf16, #tpu.memory_space<vmem_shared>> -> memref<128x128xbf16, #tpu.memory_space<vmem_shared>>
      %dma_wait3A_134 = arith.constant 0 : i32
      %dma_wait3A_135 = tpu.memref_slice %arg21[%add3A_42, %dma_wait3A_134] : memref<10240x128xbf16, #tpu.memory_space<vmem_shared>> -> memref<128x128xbf16, #tpu.memory_space<vmem_shared>>
      tpu.wait_dma2 semaphore(%run_scoped3A : memref<!tpu.dma_semaphore, #tpu.memory_space<semaphore_mem>>) src(%arg15 : memref<128x128xbf16, #tpu.memory_space<vmem>>) dst(%dma_wait3A_135 : memref<128x128xbf16, #tpu.memory_space<vmem_shared>>)
      tpu.yield
    }) : () -> ()
    %mul3A_43 = arith.constant 640 : i32
    %mul3A_44 = arith.muli %arg1, %mul3A_43 : i32
    %add3A_45 = arith.constant 256 : i32
    %add3A_46 = arith.addi %mul3A_44, %add3A_45 : i32
    "tpu.region"() ({
      %run_scoped3A = tpu.sem_alloc : memref<!tpu.dma_semaphore, #tpu.memory_space<semaphore_mem>>
      %dma_start3A = arith.constant 0 : i32
      %dma_start3A_130 = tpu.memref_slice %arg21[%add3A_46, %dma_start3A] : memref<10240x128xbf16, #tpu.memory_space<vmem_shared>> -> memref<128x128xbf16, #tpu.memory_space<vmem_shared>>
      %dma_start3A_131 = arith.constant 0 : i32
      %dma_start3A_132 = tpu.memref_slice %arg21[%add3A_46, %dma_start3A_131] : memref<10240x128xbf16, #tpu.memory_space<vmem_shared>> -> memref<128x128xbf16, #tpu.memory_space<vmem_shared>>
      tpu.enqueue_dma source(%arg15 : memref<128x128xbf16, #tpu.memory_space<vmem>>) target(%dma_start3A_132 : memref<128x128xbf16, #tpu.memory_space<vmem_shared>>) target_semaphore(%run_scoped3A : memref<!tpu.dma_semaphore, #tpu.memory_space<semaphore_mem>>)
      %dma_wait3A = arith.constant 0 : i32
      %dma_wait3A_133 = tpu.memref_slice %arg21[%add3A_46, %dma_wait3A] : memref<10240x128xbf16, #tpu.memory_space<vmem_shared>> -> memref<128x128xbf16, #tpu.memory_space<vmem_shared>>
      %dma_wait3A_134 = arith.constant 0 : i32
      %dma_wait3A_135 = tpu.memref_slice %arg21[%add3A_46, %dma_wait3A_134] : memref<10240x128xbf16, #tpu.memory_space<vmem_shared>> -> memref<128x128xbf16, #tpu.memory_space<vmem_shared>>
      tpu.wait_dma2 semaphore(%run_scoped3A : memref<!tpu.dma_semaphore, #tpu.memory_space<semaphore_mem>>) src(%arg15 : memref<128x128xbf16, #tpu.memory_space<vmem>>) dst(%dma_wait3A_135 : memref<128x128xbf16, #tpu.memory_space<vmem_shared>>)
      tpu.yield
    }) : () -> ()
    %mul3A_47 = arith.constant 640 : i32
    %mul3A_48 = arith.muli %arg1, %mul3A_47 : i32
    %add3A_49 = arith.constant 384 : i32
    %add3A_50 = arith.addi %mul3A_48, %add3A_49 : i32
    "tpu.region"() ({
      %run_scoped3A = tpu.sem_alloc : memref<!tpu.dma_semaphore, #tpu.memory_space<semaphore_mem>>
      %dma_start3A = arith.constant 0 : i32
      %dma_start3A_130 = tpu.memref_slice %arg21[%add3A_50, %dma_start3A] : memref<10240x128xbf16, #tpu.memory_space<vmem_shared>> -> memref<128x128xbf16, #tpu.memory_space<vmem_shared>>
      %dma_start3A_131 = arith.constant 0 : i32
      %dma_start3A_132 = tpu.memref_slice %arg21[%add3A_50, %dma_start3A_131] : memref<10240x128xbf16, #tpu.memory_space<vmem_shared>> -> memref<128x128xbf16, #tpu.memory_space<vmem_shared>>
      tpu.enqueue_dma source(%arg15 : memref<128x128xbf16, #tpu.memory_space<vmem>>) target(%dma_start3A_132 : memref<128x128xbf16, #tpu.memory_space<vmem_shared>>) target_semaphore(%run_scoped3A : memref<!tpu.dma_semaphore, #tpu.memory_space<semaphore_mem>>)
      %dma_wait3A = arith.constant 0 : i32
      %dma_wait3A_133 = tpu.memref_slice %arg21[%add3A_50, %dma_wait3A] : memref<10240x128xbf16, #tpu.memory_space<vmem_shared>> -> memref<128x128xbf16, #tpu.memory_space<vmem_shared>>
      %dma_wait3A_134 = arith.constant 0 : i32
      %dma_wait3A_135 = tpu.memref_slice %arg21[%add3A_50, %dma_wait3A_134] : memref<10240x128xbf16, #tpu.memory_space<vmem_shared>> -> memref<128x128xbf16, #tpu.memory_space<vmem_shared>>
      tpu.wait_dma2 semaphore(%run_scoped3A : memref<!tpu.dma_semaphore, #tpu.memory_space<semaphore_mem>>) src(%arg15 : memref<128x128xbf16, #tpu.memory_space<vmem>>) dst(%dma_wait3A_135 : memref<128x128xbf16, #tpu.memory_space<vmem_shared>>)
      tpu.yield
    }) : () -> ()
    %mul3A_51 = arith.constant 640 : i32
    %mul3A_52 = arith.muli %arg1, %mul3A_51 : i32
    %add3A_53 = arith.constant 512 : i32
    %add3A_54 = arith.addi %mul3A_52, %add3A_53 : i32
    "tpu.region"() ({
      %run_scoped3A = tpu.sem_alloc : memref<!tpu.dma_semaphore, #tpu.memory_space<semaphore_mem>>
      %dma_start3A = arith.constant 0 : i32
      %dma_start3A_130 = tpu.memref_slice %arg21[%add3A_54, %dma_start3A] : memref<10240x128xbf16, #tpu.memory_space<vmem_shared>> -> memref<128x128xbf16, #tpu.memory_space<vmem_shared>>
      %dma_start3A_131 = arith.constant 0 : i32
      %dma_start3A_132 = tpu.memref_slice %arg21[%add3A_54, %dma_start3A_131] : memref<10240x128xbf16, #tpu.memory_space<vmem_shared>> -> memref<128x128xbf16, #tpu.memory_space<vmem_shared>>
      tpu.enqueue_dma source(%arg15 : memref<128x128xbf16, #tpu.memory_space<vmem>>) target(%dma_start3A_132 : memref<128x128xbf16, #tpu.memory_space<vmem_shared>>) target_semaphore(%run_scoped3A : memref<!tpu.dma_semaphore, #tpu.memory_space<semaphore_mem>>)
      %dma_wait3A = arith.constant 0 : i32
      %dma_wait3A_133 = tpu.memref_slice %arg21[%add3A_54, %dma_wait3A] : memref<10240x128xbf16, #tpu.memory_space<vmem_shared>> -> memref<128x128xbf16, #tpu.memory_space<vmem_shared>>
      %dma_wait3A_134 = arith.constant 0 : i32
      %dma_wait3A_135 = tpu.memref_slice %arg21[%add3A_54, %dma_wait3A_134] : memref<10240x128xbf16, #tpu.memory_space<vmem_shared>> -> memref<128x128xbf16, #tpu.memory_space<vmem_shared>>
      tpu.wait_dma2 semaphore(%run_scoped3A : memref<!tpu.dma_semaphore, #tpu.memory_space<semaphore_mem>>) src(%arg15 : memref<128x128xbf16, #tpu.memory_space<vmem>>) dst(%dma_wait3A_135 : memref<128x128xbf16, #tpu.memory_space<vmem_shared>>)
      tpu.yield
    }) : () -> ()
    %barrier3A = arith.constant 0 : index
    tpu.barrier barrier_id(%barrier3A)
    %scan3A = arith.constant 0 : i32
    %scan3A_55 = arith.constant 20 : i32
    %scan3A_56 = arith.addi %scan3A, %scan3A_55 : i32
    %scan3A_57 = arith.constant 1 : i32
    scf.for %scan3A_130 = %scan3A to %scan3A_56 step %scan3A_57  : i32 {
      %mul3A_131 = arith.constant 4 : i32
      %mul3A_132 = arith.muli %mul3A_131, %scan3A_130 : i32
      %add3A_133 = arith.constant 0 : i32
      %add3A_134 = arith.addi %mul3A_132, %add3A_133 : i32
      %dma_wait3A = arith.constant 0 : i32
      %dma_wait3A_135 = tpu.memref_slice %arg9[%add3A_134, %dma_wait3A] : memref<80x128xi32, #tpu.memory_space<vmem>> -> memref<1x128xi32, #tpu.memory_space<vmem>>
      %dma_wait3A_136 = tpu.memref_squeeze %dma_wait3A_135 : memref<1x128xi32, #tpu.memory_space<vmem>> -> memref<128xi32, #tpu.memory_space<vmem>>
      %dma_wait3A_137 = arith.constant 0 : i32
      %dma_wait3A_138 = arith.constant 0 : i32
      %dma_wait3A_139 = tpu.memref_slice %arg2[%dma_wait3A_137, %dma_wait3A_138] : memref<10240x128xbf16, #tpu.memory_space<hbm>> -> memref<10240x128xbf16, #tpu.memory_space<hbm>>
      tpu.wait_indirect_dma semaphore(%arg17 : memref<!tpu.dma_semaphore, #tpu.memory_space<semaphore_mem>>) src(%dma_wait3A_139 : memref<10240x128xbf16, #tpu.memory_space<hbm>>) dst(%arg11 : memref<128x128xbf16, #tpu.memory_space<vmem>>)
      "tpu.region"() ({
        %run_scoped3A = tpu.sem_alloc : memref<!tpu.dma_semaphore, #tpu.memory_space<semaphore_mem>>
        %dma_start3A = arith.constant 0 : i32
        %dma_start3A_197 = tpu.memref_slice %arg10[%add3A_134, %dma_start3A] : memref<80x128xi32, #tpu.memory_space<vmem>> -> memref<1x128xi32, #tpu.memory_space<vmem>>
        %dma_start3A_198 = tpu.memref_squeeze %dma_start3A_197 : memref<1x128xi32, #tpu.memory_space<vmem>> -> memref<128xi32, #tpu.memory_space<vmem>>
        %dma_start3A_199 = arith.constant 0 : i32
        %dma_start3A_200 = arith.constant 0 : i32
        %dma_start3A_201 = tpu.memref_slice %arg21[%dma_start3A_199, %dma_start3A_200] : memref<10240x128xbf16, #tpu.memory_space<vmem_shared>> -> memref<10240x128xbf16, #tpu.memory_space<vmem_shared>>
        tpu.enqueue_indirect_dma source(%arg11 : memref<128x128xbf16, #tpu.memory_space<vmem>>) target(%dma_start3A_201 : memref<10240x128xbf16, #tpu.memory_space<vmem_shared>>) offsets(%dma_start3A_198 : memref<128xi32, #tpu.memory_space<vmem>>) semaphore(%run_scoped3A : memref<!tpu.dma_semaphore, #tpu.memory_space<semaphore_mem>>) {add = true}
        %dma_wait3A_202 = arith.constant 0 : i32
        %dma_wait3A_203 = tpu.memref_slice %arg10[%add3A_134, %dma_wait3A_202] : memref<80x128xi32, #tpu.memory_space<vmem>> -> memref<1x128xi32, #tpu.memory_space<vmem>>
        %dma_wait3A_204 = tpu.memref_squeeze %dma_wait3A_203 : memref<1x128xi32, #tpu.memory_space<vmem>> -> memref<128xi32, #tpu.memory_space<vmem>>
        %dma_wait3A_205 = arith.constant 0 : i32
        %dma_wait3A_206 = arith.constant 0 : i32
        %dma_wait3A_207 = tpu.memref_slice %arg21[%dma_wait3A_205, %dma_wait3A_206] : memref<10240x128xbf16, #tpu.memory_space<vmem_shared>> -> memref<10240x128xbf16, #tpu.memory_space<vmem_shared>>
        tpu.wait_indirect_dma semaphore(%run_scoped3A : memref<!tpu.dma_semaphore, #tpu.memory_space<semaphore_mem>>) src(%arg11 : memref<128x128xbf16, #tpu.memory_space<vmem>>) dst(%dma_wait3A_207 : memref<10240x128xbf16, #tpu.memory_space<vmem_shared>>)
        tpu.yield
      }) : () -> ()
      %add3A_140 = arith.constant 4 : i32
      %add3A_141 = arith.addi %add3A_134, %add3A_140 : i32
      %lt3A = arith.constant 80 : i32
      %lt3A_142 = arith.cmpi slt, %add3A_141, %lt3A : i32
      %convert_element_type3A_143 = arith.extui %lt3A_142 : i1 to i32
      %cond3A_144 = arith.constant 0 : i32
      %cond3A_145 = arith.cmpi ne, %convert_element_type3A_143, %cond3A_144 : i32
      scf.if %cond3A_145 {
        %add3A_197 = arith.constant 4 : i32
        %add3A_198 = arith.addi %add3A_134, %add3A_197 : i32
        %eq3A_199 = arith.constant 0 : i32
        %eq3A_200 = arith.cmpi eq, %arg0, %eq3A_199 : i32
        %convert_element_type3A_201 = arith.extui %eq3A_200 : i1 to i32
        %cond3A_202 = arith.constant 0 : i32
        %cond3A_203 = arith.cmpi ne, %convert_element_type3A_201, %cond3A_202 : i32
        scf.if %cond3A_203 {
          %dma_start3A = arith.constant 0 : i32
          %dma_start3A_209 = tpu.memref_slice %arg9[%add3A_198, %dma_start3A] : memref<80x128xi32, #tpu.memory_space<vmem>> -> memref<1x128xi32, #tpu.memory_space<vmem>>
          %dma_start3A_210 = tpu.memref_squeeze %dma_start3A_209 : memref<1x128xi32, #tpu.memory_space<vmem>> -> memref<128xi32, #tpu.memory_space<vmem>>
          %dma_start3A_211 = arith.constant 0 : i32
          %dma_start3A_212 = arith.constant 0 : i32
          %dma_start3A_213 = tpu.memref_slice %arg2[%dma_start3A_211, %dma_start3A_212] : memref<10240x128xbf16, #tpu.memory_space<hbm>> -> memref<10240x128xbf16, #tpu.memory_space<hbm>>
          tpu.enqueue_indirect_dma source(%dma_start3A_213 : memref<10240x128xbf16, #tpu.memory_space<hbm>>) target(%arg11 : memref<128x128xbf16, #tpu.memory_space<vmem>>) offsets(%dma_start3A_210 : memref<128xi32, #tpu.memory_space<vmem>>) semaphore(%arg17 : memref<!tpu.dma_semaphore, #tpu.memory_space<semaphore_mem>>)
        } else {
        }
        %eq3A_204 = arith.constant 1 : i32
        %eq3A_205 = arith.cmpi eq, %arg0, %eq3A_204 : i32
        %convert_element_type3A_206 = arith.extui %eq3A_205 : i1 to i32
        %cond3A_207 = arith.constant 0 : i32
        %cond3A_208 = arith.cmpi ne, %convert_element_type3A_206, %cond3A_207 : i32
        scf.if %cond3A_208 {
          %dma_start3A = arith.constant 0 : i32
          %dma_start3A_209 = tpu.memref_slice %arg9[%add3A_198, %dma_start3A] : memref<80x128xi32, #tpu.memory_space<vmem>> -> memref<1x128xi32, #tpu.memory_space<vmem>>
          %dma_start3A_210 = tpu.memref_squeeze %dma_start3A_209 : memref<1x128xi32, #tpu.memory_space<vmem>> -> memref<128xi32, #tpu.memory_space<vmem>>
          %dma_start3A_211 = arith.constant 0 : i32
          %dma_start3A_212 = arith.constant 0 : i32
          %dma_start3A_213 = tpu.memref_slice %arg3[%dma_start3A_211, %dma_start3A_212] : memref<10240x128xbf16, #tpu.memory_space<hbm>> -> memref<10240x128xbf16, #tpu.memory_space<hbm>>
          tpu.enqueue_indirect_dma source(%dma_start3A_213 : memref<10240x128xbf16, #tpu.memory_space<hbm>>) target(%arg11 : memref<128x128xbf16, #tpu.memory_space<vmem>>) offsets(%dma_start3A_210 : memref<128xi32, #tpu.memory_space<vmem>>) semaphore(%arg17 : memref<!tpu.dma_semaphore, #tpu.memory_space<semaphore_mem>>)
        } else {
        }
      } else {
      }
      %mul3A_146 = arith.constant 4 : i32
      %mul3A_147 = arith.muli %mul3A_146, %scan3A_130 : i32
      %add3A_148 = arith.constant 1 : i32
      %add3A_149 = arith.addi %mul3A_147, %add3A_148 : i32
      %dma_wait3A_150 = arith.constant 0 : i32
      %dma_wait3A_151 = tpu.memref_slice %arg9[%add3A_149, %dma_wait3A_150] : memref<80x128xi32, #tpu.memory_space<vmem>> -> memref<1x128xi32, #tpu.memory_space<vmem>>
      %dma_wait3A_152 = tpu.memref_squeeze %dma_wait3A_151 : memref<1x128xi32, #tpu.memory_space<vmem>> -> memref<128xi32, #tpu.memory_space<vmem>>
      %dma_wait3A_153 = arith.constant 0 : i32
      %dma_wait3A_154 = arith.constant 0 : i32
      %dma_wait3A_155 = tpu.memref_slice %arg2[%dma_wait3A_153, %dma_wait3A_154] : memref<10240x128xbf16, #tpu.memory_space<hbm>> -> memref<10240x128xbf16, #tpu.memory_space<hbm>>
      tpu.wait_indirect_dma semaphore(%arg18 : memref<!tpu.dma_semaphore, #tpu.memory_space<semaphore_mem>>) src(%dma_wait3A_155 : memref<10240x128xbf16, #tpu.memory_space<hbm>>) dst(%arg12 : memref<128x128xbf16, #tpu.memory_space<vmem>>)
      "tpu.region"() ({
        %run_scoped3A = tpu.sem_alloc : memref<!tpu.dma_semaphore, #tpu.memory_space<semaphore_mem>>
        %dma_start3A = arith.constant 0 : i32
        %dma_start3A_197 = tpu.memref_slice %arg10[%add3A_149, %dma_start3A] : memref<80x128xi32, #tpu.memory_space<vmem>> -> memref<1x128xi32, #tpu.memory_space<vmem>>
        %dma_start3A_198 = tpu.memref_squeeze %dma_start3A_197 : memref<1x128xi32, #tpu.memory_space<vmem>> -> memref<128xi32, #tpu.memory_space<vmem>>
        %dma_start3A_199 = arith.constant 0 : i32
        %dma_start3A_200 = arith.constant 0 : i32
        %dma_start3A_201 = tpu.memref_slice %arg21[%dma_start3A_199, %dma_start3A_200] : memref<10240x128xbf16, #tpu.memory_space<vmem_shared>> -> memref<10240x128xbf16, #tpu.memory_space<vmem_shared>>
        tpu.enqueue_indirect_dma source(%arg12 : memref<128x128xbf16, #tpu.memory_space<vmem>>) target(%dma_start3A_201 : memref<10240x128xbf16, #tpu.memory_space<vmem_shared>>) offsets(%dma_start3A_198 : memref<128xi32, #tpu.memory_space<vmem>>) semaphore(%run_scoped3A : memref<!tpu.dma_semaphore, #tpu.memory_space<semaphore_mem>>) {add = true}
        %dma_wait3A_202 = arith.constant 0 : i32
        %dma_wait3A_203 = tpu.memref_slice %arg10[%add3A_149, %dma_wait3A_202] : memref<80x128xi32, #tpu.memory_space<vmem>> -> memref<1x128xi32, #tpu.memory_space<vmem>>
        %dma_wait3A_204 = tpu.memref_squeeze %dma_wait3A_203 : memref<1x128xi32, #tpu.memory_space<vmem>> -> memref<128xi32, #tpu.memory_space<vmem>>
        %dma_wait3A_205 = arith.constant 0 : i32
        %dma_wait3A_206 = arith.constant 0 : i32
        %dma_wait3A_207 = tpu.memref_slice %arg21[%dma_wait3A_205, %dma_wait3A_206] : memref<10240x128xbf16, #tpu.memory_space<vmem_shared>> -> memref<10240x128xbf16, #tpu.memory_space<vmem_shared>>
        tpu.wait_indirect_dma semaphore(%run_scoped3A : memref<!tpu.dma_semaphore, #tpu.memory_space<semaphore_mem>>) src(%arg12 : memref<128x128xbf16, #tpu.memory_space<vmem>>) dst(%dma_wait3A_207 : memref<10240x128xbf16, #tpu.memory_space<vmem_shared>>)
        tpu.yield
      }) : () -> ()
      %add3A_156 = arith.constant 4 : i32
      %add3A_157 = arith.addi %add3A_149, %add3A_156 : i32
      %lt3A_158 = arith.constant 80 : i32
      %lt3A_159 = arith.cmpi slt, %add3A_157, %lt3A_158 : i32
      %convert_element_type3A_160 = arith.extui %lt3A_159 : i1 to i32
      %cond3A_161 = arith.constant 0 : i32
      %cond3A_162 = arith.cmpi ne, %convert_element_type3A_160, %cond3A_161 : i32
      scf.if %cond3A_162 {
        %add3A_197 = arith.constant 4 : i32
        %add3A_198 = arith.addi %add3A_149, %add3A_197 : i32
        %eq3A_199 = arith.constant 0 : i32
        %eq3A_200 = arith.cmpi eq, %arg0, %eq3A_199 : i32
        %convert_element_type3A_201 = arith.extui %eq3A_200 : i1 to i32
        %cond3A_202 = arith.constant 0 : i32
        %cond3A_203 = arith.cmpi ne, %convert_element_type3A_201, %cond3A_202 : i32
        scf.if %cond3A_203 {
          %dma_start3A = arith.constant 0 : i32
          %dma_start3A_209 = tpu.memref_slice %arg9[%add3A_198, %dma_start3A] : memref<80x128xi32, #tpu.memory_space<vmem>> -> memref<1x128xi32, #tpu.memory_space<vmem>>
          %dma_start3A_210 = tpu.memref_squeeze %dma_start3A_209 : memref<1x128xi32, #tpu.memory_space<vmem>> -> memref<128xi32, #tpu.memory_space<vmem>>
          %dma_start3A_211 = arith.constant 0 : i32
          %dma_start3A_212 = arith.constant 0 : i32
          %dma_start3A_213 = tpu.memref_slice %arg2[%dma_start3A_211, %dma_start3A_212] : memref<10240x128xbf16, #tpu.memory_space<hbm>> -> memref<10240x128xbf16, #tpu.memory_space<hbm>>
          tpu.enqueue_indirect_dma source(%dma_start3A_213 : memref<10240x128xbf16, #tpu.memory_space<hbm>>) target(%arg12 : memref<128x128xbf16, #tpu.memory_space<vmem>>) offsets(%dma_start3A_210 : memref<128xi32, #tpu.memory_space<vmem>>) semaphore(%arg18 : memref<!tpu.dma_semaphore, #tpu.memory_space<semaphore_mem>>)
        } else {
        }
        %eq3A_204 = arith.constant 1 : i32
        %eq3A_205 = arith.cmpi eq, %arg0, %eq3A_204 : i32
        %convert_element_type3A_206 = arith.extui %eq3A_205 : i1 to i32
        %cond3A_207 = arith.constant 0 : i32
        %cond3A_208 = arith.cmpi ne, %convert_element_type3A_206, %cond3A_207 : i32
        scf.if %cond3A_208 {
          %dma_start3A = arith.constant 0 : i32
          %dma_start3A_209 = tpu.memref_slice %arg9[%add3A_198, %dma_start3A] : memref<80x128xi32, #tpu.memory_space<vmem>> -> memref<1x128xi32, #tpu.memory_space<vmem>>
          %dma_start3A_210 = tpu.memref_squeeze %dma_start3A_209 : memref<1x128xi32, #tpu.memory_space<vmem>> -> memref<128xi32, #tpu.memory_space<vmem>>
          %dma_start3A_211 = arith.constant 0 : i32
          %dma_start3A_212 = arith.constant 0 : i32
          %dma_start3A_213 = tpu.memref_slice %arg3[%dma_start3A_211, %dma_start3A_212] : memref<10240x128xbf16, #tpu.memory_space<hbm>> -> memref<10240x128xbf16, #tpu.memory_space<hbm>>
          tpu.enqueue_indirect_dma source(%dma_start3A_213 : memref<10240x128xbf16, #tpu.memory_space<hbm>>) target(%arg12 : memref<128x128xbf16, #tpu.memory_space<vmem>>) offsets(%dma_start3A_210 : memref<128xi32, #tpu.memory_space<vmem>>) semaphore(%arg18 : memref<!tpu.dma_semaphore, #tpu.memory_space<semaphore_mem>>)
        } else {
        }
      } else {
      }
      %mul3A_163 = arith.constant 4 : i32
      %mul3A_164 = arith.muli %mul3A_163, %scan3A_130 : i32
      %add3A_165 = arith.constant 2 : i32
      %add3A_166 = arith.addi %mul3A_164, %add3A_165 : i32
      %dma_wait3A_167 = arith.constant 0 : i32
      %dma_wait3A_168 = tpu.memref_slice %arg9[%add3A_166, %dma_wait3A_167] : memref<80x128xi32, #tpu.memory_space<vmem>> -> memref<1x128xi32, #tpu.memory_space<vmem>>
      %dma_wait3A_169 = tpu.memref_squeeze %dma_wait3A_168 : memref<1x128xi32, #tpu.memory_space<vmem>> -> memref<128xi32, #tpu.memory_space<vmem>>
      %dma_wait3A_170 = arith.constant 0 : i32
      %dma_wait3A_171 = arith.constant 0 : i32
      %dma_wait3A_172 = tpu.memref_slice %arg2[%dma_wait3A_170, %dma_wait3A_171] : memref<10240x128xbf16, #tpu.memory_space<hbm>> -> memref<10240x128xbf16, #tpu.memory_space<hbm>>
      tpu.wait_indirect_dma semaphore(%arg19 : memref<!tpu.dma_semaphore, #tpu.memory_space<semaphore_mem>>) src(%dma_wait3A_172 : memref<10240x128xbf16, #tpu.memory_space<hbm>>) dst(%arg13 : memref<128x128xbf16, #tpu.memory_space<vmem>>)
      "tpu.region"() ({
        %run_scoped3A = tpu.sem_alloc : memref<!tpu.dma_semaphore, #tpu.memory_space<semaphore_mem>>
        %dma_start3A = arith.constant 0 : i32
        %dma_start3A_197 = tpu.memref_slice %arg10[%add3A_166, %dma_start3A] : memref<80x128xi32, #tpu.memory_space<vmem>> -> memref<1x128xi32, #tpu.memory_space<vmem>>
        %dma_start3A_198 = tpu.memref_squeeze %dma_start3A_197 : memref<1x128xi32, #tpu.memory_space<vmem>> -> memref<128xi32, #tpu.memory_space<vmem>>
        %dma_start3A_199 = arith.constant 0 : i32
        %dma_start3A_200 = arith.constant 0 : i32
        %dma_start3A_201 = tpu.memref_slice %arg21[%dma_start3A_199, %dma_start3A_200] : memref<10240x128xbf16, #tpu.memory_space<vmem_shared>> -> memref<10240x128xbf16, #tpu.memory_space<vmem_shared>>
        tpu.enqueue_indirect_dma source(%arg13 : memref<128x128xbf16, #tpu.memory_space<vmem>>) target(%dma_start3A_201 : memref<10240x128xbf16, #tpu.memory_space<vmem_shared>>) offsets(%dma_start3A_198 : memref<128xi32, #tpu.memory_space<vmem>>) semaphore(%run_scoped3A : memref<!tpu.dma_semaphore, #tpu.memory_space<semaphore_mem>>) {add = true}
        %dma_wait3A_202 = arith.constant 0 : i32
        %dma_wait3A_203 = tpu.memref_slice %arg10[%add3A_166, %dma_wait3A_202] : memref<80x128xi32, #tpu.memory_space<vmem>> -> memref<1x128xi32, #tpu.memory_space<vmem>>
        %dma_wait3A_204 = tpu.memref_squeeze %dma_wait3A_203 : memref<1x128xi32, #tpu.memory_space<vmem>> -> memref<128xi32, #tpu.memory_space<vmem>>
        %dma_wait3A_205 = arith.constant 0 : i32
        %dma_wait3A_206 = arith.constant 0 : i32
        %dma_wait3A_207 = tpu.memref_slice %arg21[%dma_wait3A_205, %dma_wait3A_206] : memref<10240x128xbf16, #tpu.memory_space<vmem_shared>> -> memref<10240x128xbf16, #tpu.memory_space<vmem_shared>>
        tpu.wait_indirect_dma semaphore(%run_scoped3A : memref<!tpu.dma_semaphore, #tpu.memory_space<semaphore_mem>>) src(%arg13 : memref<128x128xbf16, #tpu.memory_space<vmem>>) dst(%dma_wait3A_207 : memref<10240x128xbf16, #tpu.memory_space<vmem_shared>>)
        tpu.yield
      }) : () -> ()
      %add3A_173 = arith.constant 4 : i32
      %add3A_174 = arith.addi %add3A_166, %add3A_173 : i32
      %lt3A_175 = arith.constant 80 : i32
      %lt3A_176 = arith.cmpi slt, %add3A_174, %lt3A_175 : i32
      %convert_element_type3A_177 = arith.extui %lt3A_176 : i1 to i32
      %cond3A_178 = arith.constant 0 : i32
      %cond3A_179 = arith.cmpi ne, %convert_element_type3A_177, %cond3A_178 : i32
      scf.if %cond3A_179 {
        %add3A_197 = arith.constant 4 : i32
        %add3A_198 = arith.addi %add3A_166, %add3A_197 : i32
        %eq3A_199 = arith.constant 0 : i32
        %eq3A_200 = arith.cmpi eq, %arg0, %eq3A_199 : i32
        %convert_element_type3A_201 = arith.extui %eq3A_200 : i1 to i32
        %cond3A_202 = arith.constant 0 : i32
        %cond3A_203 = arith.cmpi ne, %convert_element_type3A_201, %cond3A_202 : i32
        scf.if %cond3A_203 {
          %dma_start3A = arith.constant 0 : i32
          %dma_start3A_209 = tpu.memref_slice %arg9[%add3A_198, %dma_start3A] : memref<80x128xi32, #tpu.memory_space<vmem>> -> memref<1x128xi32, #tpu.memory_space<vmem>>
          %dma_start3A_210 = tpu.memref_squeeze %dma_start3A_209 : memref<1x128xi32, #tpu.memory_space<vmem>> -> memref<128xi32, #tpu.memory_space<vmem>>
          %dma_start3A_211 = arith.constant 0 : i32
          %dma_start3A_212 = arith.constant 0 : i32
          %dma_start3A_213 = tpu.memref_slice %arg2[%dma_start3A_211, %dma_start3A_212] : memref<10240x128xbf16, #tpu.memory_space<hbm>> -> memref<10240x128xbf16, #tpu.memory_space<hbm>>
          tpu.enqueue_indirect_dma source(%dma_start3A_213 : memref<10240x128xbf16, #tpu.memory_space<hbm>>) target(%arg13 : memref<128x128xbf16, #tpu.memory_space<vmem>>) offsets(%dma_start3A_210 : memref<128xi32, #tpu.memory_space<vmem>>) semaphore(%arg19 : memref<!tpu.dma_semaphore, #tpu.memory_space<semaphore_mem>>)
        } else {
        }
        %eq3A_204 = arith.constant 1 : i32
        %eq3A_205 = arith.cmpi eq, %arg0, %eq3A_204 : i32
        %convert_element_type3A_206 = arith.extui %eq3A_205 : i1 to i32
        %cond3A_207 = arith.constant 0 : i32
        %cond3A_208 = arith.cmpi ne, %convert_element_type3A_206, %cond3A_207 : i32
        scf.if %cond3A_208 {
          %dma_start3A = arith.constant 0 : i32
          %dma_start3A_209 = tpu.memref_slice %arg9[%add3A_198, %dma_start3A] : memref<80x128xi32, #tpu.memory_space<vmem>> -> memref<1x128xi32, #tpu.memory_space<vmem>>
          %dma_start3A_210 = tpu.memref_squeeze %dma_start3A_209 : memref<1x128xi32, #tpu.memory_space<vmem>> -> memref<128xi32, #tpu.memory_space<vmem>>
          %dma_start3A_211 = arith.constant 0 : i32
          %dma_start3A_212 = arith.constant 0 : i32
          %dma_start3A_213 = tpu.memref_slice %arg3[%dma_start3A_211, %dma_start3A_212] : memref<10240x128xbf16, #tpu.memory_space<hbm>> -> memref<10240x128xbf16, #tpu.memory_space<hbm>>
          tpu.enqueue_indirect_dma source(%dma_start3A_213 : memref<10240x128xbf16, #tpu.memory_space<hbm>>) target(%arg13 : memref<128x128xbf16, #tpu.memory_space<vmem>>) offsets(%dma_start3A_210 : memref<128xi32, #tpu.memory_space<vmem>>) semaphore(%arg19 : memref<!tpu.dma_semaphore, #tpu.memory_space<semaphore_mem>>)
        } else {
        }
      } else {
      }
      %mul3A_180 = arith.constant 4 : i32
      %mul3A_181 = arith.muli %mul3A_180, %scan3A_130 : i32
      %add3A_182 = arith.constant 3 : i32
      %add3A_183 = arith.addi %mul3A_181, %add3A_182 : i32
      %dma_wait3A_184 = arith.constant 0 : i32
      %dma_wait3A_185 = tpu.memref_slice %arg9[%add3A_183, %dma_wait3A_184] : memref<80x128xi32, #tpu.memory_space<vmem>> -> memref<1x128xi32, #tpu.memory_space<vmem>>
      %dma_wait3A_186 = tpu.memref_squeeze %dma_wait3A_185 : memref<1x128xi32, #tpu.memory_space<vmem>> -> memref<128xi32, #tpu.memory_space<vmem>>
      %dma_wait3A_187 = arith.constant 0 : i32
      %dma_wait3A_188 = arith.constant 0 : i32
      %dma_wait3A_189 = tpu.memref_slice %arg2[%dma_wait3A_187, %dma_wait3A_188] : memref<10240x128xbf16, #tpu.memory_space<hbm>> -> memref<10240x128xbf16, #tpu.memory_space<hbm>>
      tpu.wait_indirect_dma semaphore(%arg20 : memref<!tpu.dma_semaphore, #tpu.memory_space<semaphore_mem>>) src(%dma_wait3A_189 : memref<10240x128xbf16, #tpu.memory_space<hbm>>) dst(%arg14 : memref<128x128xbf16, #tpu.memory_space<vmem>>)
      "tpu.region"() ({
        %run_scoped3A = tpu.sem_alloc : memref<!tpu.dma_semaphore, #tpu.memory_space<semaphore_mem>>
        %dma_start3A = arith.constant 0 : i32
        %dma_start3A_197 = tpu.memref_slice %arg10[%add3A_183, %dma_start3A] : memref<80x128xi32, #tpu.memory_space<vmem>> -> memref<1x128xi32, #tpu.memory_space<vmem>>
        %dma_start3A_198 = tpu.memref_squeeze %dma_start3A_197 : memref<1x128xi32, #tpu.memory_space<vmem>> -> memref<128xi32, #tpu.memory_space<vmem>>
        %dma_start3A_199 = arith.constant 0 : i32
        %dma_start3A_200 = arith.constant 0 : i32
        %dma_start3A_201 = tpu.memref_slice %arg21[%dma_start3A_199, %dma_start3A_200] : memref<10240x128xbf16, #tpu.memory_space<vmem_shared>> -> memref<10240x128xbf16, #tpu.memory_space<vmem_shared>>
        tpu.enqueue_indirect_dma source(%arg14 : memref<128x128xbf16, #tpu.memory_space<vmem>>) target(%dma_start3A_201 : memref<10240x128xbf16, #tpu.memory_space<vmem_shared>>) offsets(%dma_start3A_198 : memref<128xi32, #tpu.memory_space<vmem>>) semaphore(%run_scoped3A : memref<!tpu.dma_semaphore, #tpu.memory_space<semaphore_mem>>) {add = true}
        %dma_wait3A_202 = arith.constant 0 : i32
        %dma_wait3A_203 = tpu.memref_slice %arg10[%add3A_183, %dma_wait3A_202] : memref<80x128xi32, #tpu.memory_space<vmem>> -> memref<1x128xi32, #tpu.memory_space<vmem>>
        %dma_wait3A_204 = tpu.memref_squeeze %dma_wait3A_203 : memref<1x128xi32, #tpu.memory_space<vmem>> -> memref<128xi32, #tpu.memory_space<vmem>>
        %dma_wait3A_205 = arith.constant 0 : i32
        %dma_wait3A_206 = arith.constant 0 : i32
        %dma_wait3A_207 = tpu.memref_slice %arg21[%dma_wait3A_205, %dma_wait3A_206] : memref<10240x128xbf16, #tpu.memory_space<vmem_shared>> -> memref<10240x128xbf16, #tpu.memory_space<vmem_shared>>
        tpu.wait_indirect_dma semaphore(%run_scoped3A : memref<!tpu.dma_semaphore, #tpu.memory_space<semaphore_mem>>) src(%arg14 : memref<128x128xbf16, #tpu.memory_space<vmem>>) dst(%dma_wait3A_207 : memref<10240x128xbf16, #tpu.memory_space<vmem_shared>>)
        tpu.yield
      }) : () -> ()
      %add3A_190 = arith.constant 4 : i32
      %add3A_191 = arith.addi %add3A_183, %add3A_190 : i32
      %lt3A_192 = arith.constant 80 : i32
      %lt3A_193 = arith.cmpi slt, %add3A_191, %lt3A_192 : i32
      %convert_element_type3A_194 = arith.extui %lt3A_193 : i1 to i32
      %cond3A_195 = arith.constant 0 : i32
      %cond3A_196 = arith.cmpi ne, %convert_element_type3A_194, %cond3A_195 : i32
      scf.if %cond3A_196 {
        %add3A_197 = arith.constant 4 : i32
        %add3A_198 = arith.addi %add3A_183, %add3A_197 : i32
        %eq3A_199 = arith.constant 0 : i32
        %eq3A_200 = arith.cmpi eq, %arg0, %eq3A_199 : i32
        %convert_element_type3A_201 = arith.extui %eq3A_200 : i1 to i32
        %cond3A_202 = arith.constant 0 : i32
        %cond3A_203 = arith.cmpi ne, %convert_element_type3A_201, %cond3A_202 : i32
        scf.if %cond3A_203 {
          %dma_start3A = arith.constant 0 : i32
          %dma_start3A_209 = tpu.memref_slice %arg9[%add3A_198, %dma_start3A] : memref<80x128xi32, #tpu.memory_space<vmem>> -> memref<1x128xi32, #tpu.memory_space<vmem>>
          %dma_start3A_210 = tpu.memref_squeeze %dma_start3A_209 : memref<1x128xi32, #tpu.memory_space<vmem>> -> memref<128xi32, #tpu.memory_space<vmem>>
          %dma_start3A_211 = arith.constant 0 : i32
          %dma_start3A_212 = arith.constant 0 : i32
          %dma_start3A_213 = tpu.memref_slice %arg2[%dma_start3A_211, %dma_start3A_212] : memref<10240x128xbf16, #tpu.memory_space<hbm>> -> memref<10240x128xbf16, #tpu.memory_space<hbm>>
          tpu.enqueue_indirect_dma source(%dma_start3A_213 : memref<10240x128xbf16, #tpu.memory_space<hbm>>) target(%arg14 : memref<128x128xbf16, #tpu.memory_space<vmem>>) offsets(%dma_start3A_210 : memref<128xi32, #tpu.memory_space<vmem>>) semaphore(%arg20 : memref<!tpu.dma_semaphore, #tpu.memory_space<semaphore_mem>>)
        } else {
        }
        %eq3A_204 = arith.constant 1 : i32
        %eq3A_205 = arith.cmpi eq, %arg0, %eq3A_204 : i32
        %convert_element_type3A_206 = arith.extui %eq3A_205 : i1 to i32
        %cond3A_207 = arith.constant 0 : i32
        %cond3A_208 = arith.cmpi ne, %convert_element_type3A_206, %cond3A_207 : i32
        scf.if %cond3A_208 {
          %dma_start3A = arith.constant 0 : i32
          %dma_start3A_209 = tpu.memref_slice %arg9[%add3A_198, %dma_start3A] : memref<80x128xi32, #tpu.memory_space<vmem>> -> memref<1x128xi32, #tpu.memory_space<vmem>>
          %dma_start3A_210 = tpu.memref_squeeze %dma_start3A_209 : memref<1x128xi32, #tpu.memory_space<vmem>> -> memref<128xi32, #tpu.memory_space<vmem>>
          %dma_start3A_211 = arith.constant 0 : i32
          %dma_start3A_212 = arith.constant 0 : i32
          %dma_start3A_213 = tpu.memref_slice %arg3[%dma_start3A_211, %dma_start3A_212] : memref<10240x128xbf16, #tpu.memory_space<hbm>> -> memref<10240x128xbf16, #tpu.memory_space<hbm>>
          tpu.enqueue_indirect_dma source(%dma_start3A_213 : memref<10240x128xbf16, #tpu.memory_space<hbm>>) target(%arg14 : memref<128x128xbf16, #tpu.memory_space<vmem>>) offsets(%dma_start3A_210 : memref<128xi32, #tpu.memory_space<vmem>>) semaphore(%arg20 : memref<!tpu.dma_semaphore, #tpu.memory_space<semaphore_mem>>)
        } else {
        }
      } else {
      }
    }
    %scan3A_58 = arith.constant 20 : i32
    %barrier3A_59 = arith.constant 0 : index
    tpu.barrier barrier_id(%barrier3A_59)
    %mul3A_60 = arith.constant 640 : i32
    %mul3A_61 = arith.muli %arg1, %mul3A_60 : i32
    %add3A_62 = arith.constant 0 : i32
    %add3A_63 = arith.addi %mul3A_61, %add3A_62 : i32
    "tpu.region"() ({
      %run_scoped3A = tpu.sem_alloc : memref<!tpu.dma_semaphore, #tpu.memory_space<semaphore_mem>>
      %dma_start3A = arith.constant 0 : i32
      %dma_start3A_130 = tpu.memref_slice %arg21[%add3A_63, %dma_start3A] : memref<10240x128xbf16, #tpu.memory_space<vmem_shared>> -> memref<128x128xbf16, #tpu.memory_space<vmem_shared>>
      %dma_start3A_131 = arith.constant 0 : i32
      %dma_start3A_132 = tpu.memref_slice %arg21[%add3A_63, %dma_start3A_131] : memref<10240x128xbf16, #tpu.memory_space<vmem_shared>> -> memref<128x128xbf16, #tpu.memory_space<vmem_shared>>
      tpu.enqueue_dma source(%dma_start3A_132 : memref<128x128xbf16, #tpu.memory_space<vmem_shared>>) target(%arg16 : memref<128x128xbf16, #tpu.memory_space<vmem>>) target_semaphore(%run_scoped3A : memref<!tpu.dma_semaphore, #tpu.memory_space<semaphore_mem>>)
      %dma_wait3A = arith.constant 0 : i32
      %dma_wait3A_133 = tpu.memref_slice %arg21[%add3A_63, %dma_wait3A] : memref<10240x128xbf16, #tpu.memory_space<vmem_shared>> -> memref<128x128xbf16, #tpu.memory_space<vmem_shared>>
      %dma_wait3A_134 = arith.constant 0 : i32
      %dma_wait3A_135 = tpu.memref_slice %arg21[%add3A_63, %dma_wait3A_134] : memref<10240x128xbf16, #tpu.memory_space<vmem_shared>> -> memref<128x128xbf16, #tpu.memory_space<vmem_shared>>
      tpu.wait_dma2 semaphore(%run_scoped3A : memref<!tpu.dma_semaphore, #tpu.memory_space<semaphore_mem>>) src(%dma_wait3A_135 : memref<128x128xbf16, #tpu.memory_space<vmem_shared>>) dst(%arg16 : memref<128x128xbf16, #tpu.memory_space<vmem>>)
      tpu.yield
    }) : () -> ()
    %eq3A_64 = arith.constant 0 : i32
    %eq3A_65 = arith.cmpi eq, %arg0, %eq3A_64 : i32
    %convert_element_type3A_66 = arith.extui %eq3A_65 : i1 to i32
    %cond3A_67 = arith.constant 0 : i32
    %cond3A_68 = arith.cmpi ne, %convert_element_type3A_66, %cond3A_67 : i32
    scf.if %cond3A_68 {
      "tpu.region"() ({
        %run_scoped3A = tpu.sem_alloc : memref<!tpu.dma_semaphore, #tpu.memory_space<semaphore_mem>>
        %dma_start3A = arith.constant 0 : i32
        %dma_start3A_130 = tpu.memref_slice %arg7[%add3A_63, %dma_start3A] : memref<10240x128xbf16, #tpu.memory_space<hbm>> -> memref<128x128xbf16, #tpu.memory_space<hbm>>
        %dma_start3A_131 = arith.constant 0 : i32
        %dma_start3A_132 = tpu.memref_slice %arg7[%add3A_63, %dma_start3A_131] : memref<10240x128xbf16, #tpu.memory_space<hbm>> -> memref<128x128xbf16, #tpu.memory_space<hbm>>
        tpu.enqueue_dma source(%arg16 : memref<128x128xbf16, #tpu.memory_space<vmem>>) target(%dma_start3A_132 : memref<128x128xbf16, #tpu.memory_space<hbm>>) target_semaphore(%run_scoped3A : memref<!tpu.dma_semaphore, #tpu.memory_space<semaphore_mem>>)
        %dma_wait3A = arith.constant 0 : i32
        %dma_wait3A_133 = tpu.memref_slice %arg7[%add3A_63, %dma_wait3A] : memref<10240x128xbf16, #tpu.memory_space<hbm>> -> memref<128x128xbf16, #tpu.memory_space<hbm>>
        %dma_wait3A_134 = arith.constant 0 : i32
        %dma_wait3A_135 = tpu.memref_slice %arg7[%add3A_63, %dma_wait3A_134] : memref<10240x128xbf16, #tpu.memory_space<hbm>> -> memref<128x128xbf16, #tpu.memory_space<hbm>>
        tpu.wait_dma2 semaphore(%run_scoped3A : memref<!tpu.dma_semaphore, #tpu.memory_space<semaphore_mem>>) src(%arg16 : memref<128x128xbf16, #tpu.memory_space<vmem>>) dst(%dma_wait3A_135 : memref<128x128xbf16, #tpu.memory_space<hbm>>)
        tpu.yield
      }) : () -> ()
    } else {
    }
    %eq3A_69 = arith.constant 1 : i32
    %eq3A_70 = arith.cmpi eq, %arg0, %eq3A_69 : i32
    %convert_element_type3A_71 = arith.extui %eq3A_70 : i1 to i32
    %cond3A_72 = arith.constant 0 : i32
    %cond3A_73 = arith.cmpi ne, %convert_element_type3A_71, %cond3A_72 : i32
    scf.if %cond3A_73 {
      "tpu.region"() ({
        %run_scoped3A = tpu.sem_alloc : memref<!tpu.dma_semaphore, #tpu.memory_space<semaphore_mem>>
        %dma_start3A = arith.constant 0 : i32
        %dma_start3A_130 = tpu.memref_slice %arg8[%add3A_63, %dma_start3A] : memref<10240x128xbf16, #tpu.memory_space<hbm>> -> memref<128x128xbf16, #tpu.memory_space<hbm>>
        %dma_start3A_131 = arith.constant 0 : i32
        %dma_start3A_132 = tpu.memref_slice %arg8[%add3A_63, %dma_start3A_131] : memref<10240x128xbf16, #tpu.memory_space<hbm>> -> memref<128x128xbf16, #tpu.memory_space<hbm>>
        tpu.enqueue_dma source(%arg16 : memref<128x128xbf16, #tpu.memory_space<vmem>>) target(%dma_start3A_132 : memref<128x128xbf16, #tpu.memory_space<hbm>>) target_semaphore(%run_scoped3A : memref<!tpu.dma_semaphore, #tpu.memory_space<semaphore_mem>>)
        %dma_wait3A = arith.constant 0 : i32
        %dma_wait3A_133 = tpu.memref_slice %arg8[%add3A_63, %dma_wait3A] : memref<10240x128xbf16, #tpu.memory_space<hbm>> -> memref<128x128xbf16, #tpu.memory_space<hbm>>
        %dma_wait3A_134 = arith.constant 0 : i32
        %dma_wait3A_135 = tpu.memref_slice %arg8[%add3A_63, %dma_wait3A_134] : memref<10240x128xbf16, #tpu.memory_space<hbm>> -> memref<128x128xbf16, #tpu.memory_space<hbm>>
        tpu.wait_dma2 semaphore(%run_scoped3A : memref<!tpu.dma_semaphore, #tpu.memory_space<semaphore_mem>>) src(%arg16 : memref<128x128xbf16, #tpu.memory_space<vmem>>) dst(%dma_wait3A_135 : memref<128x128xbf16, #tpu.memory_space<hbm>>)
        tpu.yield
      }) : () -> ()
    } else {
    }
    %mul3A_74 = arith.constant 640 : i32
    %mul3A_75 = arith.muli %arg1, %mul3A_74 : i32
    %add3A_76 = arith.constant 128 : i32
    %add3A_77 = arith.addi %mul3A_75, %add3A_76 : i32
    "tpu.region"() ({
      %run_scoped3A = tpu.sem_alloc : memref<!tpu.dma_semaphore, #tpu.memory_space<semaphore_mem>>
      %dma_start3A = arith.constant 0 : i32
      %dma_start3A_130 = tpu.memref_slice %arg21[%add3A_77, %dma_start3A] : memref<10240x128xbf16, #tpu.memory_space<vmem_shared>> -> memref<128x128xbf16, #tpu.memory_space<vmem_shared>>
      %dma_start3A_131 = arith.constant 0 : i32
      %dma_start3A_132 = tpu.memref_slice %arg21[%add3A_77, %dma_start3A_131] : memref<10240x128xbf16, #tpu.memory_space<vmem_shared>> -> memref<128x128xbf16, #tpu.memory_space<vmem_shared>>
      tpu.enqueue_dma source(%dma_start3A_132 : memref<128x128xbf16, #tpu.memory_space<vmem_shared>>) target(%arg16 : memref<128x128xbf16, #tpu.memory_space<vmem>>) target_semaphore(%run_scoped3A : memref<!tpu.dma_semaphore, #tpu.memory_space<semaphore_mem>>)
      %dma_wait3A = arith.constant 0 : i32
      %dma_wait3A_133 = tpu.memref_slice %arg21[%add3A_77, %dma_wait3A] : memref<10240x128xbf16, #tpu.memory_space<vmem_shared>> -> memref<128x128xbf16, #tpu.memory_space<vmem_shared>>
      %dma_wait3A_134 = arith.constant 0 : i32
      %dma_wait3A_135 = tpu.memref_slice %arg21[%add3A_77, %dma_wait3A_134] : memref<10240x128xbf16, #tpu.memory_space<vmem_shared>> -> memref<128x128xbf16, #tpu.memory_space<vmem_shared>>
      tpu.wait_dma2 semaphore(%run_scoped3A : memref<!tpu.dma_semaphore, #tpu.memory_space<semaphore_mem>>) src(%dma_wait3A_135 : memref<128x128xbf16, #tpu.memory_space<vmem_shared>>) dst(%arg16 : memref<128x128xbf16, #tpu.memory_space<vmem>>)
      tpu.yield
    }) : () -> ()
    %eq3A_78 = arith.constant 0 : i32
    %eq3A_79 = arith.cmpi eq, %arg0, %eq3A_78 : i32
    %convert_element_type3A_80 = arith.extui %eq3A_79 : i1 to i32
    %cond3A_81 = arith.constant 0 : i32
    %cond3A_82 = arith.cmpi ne, %convert_element_type3A_80, %cond3A_81 : i32
    scf.if %cond3A_82 {
      "tpu.region"() ({
        %run_scoped3A = tpu.sem_alloc : memref<!tpu.dma_semaphore, #tpu.memory_space<semaphore_mem>>
        %dma_start3A = arith.constant 0 : i32
        %dma_start3A_130 = tpu.memref_slice %arg7[%add3A_77, %dma_start3A] : memref<10240x128xbf16, #tpu.memory_space<hbm>> -> memref<128x128xbf16, #tpu.memory_space<hbm>>
        %dma_start3A_131 = arith.constant 0 : i32
        %dma_start3A_132 = tpu.memref_slice %arg7[%add3A_77, %dma_start3A_131] : memref<10240x128xbf16, #tpu.memory_space<hbm>> -> memref<128x128xbf16, #tpu.memory_space<hbm>>
        tpu.enqueue_dma source(%arg16 : memref<128x128xbf16, #tpu.memory_space<vmem>>) target(%dma_start3A_132 : memref<128x128xbf16, #tpu.memory_space<hbm>>) target_semaphore(%run_scoped3A : memref<!tpu.dma_semaphore, #tpu.memory_space<semaphore_mem>>)
        %dma_wait3A = arith.constant 0 : i32
        %dma_wait3A_133 = tpu.memref_slice %arg7[%add3A_77, %dma_wait3A] : memref<10240x128xbf16, #tpu.memory_space<hbm>> -> memref<128x128xbf16, #tpu.memory_space<hbm>>
        %dma_wait3A_134 = arith.constant 0 : i32
        %dma_wait3A_135 = tpu.memref_slice %arg7[%add3A_77, %dma_wait3A_134] : memref<10240x128xbf16, #tpu.memory_space<hbm>> -> memref<128x128xbf16, #tpu.memory_space<hbm>>
        tpu.wait_dma2 semaphore(%run_scoped3A : memref<!tpu.dma_semaphore, #tpu.memory_space<semaphore_mem>>) src(%arg16 : memref<128x128xbf16, #tpu.memory_space<vmem>>) dst(%dma_wait3A_135 : memref<128x128xbf16, #tpu.memory_space<hbm>>)
        tpu.yield
      }) : () -> ()
    } else {
    }
    %eq3A_83 = arith.constant 1 : i32
    %eq3A_84 = arith.cmpi eq, %arg0, %eq3A_83 : i32
    %convert_element_type3A_85 = arith.extui %eq3A_84 : i1 to i32
    %cond3A_86 = arith.constant 0 : i32
    %cond3A_87 = arith.cmpi ne, %convert_element_type3A_85, %cond3A_86 : i32
    scf.if %cond3A_87 {
      "tpu.region"() ({
        %run_scoped3A = tpu.sem_alloc : memref<!tpu.dma_semaphore, #tpu.memory_space<semaphore_mem>>
        %dma_start3A = arith.constant 0 : i32
        %dma_start3A_130 = tpu.memref_slice %arg8[%add3A_77, %dma_start3A] : memref<10240x128xbf16, #tpu.memory_space<hbm>> -> memref<128x128xbf16, #tpu.memory_space<hbm>>
        %dma_start3A_131 = arith.constant 0 : i32
        %dma_start3A_132 = tpu.memref_slice %arg8[%add3A_77, %dma_start3A_131] : memref<10240x128xbf16, #tpu.memory_space<hbm>> -> memref<128x128xbf16, #tpu.memory_space<hbm>>
        tpu.enqueue_dma source(%arg16 : memref<128x128xbf16, #tpu.memory_space<vmem>>) target(%dma_start3A_132 : memref<128x128xbf16, #tpu.memory_space<hbm>>) target_semaphore(%run_scoped3A : memref<!tpu.dma_semaphore, #tpu.memory_space<semaphore_mem>>)
        %dma_wait3A = arith.constant 0 : i32
        %dma_wait3A_133 = tpu.memref_slice %arg8[%add3A_77, %dma_wait3A] : memref<10240x128xbf16, #tpu.memory_space<hbm>> -> memref<128x128xbf16, #tpu.memory_space<hbm>>
        %dma_wait3A_134 = arith.constant 0 : i32
        %dma_wait3A_135 = tpu.memref_slice %arg8[%add3A_77, %dma_wait3A_134] : memref<10240x128xbf16, #tpu.memory_space<hbm>> -> memref<128x128xbf16, #tpu.memory_space<hbm>>
        tpu.wait_dma2 semaphore(%run_scoped3A : memref<!tpu.dma_semaphore, #tpu.memory_space<semaphore_mem>>) src(%arg16 : memref<128x128xbf16, #tpu.memory_space<vmem>>) dst(%dma_wait3A_135 : memref<128x128xbf16, #tpu.memory_space<hbm>>)
        tpu.yield
      }) : () -> ()
    } else {
    }
    %mul3A_88 = arith.constant 640 : i32
    %mul3A_89 = arith.muli %arg1, %mul3A_88 : i32
    %add3A_90 = arith.constant 256 : i32
    %add3A_91 = arith.addi %mul3A_89, %add3A_90 : i32
    "tpu.region"() ({
      %run_scoped3A = tpu.sem_alloc : memref<!tpu.dma_semaphore, #tpu.memory_space<semaphore_mem>>
      %dma_start3A = arith.constant 0 : i32
      %dma_start3A_130 = tpu.memref_slice %arg21[%add3A_91, %dma_start3A] : memref<10240x128xbf16, #tpu.memory_space<vmem_shared>> -> memref<128x128xbf16, #tpu.memory_space<vmem_shared>>
      %dma_start3A_131 = arith.constant 0 : i32
      %dma_start3A_132 = tpu.memref_slice %arg21[%add3A_91, %dma_start3A_131] : memref<10240x128xbf16, #tpu.memory_space<vmem_shared>> -> memref<128x128xbf16, #tpu.memory_space<vmem_shared>>
      tpu.enqueue_dma source(%dma_start3A_132 : memref<128x128xbf16, #tpu.memory_space<vmem_shared>>) target(%arg16 : memref<128x128xbf16, #tpu.memory_space<vmem>>) target_semaphore(%run_scoped3A : memref<!tpu.dma_semaphore, #tpu.memory_space<semaphore_mem>>)
      %dma_wait3A = arith.constant 0 : i32
      %dma_wait3A_133 = tpu.memref_slice %arg21[%add3A_91, %dma_wait3A] : memref<10240x128xbf16, #tpu.memory_space<vmem_shared>> -> memref<128x128xbf16, #tpu.memory_space<vmem_shared>>
      %dma_wait3A_134 = arith.constant 0 : i32
      %dma_wait3A_135 = tpu.memref_slice %arg21[%add3A_91, %dma_wait3A_134] : memref<10240x128xbf16, #tpu.memory_space<vmem_shared>> -> memref<128x128xbf16, #tpu.memory_space<vmem_shared>>
      tpu.wait_dma2 semaphore(%run_scoped3A : memref<!tpu.dma_semaphore, #tpu.memory_space<semaphore_mem>>) src(%dma_wait3A_135 : memref<128x128xbf16, #tpu.memory_space<vmem_shared>>) dst(%arg16 : memref<128x128xbf16, #tpu.memory_space<vmem>>)
      tpu.yield
    }) : () -> ()
    %eq3A_92 = arith.constant 0 : i32
    %eq3A_93 = arith.cmpi eq, %arg0, %eq3A_92 : i32
    %convert_element_type3A_94 = arith.extui %eq3A_93 : i1 to i32
    %cond3A_95 = arith.constant 0 : i32
    %cond3A_96 = arith.cmpi ne, %convert_element_type3A_94, %cond3A_95 : i32
    scf.if %cond3A_96 {
      "tpu.region"() ({
        %run_scoped3A = tpu.sem_alloc : memref<!tpu.dma_semaphore, #tpu.memory_space<semaphore_mem>>
        %dma_start3A = arith.constant 0 : i32
        %dma_start3A_130 = tpu.memref_slice %arg7[%add3A_91, %dma_start3A] : memref<10240x128xbf16, #tpu.memory_space<hbm>> -> memref<128x128xbf16, #tpu.memory_space<hbm>>
        %dma_start3A_131 = arith.constant 0 : i32
        %dma_start3A_132 = tpu.memref_slice %arg7[%add3A_91, %dma_start3A_131] : memref<10240x128xbf16, #tpu.memory_space<hbm>> -> memref<128x128xbf16, #tpu.memory_space<hbm>>
        tpu.enqueue_dma source(%arg16 : memref<128x128xbf16, #tpu.memory_space<vmem>>) target(%dma_start3A_132 : memref<128x128xbf16, #tpu.memory_space<hbm>>) target_semaphore(%run_scoped3A : memref<!tpu.dma_semaphore, #tpu.memory_space<semaphore_mem>>)
        %dma_wait3A = arith.constant 0 : i32
        %dma_wait3A_133 = tpu.memref_slice %arg7[%add3A_91, %dma_wait3A] : memref<10240x128xbf16, #tpu.memory_space<hbm>> -> memref<128x128xbf16, #tpu.memory_space<hbm>>
        %dma_wait3A_134 = arith.constant 0 : i32
        %dma_wait3A_135 = tpu.memref_slice %arg7[%add3A_91, %dma_wait3A_134] : memref<10240x128xbf16, #tpu.memory_space<hbm>> -> memref<128x128xbf16, #tpu.memory_space<hbm>>
        tpu.wait_dma2 semaphore(%run_scoped3A : memref<!tpu.dma_semaphore, #tpu.memory_space<semaphore_mem>>) src(%arg16 : memref<128x128xbf16, #tpu.memory_space<vmem>>) dst(%dma_wait3A_135 : memref<128x128xbf16, #tpu.memory_space<hbm>>)
        tpu.yield
      }) : () -> ()
    } else {
    }
    %eq3A_97 = arith.constant 1 : i32
    %eq3A_98 = arith.cmpi eq, %arg0, %eq3A_97 : i32
    %convert_element_type3A_99 = arith.extui %eq3A_98 : i1 to i32
    %cond3A_100 = arith.constant 0 : i32
    %cond3A_101 = arith.cmpi ne, %convert_element_type3A_99, %cond3A_100 : i32
    scf.if %cond3A_101 {
      "tpu.region"() ({
        %run_scoped3A = tpu.sem_alloc : memref<!tpu.dma_semaphore, #tpu.memory_space<semaphore_mem>>
        %dma_start3A = arith.constant 0 : i32
        %dma_start3A_130 = tpu.memref_slice %arg8[%add3A_91, %dma_start3A] : memref<10240x128xbf16, #tpu.memory_space<hbm>> -> memref<128x128xbf16, #tpu.memory_space<hbm>>
        %dma_start3A_131 = arith.constant 0 : i32
        %dma_start3A_132 = tpu.memref_slice %arg8[%add3A_91, %dma_start3A_131] : memref<10240x128xbf16, #tpu.memory_space<hbm>> -> memref<128x128xbf16, #tpu.memory_space<hbm>>
        tpu.enqueue_dma source(%arg16 : memref<128x128xbf16, #tpu.memory_space<vmem>>) target(%dma_start3A_132 : memref<128x128xbf16, #tpu.memory_space<hbm>>) target_semaphore(%run_scoped3A : memref<!tpu.dma_semaphore, #tpu.memory_space<semaphore_mem>>)
        %dma_wait3A = arith.constant 0 : i32
        %dma_wait3A_133 = tpu.memref_slice %arg8[%add3A_91, %dma_wait3A] : memref<10240x128xbf16, #tpu.memory_space<hbm>> -> memref<128x128xbf16, #tpu.memory_space<hbm>>
        %dma_wait3A_134 = arith.constant 0 : i32
        %dma_wait3A_135 = tpu.memref_slice %arg8[%add3A_91, %dma_wait3A_134] : memref<10240x128xbf16, #tpu.memory_space<hbm>> -> memref<128x128xbf16, #tpu.memory_space<hbm>>
        tpu.wait_dma2 semaphore(%run_scoped3A : memref<!tpu.dma_semaphore, #tpu.memory_space<semaphore_mem>>) src(%arg16 : memref<128x128xbf16, #tpu.memory_space<vmem>>) dst(%dma_wait3A_135 : memref<128x128xbf16, #tpu.memory_space<hbm>>)
        tpu.yield
      }) : () -> ()
    } else {
    }
    %mul3A_102 = arith.constant 640 : i32
    %mul3A_103 = arith.muli %arg1, %mul3A_102 : i32
    %add3A_104 = arith.constant 384 : i32
    %add3A_105 = arith.addi %mul3A_103, %add3A_104 : i32
    "tpu.region"() ({
      %run_scoped3A = tpu.sem_alloc : memref<!tpu.dma_semaphore, #tpu.memory_space<semaphore_mem>>
      %dma_start3A = arith.constant 0 : i32
      %dma_start3A_130 = tpu.memref_slice %arg21[%add3A_105, %dma_start3A] : memref<10240x128xbf16, #tpu.memory_space<vmem_shared>> -> memref<128x128xbf16, #tpu.memory_space<vmem_shared>>
      %dma_start3A_131 = arith.constant 0 : i32
      %dma_start3A_132 = tpu.memref_slice %arg21[%add3A_105, %dma_start3A_131] : memref<10240x128xbf16, #tpu.memory_space<vmem_shared>> -> memref<128x128xbf16, #tpu.memory_space<vmem_shared>>
      tpu.enqueue_dma source(%dma_start3A_132 : memref<128x128xbf16, #tpu.memory_space<vmem_shared>>) target(%arg16 : memref<128x128xbf16, #tpu.memory_space<vmem>>) target_semaphore(%run_scoped3A : memref<!tpu.dma_semaphore, #tpu.memory_space<semaphore_mem>>)
      %dma_wait3A = arith.constant 0 : i32
      %dma_wait3A_133 = tpu.memref_slice %arg21[%add3A_105, %dma_wait3A] : memref<10240x128xbf16, #tpu.memory_space<vmem_shared>> -> memref<128x128xbf16, #tpu.memory_space<vmem_shared>>
      %dma_wait3A_134 = arith.constant 0 : i32
      %dma_wait3A_135 = tpu.memref_slice %arg21[%add3A_105, %dma_wait3A_134] : memref<10240x128xbf16, #tpu.memory_space<vmem_shared>> -> memref<128x128xbf16, #tpu.memory_space<vmem_shared>>
      tpu.wait_dma2 semaphore(%run_scoped3A : memref<!tpu.dma_semaphore, #tpu.memory_space<semaphore_mem>>) src(%dma_wait3A_135 : memref<128x128xbf16, #tpu.memory_space<vmem_shared>>) dst(%arg16 : memref<128x128xbf16, #tpu.memory_space<vmem>>)
      tpu.yield
    }) : () -> ()
    %eq3A_106 = arith.constant 0 : i32
    %eq3A_107 = arith.cmpi eq, %arg0, %eq3A_106 : i32
    %convert_element_type3A_108 = arith.extui %eq3A_107 : i1 to i32
    %cond3A_109 = arith.constant 0 : i32
    %cond3A_110 = arith.cmpi ne, %convert_element_type3A_108, %cond3A_109 : i32
    scf.if %cond3A_110 {
      "tpu.region"() ({
        %run_scoped3A = tpu.sem_alloc : memref<!tpu.dma_semaphore, #tpu.memory_space<semaphore_mem>>
        %dma_start3A = arith.constant 0 : i32
        %dma_start3A_130 = tpu.memref_slice %arg7[%add3A_105, %dma_start3A] : memref<10240x128xbf16, #tpu.memory_space<hbm>> -> memref<128x128xbf16, #tpu.memory_space<hbm>>
        %dma_start3A_131 = arith.constant 0 : i32
        %dma_start3A_132 = tpu.memref_slice %arg7[%add3A_105, %dma_start3A_131] : memref<10240x128xbf16, #tpu.memory_space<hbm>> -> memref<128x128xbf16, #tpu.memory_space<hbm>>
        tpu.enqueue_dma source(%arg16 : memref<128x128xbf16, #tpu.memory_space<vmem>>) target(%dma_start3A_132 : memref<128x128xbf16, #tpu.memory_space<hbm>>) target_semaphore(%run_scoped3A : memref<!tpu.dma_semaphore, #tpu.memory_space<semaphore_mem>>)
        %dma_wait3A = arith.constant 0 : i32
        %dma_wait3A_133 = tpu.memref_slice %arg7[%add3A_105, %dma_wait3A] : memref<10240x128xbf16, #tpu.memory_space<hbm>> -> memref<128x128xbf16, #tpu.memory_space<hbm>>
        %dma_wait3A_134 = arith.constant 0 : i32
        %dma_wait3A_135 = tpu.memref_slice %arg7[%add3A_105, %dma_wait3A_134] : memref<10240x128xbf16, #tpu.memory_space<hbm>> -> memref<128x128xbf16, #tpu.memory_space<hbm>>
        tpu.wait_dma2 semaphore(%run_scoped3A : memref<!tpu.dma_semaphore, #tpu.memory_space<semaphore_mem>>) src(%arg16 : memref<128x128xbf16, #tpu.memory_space<vmem>>) dst(%dma_wait3A_135 : memref<128x128xbf16, #tpu.memory_space<hbm>>)
        tpu.yield
      }) : () -> ()
    } else {
    }
    %eq3A_111 = arith.constant 1 : i32
    %eq3A_112 = arith.cmpi eq, %arg0, %eq3A_111 : i32
    %convert_element_type3A_113 = arith.extui %eq3A_112 : i1 to i32
    %cond3A_114 = arith.constant 0 : i32
    %cond3A_115 = arith.cmpi ne, %convert_element_type3A_113, %cond3A_114 : i32
    scf.if %cond3A_115 {
      "tpu.region"() ({
        %run_scoped3A = tpu.sem_alloc : memref<!tpu.dma_semaphore, #tpu.memory_space<semaphore_mem>>
        %dma_start3A = arith.constant 0 : i32
        %dma_start3A_130 = tpu.memref_slice %arg8[%add3A_105, %dma_start3A] : memref<10240x128xbf16, #tpu.memory_space<hbm>> -> memref<128x128xbf16, #tpu.memory_space<hbm>>
        %dma_start3A_131 = arith.constant 0 : i32
        %dma_start3A_132 = tpu.memref_slice %arg8[%add3A_105, %dma_start3A_131] : memref<10240x128xbf16, #tpu.memory_space<hbm>> -> memref<128x128xbf16, #tpu.memory_space<hbm>>
        tpu.enqueue_dma source(%arg16 : memref<128x128xbf16, #tpu.memory_space<vmem>>) target(%dma_start3A_132 : memref<128x128xbf16, #tpu.memory_space<hbm>>) target_semaphore(%run_scoped3A : memref<!tpu.dma_semaphore, #tpu.memory_space<semaphore_mem>>)
        %dma_wait3A = arith.constant 0 : i32
        %dma_wait3A_133 = tpu.memref_slice %arg8[%add3A_105, %dma_wait3A] : memref<10240x128xbf16, #tpu.memory_space<hbm>> -> memref<128x128xbf16, #tpu.memory_space<hbm>>
        %dma_wait3A_134 = arith.constant 0 : i32
        %dma_wait3A_135 = tpu.memref_slice %arg8[%add3A_105, %dma_wait3A_134] : memref<10240x128xbf16, #tpu.memory_space<hbm>> -> memref<128x128xbf16, #tpu.memory_space<hbm>>
        tpu.wait_dma2 semaphore(%run_scoped3A : memref<!tpu.dma_semaphore, #tpu.memory_space<semaphore_mem>>) src(%arg16 : memref<128x128xbf16, #tpu.memory_space<vmem>>) dst(%dma_wait3A_135 : memref<128x128xbf16, #tpu.memory_space<hbm>>)
        tpu.yield
      }) : () -> ()
    } else {
    }
    %mul3A_116 = arith.constant 640 : i32
    %mul3A_117 = arith.muli %arg1, %mul3A_116 : i32
    %add3A_118 = arith.constant 512 : i32
    %add3A_119 = arith.addi %mul3A_117, %add3A_118 : i32
    "tpu.region"() ({
      %run_scoped3A = tpu.sem_alloc : memref<!tpu.dma_semaphore, #tpu.memory_space<semaphore_mem>>
      %dma_start3A = arith.constant 0 : i32
      %dma_start3A_130 = tpu.memref_slice %arg21[%add3A_119, %dma_start3A] : memref<10240x128xbf16, #tpu.memory_space<vmem_shared>> -> memref<128x128xbf16, #tpu.memory_space<vmem_shared>>
      %dma_start3A_131 = arith.constant 0 : i32
      %dma_start3A_132 = tpu.memref_slice %arg21[%add3A_119, %dma_start3A_131] : memref<10240x128xbf16, #tpu.memory_space<vmem_shared>> -> memref<128x128xbf16, #tpu.memory_space<vmem_shared>>
      tpu.enqueue_dma source(%dma_start3A_132 : memref<128x128xbf16, #tpu.memory_space<vmem_shared>>) target(%arg16 : memref<128x128xbf16, #tpu.memory_space<vmem>>) target_semaphore(%run_scoped3A : memref<!tpu.dma_semaphore, #tpu.memory_space<semaphore_mem>>)
      %dma_wait3A = arith.constant 0 : i32
      %dma_wait3A_133 = tpu.memref_slice %arg21[%add3A_119, %dma_wait3A] : memref<10240x128xbf16, #tpu.memory_space<vmem_shared>> -> memref<128x128xbf16, #tpu.memory_space<vmem_shared>>
      %dma_wait3A_134 = arith.constant 0 : i32
      %dma_wait3A_135 = tpu.memref_slice %arg21[%add3A_119, %dma_wait3A_134] : memref<10240x128xbf16, #tpu.memory_space<vmem_shared>> -> memref<128x128xbf16, #tpu.memory_space<vmem_shared>>
      tpu.wait_dma2 semaphore(%run_scoped3A : memref<!tpu.dma_semaphore, #tpu.memory_space<semaphore_mem>>) src(%dma_wait3A_135 : memref<128x128xbf16, #tpu.memory_space<vmem_shared>>) dst(%arg16 : memref<128x128xbf16, #tpu.memory_space<vmem>>)
      tpu.yield
    }) : () -> ()
    %eq3A_120 = arith.constant 0 : i32
    %eq3A_121 = arith.cmpi eq, %arg0, %eq3A_120 : i32
    %convert_element_type3A_122 = arith.extui %eq3A_121 : i1 to i32
    %cond3A_123 = arith.constant 0 : i32
    %cond3A_124 = arith.cmpi ne, %convert_element_type3A_122, %cond3A_123 : i32
    scf.if %cond3A_124 {
      "tpu.region"() ({
        %run_scoped3A = tpu.sem_alloc : memref<!tpu.dma_semaphore, #tpu.memory_space<semaphore_mem>>
        %dma_start3A = arith.constant 0 : i32
        %dma_start3A_130 = tpu.memref_slice %arg7[%add3A_119, %dma_start3A] : memref<10240x128xbf16, #tpu.memory_space<hbm>> -> memref<128x128xbf16, #tpu.memory_space<hbm>>
        %dma_start3A_131 = arith.constant 0 : i32
        %dma_start3A_132 = tpu.memref_slice %arg7[%add3A_119, %dma_start3A_131] : memref<10240x128xbf16, #tpu.memory_space<hbm>> -> memref<128x128xbf16, #tpu.memory_space<hbm>>
        tpu.enqueue_dma source(%arg16 : memref<128x128xbf16, #tpu.memory_space<vmem>>) target(%dma_start3A_132 : memref<128x128xbf16, #tpu.memory_space<hbm>>) target_semaphore(%run_scoped3A : memref<!tpu.dma_semaphore, #tpu.memory_space<semaphore_mem>>)
        %dma_wait3A = arith.constant 0 : i32
        %dma_wait3A_133 = tpu.memref_slice %arg7[%add3A_119, %dma_wait3A] : memref<10240x128xbf16, #tpu.memory_space<hbm>> -> memref<128x128xbf16, #tpu.memory_space<hbm>>
        %dma_wait3A_134 = arith.constant 0 : i32
        %dma_wait3A_135 = tpu.memref_slice %arg7[%add3A_119, %dma_wait3A_134] : memref<10240x128xbf16, #tpu.memory_space<hbm>> -> memref<128x128xbf16, #tpu.memory_space<hbm>>
        tpu.wait_dma2 semaphore(%run_scoped3A : memref<!tpu.dma_semaphore, #tpu.memory_space<semaphore_mem>>) src(%arg16 : memref<128x128xbf16, #tpu.memory_space<vmem>>) dst(%dma_wait3A_135 : memref<128x128xbf16, #tpu.memory_space<hbm>>)
        tpu.yield
      }) : () -> ()
    } else {
    }
    %eq3A_125 = arith.constant 1 : i32
    %eq3A_126 = arith.cmpi eq, %arg0, %eq3A_125 : i32
    %convert_element_type3A_127 = arith.extui %eq3A_126 : i1 to i32
    %cond3A_128 = arith.constant 0 : i32
    %cond3A_129 = arith.cmpi ne, %convert_element_type3A_127, %cond3A_128 : i32
    scf.if %cond3A_129 {
      "tpu.region"() ({
        %run_scoped3A = tpu.sem_alloc : memref<!tpu.dma_semaphore, #tpu.memory_space<semaphore_mem>>
        %dma_start3A = arith.constant 0 : i32
        %dma_start3A_130 = tpu.memref_slice %arg8[%add3A_119, %dma_start3A] : memref<10240x128xbf16, #tpu.memory_space<hbm>> -> memref<128x128xbf16, #tpu.memory_space<hbm>>
        %dma_start3A_131 = arith.constant 0 : i32
        %dma_start3A_132 = tpu.memref_slice %arg8[%add3A_119, %dma_start3A_131] : memref<10240x128xbf16, #tpu.memory_space<hbm>> -> memref<128x128xbf16, #tpu.memory_space<hbm>>
        tpu.enqueue_dma source(%arg16 : memref<128x128xbf16, #tpu.memory_space<vmem>>) target(%dma_start3A_132 : memref<128x128xbf16, #tpu.memory_space<hbm>>) target_semaphore(%run_scoped3A : memref<!tpu.dma_semaphore, #tpu.memory_space<semaphore_mem>>)
        %dma_wait3A = arith.constant 0 : i32
        %dma_wait3A_133 = tpu.memref_slice %arg8[%add3A_119, %dma_wait3A] : memref<10240x128xbf16, #tpu.memory_space<hbm>> -> memref<128x128xbf16, #tpu.memory_space<hbm>>
        %dma_wait3A_134 = arith.constant 0 : i32
        %dma_wait3A_135 = tpu.memref_slice %arg8[%add3A_119, %dma_wait3A_134] : memref<10240x128xbf16, #tpu.memory_space<hbm>> -> memref<128x128xbf16, #tpu.memory_space<hbm>>
        tpu.wait_dma2 semaphore(%run_scoped3A : memref<!tpu.dma_semaphore, #tpu.memory_space<semaphore_mem>>) src(%arg16 : memref<128x128xbf16, #tpu.memory_space<vmem>>) dst(%dma_wait3A_135 : memref<128x128xbf16, #tpu.memory_space<hbm>>)
        tpu.yield
      }) : () -> ()
    } else {
    }
    return
  }
}

module attributes {stable_mosaic.version = 14 : i64} {
  func.func @_tc_first_body(%arg0: i32, %arg1: memref<1000x256xf32, #tpu.memory_space<vmem>>, %arg2: memref<256x256xf32, #tpu.memory_space<vmem>>, %arg3: memref<1000x1xf32, #tpu.memory_space<vmem>>, %arg4: memref<1000x128xbf16, #tpu.memory_space<vmem>>, %arg5: memref<1000x128xbf16, #tpu.memory_space<vmem>>) attributes {dimension_semantics = [#tpu.dimension_semantics<arbitrary>], iteration_bounds = array<i64: 10>, scalar_prefetch = 0 : i64, scratch_operands = 0 : i64, tpu.core_type = #tpu.core_type<tc>, window_params = [{transform_indices = @transform_0, window_bounds = array<i64: 1000, 256>}, {pipeline_mode = #tpu.pipeline_mode<synchronous>, transform_indices = @transform_1, window_bounds = array<i64: 256, 256>}, {transform_indices = @transform_2, window_bounds = array<i64: 1000, 1>}, {transform_indices = @transform_3, window_bounds = array<i64: 1000, 128>}, {transform_indices = @transform_4, window_bounds = array<i64: 1000, 128>}]} {
    %get3A = arith.constant 0 : index
    %get3A_0 = arith.constant 0 : index
    %get3A_1 = vector.load %arg3[%get3A, %get3A_0] : memref<1000x1xf32, #tpu.memory_space<vmem>>, vector<1000x1xf32>
    %gt3A = arith.constant 0.000000e+00 : f32
    %gt3A_2 = vector.broadcast %gt3A : f32 to vector<1000x1xf32>
    %gt3A_3 = arith.cmpf ogt, %get3A_1, %gt3A_2 : vector<1000x1xf32>
    %max3A = arith.constant 1.000000e+00 : f32
    %max3A_4 = vector.broadcast %max3A : f32 to vector<1000x1xf32>
    %max3A_5 = arith.maximumf %get3A_1, %max3A_4 : vector<1000x1xf32>
    %rsqrt3A = math.rsqrt %max3A_5 : vector<1000x1xf32>
    %jit3A = arith.constant 0.000000e+00 : f32
    %broadcast_in_dim3A = vector.broadcast %jit3A : f32 to vector<1000x1xf32>
    %select_n3A = arith.select %gt3A_3, %rsqrt3A, %broadcast_in_dim3A : vector<1000x1xi1>, vector<1000x1xf32>
    %get3A_6 = arith.constant 0 : index
    %get3A_7 = arith.constant 0 : index
    %get3A_8 = vector.load %arg1[%get3A_6, %get3A_7] : memref<1000x256xf32, #tpu.memory_space<vmem>>, vector<1000x256xf32>
    %convert_element_type3A = arith.truncf %get3A_8 : vector<1000x256xf32> to vector<1000x256xbf16>
    %get3A_9 = arith.constant 0 : index
    %get3A_10 = arith.constant 0 : index
    %get3A_11 = vector.load %arg2[%get3A_9, %get3A_10] : memref<256x256xf32, #tpu.memory_space<vmem>>, vector<256x256xf32>
    %convert_element_type3A_12 = arith.truncf %get3A_11 : vector<256x256xf32> to vector<256x256xbf16>
    %dot_general3A = arith.constant dense<0.000000e+00> : vector<1000x256xf32>
    %dot_general3A_13 = tpu.matmul %convert_element_type3A, %convert_element_type3A_12, %dot_general3A {dimension_numbers = #tpu.dot_dimension_numbers<[1], [0], [0], [1], [0, 0, 1, 1], [], []>, transpose_lhs_hint = false} : vector<1000x256xbf16>, vector<256x256xbf16>, vector<1000x256xf32> -> vector<1000x256xf32>
    %mul3A = vector.broadcast %select_n3A : vector<1000x1xf32> to vector<1000x256xf32>
    %mul3A_14 = arith.mulf %dot_general3A_13, %mul3A : vector<1000x256xf32>
    %slice3A = vector.extract_strided_slice %mul3A_14 {offsets = [0, 0], sizes = [1000, 128], strides = [1, 1]} : vector<1000x256xf32> to vector<1000x128xf32>
    %convert_element_type3A_15 = arith.truncf %slice3A : vector<1000x128xf32> to vector<1000x128xbf16>
    %swap3A = arith.constant 0 : index
    %swap3A_16 = arith.constant 0 : index
    %swap3A_17 = vector.load %arg4[%swap3A, %swap3A_16] : memref<1000x128xbf16, #tpu.memory_space<vmem>>, vector<1000x128xbf16>
    tpu.vector_store %arg4[%swap3A, %swap3A_16], %convert_element_type3A_15 {strides = array<i32>} : memref<1000x128xbf16, #tpu.memory_space<vmem>>, vector<1000x128xbf16>,
    %slice3A_18 = vector.extract_strided_slice %mul3A_14 {offsets = [0, 128], sizes = [1000, 128], strides = [1, 1]} : vector<1000x256xf32> to vector<1000x128xf32>
    %convert_element_type3A_19 = arith.truncf %slice3A_18 : vector<1000x128xf32> to vector<1000x128xbf16>
    %swap3A_20 = arith.constant 0 : index
    %swap3A_21 = arith.constant 0 : index
    %swap3A_22 = vector.load %arg5[%swap3A_20, %swap3A_21] : memref<1000x128xbf16, #tpu.memory_space<vmem>>, vector<1000x128xbf16>
    tpu.vector_store %arg5[%swap3A_20, %swap3A_21], %convert_element_type3A_19 {strides = array<i32>} : memref<1000x128xbf16, #tpu.memory_space<vmem>>, vector<1000x128xbf16>,
    return
  }
  func.func @transform_0(%arg0: i32) -> (i32, i32) {
    %c0_i32 = arith.constant 0 : i32
    %c0_i32_0 = arith.constant 0 : i32
    return %arg0, %c0_i32 : i32, i32
  }
  func.func @transform_1(%arg0: i32) -> (i32, i32) {
    %c0_i32 = arith.constant 0 : i32
    %c0_i32_0 = arith.constant 0 : i32
    %c0_i32_1 = arith.constant 0 : i32
    return %c0_i32, %c0_i32_0 : i32, i32
  }
  func.func @transform_2(%arg0: i32) -> (i32, i32) {
    %c0_i32 = arith.constant 0 : i32
    %c0_i32_0 = arith.constant 0 : i32
    return %arg0, %c0_i32 : i32, i32
  }
  func.func @transform_3(%arg0: i32) -> (i32, i32) {
    %c0_i32 = arith.constant 0 : i32
    %c0_i32_0 = arith.constant 0 : i32
    return %arg0, %c0_i32 : i32, i32
  }
  func.func @transform_4(%arg0: i32) -> (i32, i32) {
    %c0_i32 = arith.constant 0 : i32
    %c0_i32_0 = arith.constant 0 : i32
    return %arg0, %c0_i32 : i32, i32
  }
}

module attributes {stable_mosaic.version = 14 : i64} {
  func.func @_tc_mid_body(%arg0: i32, %arg1: memref<1000x128xbf16, #tpu.memory_space<vmem>>, %arg2: memref<1000x128xbf16, #tpu.memory_space<vmem>>, %arg3: memref<1000x1xf32, #tpu.memory_space<vmem>>, %arg4: memref<1x256xf32, #tpu.memory_space<vmem>>, %arg5: memref<256x256xf32, #tpu.memory_space<vmem>>, %arg6: memref<1000x1xf32, #tpu.memory_space<vmem>>, %arg7: memref<1000x128xbf16, #tpu.memory_space<vmem>>, %arg8: memref<1000x128xbf16, #tpu.memory_space<vmem>>) attributes {dimension_semantics = [#tpu.dimension_semantics<arbitrary>], iteration_bounds = array<i64: 10>, scalar_prefetch = 0 : i64, scratch_operands = 0 : i64, tpu.core_type = #tpu.core_type<tc>, window_params = [{transform_indices = @transform_0, window_bounds = array<i64: 1000, 128>}, {transform_indices = @transform_1, window_bounds = array<i64: 1000, 128>}, {transform_indices = @transform_2, window_bounds = array<i64: 1000, 1>}, {pipeline_mode = #tpu.pipeline_mode<synchronous>, transform_indices = @transform_3, window_bounds = array<i64: 1, 256>}, {pipeline_mode = #tpu.pipeline_mode<synchronous>, transform_indices = @transform_4, window_bounds = array<i64: 256, 256>}, {transform_indices = @transform_5, window_bounds = array<i64: 1000, 1>}, {transform_indices = @transform_6, window_bounds = array<i64: 1000, 128>}, {transform_indices = @transform_7, window_bounds = array<i64: 1000, 128>}]} {
    %get3A = arith.constant 0 : index
    %get3A_0 = arith.constant 0 : index
    %get3A_1 = vector.load %arg3[%get3A, %get3A_0] : memref<1000x1xf32, #tpu.memory_space<vmem>>, vector<1000x1xf32>
    %gt3A = arith.constant 0.000000e+00 : f32
    %gt3A_2 = vector.broadcast %gt3A : f32 to vector<1000x1xf32>
    %gt3A_3 = arith.cmpf ogt, %get3A_1, %gt3A_2 : vector<1000x1xf32>
    %max3A = arith.constant 1.000000e+00 : f32
    %max3A_4 = vector.broadcast %max3A : f32 to vector<1000x1xf32>
    %max3A_5 = arith.maximumf %get3A_1, %max3A_4 : vector<1000x1xf32>
    %rsqrt3A = math.rsqrt %max3A_5 : vector<1000x1xf32>
    %jit3A = arith.constant 0.000000e+00 : f32
    %broadcast_in_dim3A = vector.broadcast %jit3A : f32 to vector<1000x1xf32>
    %select_n3A = arith.select %gt3A_3, %rsqrt3A, %broadcast_in_dim3A : vector<1000x1xi1>, vector<1000x1xf32>
    %get3A_6 = arith.constant 0 : index
    %get3A_7 = arith.constant 0 : index
    %get3A_8 = vector.load %arg6[%get3A_6, %get3A_7] : memref<1000x1xf32, #tpu.memory_space<vmem>>, vector<1000x1xf32>
    %gt3A_9 = arith.constant 0.000000e+00 : f32
    %gt3A_10 = vector.broadcast %gt3A_9 : f32 to vector<1000x1xf32>
    %gt3A_11 = arith.cmpf ogt, %get3A_8, %gt3A_10 : vector<1000x1xf32>
    %max3A_12 = arith.constant 1.000000e+00 : f32
    %max3A_13 = vector.broadcast %max3A_12 : f32 to vector<1000x1xf32>
    %max3A_14 = arith.maximumf %get3A_8, %max3A_13 : vector<1000x1xf32>
    %rsqrt3A_15 = math.rsqrt %max3A_14 : vector<1000x1xf32>
    %jit3A_16 = arith.constant 0.000000e+00 : f32
    %broadcast_in_dim3A_17 = vector.broadcast %jit3A_16 : f32 to vector<1000x1xf32>
    %select_n3A_18 = arith.select %gt3A_11, %rsqrt3A_15, %broadcast_in_dim3A_17 : vector<1000x1xi1>, vector<1000x1xf32>
    %get3A_19 = arith.constant 0 : index
    %get3A_20 = arith.constant 0 : index
    %get3A_21 = vector.load %arg1[%get3A_19, %get3A_20] : memref<1000x128xbf16, #tpu.memory_space<vmem>>, vector<1000x128xbf16>
    %get3A_22 = arith.constant 0 : index
    %get3A_23 = arith.constant 0 : index
    %get3A_24 = vector.load %arg2[%get3A_22, %get3A_23] : memref<1000x128xbf16, #tpu.memory_space<vmem>>, vector<1000x128xbf16>
    %concatenate3A = tpu.concatenate %get3A_21, %get3A_24 in 1 : vector<1000x128xbf16>, vector<1000x128xbf16> -> vector<1000x256xbf16>
    %convert_element_type3A = arith.extf %concatenate3A : vector<1000x256xbf16> to vector<1000x256xf32>
    %mul3A = vector.broadcast %select_n3A : vector<1000x1xf32> to vector<1000x256xf32>
    %mul3A_25 = arith.mulf %convert_element_type3A, %mul3A : vector<1000x256xf32>
    %get3A_26 = arith.constant 0 : index
    %get3A_27 = arith.constant 0 : index
    %get3A_28 = vector.load %arg4[%get3A_26, %get3A_27] : memref<1x256xf32, #tpu.memory_space<vmem>>, vector<1x256xf32>
    %add3A = vector.broadcast %get3A_28 : vector<1x256xf32> to vector<1000x256xf32>
    %add3A_29 = arith.addf %mul3A_25, %add3A : vector<1000x256xf32>
    %max3A_30 = arith.constant 0.000000e+00 : f32
    %max3A_31 = vector.broadcast %max3A_30 : f32 to vector<1000x256xf32>
    %max3A_32 = arith.maximumf %add3A_29, %max3A_31 : vector<1000x256xf32>
    %convert_element_type3A_33 = arith.truncf %max3A_32 : vector<1000x256xf32> to vector<1000x256xbf16>
    %get3A_34 = arith.constant 0 : index
    %get3A_35 = arith.constant 0 : index
    %get3A_36 = vector.load %arg5[%get3A_34, %get3A_35] : memref<256x256xf32, #tpu.memory_space<vmem>>, vector<256x256xf32>
    %convert_element_type3A_37 = arith.truncf %get3A_36 : vector<256x256xf32> to vector<256x256xbf16>
    %dot_general3A = arith.constant dense<0.000000e+00> : vector<1000x256xf32>
    %dot_general3A_38 = tpu.matmul %convert_element_type3A_33, %convert_element_type3A_37, %dot_general3A {dimension_numbers = #tpu.dot_dimension_numbers<[1], [0], [0], [1], [0, 0, 1, 1], [], []>, transpose_lhs_hint = false} : vector<1000x256xbf16>, vector<256x256xbf16>, vector<1000x256xf32> -> vector<1000x256xf32>
    %mul3A_39 = vector.broadcast %select_n3A_18 : vector<1000x1xf32> to vector<1000x256xf32>
    %mul3A_40 = arith.mulf %dot_general3A_38, %mul3A_39 : vector<1000x256xf32>
    %slice3A = vector.extract_strided_slice %mul3A_40 {offsets = [0, 0], sizes = [1000, 128], strides = [1, 1]} : vector<1000x256xf32> to vector<1000x128xf32>
    %convert_element_type3A_41 = arith.truncf %slice3A : vector<1000x128xf32> to vector<1000x128xbf16>
    %swap3A = arith.constant 0 : index
    %swap3A_42 = arith.constant 0 : index
    %swap3A_43 = vector.load %arg7[%swap3A, %swap3A_42] : memref<1000x128xbf16, #tpu.memory_space<vmem>>, vector<1000x128xbf16>
    tpu.vector_store %arg7[%swap3A, %swap3A_42], %convert_element_type3A_41 {strides = array<i32>} : memref<1000x128xbf16, #tpu.memory_space<vmem>>, vector<1000x128xbf16>,
    %slice3A_44 = vector.extract_strided_slice %mul3A_40 {offsets = [0, 128], sizes = [1000, 128], strides = [1, 1]} : vector<1000x256xf32> to vector<1000x128xf32>
    %convert_element_type3A_45 = arith.truncf %slice3A_44 : vector<1000x128xf32> to vector<1000x128xbf16>
    %swap3A_46 = arith.constant 0 : index
    %swap3A_47 = arith.constant 0 : index
    %swap3A_48 = vector.load %arg8[%swap3A_46, %swap3A_47] : memref<1000x128xbf16, #tpu.memory_space<vmem>>, vector<1000x128xbf16>
    tpu.vector_store %arg8[%swap3A_46, %swap3A_47], %convert_element_type3A_45 {strides = array<i32>} : memref<1000x128xbf16, #tpu.memory_space<vmem>>, vector<1000x128xbf16>,
    return
  }
  func.func @transform_0(%arg0: i32) -> (i32, i32) {
    %c0_i32 = arith.constant 0 : i32
    %c0_i32_0 = arith.constant 0 : i32
    return %arg0, %c0_i32 : i32, i32
  }
  func.func @transform_1(%arg0: i32) -> (i32, i32) {
    %c0_i32 = arith.constant 0 : i32
    %c0_i32_0 = arith.constant 0 : i32
    return %arg0, %c0_i32 : i32, i32
  }
  func.func @transform_2(%arg0: i32) -> (i32, i32) {
    %c0_i32 = arith.constant 0 : i32
    %c0_i32_0 = arith.constant 0 : i32
    return %arg0, %c0_i32 : i32, i32
  }
  func.func @transform_3(%arg0: i32) -> (i32, i32) {
    %c0_i32 = arith.constant 0 : i32
    %c0_i32_0 = arith.constant 0 : i32
    %c0_i32_1 = arith.constant 0 : i32
    return %c0_i32, %c0_i32_0 : i32, i32
  }
  func.func @transform_4(%arg0: i32) -> (i32, i32) {
    %c0_i32 = arith.constant 0 : i32
    %c0_i32_0 = arith.constant 0 : i32
    %c0_i32_1 = arith.constant 0 : i32
    return %c0_i32, %c0_i32_0 : i32, i32
  }
  func.func @transform_5(%arg0: i32) -> (i32, i32) {
    %c0_i32 = arith.constant 0 : i32
    %c0_i32_0 = arith.constant 0 : i32
    return %arg0, %c0_i32 : i32, i32
  }
  func.func @transform_6(%arg0: i32) -> (i32, i32) {
    %c0_i32 = arith.constant 0 : i32
    %c0_i32_0 = arith.constant 0 : i32
    return %arg0, %c0_i32 : i32, i32
  }
  func.func @transform_7(%arg0: i32) -> (i32, i32) {
    %c0_i32 = arith.constant 0 : i32
    %c0_i32_0 = arith.constant 0 : i32
    return %arg0, %c0_i32 : i32, i32
  }
}

module attributes {stable_mosaic.version = 14 : i64} {
  func.func @_tc_last_body(%arg0: i32, %arg1: memref<1000x128xbf16, #tpu.memory_space<vmem>>, %arg2: memref<1000x128xbf16, #tpu.memory_space<vmem>>, %arg3: memref<1000x1xf32, #tpu.memory_space<vmem>>, %arg4: memref<1x256xf32, #tpu.memory_space<vmem>>, %arg5: memref<1000x256xf32, #tpu.memory_space<vmem>>) attributes {dimension_semantics = [#tpu.dimension_semantics<arbitrary>], iteration_bounds = array<i64: 10>, scalar_prefetch = 0 : i64, scratch_operands = 0 : i64, tpu.core_type = #tpu.core_type<tc>, window_params = [{transform_indices = @transform_0, window_bounds = array<i64: 1000, 128>}, {transform_indices = @transform_1, window_bounds = array<i64: 1000, 128>}, {transform_indices = @transform_2, window_bounds = array<i64: 1000, 1>}, {pipeline_mode = #tpu.pipeline_mode<synchronous>, transform_indices = @transform_3, window_bounds = array<i64: 1, 256>}, {transform_indices = @transform_4, window_bounds = array<i64: 1000, 256>}]} {
    %get3A = arith.constant 0 : index
    %get3A_0 = arith.constant 0 : index
    %get3A_1 = vector.load %arg3[%get3A, %get3A_0] : memref<1000x1xf32, #tpu.memory_space<vmem>>, vector<1000x1xf32>
    %gt3A = arith.constant 0.000000e+00 : f32
    %gt3A_2 = vector.broadcast %gt3A : f32 to vector<1000x1xf32>
    %gt3A_3 = arith.cmpf ogt, %get3A_1, %gt3A_2 : vector<1000x1xf32>
    %max3A = arith.constant 1.000000e+00 : f32
    %max3A_4 = vector.broadcast %max3A : f32 to vector<1000x1xf32>
    %max3A_5 = arith.maximumf %get3A_1, %max3A_4 : vector<1000x1xf32>
    %rsqrt3A = math.rsqrt %max3A_5 : vector<1000x1xf32>
    %jit3A = arith.constant 0.000000e+00 : f32
    %broadcast_in_dim3A = vector.broadcast %jit3A : f32 to vector<1000x1xf32>
    %select_n3A = arith.select %gt3A_3, %rsqrt3A, %broadcast_in_dim3A : vector<1000x1xi1>, vector<1000x1xf32>
    %get3A_6 = arith.constant 0 : index
    %get3A_7 = arith.constant 0 : index
    %get3A_8 = vector.load %arg1[%get3A_6, %get3A_7] : memref<1000x128xbf16, #tpu.memory_space<vmem>>, vector<1000x128xbf16>
    %get3A_9 = arith.constant 0 : index
    %get3A_10 = arith.constant 0 : index
    %get3A_11 = vector.load %arg2[%get3A_9, %get3A_10] : memref<1000x128xbf16, #tpu.memory_space<vmem>>, vector<1000x128xbf16>
    %concatenate3A = tpu.concatenate %get3A_8, %get3A_11 in 1 : vector<1000x128xbf16>, vector<1000x128xbf16> -> vector<1000x256xbf16>
    %convert_element_type3A = arith.extf %concatenate3A : vector<1000x256xbf16> to vector<1000x256xf32>
    %mul3A = vector.broadcast %select_n3A : vector<1000x1xf32> to vector<1000x256xf32>
    %mul3A_12 = arith.mulf %convert_element_type3A, %mul3A : vector<1000x256xf32>
    %get3A_13 = arith.constant 0 : index
    %get3A_14 = arith.constant 0 : index
    %get3A_15 = vector.load %arg4[%get3A_13, %get3A_14] : memref<1x256xf32, #tpu.memory_space<vmem>>, vector<1x256xf32>
    %add3A = vector.broadcast %get3A_15 : vector<1x256xf32> to vector<1000x256xf32>
    %add3A_16 = arith.addf %mul3A_12, %add3A : vector<1000x256xf32>
    %swap3A = arith.constant 0 : index
    %swap3A_17 = arith.constant 0 : index
    %swap3A_18 = vector.load %arg5[%swap3A, %swap3A_17] : memref<1000x256xf32, #tpu.memory_space<vmem>>, vector<1000x256xf32>
    tpu.vector_store %arg5[%swap3A, %swap3A_17], %add3A_16 {strides = array<i32>} : memref<1000x256xf32, #tpu.memory_space<vmem>>, vector<1000x256xf32>,
    return
  }
  func.func @transform_0(%arg0: i32) -> (i32, i32) {
    %c0_i32 = arith.constant 0 : i32
    %c0_i32_0 = arith.constant 0 : i32
    return %arg0, %c0_i32 : i32, i32
  }
  func.func @transform_1(%arg0: i32) -> (i32, i32) {
    %c0_i32 = arith.constant 0 : i32
    %c0_i32_0 = arith.constant 0 : i32
    return %arg0, %c0_i32 : i32, i32
  }
  func.func @transform_2(%arg0: i32) -> (i32, i32) {
    %c0_i32 = arith.constant 0 : i32
    %c0_i32_0 = arith.constant 0 : i32
    return %arg0, %c0_i32 : i32, i32
  }
  func.func @transform_3(%arg0: i32) -> (i32, i32) {
    %c0_i32 = arith.constant 0 : i32
    %c0_i32_0 = arith.constant 0 : i32
    %c0_i32_1 = arith.constant 0 : i32
    return %c0_i32, %c0_i32_0 : i32, i32
  }
  func.func @transform_4(%arg0: i32) -> (i32, i32) {
    %c0_i32 = arith.constant 0 : i32
    %c0_i32_0 = arith.constant 0 : i32
    return %arg0, %c0_i32 : i32, i32
  }
}

</mosaic_0001>

<sc_bundles>
// kernel: kernel.10.cloned.1.call-start
scs
__scs_entry_jumppad:
0x0: {  	(pc) =	sbr.rel $0x88, $3  }
0x1: {  	(tag) =	ssettag $0x0;
	lr =	simm.s32 $0x1  }
0x2: {  	[smem:$0x3F99] =	sst lr;
	_ =	strace $0xD0000000  }
0x3: {  	_ = 	snop  }
0x4: {  	_ = 	snop  }
0x5: {  	_ = 	snop  }
0x6: {  	_ = 	snop  }
0x7: {  	_ = 	snop  }
__scs_overlays_trampoline_lowered:
0x8: {  	[smem:$0x3FA8] =	sst s0  }
0x9: {  	[smem:$0x3FA9] =	sst s1  }
0xa: {  	[smem:$0x3FAA] =	sst s2  }
0xb: {  	[smem:$0x3FAB] =	sst s3  }
0xc: {  	[smem:$0x3FAC] =	sst s4  }
0xd: {  	[smem:$0x3FAD] =	sst s5  }
0xe: {  	[smem:$0x3FAE] =	sst s6  }
0xf: {  	[smem:$0x3FAF] =	sst s7  }
0x10: {  	[smem:$0x3FB0] =	sst s8  }
0x11: {  	[smem:$0x3FB1] =	sst s9;
	s0 =	simm.s32 @!p0 $0x0  }
0x12: {  	s1 =	sld [smem:$0x3F97];
	s0 =	simm.s32 @p0 $0x1  }
0x13: {  	[smem:$0x3FB2] =	sst s0;
	s0 =	simm.s32 @!p1 $0x0  }
0x14: {  	s2 =	sld [smem:$0x3F96];
	s0 =	simm.s32 @p1 $0x1  }
0x15: {  	[smem:$0x3FB3] =	sst s0;
	s0 =	simm.s32 @!p2 $0x0  }
0x16: {  	s3 =	sld [smem:$0x3FDB];
	s0 =	simm.s32 @p2 $0x1  }
0x17: {  	s4 =	simm.s32 $0x1BF5;
	[smem:$0x3FB5] =	sst s0  }
0x18: {  	s0 =	sld [smem:$0x3F98];
	_ =	swait.ge [sflag:s4], $0x0  }
0x19: {  	s7 =	sld [smem:$0x3F99]  }
0x1a: {  	s8 =	sadd.s32 $0xFFFFE003, lr  }
0x1b: {  	s9 =	sadd.s32 $0xFFFFFEF7, lr;
	s5 =	simm.s32 $0xFFFFFFFF;
	p2 =	slt.u32 s8, $0xFFFFF086  }
0x1c: {  	p1 =	slt.u32 s9, $0xF7A;
	s5 =	simm.s32 @!p2 $0x0  }
0x1d: {  	s5 =	simm.s32 @p1 $0x1;
	p0 =	seq.s32 s7, s2  }
0x1e: {  	s7 =	smul.u32 @!p0 $0xF7A, s2;
	p2 =	seq.s32 @!p0 s5, $0x0  }
0x1f: {  	s9 =	smul.u32 $0xF7A, s1;
	s8 =	simm.s32 @!p0 $0x1BF5;
	p2 =	por !p2, p0  }
0x20: {  	[sflag:s8] =	ssyncset.s32 @!p0 $0xFFFFF086;
	s6 =	sadd.s32 @!p0 s3, s7;
	s7 =	simm.s32 @!p0 $0x108  }
0x21: {  	s3 =	sadd.s32 s3, s9;
	s6 =	sadd.s32 @!p0 $0x88, s6;
	s7 =	simm.s32 @p2 $0x1082  }
0x22: {  	[simem:s7], [sflag:s8] =	dma.local @!p0 [hbm:s6], $0xF7A  }
0x23: {  	s9 =	sor.u32 $0xD0000000, s2;
	s6 =	simm.s32 $0x108;
	_ =	swait.ge @!p0 [sflag:s8], $0x0  }
0x24: {  	s3 =	sadd.s32 $0x88, s3;
	s6 =	simm.s32 @!p1 $0x1082;
	[sflag:s4] =	ssyncset.s32 $0xFFFFF086  }
0x25: {  	[simem:s6], [sflag:s4] =	dma.local [hbm:s3], $0xF7A  }
0x26: {  	[smem:$0x3F99] =	sst s1;
	(tag) =	ssettag s2;
	_ =	strace s9  }
0x27: {  	s1 =	sld [smem:$0x3FA9]  }
0x28: {  	s2 =	sld [smem:$0x3FAA]  }
0x29: {  	s4 =	sld [smem:$0x3FAC]  }
0x2a: {  	p0 =	seq.s32 s5, $0x0;
	s5 =	sld [smem:$0x3FAD]  }
0x2b: {  	s6 =	sld [smem:$0x3FAE]  }
0x2c: {  	s7 =	sld [smem:$0x3FAF]  }
0x2d: {  	s3 =	simm.s32 $0x108;
	s8 =	sld [smem:$0x3FB0]  }
0x2e: {  	s3 =	simm.s32 @!p0 $0x1082;
	s9 =	sld [smem:$0x3FB1]  }
0x2f: {  	lr =	sadd.s32 s0, s3;
	s0 =	sld [smem:$0x3FA8]  }
0x30: {  	s3 =	sld [smem:$0x3FAB]  }
0x31: {  	[smem:$0x3FB4] =	sst s10  }
0x32: {  	s10 =	sld [smem:$0x3FB2];
	_ =	sdelay $0x3  }
0x33: {  	p0 =	seq.s32 s10, $0x1;
	s10 =	sld [smem:$0x3FB4];
	_ =	sdelay $0x3  }
0x34: {  	[smem:$0x3FB4] =	sst s10  }
0x35: {  	s10 =	sld [smem:$0x3FB3];
	_ =	sdelay $0x3  }
0x36: {  	p1 =	seq.s32 s10, $0x1;
	s10 =	sld [smem:$0x3FB4];
	_ =	sdelay $0x3  }
0x37: {  	[smem:$0x3FB4] =	sst s10  }
0x38: {  	s10 =	sld [smem:$0x3FB5]  }
0x39: {  	_ = 	snop;
	(pc) =	sbr.ind lr, $3  }
0x3a: {  	_ = 	snop  }
0x3b: {  	_ = 	snop  }
0x3c: {  	p2 =	seq.s32 s10, $0x1;
	s10 =	sld [smem:$0x3FB4]  }
0x3d: {  	_ =	shalt  }
0x3e: {  	_ =	shalt  }
0x3f: {  	_ =	shalt  }
0x40: {  	_ =	shalt  }
0x41: {  	_ =	shalt  }
0x42: {  	_ =	shalt  }
0x43: {  	_ =	shalt  }
0x44: {  	_ =	shalt  }
0x45: {  	_ =	shalt  }
0x46: {  	_ =	shalt  }
0x47: {  	_ =	shalt  }
0x48: {  	_ =	shalt  }
0x49: {  	_ =	shalt  }
0x4a: {  	_ =	shalt  }
0x4b: {  	_ =	shalt  }
0x4c: {  	_ =	shalt  }
0x4d: {  	_ =	shalt  }
0x4e: {  	_ =	shalt  }
0x4f: {  	_ =	shalt  }
0x50: {  	_ =	shalt  }
0x51: {  	_ =	shalt  }
0x52: {  	_ =	shalt  }
0x53: {  	_ =	shalt  }
0x54: {  	_ =	shalt  }
0x55: {  	_ =	shalt  }
0x56: {  	_ =	shalt  }
0x57: {  	_ =	shalt  }
0x58: {  	_ =	shalt  }
0x59: {  	_ =	shalt  }
0x5a: {  	_ =	shalt  }
0x5b: {  	_ =	shalt  }
0x5c: {  	_ =	shalt  }
0x5d: {  	_ =	shalt  }
0x5e: {  	_ =	shalt  }
0x5f: {  	_ =	shalt  }
0x60: {  	_ =	shalt  }
0x61: {  	_ =	shalt  }
0x62: {  	_ =	shalt  }
0x63: {  	_ =	shalt  }
0x64: {  	_ =	shalt  }
0x65: {  	_ =	shalt  }
0x66: {  	_ =	shalt  }
0x67: {  	_ =	shalt  }
0x68: {  	_ =	shalt  }
0x69: {  	_ =	shalt  }
0x6a: {  	_ =	shalt  }
0x6b: {  	_ =	shalt  }
0x6c: {  	_ =	shalt  }
0x6d: {  	_ =	shalt  }
0x6e: {  	_ =	shalt  }
0x6f: {  	_ =	shalt  }
0x70: {  	_ =	shalt  }
0x71: {  	_ =	shalt  }
0x72: {  	_ =	shalt  }
0x73: {  	_ =	shalt  }
0x74: {  	_ =	shalt  }
0x75: {  	_ =	shalt  }
0x76: {  	_ =	shalt  }
0x77: {  	_ =	shalt  }
0x78: {  	_ =	shalt  }
0x79: {  	_ =	shalt  }
0x7a: {  	_ =	shalt  }
0x7b: {  	_ =	shalt  }
0x7c: {  	_ =	shalt  }
0x7d: {  	_ =	shalt  }
0x7e: {  	_ =	shalt  }
0x7f: {  	_ =	shalt  }
0x80: {  	_ =	shalt  }
0x81: {  	_ =	shalt  }
0x82: {  	_ =	shalt  }
0x83: {  	_ =	shalt  }
0x84: {  	_ =	shalt  }
0x85: {  	_ =	shalt  }
0x86: {  	_ =	shalt  }
0x87: {  	_ =	shalt  }
.Lfunc_end0:
.L_simem_size_0:
called_computation_lowered:
.L_overlay_start_0:
0x88: {  	s2 =	sld [smem:$0x3FD9]  }
0x89: {  	s3 =	sld [smem:$0x3FFE];
	_ =	sdelay $0x1  }
0x8a: {  	s1 =	srdreg.scid  }
0x8b: {  	s0 =	sand.u32 $0x1, s1  }
0x8c: {  	s17 =	sshll.u32 s0, $0xA;
	s2 =	sadd.s32 s3, s2  }
0x8d: {  	s2 =	sadd.s32 s2, s17  }
0x8e: {  	[smem:$0x3FC0] =	sst s2  }
0x8f: {  	_ = 	snop  }
0x90: {  	s2 =	sld [smem:$0x3FD0];
	(tm) =	ssettm $0x1  }
0x91: {  	s18 =	sld [smem:$0x3FFB];
	_ =	sdelay $0x3  }
0x92: {  	_ =	strace s18  }
0x93: {  	s3 =	sld [smem:$0x3FFC];
	_ =	sdelay $0x3  }
0x94: {  	_ =	strace s3  }
0x95: {  	s3 =	sld [smem:$0x3FFD];
	_ =	sdelay $0x3  }
0x96: {  	_ =	strace s3  }
0x97: {  	_ =	strace $0x8FFFFFFF  }
0x98: {  	s19 =	sld [smem:$0x3FDB];
	_ =	sdelay $0x1  }
0x99: {  	s4 =	simm.s32 $_scs_section_size  }
0x9a: {  	s5 =	simm.s32 $_size__tile_overlayer_lowered;
	s6 =	simm.s32 $_tile_overlayer_lowered  }
0x9b: {  	s22 =	simm.s32 $0x1BFF;
	s21 =	sshll.u32 s6, $0x1;
	s3 =	sadd.s32 s4, s19  }
0x9c: {  	s7 =	simm.s32 $0x0;
	s20 =	sshll.u32 s5, $0x1;
	s5 =	sadd.s32 s21, s3  }
0x9d: {  	[timem:s7], [sflag:s22] =	dma.local [hbm:s5], s20  }
0x9e: {  	_ =	swait.ge [sflag:s22], s20  }
0x9f: {  	s4 =	ssub.s32 $0x0, s20;
	[sflag:s22] =	ssyncset.done $0x0  }
0xa0: {  	[sflag:s22] =	ssyncadd.s32 s4;
	_ =	sdelay $0x1  }
0xa1: {  	s23 =	simm.s32 $0x1B8B  }
0xa2: {  	_ =	swait.ge [sflag:s23], $0x1  }
0xa3: {  	[sflag:s23] =	ssyncset.done $0x0  }
0xa4: {  	s25 =	simm.s32 $0x1B8E;
	s24 =	sld [smem:$0x3FFE];
	[sflag:s23] =	ssyncadd.s32 $0xFFFFFFFF  }
0xa5: {  	s26 =	simm.s32 $execute0_lowered;
	[smem:$0x3FD2] =	sst s25  }
0xa6: {  	s5 =	sshll.u32 s26, $0x1;
	_ =	strace $0x80000046;
	[dreg:$0x1] =	wrdreg $0xFFFFFFFF  }
0xa7: {  	s28 =	simm.s32 $_size_execute0_lowered;
	s3 =	sadd.s32 s3, s5;
	[dreg:$0x0] =	wrdreg $0x0  }
0xa8: {  	s5 =	sshll.u32 s28, $0x1;
	[dreg:$0x2] =	wrdreg s3  }
0xa9: {  	[dreg:$0x3] =	wrdreg s5  }
0xaa: {  	[dreg:$0x4] =	wrdreg $0xC0  }
0xab: {  	_ =	task [dreg:s7], $0x5FFFF  }
0xac: {  	[dreg:$0x1] =	wrdreg $0xFFFFFFFF  }
0xad: {  	[dreg:$0x0] =	wrdreg $0x60  }
0xae: {  	[dreg:$0x2] =	wrdreg s2  }
0xaf: {  	[dreg:$0x3] =	wrdreg s24  }
0xb0: {  	[dreg:$0x4] =	wrdreg $0x43000  }
0xb1: {  	[dreg:$0x5] =	wrdreg $0x9  }
0xb2: {  	_ =	task.clear_ibuf [dreg:s7], $0x6FFFF;
	_ =	strace $0x90000046  }
0xb3: {  	s29 =	simm.s32 $0x9;
	_ =	strace $0x80000048  }
0xb4: {  	_ =	swait.ge [sflag:s29], $0x1  }
0xb5: {  	[sflag:s29] =	ssyncadd.s32 $0xFFFFFFFF  }
0xb6: {  	_ =	strace $0x90000048  }
0xb7: {  	_ =	sfence  }
0xb8: {  	s30 =	sld [smem:$0x0];
	_ =	sdelay $0x2  }
0xb9: {  	s31 =	sshll.u32 s1, $0xD;
	s1 =	sshrl.u32 s1, $0x2  }
0xba: {  	s3 =	sand.u32 $0x4000, s31;
	s1 =	sadd.s32 s1, s30  }
0xbb: {  	s0 =	sor.u32 s3, s0;
	s1 =	sshll.u32 s1, $0x11  }
0xbc: {  	s0 =	sor.u32 s1, s0  }
0xbd: {  	s0 =	sadd.s32 $0x8F2B, s0  }
0xbe: {  	[sflag:s0] =	ssyncadd.remote.s32 $0x1  }
0xbf: {  	_ =	sfence.sel $0xFFFF  }
0xc0: {  	[dreg:$0x0] =	wrdreg $0xFFFFFFFF;
	(pc) =	sbr.abs _section_cstart, $3  }
0xc1: {  	[dreg:$0x1] =	wrdreg $0xFFFFFFFF  }
0xc2: {  	_ =	task.clear_ibuf [dreg:s7], $0x2FFFF;
	_ =	strace $0x9FFFFFFF  }
0xc3: {  	(tm) =	ssettm $0x7FFFFFFF  }
tec
execute0_lowered:
.L_overlay_start_1:
0x0: {  	(tag) =	ssettag $0x1  }
0x1: {  	s5 =	rddreg [dreg:$0x0]  }
0x2: {  	s4 =	rddreg [dreg:$0x1]  }
0x3: {  	s1 =	rddreg [dreg:$0x2]  }
0x4: {  	s0 =	rddreg [dreg:$0x3]  }
0x5: {  	s2 =	simm.s32 $0x0;
	s3 =	srdreg.scid;
	s12 =	simm.s32 $0x0  }
0x6: {  	[smem:$0x7FF] =	sst s2;
	s6 =	sadd.s32 $0x3600, s4;
	s7 =	sand.u32 $0x1, s3  }
0x7: {  	s8 =	sadd.s32 $0xB600, s4;
	s3 =	stileid.u32;
	s10 =	sadd.s32 $0xBC00, s4  }
0x8: {  	_ =	strace $0x80000047;
	s9 =	ssub.s32 $0x2, s7;
	s11 =	smul.u32 $0x280, s3  }
0x9: {  	p0 =	seq.s32 s7, $0x0;
	s31 =	sshll.u32 s3, $0xB;
	s30 =	sshrl.u32 s9, $0x1  }
0xa: {  	s6 =	smov.u32 @p0 s5;
	s10 =	smov.u32 @p0 s8;
	s8 =	simm.s32 $0x1  }
0xb: {  	s9 =	ssub.s32 s9, s30;
	s4 =	sadd.s32 s11, s1;
	s11 =	sshrl.u32 s11, $0x3  }
0xc: {  	s6 =	sadd.s32 s6, s31;
	s5 =	smax.u32 s9, $0x1;
	s7 =	sadd.s32 s10, s11  }
0xd: {  	v0 =	vimm.f32 $1.000000000e+00;
	v1 =	vimm.f32 $0.0e+00;
	s9 =	simm.s32 $0x4080;
	s10 =	simm.s32 $0x50;
	s11 =	simm.s32 $0x4000  }
.LBB2_1:
0xe: {  	[tilespmem:s2], [sflag:$0x1] =	stream.linear.gather [hbm4b:s6+s2], $0x3E80, $0x38;
	[tilespmem:$0x4580] =	vst v63  }
0xf: {  	_ =	swait.ge [sflag:s8], $0x3E80  }
0x10: {  	[sflag:s8] =	ssyncset.done $0x0  }
0x11: {  	[sflag:s8] =	ssyncadd.s32 $0xFFFFC180  }
0x12: {  	[tilespmem:$0x4000] =	vst v0  }
0x13: {  	[tilespmem:$0x4010] =	vst v0  }
0x14: {  	[tilespmem:$0x4020] =	vst v0  }
0x15: {  	[tilespmem:$0x4030] =	vst v0  }
0x16: {  	[tilespmem:$0x4040] =	vst v0  }
0x17: {  	[tilespmem:$0x4080] =	vst v1  }
0x18: {  	[tilespmem:$0x4090] =	vst v1  }
0x19: {  	[tilespmem:$0x40A0] =	vst v1  }
0x1a: {  	[tilespmem:$0x40B0] =	vst v1  }
0x1b: {  	[tilespmem:$0x40C0] =	vst v1  }
0x1c: {  	[tilespmem:$0x40D0] =	vst v1  }
0x1d: {  	[tilespmem:$0x40E0] =	vst v1  }
0x1e: {  	[tilespmem:$0x40F0] =	vst v1  }
0x1f: {  	[tilespmem:$0x4100] =	vst v1  }
0x20: {  	[tilespmem:$0x4110] =	vst v1  }
0x21: {  	[tilespmem:$0x4120] =	vst v1  }
0x22: {  	[tilespmem:$0x4130] =	vst v1  }
0x23: {  	[tilespmem:$0x4140] =	vst v1  }
0x24: {  	[tilespmem:$0x4150] =	vst v1  }
0x25: {  	[tilespmem:$0x4160] =	vst v1  }
0x26: {  	[tilespmem:$0x4170] =	vst v1  }
0x27: {  	[tilespmem:$0x4180] =	vst v1  }
0x28: {  	[tilespmem:$0x4190] =	vst v1  }
0x29: {  	[tilespmem:$0x41A0] =	vst v1  }
0x2a: {  	[tilespmem:$0x41B0] =	vst v1  }
0x2b: {  	[tilespmem:$0x41C0] =	vst v1  }
0x2c: {  	[tilespmem:$0x41D0] =	vst v1  }
0x2d: {  	[tilespmem:$0x41E0] =	vst v1  }
0x2e: {  	[tilespmem:$0x41F0] =	vst v1  }
0x2f: {  	[tilespmem:$0x4200] =	vst v1  }
0x30: {  	[tilespmem:$0x4210] =	vst v1  }
0x31: {  	[tilespmem:$0x4220] =	vst v1  }
0x32: {  	[tilespmem:$0x4230] =	vst v1  }
0x33: {  	[tilespmem:$0x4240] =	vst v1  }
0x34: {  	[tilespmem:$0x4250] =	vst v1  }
0x35: {  	[tilespmem:$0x4260] =	vst v1  }
0x36: {  	[tilespmem:$0x4270] =	vst v1  }
0x37: {  	[tilespmem:$0x4280] =	vst v1  }
0x38: {  	[tilespmem:$0x4290] =	vst v1  }
0x39: {  	[tilespmem:$0x42A0] =	vst v1  }
0x3a: {  	[tilespmem:$0x42B0] =	vst v1  }
0x3b: {  	[tilespmem:$0x42C0] =	vst v1  }
0x3c: {  	[tilespmem:$0x42D0] =	vst v1  }
0x3d: {  	[tilespmem:$0x42E0] =	vst v1  }
0x3e: {  	[tilespmem:$0x42F0] =	vst v1  }
0x3f: {  	[spmem:s4] =	stream.linear.scatter [tilespmem:s9], [sflag:$0x1], $0x280, $0x38;
	[tilespmem:$0x4580] =	vst v63  }
0x40: {  	_ =	swait.ge [sflag:s8], $0x280  }
0x41: {  	[sflag:s8] =	ssyncset.done $0x0  }
0x42: {  	[sflag:s8] =	ssyncadd.s32 $0xFFFFFD80  }
0x43: {  	s13 =	simm.s32 $0x0;
	[bflag:$0x0] =	sbarrier.arrive $0xFFFF  }
0x44: {  	[spmem:s1] =	stream.indirect.scatter.add.f32 [tilespmem:s11], [sflag:$0x1], $0x1, s13, s10, $0xb8;
	[tilespmem:$0x4580] =	vst v63  }
0x45: {  	_ =	swait.ge [sflag:s8], $0x50  }
0x46: {  	s13 =	simm.s32 $0x200;
	[sflag:s8] =	ssyncset.done $0x0  }
.LBB2_2:
0x47: {  	s14 =	sshra.s32 s13, $0x2;
	[sflag:s8] =	ssyncadd.s32 $0xFFFFFFB0;
	p0 =	sne.s32 s13, $0xF800  }
0x48: {  	[spmem:s1] =	stream.indirect.scatter.add.f32 [tilespmem:s11], [sflag:$0x1], $0x1, s14, s10, $0xb8;
	[tilespmem:$0x4580] =	vst v63  }
.Ltmp0:
0x49: {  	_ = 	snop;
	(pc) =	sbr.rel @p0 .LBB2_2-.Ltmp0, $4  }
0x4a: {  	_ = 	snop  }
0x4b: {  	s13 =	sadd.s32 $0x200, s13  }
0x4c: {  	_ =	swait.ge [sflag:s8], $0x50  }
0x4d: {  	[sflag:s8] =	ssyncset.done $0x0  }
0x4e: {  	[sflag:s8] =	ssyncadd.s32 $0xFFFFFFB0  }
0x4f: {  	[bflag:$0x0] =	sbarrier.arrive $0xFFFF  }
0x50: {  	[tilespmem:s9], [sflag:$0x1] =	stream.linear.gather [spmem:s4], $0x280, $0x38;
	[tilespmem:$0x4580] =	vst v63  }
0x51: {  	s12 =	sadd.s32 $0x1, s12;
	_ =	swait.ge [sflag:s8], $0x280  }
0x52: {  	p0 =	sne.s32 s12, s5;
	[sflag:s8] =	ssyncset.done $0x0  }
.Ltmp1:
0x53: {  	[sflag:s8] =	ssyncadd.s32 $0xFFFFFD80;
	(pc) =	sbr.rel @p0 .LBB2_1-.Ltmp1, $4  }
0x54: {  	[hbm4b:s7+s2] =	stream.linear.scatter [tilespmem:s9], [sflag:$0x1], $0x280, $0x38;
	[tilespmem:$0x4580] =	vst v63  }
0x55: {  	_ =	swait.ge [sflag:s8], $0x280  }
0x56: {  	[sflag:s8] =	ssyncset.done $0x0  }
0x57: {  	[sflag:s8] =	ssyncadd.s32 $0xFFFFFD80  }
0x58: {  	_ =	sfence.sel $0x180000  }
0x59: {  	[bflag:$0x0] =	sbarrier.arrive $0xFFFF  }
0x5a: {  	p0 =	sne.s32 s3, $0x0;
	_ =	strace $0x90000047  }
0x5b: {  	s0 =	sadd.s32 @!p0 $0x100000, s0;
	[bflag:$0x2] =	sbarrier.arrive $0xFFFF  }
0x5c: {  	[sflag:s0] =	ssyncadd.tile.s32 @!p0 $0x1;
	_ =	shalt  }
.Lfunc_end2:
_tile_overlayer_lowered:
.L_overlay_start_2:
0x5d: {  	(tag) =	ssettag $0x2  }
0x5e: {  	s0 =	rddreg [dreg:$0x0];
	s2 =	stileid.u32  }
0x5f: {  	s1 =	rddreg [dreg:$0x1];
	p0 =	sne.s32 s2, $0x0  }
0x60: {  	s3 =	rddreg [dreg:$0x2];
	[bflag:$0x3] =	sbarrier.arrive $0xFFFF;
	s2 =	simm.s32 @!p0 $0x1C01  }
0x61: {  	[timem:s3], [sflag:s2] =	dma.local @!p0 [hbm:s0], s1  }
0x62: {  	s0 =	simm.s32 @!p0 $0x1  }
0x63: {  	_ =	swait.ge @!p0 [sflag:s0], s1  }
0x64: {  	s1 =	ssub.s32 @!p0 $0x0, s1;
	[sflag:s0] =	ssyncset.done @!p0 $0x0  }
0x65: {  	[sflag:s0] =	ssyncadd.s32 @!p0 s1  }
0x66: {  	[bflag:$0x3] =	sbarrier.arrive $0xFFFF  }
0x67: {  	_ =	shalt  }

// kernel: kernel.13.cloned.1.call-start
scs
__scs_entry_jumppad:
0x0: {  	(pc) =	sbr.rel $0x88, $3  }
0x1: {  	(tag) =	ssettag $0x0;
	lr =	simm.s32 $0x1  }
0x2: {  	[smem:$0x3F99] =	sst lr;
	_ =	strace $0xD0000000  }
0x3: {  	_ = 	snop  }
0x4: {  	_ = 	snop  }
0x5: {  	_ = 	snop  }
0x6: {  	_ = 	snop  }
0x7: {  	_ = 	snop  }
__scs_overlays_trampoline_lowered:
0x8: {  	[smem:$0x3FA8] =	sst s0  }
0x9: {  	[smem:$0x3FA9] =	sst s1  }
0xa: {  	[smem:$0x3FAA] =	sst s2  }
0xb: {  	[smem:$0x3FAB] =	sst s3  }
0xc: {  	[smem:$0x3FAC] =	sst s4  }
0xd: {  	[smem:$0x3FAD] =	sst s5  }
0xe: {  	[smem:$0x3FAE] =	sst s6  }
0xf: {  	[smem:$0x3FAF] =	sst s7  }
0x10: {  	[smem:$0x3FB0] =	sst s8  }
0x11: {  	[smem:$0x3FB1] =	sst s9;
	s0 =	simm.s32 @!p0 $0x0  }
0x12: {  	s1 =	sld [smem:$0x3F97];
	s0 =	simm.s32 @p0 $0x1  }
0x13: {  	[smem:$0x3FB2] =	sst s0;
	s0 =	simm.s32 @!p1 $0x0  }
0x14: {  	s2 =	sld [smem:$0x3F96];
	s0 =	simm.s32 @p1 $0x1  }
0x15: {  	[smem:$0x3FB3] =	sst s0;
	s0 =	simm.s32 @!p2 $0x0  }
0x16: {  	s3 =	sld [smem:$0x3FDB];
	s0 =	simm.s32 @p2 $0x1  }
0x17: {  	s4 =	simm.s32 $0x1BF5;
	[smem:$0x3FB5] =	sst s0  }
0x18: {  	s0 =	sld [smem:$0x3F98];
	_ =	swait.ge [sflag:s4], $0x0  }
0x19: {  	s7 =	sld [smem:$0x3F99]  }
0x1a: {  	s8 =	sadd.s32 $0xFFFFE003, lr  }
0x1b: {  	s9 =	sadd.s32 $0xFFFFFEF7, lr;
	s5 =	simm.s32 $0xFFFFFFFF;
	p2 =	slt.u32 s8, $0xFFFFF086  }
0x1c: {  	p1 =	slt.u32 s9, $0xF7A;
	s5 =	simm.s32 @!p2 $0x0  }
0x1d: {  	s5 =	simm.s32 @p1 $0x1;
	p0 =	seq.s32 s7, s2  }
0x1e: {  	s7 =	smul.u32 @!p0 $0xF7A, s2;
	p2 =	seq.s32 @!p0 s5, $0x0  }
0x1f: {  	s9 =	smul.u32 $0xF7A, s1;
	s8 =	simm.s32 @!p0 $0x1BF5;
	p2 =	por !p2, p0  }
0x20: {  	[sflag:s8] =	ssyncset.s32 @!p0 $0xFFFFF086;
	s6 =	sadd.s32 @!p0 s3, s7;
	s7 =	simm.s32 @!p0 $0x108  }
0x21: {  	s3 =	sadd.s32 s3, s9;
	s6 =	sadd.s32 @!p0 $0x88, s6;
	s7 =	simm.s32 @p2 $0x1082  }
0x22: {  	[simem:s7], [sflag:s8] =	dma.local @!p0 [hbm:s6], $0xF7A  }
0x23: {  	s9 =	sor.u32 $0xD0000000, s2;
	s6 =	simm.s32 $0x108;
	_ =	swait.ge @!p0 [sflag:s8], $0x0  }
0x24: {  	s3 =	sadd.s32 $0x88, s3;
	s6 =	simm.s32 @!p1 $0x1082;
	[sflag:s4] =	ssyncset.s32 $0xFFFFF086  }
0x25: {  	[simem:s6], [sflag:s4] =	dma.local [hbm:s3], $0xF7A  }
0x26: {  	[smem:$0x3F99] =	sst s1;
	(tag) =	ssettag s2;
	_ =	strace s9  }
0x27: {  	s1 =	sld [smem:$0x3FA9]  }
0x28: {  	s2 =	sld [smem:$0x3FAA]  }
0x29: {  	s4 =	sld [smem:$0x3FAC]  }
0x2a: {  	p0 =	seq.s32 s5, $0x0;
	s5 =	sld [smem:$0x3FAD]  }
0x2b: {  	s6 =	sld [smem:$0x3FAE]  }
0x2c: {  	s7 =	sld [smem:$0x3FAF]  }
0x2d: {  	s3 =	simm.s32 $0x108;
	s8 =	sld [smem:$0x3FB0]  }
0x2e: {  	s3 =	simm.s32 @!p0 $0x1082;
	s9 =	sld [smem:$0x3FB1]  }
0x2f: {  	lr =	sadd.s32 s0, s3;
	s0 =	sld [smem:$0x3FA8]  }
0x30: {  	s3 =	sld [smem:$0x3FAB]  }
0x31: {  	[smem:$0x3FB4] =	sst s10  }
0x32: {  	s10 =	sld [smem:$0x3FB2];
	_ =	sdelay $0x3  }
0x33: {  	p0 =	seq.s32 s10, $0x1;
	s10 =	sld [smem:$0x3FB4];
	_ =	sdelay $0x3  }
0x34: {  	[smem:$0x3FB4] =	sst s10  }
0x35: {  	s10 =	sld [smem:$0x3FB3];
	_ =	sdelay $0x3  }
0x36: {  	p1 =	seq.s32 s10, $0x1;
	s10 =	sld [smem:$0x3FB4];
	_ =	sdelay $0x3  }
0x37: {  	[smem:$0x3FB4] =	sst s10  }
0x38: {  	s10 =	sld [smem:$0x3FB5]  }
0x39: {  	_ = 	snop;
	(pc) =	sbr.ind lr, $3  }
0x3a: {  	_ = 	snop  }
0x3b: {  	_ = 	snop  }
0x3c: {  	p2 =	seq.s32 s10, $0x1;
	s10 =	sld [smem:$0x3FB4]  }
0x3d: {  	_ =	shalt  }
0x3e: {  	_ =	shalt  }
0x3f: {  	_ =	shalt  }
0x40: {  	_ =	shalt  }
0x41: {  	_ =	shalt  }
0x42: {  	_ =	shalt  }
0x43: {  	_ =	shalt  }
0x44: {  	_ =	shalt  }
0x45: {  	_ =	shalt  }
0x46: {  	_ =	shalt  }
0x47: {  	_ =	shalt  }
0x48: {  	_ =	shalt  }
0x49: {  	_ =	shalt  }
0x4a: {  	_ =	shalt  }
0x4b: {  	_ =	shalt  }
0x4c: {  	_ =	shalt  }
0x4d: {  	_ =	shalt  }
0x4e: {  	_ =	shalt  }
0x4f: {  	_ =	shalt  }
0x50: {  	_ =	shalt  }
0x51: {  	_ =	shalt  }
0x52: {  	_ =	shalt  }
0x53: {  	_ =	shalt  }
0x54: {  	_ =	shalt  }
0x55: {  	_ =	shalt  }
0x56: {  	_ =	shalt  }
0x57: {  	_ =	shalt  }
0x58: {  	_ =	shalt  }
0x59: {  	_ =	shalt  }
0x5a: {  	_ =	shalt  }
0x5b: {  	_ =	shalt  }
0x5c: {  	_ =	shalt  }
0x5d: {  	_ =	shalt  }
0x5e: {  	_ =	shalt  }
0x5f: {  	_ =	shalt  }
0x60: {  	_ =	shalt  }
0x61: {  	_ =	shalt  }
0x62: {  	_ =	shalt  }
0x63: {  	_ =	shalt  }
0x64: {  	_ =	shalt  }
0x65: {  	_ =	shalt  }
0x66: {  	_ =	shalt  }
0x67: {  	_ =	shalt  }
0x68: {  	_ =	shalt  }
0x69: {  	_ =	shalt  }
0x6a: {  	_ =	shalt  }
0x6b: {  	_ =	shalt  }
0x6c: {  	_ =	shalt  }
0x6d: {  	_ =	shalt  }
0x6e: {  	_ =	shalt  }
0x6f: {  	_ =	shalt  }
0x70: {  	_ =	shalt  }
0x71: {  	_ =	shalt  }
0x72: {  	_ =	shalt  }
0x73: {  	_ =	shalt  }
0x74: {  	_ =	shalt  }
0x75: {  	_ =	shalt  }
0x76: {  	_ =	shalt  }
0x77: {  	_ =	shalt  }
0x78: {  	_ =	shalt  }
0x79: {  	_ =	shalt  }
0x7a: {  	_ =	shalt  }
0x7b: {  	_ =	shalt  }
0x7c: {  	_ =	shalt  }
0x7d: {  	_ =	shalt  }
0x7e: {  	_ =	shalt  }
0x7f: {  	_ =	shalt  }
0x80: {  	_ =	shalt  }
0x81: {  	_ =	shalt  }
0x82: {  	_ =	shalt  }
0x83: {  	_ =	shalt  }
0x84: {  	_ =	shalt  }
0x85: {  	_ =	shalt  }
0x86: {  	_ =	shalt  }
0x87: {  	_ =	shalt  }
.Lfunc_end0:
.L_simem_size_0:
called_computation.1_lowered:
.L_overlay_start_0:
0x88: {  	s2 =	sld [smem:$0x3FD9]  }
0x89: {  	s3 =	sld [smem:$0x3FFE];
	_ =	sdelay $0x1  }
0x8a: {  	s1 =	srdreg.scid  }
0x8b: {  	s0 =	sand.u32 $0x1, s1  }
0x8c: {  	s17 =	sshll.u32 s0, $0xA;
	s2 =	sadd.s32 s3, s2  }
0x8d: {  	s2 =	sadd.s32 s2, s17  }
0x8e: {  	[smem:$0x3FC0] =	sst s2  }
0x8f: {  	_ = 	snop  }
0x90: {  	s2 =	sld [smem:$0x3FD0];
	(tm) =	ssettm $0x1  }
0x91: {  	s18 =	sld [smem:$0x3FFB];
	_ =	sdelay $0x3  }
0x92: {  	_ =	strace s18  }
0x93: {  	s3 =	sld [smem:$0x3FFC];
	_ =	sdelay $0x3  }
0x94: {  	_ =	strace s3  }
0x95: {  	s3 =	sld [smem:$0x3FFD];
	_ =	sdelay $0x3  }
0x96: {  	_ =	strace s3  }
0x97: {  	_ =	strace $0x8FFFFFFF  }
0x98: {  	s19 =	sld [smem:$0x3FDB];
	_ =	sdelay $0x1  }
0x99: {  	s4 =	simm.s32 $_scs_section_size  }
0x9a: {  	s5 =	simm.s32 $_size__tile_overlayer_lowered;
	s6 =	simm.s32 $_tile_overlayer_lowered  }
0x9b: {  	s22 =	simm.s32 $0x1BFF;
	s21 =	sshll.u32 s6, $0x1;
	s3 =	sadd.s32 s4, s19  }
0x9c: {  	s7 =	simm.s32 $0x0;
	s20 =	sshll.u32 s5, $0x1;
	s5 =	sadd.s32 s21, s3  }
0x9d: {  	[timem:s7], [sflag:s22] =	dma.local [hbm:s5], s20  }
0x9e: {  	_ =	swait.ge [sflag:s22], s20  }
0x9f: {  	s4 =	ssub.s32 $0x0, s20;
	[sflag:s22] =	ssyncset.done $0x0  }
0xa0: {  	[sflag:s22] =	ssyncadd.s32 s4;
	_ =	sdelay $0x1  }
0xa1: {  	s23 =	simm.s32 $0x1B8B  }
0xa2: {  	_ =	swait.ge [sflag:s23], $0x1  }
0xa3: {  	[sflag:s23] =	ssyncset.done $0x0  }
0xa4: {  	s25 =	simm.s32 $0x1B8E;
	s24 =	sld [smem:$0x3FFE];
	[sflag:s23] =	ssyncadd.s32 $0xFFFFFFFF  }
0xa5: {  	s26 =	simm.s32 $execute0_lowered;
	[smem:$0x3FD2] =	sst s25  }
0xa6: {  	s5 =	sshll.u32 s26, $0x1;
	_ =	strace $0x80000049;
	[dreg:$0x1] =	wrdreg $0xFFFFFFFF  }
0xa7: {  	s28 =	simm.s32 $_size_execute0_lowered;
	s3 =	sadd.s32 s3, s5;
	[dreg:$0x0] =	wrdreg $0x0  }
0xa8: {  	s5 =	sshll.u32 s28, $0x1;
	[dreg:$0x2] =	wrdreg s3  }
0xa9: {  	[dreg:$0x3] =	wrdreg s5  }
0xaa: {  	[dreg:$0x4] =	wrdreg $0xC0  }
0xab: {  	_ =	task [dreg:s7], $0x5FFFF  }
0xac: {  	[dreg:$0x1] =	wrdreg $0xFFFFFFFF  }
0xad: {  	[dreg:$0x0] =	wrdreg $0x60  }
0xae: {  	[dreg:$0x2] =	wrdreg s2  }
0xaf: {  	[dreg:$0x3] =	wrdreg s24  }
0xb0: {  	[dreg:$0x4] =	wrdreg $0x110000  }
0xb1: {  	[dreg:$0x5] =	wrdreg $0x9  }
0xb2: {  	_ =	task.clear_ibuf [dreg:s7], $0x6FFFF;
	_ =	strace $0x90000049  }
0xb3: {  	s29 =	simm.s32 $0x9;
	_ =	strace $0x8000004B  }
0xb4: {  	_ =	swait.ge [sflag:s29], $0x1  }
0xb5: {  	[sflag:s29] =	ssyncadd.s32 $0xFFFFFFFF  }
0xb6: {  	_ =	strace $0x9000004B  }
0xb7: {  	_ =	sfence  }
0xb8: {  	s30 =	sld [smem:$0x0];
	_ =	sdelay $0x2  }
0xb9: {  	s31 =	sshll.u32 s1, $0xD;
	s1 =	sshrl.u32 s1, $0x2  }
0xba: {  	s3 =	sand.u32 $0x4000, s31;
	s1 =	sadd.s32 s1, s30  }
0xbb: {  	s0 =	sor.u32 s3, s0;
	s1 =	sshll.u32 s1, $0x11  }
0xbc: {  	s0 =	sor.u32 s1, s0  }
0xbd: {  	s0 =	sadd.s32 $0x8F2B, s0  }
0xbe: {  	[sflag:s0] =	ssyncadd.remote.s32 $0x1  }
0xbf: {  	_ =	sfence.sel $0xFFFF  }
0xc0: {  	[dreg:$0x0] =	wrdreg $0xFFFFFFFF;
	(pc) =	sbr.abs _section_cstart, $3  }
0xc1: {  	[dreg:$0x1] =	wrdreg $0xFFFFFFFF  }
0xc2: {  	_ =	task.clear_ibuf [dreg:s7], $0x2FFFF;
	_ =	strace $0x9FFFFFFF  }
0xc3: {  	(tm) =	ssettm $0x7FFFFFFF  }
tec
execute0_lowered:
.L_overlay_start_1:
0x0: {  	(tag) =	ssettag $0x1  }
0x1: {  	s1 =	rddreg [dreg:$0x0]  }
0x2: {  	s0 =	rddreg [dreg:$0x1]  }
0x3: {  	s3 =	rddreg [dreg:$0x2];
	s4 =	simm.s32 $0x0;
	s9 =	stileid.u32  }
0x4: {  	s2 =	srdreg.scid;
	s30 =	simm.s32 $0x9000;
	s28 =	simm.s32 $0x4  }
0x5: {  	s29 =	simm.s32 $0xF000;
	s31 =	simm.s32 $0x0;
	[smem:$0x7FF] =	sst s4  }
0x6: {  	s7 =	smul.u32 $0x500, s9;
	s5 =	sand.u32 $0x1, s2;
	s6 =	sadd.s32 $0x16600, s0  }
0x7: {  	s19 =	sadd.s32 $0xC200, s0;
	s9 =	smul.u32 $0x14000, s9;
	s17 =	sadd.s32 $0x2A600, s0  }
0x8: {  	_ =	strace $0x8000004A;
	[dreg:$0x4] =	wrdreg s19;
	s20 =	ssub.s32 $0x2, s5  }
0x9: {  	p0 =	seq.s32 s5, $0x0;
	s7 =	sadd.s32 s7, s0;
	s8 =	sshrl.u32 s20, $0x1  }
0xa: {  	s0 =	sadd.s32 $0x3E600, s0;
	s22 =	sadd.s32 $0x4000, s9;
	s23 =	sshrl.u32 s9, $0x1  }
0xb: {  	s24 =	sadd.s32 $0x8000, s9;
	s15 =	sadd.s32 $0xC000, s9;
	s16 =	sadd.s32 $0x10000, s9  }
0xc: {  	s9 =	sshrl.u32 s9, $0x4;
	s2 =	ssub.s32 s20, s8;
	s21 =	sadd.s32 $0xC600, s7  }
0xd: {  	s7 =	sadd.s32 $0x11600, s7;
	s11 =	sshrl.u32 s22, $0x1;
	s10 =	sadd.s32 s23, s3  }
0xe: {  	s12 =	sshrl.u32 s24, $0x1;
	s13 =	sshrl.u32 s15, $0x1;
	s14 =	sshrl.u32 s16, $0x1  }
0xf: {  	s8 =	sshrl.u32 s24, $0x4;
	s20 =	sshrl.u32 s15, $0x4;
	s0 =	smov.u32 @p0 s17  }
0x10: {  	s24 =	simm.s32 $0xD000;
	s23 =	simm.s32 $0x3;
	[dreg:$0x5] =	wrdreg s21  }
0x11: {  	[dreg:$0x6] =	wrdreg s7;
	s11 =	sadd.s32 s11, s3;
	s12 =	sadd.s32 s12, s3  }
0x12: {  	s13 =	sadd.s32 s13, s3;
	s14 =	sadd.s32 s14, s3;
	s7 =	sshrl.u32 s22, $0x4  }
0x13: {  	s21 =	sshrl.u32 s16, $0x4;
	s2 =	smax.u32 s2, $0x1;
	s16 =	smov.u32 s6  }
.Ltmp0:
0x14: {  	s25 =	sadd.s32 s0, s9;
	s19 =	sadd.s32 s0, s8;
	(pc) =	sbr.rel .LBB2_1-.Ltmp0, $4  }
0x15: {  	s20 =	sadd.s32 s0, s20;
	s22 =	simm.s32 $0x5;
	[dreg:$0x7] =	wrdreg s2  }
0x16: {  	s16 =	smov.u32 @p0 s1;
	[dreg:$0x8] =	wrdreg s25;
	s26 =	sadd.s32 s0, s7  }
0x17: {  	s21 =	sadd.s32 s0, s21;
	s25 =	simm.s32 $0x80;
	s0 =	simm.s32 $0xB000  }
0x18: {  	s2 =	simm.s32 $0x1;
	[dreg:$0x9] =	wrdreg s26;
	s26 =	simm.s32 $0x5000  }
.LBB2_4:
0x19: {  	_ =	swait.ge [sflag:s28], $0x2000  }
0x1a: {  	[sflag:s28] =	ssyncset.done $0x0  }
0x1b: {  	[sflag:s28] =	ssyncadd.s32 $0xFFFFE000  }
0x1c: {  	[spmem:s3] =	stream.indirect.scatter.add.bf16 [tilespmem:s0], [sflag:$0x5], $0x40, s9, s25, $0xb8;
	[tilespmem:$0x1B000] =	vst v63  }
0x1d: {  	_ =	swait.ge [sflag:s22], $0x2000  }
0x1e: {  	[sflag:s22] =	ssyncset.done $0x0  }
0x1f: {  	[sflag:s22] =	ssyncadd.s32 $0xFFFFE000  }
0x20: {  	[bflag:$0x0] =	sbarrier.arrive $0xFFFF  }
0x21: {  	[tilespmem:s29], [sflag:$0x5] =	stream.linear.gather [spmem:s10], $0x2000, $0x38;
	[tilespmem:$0x1B000] =	vst v63  }
0x22: {  	_ =	swait.ge [sflag:s22], $0x2000  }
0x23: {  	[sflag:s22] =	ssyncset.done $0x0  }
0x24: {  	s7 =	rddreg [dreg:$0x8];
	[sflag:s22] =	ssyncadd.s32 $0xFFFFE000  }
0x25: {  	[hbm4b:s7+s4] =	stream.linear.scatter [tilespmem:s29], [sflag:$0x5], $0x2000, $0x38;
	[tilespmem:$0x1B000] =	vst v63  }
0x26: {  	_ =	swait.ge [sflag:s22], $0x2000  }
0x27: {  	[sflag:s22] =	ssyncset.done $0x0  }
0x28: {  	[sflag:s22] =	ssyncadd.s32 $0xFFFFE000  }
0x29: {  	[tilespmem:s29], [sflag:$0x5] =	stream.linear.gather [spmem:s11], $0x2000, $0x38;
	[tilespmem:$0x1B000] =	vst v63  }
0x2a: {  	_ =	swait.ge [sflag:s22], $0x2000  }
0x2b: {  	[sflag:s22] =	ssyncset.done $0x0  }
0x2c: {  	s17 =	rddreg [dreg:$0x9];
	[sflag:s22] =	ssyncadd.s32 $0xFFFFE000  }
0x2d: {  	[hbm4b:s17+s4] =	stream.linear.scatter [tilespmem:s29], [sflag:$0x5], $0x2000, $0x38;
	[tilespmem:$0x1B000] =	vst v63  }
0x2e: {  	_ =	swait.ge [sflag:s22], $0x2000  }
0x2f: {  	[sflag:s22] =	ssyncset.done $0x0  }
0x30: {  	[sflag:s22] =	ssyncadd.s32 $0xFFFFE000  }
0x31: {  	[tilespmem:s29], [sflag:$0x5] =	stream.linear.gather [spmem:s12], $0x2000, $0x38;
	[tilespmem:$0x1B000] =	vst v63  }
0x32: {  	_ =	swait.ge [sflag:s22], $0x2000  }
0x33: {  	[sflag:s22] =	ssyncset.done $0x0  }
0x34: {  	[sflag:s22] =	ssyncadd.s32 $0xFFFFE000  }
0x35: {  	[hbm4b:s19+s4] =	stream.linear.scatter [tilespmem:s29], [sflag:$0x5], $0x2000, $0x38;
	[tilespmem:$0x1B000] =	vst v63  }
0x36: {  	_ =	swait.ge [sflag:s22], $0x2000  }
0x37: {  	[sflag:s22] =	ssyncset.done $0x0  }
0x38: {  	[sflag:s22] =	ssyncadd.s32 $0xFFFFE000  }
0x39: {  	[tilespmem:s29], [sflag:$0x5] =	stream.linear.gather [spmem:s13], $0x2000, $0x38;
	[tilespmem:$0x1B000] =	vst v63  }
0x3a: {  	_ =	swait.ge [sflag:s22], $0x2000  }
0x3b: {  	[sflag:s22] =	ssyncset.done $0x0  }
0x3c: {  	[sflag:s22] =	ssyncadd.s32 $0xFFFFE000  }
0x3d: {  	[hbm4b:s20+s4] =	stream.linear.scatter [tilespmem:s29], [sflag:$0x5], $0x2000, $0x38;
	[tilespmem:$0x1B000] =	vst v63  }
0x3e: {  	_ =	swait.ge [sflag:s22], $0x2000  }
0x3f: {  	[sflag:s22] =	ssyncset.done $0x0  }
0x40: {  	[sflag:s22] =	ssyncadd.s32 $0xFFFFE000  }
0x41: {  	[tilespmem:s29], [sflag:$0x5] =	stream.linear.gather [spmem:s14], $0x2000, $0x38;
	[tilespmem:$0x1B000] =	vst v63  }
0x42: {  	_ =	swait.ge [sflag:s22], $0x2000  }
0x43: {  	[sflag:s22] =	ssyncset.done $0x0  }
0x44: {  	[sflag:s22] =	ssyncadd.s32 $0xFFFFE000  }
0x45: {  	[hbm4b:s21+s4] =	stream.linear.scatter [tilespmem:s29], [sflag:$0x5], $0x2000, $0x38;
	[tilespmem:$0x1B000] =	vst v63  }
0x46: {  	_ =	swait.ge [sflag:s22], $0x2000  }
0x47: {  	s31 =	sadd.s32 $0x1, s31;
	s18 =	rddreg [dreg:$0x7]  }
0x48: {  	p0 =	sne.s32 s31, s18  }
.Ltmp1:
0x49: {  	_ = 	snop;
	(pc) =	sbr.rel @!p0 .LBB2_5-.Ltmp1, $3  }
0x4a: {  	_ =	sdelay $0x1  }
0x4b: {  	[sflag:s22] =	ssyncset.done $0x0  }
0x4c: {  	[sflag:s22] =	ssyncadd.s32 $0xFFFFE000  }
.LBB2_1:
0x4d: {  	s7 =	rddreg [dreg:$0x5]  }
0x4e: {  	[tilespmem:s4], [sflag:$0x5] =	stream.linear.gather [hbm4b:s7+s4], $0x2800, $0x38;
	[tilespmem:$0x1B000] =	vst v63  }
0x4f: {  	_ =	swait.ge [sflag:s22], $0x2800  }
0x50: {  	[sflag:s22] =	ssyncset.done $0x0  }
0x51: {  	s8 =	simm.s32 $0x2800;
	s18 =	rddreg [dreg:$0x6];
	[sflag:s22] =	ssyncadd.s32 $0xFFFFD800  }
0x52: {  	[tilespmem:s8], [sflag:$0x5] =	stream.linear.gather [hbm4b:s18+s4], $0x2800, $0x38;
	[tilespmem:$0x1B000] =	vst v63  }
0x53: {  	_ =	swait.ge [sflag:s22], $0x2800  }
0x54: {  	[sflag:s22] =	ssyncset.done $0x0  }
0x55: {  	s9 =	rddreg [dreg:$0x4];
	[sflag:s22] =	ssyncadd.s32 $0xFFFFD800  }
0x56: {  	[tilespmem:s24], [sflag:$0x5] =	stream.linear.gather [hbm4b:s9+s4], $0x2000, $0x38;
	[tilespmem:$0x1B000] =	vst v63  }
0x57: {  	_ =	swait.ge [sflag:s22], $0x2000  }
0x58: {  	[sflag:s22] =	ssyncset.done $0x0  }
0x59: {  	[sflag:s22] =	ssyncadd.s32 $0xFFFFE000  }
0x5a: {  	[tilespmem:s26], [sflag:$0x1] =	stream.indirect.gather [hbm4b:s16+s25], $0x40, s4, s25, $0xb8;
	[tilespmem:$0x1B000] =	vst v63  }
0x5b: {  	s15 =	simm.s32 $0x7000  }
0x5c: {  	[tilespmem:s15], [sflag:$0x2] =	stream.indirect.gather [hbm4b:s16+s25], $0x40, s25, s25, $0xb8;
	[tilespmem:$0x1B000] =	vst v63  }
0x5d: {  	s17 =	simm.s32 $0x100  }
0x5e: {  	[tilespmem:s30], [sflag:$0x3] =	stream.indirect.gather [hbm4b:s16+s25], $0x40, s17, s25, $0xb8;
	[tilespmem:$0x1B000] =	vst v63  }
0x5f: {  	s18 =	simm.s32 $0x180  }
0x60: {  	[tilespmem:s0], [sflag:$0x4] =	stream.indirect.gather [hbm4b:s16+s25], $0x40, s18, s25, $0xb8;
	[tilespmem:$0x1B000] =	vst v63  }
0x61: {  	_ = 	snop  }
0x62: {  	[spmem:s10] =	stream.linear.scatter [tilespmem:s24], [sflag:$0x5], $0x2000, $0x38;
	[tilespmem:$0x1B000] =	vst v63  }
0x63: {  	_ =	swait.ge [sflag:s22], $0x2000  }
0x64: {  	[sflag:s22] =	ssyncset.done $0x0  }
0x65: {  	[sflag:s22] =	ssyncadd.s32 $0xFFFFE000  }
0x66: {  	[spmem:s11] =	stream.linear.scatter [tilespmem:s24], [sflag:$0x5], $0x2000, $0x38;
	[tilespmem:$0x1B000] =	vst v63  }
0x67: {  	_ =	swait.ge [sflag:s22], $0x2000  }
0x68: {  	[sflag:s22] =	ssyncset.done $0x0  }
0x69: {  	[sflag:s22] =	ssyncadd.s32 $0xFFFFE000  }
0x6a: {  	[spmem:s12] =	stream.linear.scatter [tilespmem:s24], [sflag:$0x5], $0x2000, $0x38;
	[tilespmem:$0x1B000] =	vst v63  }
0x6b: {  	_ =	swait.ge [sflag:s22], $0x2000  }
0x6c: {  	[sflag:s22] =	ssyncset.done $0x0  }
0x6d: {  	[sflag:s22] =	ssyncadd.s32 $0xFFFFE000  }
0x6e: {  	[spmem:s13] =	stream.linear.scatter [tilespmem:s24], [sflag:$0x5], $0x2000, $0x38;
	[tilespmem:$0x1B000] =	vst v63  }
0x6f: {  	_ =	swait.ge [sflag:s22], $0x2000  }
0x70: {  	[sflag:s22] =	ssyncset.done $0x0  }
0x71: {  	[sflag:s22] =	ssyncadd.s32 $0xFFFFE000  }
0x72: {  	[spmem:s14] =	stream.linear.scatter [tilespmem:s24], [sflag:$0x5], $0x2000, $0x38;
	[tilespmem:$0x1B000] =	vst v63  }
0x73: {  	_ =	swait.ge [sflag:s22], $0x2000  }
0x74: {  	[sflag:s22] =	ssyncset.done $0x0  }
0x75: {  	[sflag:s22] =	ssyncadd.s32 $0xFFFFE000  }
0x76: {  	s7 =	simm.s32 $0x0;
	[bflag:$0x0] =	sbarrier.arrive $0xFFFF  }
.LBB2_2:
0x77: {  	_ =	swait.ge [sflag:s2], $0x2000  }
0x78: {  	s8 =	sshra.s32 s7, $0x2;
	[sflag:s2] =	ssyncset.done $0x0  }
0x79: {  	s9 =	sadd.s32 $0x2800, s8;
	[sflag:s2] =	ssyncadd.s32 $0xFFFFE000  }
0x7a: {  	[spmem:s3] =	stream.indirect.scatter.add.bf16 [tilespmem:s26], [sflag:$0x5], $0x40, s9, s25, $0xb8;
	[tilespmem:$0x1B000] =	vst v63  }
0x7b: {  	_ =	swait.ge [sflag:s22], $0x2000  }
0x7c: {  	p0 =	seq.s32 s7, $0x9800;
	[sflag:s22] =	ssyncset.done $0x0  }
0x7d: {  	s9 =	simm.s32 @p0 $0x2;
	[sflag:s22] =	ssyncadd.s32 $0xFFFFE000  }
0x7e: {  	_ =	swait.ge @p0 [sflag:s9], $0x2000  }
0x7f: {  	[sflag:s9] =	ssyncset.done @p0 $0x0  }
0x80: {  	[sflag:s9] =	ssyncadd.s32 @p0 $0xFFFFE000;
	s9 =	sshra.s32 @p0 s7, $0x2  }
0x81: {  	s15 =	simm.s32 @p0 $0x80;
	s17 =	simm.s32 @p0 $0x7000;
	s9 =	sadd.s32 @p0 $0x2880, s9  }
0x82: {  	[spmem:s3] =	stream.indirect.scatter.add.bf16 @p0 [tilespmem:s17], [sflag:$0x5], $0x40, s9, s15, $0xb8;
	[tilespmem:$0x1B000] =	vst v63  }
0x83: {  	s9 =	simm.s32 @p0 $0x5  }
0x84: {  	_ =	swait.ge @p0 [sflag:s9], $0x2000  }
0x85: {  	[sflag:s9] =	ssyncset.done @p0 $0x0  }
0x86: {  	[sflag:s9] =	ssyncadd.s32 @p0 $0xFFFFE000;
	s9 =	sshra.s32 @!p0 s7, $0x2  }
0x87: {  	s18 =	simm.s32 @!p0 $0x5000;
	s17 =	simm.s32 @!p0 $0x80;
	s15 =	sadd.s32 @!p0 $0x200, s9  }
0x88: {  	[tilespmem:s18], [sflag:$0x1] =	stream.indirect.gather @!p0 [hbm4b:s16+s17], $0x40, s15, s17, $0xb8;
	[tilespmem:$0x1B000] =	vst v63  }
0x89: {  	s15 =	simm.s32 @!p0 $0x2  }
0x8a: {  	_ =	swait.ge @!p0 [sflag:s15], $0x2000  }
0x8b: {  	[sflag:s15] =	ssyncset.done @!p0 $0x0  }
0x8c: {  	s18 =	simm.s32 @!p0 $0x7000;
	[sflag:s15] =	ssyncadd.s32 @!p0 $0xFFFFE000;
	s15 =	sadd.s32 @!p0 $0x2880, s9  }
0x8d: {  	[spmem:s3] =	stream.indirect.scatter.add.bf16 @!p0 [tilespmem:s18], [sflag:$0x5], $0x40, s15, s17, $0xb8;
	[tilespmem:$0x1B000] =	vst v63  }
0x8e: {  	p1 =	sne.s32 @!p0 s5, $0x0;
	s15 =	simm.s32 @!p0 $0x5  }
0x8f: {  	p2 =	por !p1, p0;
	_ =	swait.ge @!p0 [sflag:s15], $0x2000  }
0x90: {  	p1 =	por p1, p0;
	s9 =	sadd.s32 @!p0 $0x280, s9;
	[sflag:s15] =	ssyncset.done @!p0 $0x0  }
0x91: {  	s17 =	simm.s32 @!p2 $0x7000;
	[sflag:s15] =	ssyncadd.s32 @!p0 $0xFFFFE000;
	s15 =	simm.s32 @!p2 $0x80  }
0x92: {  	[tilespmem:s17], [sflag:$0x2] =	stream.indirect.gather @!p2 [hbm4b:s6+s15], $0x40, s9, s15, $0xb8;
	[tilespmem:$0x1B000] =	vst v63  }
0x93: {  	s15 =	simm.s32 @!p1 $0x80;
	s17 =	simm.s32 @!p1 $0x7000  }
0x94: {  	[tilespmem:s17], [sflag:$0x2] =	stream.indirect.gather @!p1 [hbm4b:s1+s15], $0x40, s9, s15, $0xb8;
	[tilespmem:$0x1B000] =	vst v63  }
0x95: {  	_ =	swait.ge [sflag:s23], $0x2000  }
0x96: {  	[sflag:s23] =	ssyncset.done $0x0  }
.Ltmp2:
0x97: {  	s18 =	sadd.s32 $0x2900, s8;
	[sflag:s23] =	ssyncadd.s32 $0xFFFFE000;
	(pc) =	sbr.rel @p0 .LBB2_4-.Ltmp2, $4  }
0x98: {  	[spmem:s3] =	stream.indirect.scatter.add.bf16 [tilespmem:s30], [sflag:$0x5], $0x40, s18, s25, $0xb8;
	[tilespmem:$0x1B000] =	vst v63  }
0x99: {  	_ =	swait.ge [sflag:s22], $0x2000  }
0x9a: {  	[sflag:s22] =	ssyncset.done $0x0  }
0x9b: {  	s9 =	sadd.s32 $0x2980, s8;
	[sflag:s22] =	ssyncadd.s32 $0xFFFFE000  }
0x9c: {  	s15 =	sadd.s32 $0x300, s8  }
0x9d: {  	[tilespmem:s30], [sflag:$0x3] =	stream.indirect.gather [hbm4b:s16+s25], $0x40, s15, s25, $0xb8;
	[tilespmem:$0x1B000] =	vst v63  }
0x9e: {  	_ =	swait.ge [sflag:s28], $0x2000  }
0x9f: {  	[sflag:s28] =	ssyncset.done $0x0  }
0xa0: {  	[sflag:s28] =	ssyncadd.s32 $0xFFFFE000  }
0xa1: {  	[spmem:s3] =	stream.indirect.scatter.add.bf16 [tilespmem:s0], [sflag:$0x5], $0x40, s9, s25, $0xb8;
	[tilespmem:$0x1B000] =	vst v63  }
.Ltmp3:
0xa2: {  	_ = 	snop;
	(pc) =	sbr.rel .LBB2_2-.Ltmp3, $4  }
0xa3: {  	_ =	swait.ge [sflag:s22], $0x2000  }
0xa4: {  	[sflag:s22] =	ssyncset.done $0x0  }
0xa5: {  	s18 =	sadd.s32 $0x380, s8;
	s7 =	sadd.s32 $0x800, s7;
	[sflag:s22] =	ssyncadd.s32 $0xFFFFE000  }
0xa6: {  	[tilespmem:s0], [sflag:$0x4] =	stream.indirect.gather [hbm4b:s16+s25], $0x40, s18, s25, $0xb8;
	[tilespmem:$0x1B000] =	vst v63  }
.LBB2_5:
0xa7: {  	_ =	sfence.sel $0x180000  }
0xa8: {  	[bflag:$0x0] =	sbarrier.arrive $0xFFFF  }
0xa9: {  	_ =	strace $0x9000004A  }
0xaa: {  	s0 =	stileid.u32;
	[bflag:$0x2] =	sbarrier.arrive $0xFFFF  }
0xab: {  	p0 =	sne.s32 s0, $0x0;
	s0 =	rddreg [dreg:$0x3]  }
0xac: {  	s0 =	sadd.s32 @!p0 $0x100000, s0  }
0xad: {  	[sflag:s0] =	ssyncadd.tile.s32 @!p0 $0x1;
	_ =	shalt  }
.Lfunc_end2:
_tile_overlayer_lowered:
.L_overlay_start_2:
0xae: {  	(tag) =	ssettag $0x2  }
0xaf: {  	s0 =	rddreg [dreg:$0x0];
	s2 =	stileid.u32  }
0xb0: {  	s1 =	rddreg [dreg:$0x1];
	p0 =	sne.s32 s2, $0x0  }
0xb1: {  	s3 =	rddreg [dreg:$0x2];
	[bflag:$0x3] =	sbarrier.arrive $0xFFFF;
	s2 =	simm.s32 @!p0 $0x1C05  }
0xb2: {  	[timem:s3], [sflag:s2] =	dma.local @!p0 [hbm:s0], s1  }
0xb3: {  	s0 =	simm.s32 @!p0 $0x5  }
0xb4: {  	_ =	swait.ge @!p0 [sflag:s0], s1  }
0xb5: {  	s1 =	ssub.s32 @!p0 $0x0, s1;
	[sflag:s0] =	ssyncset.done @!p0 $0x0  }
0xb6: {  	[sflag:s0] =	ssyncadd.s32 @!p0 s1  }
0xb7: {  	[bflag:$0x3] =	sbarrier.arrive $0xFFFF  }
0xb8: {  	_ =	shalt  }

// kernel: kernel.16.cloned.1.call-start
scs
__scs_entry_jumppad:
0x0: {  	(pc) =	sbr.rel $0x88, $3  }
0x1: {  	(tag) =	ssettag $0x0;
	lr =	simm.s32 $0x1  }
0x2: {  	[smem:$0x3F99] =	sst lr;
	_ =	strace $0xD0000000  }
0x3: {  	_ = 	snop  }
0x4: {  	_ = 	snop  }
0x5: {  	_ = 	snop  }
0x6: {  	_ = 	snop  }
0x7: {  	_ = 	snop  }
__scs_overlays_trampoline_lowered:
0x8: {  	[smem:$0x3FA8] =	sst s0  }
0x9: {  	[smem:$0x3FA9] =	sst s1  }
0xa: {  	[smem:$0x3FAA] =	sst s2  }
0xb: {  	[smem:$0x3FAB] =	sst s3  }
0xc: {  	[smem:$0x3FAC] =	sst s4  }
0xd: {  	[smem:$0x3FAD] =	sst s5  }
0xe: {  	[smem:$0x3FAE] =	sst s6  }
0xf: {  	[smem:$0x3FAF] =	sst s7  }
0x10: {  	[smem:$0x3FB0] =	sst s8  }
0x11: {  	[smem:$0x3FB1] =	sst s9;
	s0 =	simm.s32 @!p0 $0x0  }
0x12: {  	s1 =	sld [smem:$0x3F97];
	s0 =	simm.s32 @p0 $0x1  }
0x13: {  	[smem:$0x3FB2] =	sst s0;
	s0 =	simm.s32 @!p1 $0x0  }
0x14: {  	s2 =	sld [smem:$0x3F96];
	s0 =	simm.s32 @p1 $0x1  }
0x15: {  	[smem:$0x3FB3] =	sst s0;
	s0 =	simm.s32 @!p2 $0x0  }
0x16: {  	s3 =	sld [smem:$0x3FDB];
	s0 =	simm.s32 @p2 $0x1  }
0x17: {  	s4 =	simm.s32 $0x1BF5;
	[smem:$0x3FB5] =	sst s0  }
0x18: {  	s0 =	sld [smem:$0x3F98];
	_ =	swait.ge [sflag:s4], $0x0  }
0x19: {  	s7 =	sld [smem:$0x3F99]  }
0x1a: {  	s8 =	sadd.s32 $0xFFFFE003, lr  }
0x1b: {  	s9 =	sadd.s32 $0xFFFFFEF7, lr;
	s5 =	simm.s32 $0xFFFFFFFF;
	p2 =	slt.u32 s8, $0xFFFFF086  }
0x1c: {  	p1 =	slt.u32 s9, $0xF7A;
	s5 =	simm.s32 @!p2 $0x0  }
0x1d: {  	s5 =	simm.s32 @p1 $0x1;
	p0 =	seq.s32 s7, s2  }
0x1e: {  	s7 =	smul.u32 @!p0 $0xF7A, s2;
	p2 =	seq.s32 @!p0 s5, $0x0  }
0x1f: {  	s9 =	smul.u32 $0xF7A, s1;
	s8 =	simm.s32 @!p0 $0x1BF5;
	p2 =	por !p2, p0  }
0x20: {  	[sflag:s8] =	ssyncset.s32 @!p0 $0xFFFFF086;
	s6 =	sadd.s32 @!p0 s3, s7;
	s7 =	simm.s32 @!p0 $0x108  }
0x21: {  	s3 =	sadd.s32 s3, s9;
	s6 =	sadd.s32 @!p0 $0x88, s6;
	s7 =	simm.s32 @p2 $0x1082  }
0x22: {  	[simem:s7], [sflag:s8] =	dma.local @!p0 [hbm:s6], $0xF7A  }
0x23: {  	s9 =	sor.u32 $0xD0000000, s2;
	s6 =	simm.s32 $0x108;
	_ =	swait.ge @!p0 [sflag:s8], $0x0  }
0x24: {  	s3 =	sadd.s32 $0x88, s3;
	s6 =	simm.s32 @!p1 $0x1082;
	[sflag:s4] =	ssyncset.s32 $0xFFFFF086  }
0x25: {  	[simem:s6], [sflag:s4] =	dma.local [hbm:s3], $0xF7A  }
0x26: {  	[smem:$0x3F99] =	sst s1;
	(tag) =	ssettag s2;
	_ =	strace s9  }
0x27: {  	s1 =	sld [smem:$0x3FA9]  }
0x28: {  	s2 =	sld [smem:$0x3FAA]  }
0x29: {  	s4 =	sld [smem:$0x3FAC]  }
0x2a: {  	p0 =	seq.s32 s5, $0x0;
	s5 =	sld [smem:$0x3FAD]  }
0x2b: {  	s6 =	sld [smem:$0x3FAE]  }
0x2c: {  	s7 =	sld [smem:$0x3FAF]  }
0x2d: {  	s3 =	simm.s32 $0x108;
	s8 =	sld [smem:$0x3FB0]  }
0x2e: {  	s3 =	simm.s32 @!p0 $0x1082;
	s9 =	sld [smem:$0x3FB1]  }
0x2f: {  	lr =	sadd.s32 s0, s3;
	s0 =	sld [smem:$0x3FA8]  }
0x30: {  	s3 =	sld [smem:$0x3FAB]  }
0x31: {  	[smem:$0x3FB4] =	sst s10  }
0x32: {  	s10 =	sld [smem:$0x3FB2];
	_ =	sdelay $0x3  }
0x33: {  	p0 =	seq.s32 s10, $0x1;
	s10 =	sld [smem:$0x3FB4];
	_ =	sdelay $0x3  }
0x34: {  	[smem:$0x3FB4] =	sst s10  }
0x35: {  	s10 =	sld [smem:$0x3FB3];
	_ =	sdelay $0x3  }
0x36: {  	p1 =	seq.s32 s10, $0x1;
	s10 =	sld [smem:$0x3FB4];
	_ =	sdelay $0x3  }
0x37: {  	[smem:$0x3FB4] =	sst s10  }
0x38: {  	s10 =	sld [smem:$0x3FB5]  }
0x39: {  	_ = 	snop;
	(pc) =	sbr.ind lr, $3  }
0x3a: {  	_ = 	snop  }
0x3b: {  	_ = 	snop  }
0x3c: {  	p2 =	seq.s32 s10, $0x1;
	s10 =	sld [smem:$0x3FB4]  }
0x3d: {  	_ =	shalt  }
0x3e: {  	_ =	shalt  }
0x3f: {  	_ =	shalt  }
0x40: {  	_ =	shalt  }
0x41: {  	_ =	shalt  }
0x42: {  	_ =	shalt  }
0x43: {  	_ =	shalt  }
0x44: {  	_ =	shalt  }
0x45: {  	_ =	shalt  }
0x46: {  	_ =	shalt  }
0x47: {  	_ =	shalt  }
0x48: {  	_ =	shalt  }
0x49: {  	_ =	shalt  }
0x4a: {  	_ =	shalt  }
0x4b: {  	_ =	shalt  }
0x4c: {  	_ =	shalt  }
0x4d: {  	_ =	shalt  }
0x4e: {  	_ =	shalt  }
0x4f: {  	_ =	shalt  }
0x50: {  	_ =	shalt  }
0x51: {  	_ =	shalt  }
0x52: {  	_ =	shalt  }
0x53: {  	_ =	shalt  }
0x54: {  	_ =	shalt  }
0x55: {  	_ =	shalt  }
0x56: {  	_ =	shalt  }
0x57: {  	_ =	shalt  }
0x58: {  	_ =	shalt  }
0x59: {  	_ =	shalt  }
0x5a: {  	_ =	shalt  }
0x5b: {  	_ =	shalt  }
0x5c: {  	_ =	shalt  }
0x5d: {  	_ =	shalt  }
0x5e: {  	_ =	shalt  }
0x5f: {  	_ =	shalt  }
0x60: {  	_ =	shalt  }
0x61: {  	_ =	shalt  }
0x62: {  	_ =	shalt  }
0x63: {  	_ =	shalt  }
0x64: {  	_ =	shalt  }
0x65: {  	_ =	shalt  }
0x66: {  	_ =	shalt  }
0x67: {  	_ =	shalt  }
0x68: {  	_ =	shalt  }
0x69: {  	_ =	shalt  }
0x6a: {  	_ =	shalt  }
0x6b: {  	_ =	shalt  }
0x6c: {  	_ =	shalt  }
0x6d: {  	_ =	shalt  }
0x6e: {  	_ =	shalt  }
0x6f: {  	_ =	shalt  }
0x70: {  	_ =	shalt  }
0x71: {  	_ =	shalt  }
0x72: {  	_ =	shalt  }
0x73: {  	_ =	shalt  }
0x74: {  	_ =	shalt  }
0x75: {  	_ =	shalt  }
0x76: {  	_ =	shalt  }
0x77: {  	_ =	shalt  }
0x78: {  	_ =	shalt  }
0x79: {  	_ =	shalt  }
0x7a: {  	_ =	shalt  }
0x7b: {  	_ =	shalt  }
0x7c: {  	_ =	shalt  }
0x7d: {  	_ =	shalt  }
0x7e: {  	_ =	shalt  }
0x7f: {  	_ =	shalt  }
0x80: {  	_ =	shalt  }
0x81: {  	_ =	shalt  }
0x82: {  	_ =	shalt  }
0x83: {  	_ =	shalt  }
0x84: {  	_ =	shalt  }
0x85: {  	_ =	shalt  }
0x86: {  	_ =	shalt  }
0x87: {  	_ =	shalt  }
.Lfunc_end0:
.L_simem_size_0:
called_computation.2_lowered:
.L_overlay_start_0:
0x88: {  	s2 =	sld [smem:$0x3FD9]  }
0x89: {  	s3 =	sld [smem:$0x3FFE];
	_ =	sdelay $0x1  }
0x8a: {  	s1 =	srdreg.scid  }
0x8b: {  	s0 =	sand.u32 $0x1, s1  }
0x8c: {  	s17 =	sshll.u32 s0, $0xA;
	s2 =	sadd.s32 s3, s2  }
0x8d: {  	s2 =	sadd.s32 s2, s17  }
0x8e: {  	[smem:$0x3FC0] =	sst s2  }
0x8f: {  	_ = 	snop  }
0x90: {  	s2 =	sld [smem:$0x3FD0];
	(tm) =	ssettm $0x1  }
0x91: {  	s18 =	sld [smem:$0x3FFB];
	_ =	sdelay $0x3  }
0x92: {  	_ =	strace s18  }
0x93: {  	s3 =	sld [smem:$0x3FFC];
	_ =	sdelay $0x3  }
0x94: {  	_ =	strace s3  }
0x95: {  	s3 =	sld [smem:$0x3FFD];
	_ =	sdelay $0x3  }
0x96: {  	_ =	strace s3  }
0x97: {  	_ =	strace $0x8FFFFFFF  }
0x98: {  	s19 =	sld [smem:$0x3FDB];
	_ =	sdelay $0x1  }
0x99: {  	s4 =	simm.s32 $_scs_section_size  }
0x9a: {  	s5 =	simm.s32 $_size__tile_overlayer_lowered;
	s6 =	simm.s32 $_tile_overlayer_lowered  }
0x9b: {  	s22 =	simm.s32 $0x1BFF;
	s21 =	sshll.u32 s6, $0x1;
	s3 =	sadd.s32 s4, s19  }
0x9c: {  	s7 =	simm.s32 $0x0;
	s20 =	sshll.u32 s5, $0x1;
	s5 =	sadd.s32 s21, s3  }
0x9d: {  	[timem:s7], [sflag:s22] =	dma.local [hbm:s5], s20  }
0x9e: {  	_ =	swait.ge [sflag:s22], s20  }
0x9f: {  	s4 =	ssub.s32 $0x0, s20;
	[sflag:s22] =	ssyncset.done $0x0  }
0xa0: {  	[sflag:s22] =	ssyncadd.s32 s4;
	_ =	sdelay $0x1  }
0xa1: {  	s23 =	simm.s32 $0x1B8B  }
0xa2: {  	_ =	swait.ge [sflag:s23], $0x1  }
0xa3: {  	[sflag:s23] =	ssyncset.done $0x0  }
0xa4: {  	s25 =	simm.s32 $0x1B8E;
	s24 =	sld [smem:$0x3FFE];
	[sflag:s23] =	ssyncadd.s32 $0xFFFFFFFF  }
0xa5: {  	s26 =	simm.s32 $execute0_lowered;
	[smem:$0x3FD2] =	sst s25  }
0xa6: {  	s5 =	sshll.u32 s26, $0x1;
	_ =	strace $0x8000004C;
	[dreg:$0x1] =	wrdreg $0xFFFFFFFF  }
0xa7: {  	s28 =	simm.s32 $_size_execute0_lowered;
	s3 =	sadd.s32 s3, s5;
	[dreg:$0x0] =	wrdreg $0x0  }
0xa8: {  	s5 =	sshll.u32 s28, $0x1;
	[dreg:$0x2] =	wrdreg s3  }
0xa9: {  	[dreg:$0x3] =	wrdreg s5  }
0xaa: {  	[dreg:$0x4] =	wrdreg $0xC0  }
0xab: {  	_ =	task [dreg:s7], $0x5FFFF  }
0xac: {  	[dreg:$0x1] =	wrdreg $0xFFFFFFFF  }
0xad: {  	[dreg:$0x0] =	wrdreg $0x60  }
0xae: {  	[dreg:$0x2] =	wrdreg s2  }
0xaf: {  	[dreg:$0x3] =	wrdreg s24  }
0xb0: {  	[dreg:$0x4] =	wrdreg $0x110000  }
0xb1: {  	[dreg:$0x5] =	wrdreg $0x9  }
0xb2: {  	_ =	task.clear_ibuf [dreg:s7], $0x6FFFF;
	_ =	strace $0x9000004C  }
0xb3: {  	s29 =	simm.s32 $0x9;
	_ =	strace $0x8000004E  }
0xb4: {  	_ =	swait.ge [sflag:s29], $0x1  }
0xb5: {  	[sflag:s29] =	ssyncadd.s32 $0xFFFFFFFF  }
0xb6: {  	_ =	strace $0x9000004E  }
0xb7: {  	_ =	sfence  }
0xb8: {  	s30 =	sld [smem:$0x0];
	_ =	sdelay $0x2  }
0xb9: {  	s31 =	sshll.u32 s1, $0xD;
	s1 =	sshrl.u32 s1, $0x2  }
0xba: {  	s3 =	sand.u32 $0x4000, s31;
	s1 =	sadd.s32 s1, s30  }
0xbb: {  	s0 =	sor.u32 s3, s0;
	s1 =	sshll.u32 s1, $0x11  }
0xbc: {  	s0 =	sor.u32 s1, s0  }
0xbd: {  	s0 =	sadd.s32 $0x8F2B, s0  }
0xbe: {  	[sflag:s0] =	ssyncadd.remote.s32 $0x1  }
0xbf: {  	_ =	sfence.sel $0xFFFF  }
0xc0: {  	[dreg:$0x0] =	wrdreg $0xFFFFFFFF;
	(pc) =	sbr.abs _section_cstart, $3  }
0xc1: {  	[dreg:$0x1] =	wrdreg $0xFFFFFFFF  }
0xc2: {  	_ =	task.clear_ibuf [dreg:s7], $0x2FFFF;
	_ =	strace $0x9FFFFFFF  }
0xc3: {  	(tm) =	ssettm $0x7FFFFFFF  }
tec
execute0_lowered:
.L_overlay_start_1:
0x0: {  	(tag) =	ssettag $0x1  }
0x1: {  	s1 =	rddreg [dreg:$0x0]  }
0x2: {  	s0 =	rddreg [dreg:$0x1]  }
0x3: {  	s3 =	rddreg [dreg:$0x2];
	s4 =	simm.s32 $0x0;
	s9 =	stileid.u32  }
0x4: {  	s2 =	srdreg.scid;
	s30 =	simm.s32 $0x9000;
	s28 =	simm.s32 $0x4  }
0x5: {  	s29 =	simm.s32 $0xF000;
	s31 =	simm.s32 $0x0;
	[smem:$0x7FF] =	sst s4  }
0x6: {  	s7 =	smul.u32 $0x500, s9;
	s5 =	sand.u32 $0x1, s2;
	s6 =	sadd.s32 $0x16600, s0  }
0x7: {  	s19 =	sadd.s32 $0xC200, s0;
	s9 =	smul.u32 $0x14000, s9;
	s17 =	sadd.s32 $0x2A600, s0  }
0x8: {  	_ =	strace $0x8000004D;
	[dreg:$0x4] =	wrdreg s19;
	s20 =	ssub.s32 $0x2, s5  }
0x9: {  	p0 =	seq.s32 s5, $0x0;
	s7 =	sadd.s32 s7, s0;
	s8 =	sshrl.u32 s20, $0x1  }
0xa: {  	s0 =	sadd.s32 $0x3E600, s0;
	s22 =	sadd.s32 $0x4000, s9;
	s23 =	sshrl.u32 s9, $0x1  }
0xb: {  	s24 =	sadd.s32 $0x8000, s9;
	s15 =	sadd.s32 $0xC000, s9;
	s16 =	sadd.s32 $0x10000, s9  }
0xc: {  	s9 =	sshrl.u32 s9, $0x4;
	s2 =	ssub.s32 s20, s8;
	s21 =	sadd.s32 $0xC600, s7  }
0xd: {  	s7 =	sadd.s32 $0x11600, s7;
	s11 =	sshrl.u32 s22, $0x1;
	s10 =	sadd.s32 s23, s3  }
0xe: {  	s12 =	sshrl.u32 s24, $0x1;
	s13 =	sshrl.u32 s15, $0x1;
	s14 =	sshrl.u32 s16, $0x1  }
0xf: {  	s8 =	sshrl.u32 s24, $0x4;
	s20 =	sshrl.u32 s15, $0x4;
	s0 =	smov.u32 @p0 s17  }
0x10: {  	s24 =	simm.s32 $0xD000;
	s23 =	simm.s32 $0x3;
	[dreg:$0x5] =	wrdreg s21  }
0x11: {  	[dreg:$0x6] =	wrdreg s7;
	s11 =	sadd.s32 s11, s3;
	s12 =	sadd.s32 s12, s3  }
0x12: {  	s13 =	sadd.s32 s13, s3;
	s14 =	sadd.s32 s14, s3;
	s7 =	sshrl.u32 s22, $0x4  }
0x13: {  	s21 =	sshrl.u32 s16, $0x4;
	s2 =	smax.u32 s2, $0x1;
	s16 =	smov.u32 s6  }
.Ltmp0:
0x14: {  	s25 =	sadd.s32 s0, s9;
	s19 =	sadd.s32 s0, s8;
	(pc) =	sbr.rel .LBB2_1-.Ltmp0, $4  }
0x15: {  	s20 =	sadd.s32 s0, s20;
	s22 =	simm.s32 $0x5;
	[dreg:$0x7] =	wrdreg s2  }
0x16: {  	s16 =	smov.u32 @p0 s1;
	[dreg:$0x8] =	wrdreg s25;
	s26 =	sadd.s32 s0, s7  }
0x17: {  	s21 =	sadd.s32 s0, s21;
	s25 =	simm.s32 $0x80;
	s0 =	simm.s32 $0xB000  }
0x18: {  	s2 =	simm.s32 $0x1;
	[dreg:$0x9] =	wrdreg s26;
	s26 =	simm.s32 $0x5000  }
.LBB2_4:
0x19: {  	_ =	swait.ge [sflag:s28], $0x2000  }
0x1a: {  	[sflag:s28] =	ssyncset.done $0x0  }
0x1b: {  	[sflag:s28] =	ssyncadd.s32 $0xFFFFE000  }
0x1c: {  	[spmem:s3] =	stream.indirect.scatter.add.bf16 [tilespmem:s0], [sflag:$0x5], $0x40, s9, s25, $0xb8;
	[tilespmem:$0x1B000] =	vst v63  }
0x1d: {  	_ =	swait.ge [sflag:s22], $0x2000  }
0x1e: {  	[sflag:s22] =	ssyncset.done $0x0  }
0x1f: {  	[sflag:s22] =	ssyncadd.s32 $0xFFFFE000  }
0x20: {  	[bflag:$0x0] =	sbarrier.arrive $0xFFFF  }
0x21: {  	[tilespmem:s29], [sflag:$0x5] =	stream.linear.gather [spmem:s10], $0x2000, $0x38;
	[tilespmem:$0x1B000] =	vst v63  }
0x22: {  	_ =	swait.ge [sflag:s22], $0x2000  }
0x23: {  	[sflag:s22] =	ssyncset.done $0x0  }
0x24: {  	s7 =	rddreg [dreg:$0x8];
	[sflag:s22] =	ssyncadd.s32 $0xFFFFE000  }
0x25: {  	[hbm4b:s7+s4] =	stream.linear.scatter [tilespmem:s29], [sflag:$0x5], $0x2000, $0x38;
	[tilespmem:$0x1B000] =	vst v63  }
0x26: {  	_ =	swait.ge [sflag:s22], $0x2000  }
0x27: {  	[sflag:s22] =	ssyncset.done $0x0  }
0x28: {  	[sflag:s22] =	ssyncadd.s32 $0xFFFFE000  }
0x29: {  	[tilespmem:s29], [sflag:$0x5] =	stream.linear.gather [spmem:s11], $0x2000, $0x38;
	[tilespmem:$0x1B000] =	vst v63  }
0x2a: {  	_ =	swait.ge [sflag:s22], $0x2000  }
0x2b: {  	[sflag:s22] =	ssyncset.done $0x0  }
0x2c: {  	s17 =	rddreg [dreg:$0x9];
	[sflag:s22] =	ssyncadd.s32 $0xFFFFE000  }
0x2d: {  	[hbm4b:s17+s4] =	stream.linear.scatter [tilespmem:s29], [sflag:$0x5], $0x2000, $0x38;
	[tilespmem:$0x1B000] =	vst v63  }
0x2e: {  	_ =	swait.ge [sflag:s22], $0x2000  }
0x2f: {  	[sflag:s22] =	ssyncset.done $0x0  }
0x30: {  	[sflag:s22] =	ssyncadd.s32 $0xFFFFE000  }
0x31: {  	[tilespmem:s29], [sflag:$0x5] =	stream.linear.gather [spmem:s12], $0x2000, $0x38;
	[tilespmem:$0x1B000] =	vst v63  }
0x32: {  	_ =	swait.ge [sflag:s22], $0x2000  }
0x33: {  	[sflag:s22] =	ssyncset.done $0x0  }
0x34: {  	[sflag:s22] =	ssyncadd.s32 $0xFFFFE000  }
0x35: {  	[hbm4b:s19+s4] =	stream.linear.scatter [tilespmem:s29], [sflag:$0x5], $0x2000, $0x38;
	[tilespmem:$0x1B000] =	vst v63  }
0x36: {  	_ =	swait.ge [sflag:s22], $0x2000  }
0x37: {  	[sflag:s22] =	ssyncset.done $0x0  }
0x38: {  	[sflag:s22] =	ssyncadd.s32 $0xFFFFE000  }
0x39: {  	[tilespmem:s29], [sflag:$0x5] =	stream.linear.gather [spmem:s13], $0x2000, $0x38;
	[tilespmem:$0x1B000] =	vst v63  }
0x3a: {  	_ =	swait.ge [sflag:s22], $0x2000  }
0x3b: {  	[sflag:s22] =	ssyncset.done $0x0  }
0x3c: {  	[sflag:s22] =	ssyncadd.s32 $0xFFFFE000  }
0x3d: {  	[hbm4b:s20+s4] =	stream.linear.scatter [tilespmem:s29], [sflag:$0x5], $0x2000, $0x38;
	[tilespmem:$0x1B000] =	vst v63  }
0x3e: {  	_ =	swait.ge [sflag:s22], $0x2000  }
0x3f: {  	[sflag:s22] =	ssyncset.done $0x0  }
0x40: {  	[sflag:s22] =	ssyncadd.s32 $0xFFFFE000  }
0x41: {  	[tilespmem:s29], [sflag:$0x5] =	stream.linear.gather [spmem:s14], $0x2000, $0x38;
	[tilespmem:$0x1B000] =	vst v63  }
0x42: {  	_ =	swait.ge [sflag:s22], $0x2000  }
0x43: {  	[sflag:s22] =	ssyncset.done $0x0  }
0x44: {  	[sflag:s22] =	ssyncadd.s32 $0xFFFFE000  }
0x45: {  	[hbm4b:s21+s4] =	stream.linear.scatter [tilespmem:s29], [sflag:$0x5], $0x2000, $0x38;
	[tilespmem:$0x1B000] =	vst v63  }
0x46: {  	_ =	swait.ge [sflag:s22], $0x2000  }
0x47: {  	s31 =	sadd.s32 $0x1, s31;
	s18 =	rddreg [dreg:$0x7]  }
0x48: {  	p0 =	sne.s32 s31, s18  }
.Ltmp1:
0x49: {  	_ = 	snop;
	(pc) =	sbr.rel @!p0 .LBB2_5-.Ltmp1, $3  }
0x4a: {  	_ =	sdelay $0x1  }
0x4b: {  	[sflag:s22] =	ssyncset.done $0x0  }
0x4c: {  	[sflag:s22] =	ssyncadd.s32 $0xFFFFE000  }
.LBB2_1:
0x4d: {  	s7 =	rddreg [dreg:$0x5]  }
0x4e: {  	[tilespmem:s4], [sflag:$0x5] =	stream.linear.gather [hbm4b:s7+s4], $0x2800, $0x38;
	[tilespmem:$0x1B000] =	vst v63  }
0x4f: {  	_ =	swait.ge [sflag:s22], $0x2800  }
0x50: {  	[sflag:s22] =	ssyncset.done $0x0  }
0x51: {  	s8 =	simm.s32 $0x2800;
	s18 =	rddreg [dreg:$0x6];
	[sflag:s22] =	ssyncadd.s32 $0xFFFFD800  }
0x52: {  	[tilespmem:s8], [sflag:$0x5] =	stream.linear.gather [hbm4b:s18+s4], $0x2800, $0x38;
	[tilespmem:$0x1B000] =	vst v63  }
0x53: {  	_ =	swait.ge [sflag:s22], $0x2800  }
0x54: {  	[sflag:s22] =	ssyncset.done $0x0  }
0x55: {  	s9 =	rddreg [dreg:$0x4];
	[sflag:s22] =	ssyncadd.s32 $0xFFFFD800  }
0x56: {  	[tilespmem:s24], [sflag:$0x5] =	stream.linear.gather [hbm4b:s9+s4], $0x2000, $0x38;
	[tilespmem:$0x1B000] =	vst v63  }
0x57: {  	_ =	swait.ge [sflag:s22], $0x2000  }
0x58: {  	[sflag:s22] =	ssyncset.done $0x0  }
0x59: {  	[sflag:s22] =	ssyncadd.s32 $0xFFFFE000  }
0x5a: {  	[tilespmem:s26], [sflag:$0x1] =	stream.indirect.gather [hbm4b:s16+s25], $0x40, s4, s25, $0xb8;
	[tilespmem:$0x1B000] =	vst v63  }
0x5b: {  	s15 =	simm.s32 $0x7000  }
0x5c: {  	[tilespmem:s15], [sflag:$0x2] =	stream.indirect.gather [hbm4b:s16+s25], $0x40, s25, s25, $0xb8;
	[tilespmem:$0x1B000] =	vst v63  }
0x5d: {  	s17 =	simm.s32 $0x100  }
0x5e: {  	[tilespmem:s30], [sflag:$0x3] =	stream.indirect.gather [hbm4b:s16+s25], $0x40, s17, s25, $0xb8;
	[tilespmem:$0x1B000] =	vst v63  }
0x5f: {  	s18 =	simm.s32 $0x180  }
0x60: {  	[tilespmem:s0], [sflag:$0x4] =	stream.indirect.gather [hbm4b:s16+s25], $0x40, s18, s25, $0xb8;
	[tilespmem:$0x1B000] =	vst v63  }
0x61: {  	_ = 	snop  }
0x62: {  	[spmem:s10] =	stream.linear.scatter [tilespmem:s24], [sflag:$0x5], $0x2000, $0x38;
	[tilespmem:$0x1B000] =	vst v63  }
0x63: {  	_ =	swait.ge [sflag:s22], $0x2000  }
0x64: {  	[sflag:s22] =	ssyncset.done $0x0  }
0x65: {  	[sflag:s22] =	ssyncadd.s32 $0xFFFFE000  }
0x66: {  	[spmem:s11] =	stream.linear.scatter [tilespmem:s24], [sflag:$0x5], $0x2000, $0x38;
	[tilespmem:$0x1B000] =	vst v63  }
0x67: {  	_ =	swait.ge [sflag:s22], $0x2000  }
0x68: {  	[sflag:s22] =	ssyncset.done $0x0  }
0x69: {  	[sflag:s22] =	ssyncadd.s32 $0xFFFFE000  }
0x6a: {  	[spmem:s12] =	stream.linear.scatter [tilespmem:s24], [sflag:$0x5], $0x2000, $0x38;
	[tilespmem:$0x1B000] =	vst v63  }
0x6b: {  	_ =	swait.ge [sflag:s22], $0x2000  }
0x6c: {  	[sflag:s22] =	ssyncset.done $0x0  }
0x6d: {  	[sflag:s22] =	ssyncadd.s32 $0xFFFFE000  }
0x6e: {  	[spmem:s13] =	stream.linear.scatter [tilespmem:s24], [sflag:$0x5], $0x2000, $0x38;
	[tilespmem:$0x1B000] =	vst v63  }
0x6f: {  	_ =	swait.ge [sflag:s22], $0x2000  }
0x70: {  	[sflag:s22] =	ssyncset.done $0x0  }
0x71: {  	[sflag:s22] =	ssyncadd.s32 $0xFFFFE000  }
0x72: {  	[spmem:s14] =	stream.linear.scatter [tilespmem:s24], [sflag:$0x5], $0x2000, $0x38;
	[tilespmem:$0x1B000] =	vst v63  }
0x73: {  	_ =	swait.ge [sflag:s22], $0x2000  }
0x74: {  	[sflag:s22] =	ssyncset.done $0x0  }
0x75: {  	[sflag:s22] =	ssyncadd.s32 $0xFFFFE000  }
0x76: {  	s7 =	simm.s32 $0x0;
	[bflag:$0x0] =	sbarrier.arrive $0xFFFF  }
.LBB2_2:
0x77: {  	_ =	swait.ge [sflag:s2], $0x2000  }
0x78: {  	s8 =	sshra.s32 s7, $0x2;
	[sflag:s2] =	ssyncset.done $0x0  }
0x79: {  	s9 =	sadd.s32 $0x2800, s8;
	[sflag:s2] =	ssyncadd.s32 $0xFFFFE000  }
0x7a: {  	[spmem:s3] =	stream.indirect.scatter.add.bf16 [tilespmem:s26], [sflag:$0x5], $0x40, s9, s25, $0xb8;
	[tilespmem:$0x1B000] =	vst v63  }
0x7b: {  	_ =	swait.ge [sflag:s22], $0x2000  }
0x7c: {  	p0 =	seq.s32 s7, $0x9800;
	[sflag:s22] =	ssyncset.done $0x0  }
0x7d: {  	s9 =	simm.s32 @p0 $0x2;
	[sflag:s22] =	ssyncadd.s32 $0xFFFFE000  }
0x7e: {  	_ =	swait.ge @p0 [sflag:s9], $0x2000  }
0x7f: {  	[sflag:s9] =	ssyncset.done @p0 $0x0  }
0x80: {  	[sflag:s9] =	ssyncadd.s32 @p0 $0xFFFFE000;
	s9 =	sshra.s32 @p0 s7, $0x2  }
0x81: {  	s15 =	simm.s32 @p0 $0x80;
	s17 =	simm.s32 @p0 $0x7000;
	s9 =	sadd.s32 @p0 $0x2880, s9  }
0x82: {  	[spmem:s3] =	stream.indirect.scatter.add.bf16 @p0 [tilespmem:s17], [sflag:$0x5], $0x40, s9, s15, $0xb8;
	[tilespmem:$0x1B000] =	vst v63  }
0x83: {  	s9 =	simm.s32 @p0 $0x5  }
0x84: {  	_ =	swait.ge @p0 [sflag:s9], $0x2000  }
0x85: {  	[sflag:s9] =	ssyncset.done @p0 $0x0  }
0x86: {  	[sflag:s9] =	ssyncadd.s32 @p0 $0xFFFFE000;
	s9 =	sshra.s32 @!p0 s7, $0x2  }
0x87: {  	s18 =	simm.s32 @!p0 $0x5000;
	s17 =	simm.s32 @!p0 $0x80;
	s15 =	sadd.s32 @!p0 $0x200, s9  }
0x88: {  	[tilespmem:s18], [sflag:$0x1] =	stream.indirect.gather @!p0 [hbm4b:s16+s17], $0x40, s15, s17, $0xb8;
	[tilespmem:$0x1B000] =	vst v63  }
0x89: {  	s15 =	simm.s32 @!p0 $0x2  }
0x8a: {  	_ =	swait.ge @!p0 [sflag:s15], $0x2000  }
0x8b: {  	[sflag:s15] =	ssyncset.done @!p0 $0x0  }
0x8c: {  	s18 =	simm.s32 @!p0 $0x7000;
	[sflag:s15] =	ssyncadd.s32 @!p0 $0xFFFFE000;
	s15 =	sadd.s32 @!p0 $0x2880, s9  }
0x8d: {  	[spmem:s3] =	stream.indirect.scatter.add.bf16 @!p0 [tilespmem:s18], [sflag:$0x5], $0x40, s15, s17, $0xb8;
	[tilespmem:$0x1B000] =	vst v63  }
0x8e: {  	p1 =	sne.s32 @!p0 s5, $0x0;
	s15 =	simm.s32 @!p0 $0x5  }
0x8f: {  	p2 =	por !p1, p0;
	_ =	swait.ge @!p0 [sflag:s15], $0x2000  }
0x90: {  	p1 =	por p1, p0;
	s9 =	sadd.s32 @!p0 $0x280, s9;
	[sflag:s15] =	ssyncset.done @!p0 $0x0  }
0x91: {  	s17 =	simm.s32 @!p2 $0x7000;
	[sflag:s15] =	ssyncadd.s32 @!p0 $0xFFFFE000;
	s15 =	simm.s32 @!p2 $0x80  }
0x92: {  	[tilespmem:s17], [sflag:$0x2] =	stream.indirect.gather @!p2 [hbm4b:s6+s15], $0x40, s9, s15, $0xb8;
	[tilespmem:$0x1B000] =	vst v63  }
0x93: {  	s15 =	simm.s32 @!p1 $0x80;
	s17 =	simm.s32 @!p1 $0x7000  }
0x94: {  	[tilespmem:s17], [sflag:$0x2] =	stream.indirect.gather @!p1 [hbm4b:s1+s15], $0x40, s9, s15, $0xb8;
	[tilespmem:$0x1B000] =	vst v63  }
0x95: {  	_ =	swait.ge [sflag:s23], $0x2000  }
0x96: {  	[sflag:s23] =	ssyncset.done $0x0  }
.Ltmp2:
0x97: {  	s18 =	sadd.s32 $0x2900, s8;
	[sflag:s23] =	ssyncadd.s32 $0xFFFFE000;
	(pc) =	sbr.rel @p0 .LBB2_4-.Ltmp2, $4  }
0x98: {  	[spmem:s3] =	stream.indirect.scatter.add.bf16 [tilespmem:s30], [sflag:$0x5], $0x40, s18, s25, $0xb8;
	[tilespmem:$0x1B000] =	vst v63  }
0x99: {  	_ =	swait.ge [sflag:s22], $0x2000  }
0x9a: {  	[sflag:s22] =	ssyncset.done $0x0  }
0x9b: {  	s9 =	sadd.s32 $0x2980, s8;
	[sflag:s22] =	ssyncadd.s32 $0xFFFFE000  }
0x9c: {  	s15 =	sadd.s32 $0x300, s8  }
0x9d: {  	[tilespmem:s30], [sflag:$0x3] =	stream.indirect.gather [hbm4b:s16+s25], $0x40, s15, s25, $0xb8;
	[tilespmem:$0x1B000] =	vst v63  }
0x9e: {  	_ =	swait.ge [sflag:s28], $0x2000  }
0x9f: {  	[sflag:s28] =	ssyncset.done $0x0  }
0xa0: {  	[sflag:s28] =	ssyncadd.s32 $0xFFFFE000  }
0xa1: {  	[spmem:s3] =	stream.indirect.scatter.add.bf16 [tilespmem:s0], [sflag:$0x5], $0x40, s9, s25, $0xb8;
	[tilespmem:$0x1B000] =	vst v63  }
.Ltmp3:
0xa2: {  	_ = 	snop;
	(pc) =	sbr.rel .LBB2_2-.Ltmp3, $4  }
0xa3: {  	_ =	swait.ge [sflag:s22], $0x2000  }
0xa4: {  	[sflag:s22] =	ssyncset.done $0x0  }
0xa5: {  	s18 =	sadd.s32 $0x380, s8;
	s7 =	sadd.s32 $0x800, s7;
	[sflag:s22] =	ssyncadd.s32 $0xFFFFE000  }
0xa6: {  	[tilespmem:s0], [sflag:$0x4] =	stream.indirect.gather [hbm4b:s16+s25], $0x40, s18, s25, $0xb8;
	[tilespmem:$0x1B000] =	vst v63  }
.LBB2_5:
0xa7: {  	_ =	sfence.sel $0x180000  }
0xa8: {  	[bflag:$0x0] =	sbarrier.arrive $0xFFFF  }
0xa9: {  	_ =	strace $0x9000004D  }
0xaa: {  	s0 =	stileid.u32;
	[bflag:$0x2] =	sbarrier.arrive $0xFFFF  }
0xab: {  	p0 =	sne.s32 s0, $0x0;
	s0 =	rddreg [dreg:$0x3]  }
0xac: {  	s0 =	sadd.s32 @!p0 $0x100000, s0  }
0xad: {  	[sflag:s0] =	ssyncadd.tile.s32 @!p0 $0x1;
	_ =	shalt  }
.Lfunc_end2:
_tile_overlayer_lowered:
.L_overlay_start_2:
0xae: {  	(tag) =	ssettag $0x2  }
0xaf: {  	s0 =	rddreg [dreg:$0x0];
	s2 =	stileid.u32  }
0xb0: {  	s1 =	rddreg [dreg:$0x1];
	p0 =	sne.s32 s2, $0x0  }
0xb1: {  	s3 =	rddreg [dreg:$0x2];
	[bflag:$0x3] =	sbarrier.arrive $0xFFFF;
	s2 =	simm.s32 @!p0 $0x1C05  }
0xb2: {  	[timem:s3], [sflag:s2] =	dma.local @!p0 [hbm:s0], s1  }
0xb3: {  	s0 =	simm.s32 @!p0 $0x5  }
0xb4: {  	_ =	swait.ge @!p0 [sflag:s0], s1  }
0xb5: {  	s1 =	ssub.s32 @!p0 $0x0, s1;
	[sflag:s0] =	ssyncset.done @!p0 $0x0  }
0xb6: {  	[sflag:s0] =	ssyncadd.s32 @!p0 s1  }
0xb7: {  	[bflag:$0x3] =	sbarrier.arrive $0xFFFF  }
0xb8: {  	_ =	shalt  }

// kernel: kernel.19.cloned.1.call-start
scs
__scs_entry_jumppad:
0x0: {  	(pc) =	sbr.rel $0x88, $3  }
0x1: {  	(tag) =	ssettag $0x0;
	lr =	simm.s32 $0x1  }
0x2: {  	[smem:$0x3F99] =	sst lr;
	_ =	strace $0xD0000000  }
0x3: {  	_ = 	snop  }
0x4: {  	_ = 	snop  }
0x5: {  	_ = 	snop  }
0x6: {  	_ = 	snop  }
0x7: {  	_ = 	snop  }
__scs_overlays_trampoline_lowered:
0x8: {  	[smem:$0x3FA8] =	sst s0  }
0x9: {  	[smem:$0x3FA9] =	sst s1  }
0xa: {  	[smem:$0x3FAA] =	sst s2  }
0xb: {  	[smem:$0x3FAB] =	sst s3  }
0xc: {  	[smem:$0x3FAC] =	sst s4  }
0xd: {  	[smem:$0x3FAD] =	sst s5  }
0xe: {  	[smem:$0x3FAE] =	sst s6  }
0xf: {  	[smem:$0x3FAF] =	sst s7  }
0x10: {  	[smem:$0x3FB0] =	sst s8  }
0x11: {  	[smem:$0x3FB1] =	sst s9;
	s0 =	simm.s32 @!p0 $0x0  }
0x12: {  	s1 =	sld [smem:$0x3F97];
	s0 =	simm.s32 @p0 $0x1  }
0x13: {  	[smem:$0x3FB2] =	sst s0;
	s0 =	simm.s32 @!p1 $0x0  }
0x14: {  	s2 =	sld [smem:$0x3F96];
	s0 =	simm.s32 @p1 $0x1  }
0x15: {  	[smem:$0x3FB3] =	sst s0;
	s0 =	simm.s32 @!p2 $0x0  }
0x16: {  	s3 =	sld [smem:$0x3FDB];
	s0 =	simm.s32 @p2 $0x1  }
0x17: {  	s4 =	simm.s32 $0x1BF5;
	[smem:$0x3FB5] =	sst s0  }
0x18: {  	s0 =	sld [smem:$0x3F98];
	_ =	swait.ge [sflag:s4], $0x0  }
0x19: {  	s7 =	sld [smem:$0x3F99]  }
0x1a: {  	s8 =	sadd.s32 $0xFFFFE003, lr  }
0x1b: {  	s9 =	sadd.s32 $0xFFFFFEF7, lr;
	s5 =	simm.s32 $0xFFFFFFFF;
	p2 =	slt.u32 s8, $0xFFFFF086  }
0x1c: {  	p1 =	slt.u32 s9, $0xF7A;
	s5 =	simm.s32 @!p2 $0x0  }
0x1d: {  	s5 =	simm.s32 @p1 $0x1;
	p0 =	seq.s32 s7, s2  }
0x1e: {  	s7 =	smul.u32 @!p0 $0xF7A, s2;
	p2 =	seq.s32 @!p0 s5, $0x0  }
0x1f: {  	s9 =	smul.u32 $0xF7A, s1;
	s8 =	simm.s32 @!p0 $0x1BF5;
	p2 =	por !p2, p0  }
0x20: {  	[sflag:s8] =	ssyncset.s32 @!p0 $0xFFFFF086;
	s6 =	sadd.s32 @!p0 s3, s7;
	s7 =	simm.s32 @!p0 $0x108  }
0x21: {  	s3 =	sadd.s32 s3, s9;
	s6 =	sadd.s32 @!p0 $0x88, s6;
	s7 =	simm.s32 @p2 $0x1082  }
0x22: {  	[simem:s7], [sflag:s8] =	dma.local @!p0 [hbm:s6], $0xF7A  }
0x23: {  	s9 =	sor.u32 $0xD0000000, s2;
	s6 =	simm.s32 $0x108;
	_ =	swait.ge @!p0 [sflag:s8], $0x0  }
0x24: {  	s3 =	sadd.s32 $0x88, s3;
	s6 =	simm.s32 @!p1 $0x1082;
	[sflag:s4] =	ssyncset.s32 $0xFFFFF086  }
0x25: {  	[simem:s6], [sflag:s4] =	dma.local [hbm:s3], $0xF7A  }
0x26: {  	[smem:$0x3F99] =	sst s1;
	(tag) =	ssettag s2;
	_ =	strace s9  }
0x27: {  	s1 =	sld [smem:$0x3FA9]  }
0x28: {  	s2 =	sld [smem:$0x3FAA]  }
0x29: {  	s4 =	sld [smem:$0x3FAC]  }
0x2a: {  	p0 =	seq.s32 s5, $0x0;
	s5 =	sld [smem:$0x3FAD]  }
0x2b: {  	s6 =	sld [smem:$0x3FAE]  }
0x2c: {  	s7 =	sld [smem:$0x3FAF]  }
0x2d: {  	s3 =	simm.s32 $0x108;
	s8 =	sld [smem:$0x3FB0]  }
0x2e: {  	s3 =	simm.s32 @!p0 $0x1082;
	s9 =	sld [smem:$0x3FB1]  }
0x2f: {  	lr =	sadd.s32 s0, s3;
	s0 =	sld [smem:$0x3FA8]  }
0x30: {  	s3 =	sld [smem:$0x3FAB]  }
0x31: {  	[smem:$0x3FB4] =	sst s10  }
0x32: {  	s10 =	sld [smem:$0x3FB2];
	_ =	sdelay $0x3  }
0x33: {  	p0 =	seq.s32 s10, $0x1;
	s10 =	sld [smem:$0x3FB4];
	_ =	sdelay $0x3  }
0x34: {  	[smem:$0x3FB4] =	sst s10  }
0x35: {  	s10 =	sld [smem:$0x3FB3];
	_ =	sdelay $0x3  }
0x36: {  	p1 =	seq.s32 s10, $0x1;
	s10 =	sld [smem:$0x3FB4];
	_ =	sdelay $0x3  }
0x37: {  	[smem:$0x3FB4] =	sst s10  }
0x38: {  	s10 =	sld [smem:$0x3FB5]  }
0x39: {  	_ = 	snop;
	(pc) =	sbr.ind lr, $3  }
0x3a: {  	_ = 	snop  }
0x3b: {  	_ = 	snop  }
0x3c: {  	p2 =	seq.s32 s10, $0x1;
	s10 =	sld [smem:$0x3FB4]  }
0x3d: {  	_ =	shalt  }
0x3e: {  	_ =	shalt  }
0x3f: {  	_ =	shalt  }
0x40: {  	_ =	shalt  }
0x41: {  	_ =	shalt  }
0x42: {  	_ =	shalt  }
0x43: {  	_ =	shalt  }
0x44: {  	_ =	shalt  }
0x45: {  	_ =	shalt  }
0x46: {  	_ =	shalt  }
0x47: {  	_ =	shalt  }
0x48: {  	_ =	shalt  }
0x49: {  	_ =	shalt  }
0x4a: {  	_ =	shalt  }
0x4b: {  	_ =	shalt  }
0x4c: {  	_ =	shalt  }
0x4d: {  	_ =	shalt  }
0x4e: {  	_ =	shalt  }
0x4f: {  	_ =	shalt  }
0x50: {  	_ =	shalt  }
0x51: {  	_ =	shalt  }
0x52: {  	_ =	shalt  }
0x53: {  	_ =	shalt  }
0x54: {  	_ =	shalt  }
0x55: {  	_ =	shalt  }
0x56: {  	_ =	shalt  }
0x57: {  	_ =	shalt  }
0x58: {  	_ =	shalt  }
0x59: {  	_ =	shalt  }
0x5a: {  	_ =	shalt  }
0x5b: {  	_ =	shalt  }
0x5c: {  	_ =	shalt  }
0x5d: {  	_ =	shalt  }
0x5e: {  	_ =	shalt  }
0x5f: {  	_ =	shalt  }
0x60: {  	_ =	shalt  }
0x61: {  	_ =	shalt  }
0x62: {  	_ =	shalt  }
0x63: {  	_ =	shalt  }
0x64: {  	_ =	shalt  }
0x65: {  	_ =	shalt  }
0x66: {  	_ =	shalt  }
0x67: {  	_ =	shalt  }
0x68: {  	_ =	shalt  }
0x69: {  	_ =	shalt  }
0x6a: {  	_ =	shalt  }
0x6b: {  	_ =	shalt  }
0x6c: {  	_ =	shalt  }
0x6d: {  	_ =	shalt  }
0x6e: {  	_ =	shalt  }
0x6f: {  	_ =	shalt  }
0x70: {  	_ =	shalt  }
0x71: {  	_ =	shalt  }
0x72: {  	_ =	shalt  }
0x73: {  	_ =	shalt  }
0x74: {  	_ =	shalt  }
0x75: {  	_ =	shalt  }
0x76: {  	_ =	shalt  }
0x77: {  	_ =	shalt  }
0x78: {  	_ =	shalt  }
0x79: {  	_ =	shalt  }
0x7a: {  	_ =	shalt  }
0x7b: {  	_ =	shalt  }
0x7c: {  	_ =	shalt  }
0x7d: {  	_ =	shalt  }
0x7e: {  	_ =	shalt  }
0x7f: {  	_ =	shalt  }
0x80: {  	_ =	shalt  }
0x81: {  	_ =	shalt  }
0x82: {  	_ =	shalt  }
0x83: {  	_ =	shalt  }
0x84: {  	_ =	shalt  }
0x85: {  	_ =	shalt  }
0x86: {  	_ =	shalt  }
0x87: {  	_ =	shalt  }
.Lfunc_end0:
.L_simem_size_0:
called_computation.3_lowered:
.L_overlay_start_0:
0x88: {  	s2 =	sld [smem:$0x3FD9]  }
0x89: {  	s3 =	sld [smem:$0x3FFE];
	_ =	sdelay $0x1  }
0x8a: {  	s1 =	srdreg.scid  }
0x8b: {  	s0 =	sand.u32 $0x1, s1  }
0x8c: {  	s17 =	sshll.u32 s0, $0xA;
	s2 =	sadd.s32 s3, s2  }
0x8d: {  	s2 =	sadd.s32 s2, s17  }
0x8e: {  	[smem:$0x3FC0] =	sst s2  }
0x8f: {  	_ = 	snop  }
0x90: {  	s2 =	sld [smem:$0x3FD0];
	(tm) =	ssettm $0x1  }
0x91: {  	s18 =	sld [smem:$0x3FFB];
	_ =	sdelay $0x3  }
0x92: {  	_ =	strace s18  }
0x93: {  	s3 =	sld [smem:$0x3FFC];
	_ =	sdelay $0x3  }
0x94: {  	_ =	strace s3  }
0x95: {  	s3 =	sld [smem:$0x3FFD];
	_ =	sdelay $0x3  }
0x96: {  	_ =	strace s3  }
0x97: {  	_ =	strace $0x8FFFFFFF  }
0x98: {  	s19 =	sld [smem:$0x3FDB];
	_ =	sdelay $0x1  }
0x99: {  	s4 =	simm.s32 $_scs_section_size  }
0x9a: {  	s5 =	simm.s32 $_size__tile_overlayer_lowered;
	s6 =	simm.s32 $_tile_overlayer_lowered  }
0x9b: {  	s22 =	simm.s32 $0x1BFF;
	s21 =	sshll.u32 s6, $0x1;
	s3 =	sadd.s32 s4, s19  }
0x9c: {  	s7 =	simm.s32 $0x0;
	s20 =	sshll.u32 s5, $0x1;
	s5 =	sadd.s32 s21, s3  }
0x9d: {  	[timem:s7], [sflag:s22] =	dma.local [hbm:s5], s20  }
0x9e: {  	_ =	swait.ge [sflag:s22], s20  }
0x9f: {  	s4 =	ssub.s32 $0x0, s20;
	[sflag:s22] =	ssyncset.done $0x0  }
0xa0: {  	[sflag:s22] =	ssyncadd.s32 s4;
	_ =	sdelay $0x1  }
0xa1: {  	s23 =	simm.s32 $0x1B8B  }
0xa2: {  	_ =	swait.ge [sflag:s23], $0x1  }
0xa3: {  	[sflag:s23] =	ssyncset.done $0x0  }
0xa4: {  	s25 =	simm.s32 $0x1B8E;
	s24 =	sld [smem:$0x3FFE];
	[sflag:s23] =	ssyncadd.s32 $0xFFFFFFFF  }
0xa5: {  	s26 =	simm.s32 $execute0_lowered;
	[smem:$0x3FD2] =	sst s25  }
0xa6: {  	s5 =	sshll.u32 s26, $0x1;
	_ =	strace $0x8000004F;
	[dreg:$0x1] =	wrdreg $0xFFFFFFFF  }
0xa7: {  	s28 =	simm.s32 $_size_execute0_lowered;
	s3 =	sadd.s32 s3, s5;
	[dreg:$0x0] =	wrdreg $0x0  }
0xa8: {  	s5 =	sshll.u32 s28, $0x1;
	[dreg:$0x2] =	wrdreg s3  }
0xa9: {  	[dreg:$0x3] =	wrdreg s5  }
0xaa: {  	[dreg:$0x4] =	wrdreg $0xC0  }
0xab: {  	_ =	task [dreg:s7], $0x5FFFF  }
0xac: {  	[dreg:$0x1] =	wrdreg $0xFFFFFFFF  }
0xad: {  	[dreg:$0x0] =	wrdreg $0x60  }
0xae: {  	[dreg:$0x2] =	wrdreg s2  }
0xaf: {  	[dreg:$0x3] =	wrdreg s24  }
0xb0: {  	[dreg:$0x4] =	wrdreg $0x110000  }
0xb1: {  	[dreg:$0x5] =	wrdreg $0x9  }
0xb2: {  	_ =	task.clear_ibuf [dreg:s7], $0x6FFFF;
	_ =	strace $0x9000004F  }
0xb3: {  	s29 =	simm.s32 $0x9;
	_ =	strace $0x80000051  }
0xb4: {  	_ =	swait.ge [sflag:s29], $0x1  }
0xb5: {  	[sflag:s29] =	ssyncadd.s32 $0xFFFFFFFF  }
0xb6: {  	_ =	strace $0x90000051  }
0xb7: {  	_ =	sfence  }
0xb8: {  	s30 =	sld [smem:$0x0];
	_ =	sdelay $0x2  }
0xb9: {  	s31 =	sshll.u32 s1, $0xD;
	s1 =	sshrl.u32 s1, $0x2  }
0xba: {  	s3 =	sand.u32 $0x4000, s31;
	s1 =	sadd.s32 s1, s30  }
0xbb: {  	s0 =	sor.u32 s3, s0;
	s1 =	sshll.u32 s1, $0x11  }
0xbc: {  	s0 =	sor.u32 s1, s0  }
0xbd: {  	s0 =	sadd.s32 $0x8F2B, s0  }
0xbe: {  	[sflag:s0] =	ssyncadd.remote.s32 $0x1  }
0xbf: {  	_ =	sfence.sel $0xFFFF  }
0xc0: {  	[dreg:$0x0] =	wrdreg $0xFFFFFFFF;
	(pc) =	sbr.abs _section_cstart, $3  }
0xc1: {  	[dreg:$0x1] =	wrdreg $0xFFFFFFFF  }
0xc2: {  	_ =	task.clear_ibuf [dreg:s7], $0x2FFFF;
	_ =	strace $0x9FFFFFFF  }
0xc3: {  	(tm) =	ssettm $0x7FFFFFFF  }
tec
execute0_lowered:
.L_overlay_start_1:
0x0: {  	(tag) =	ssettag $0x1  }
0x1: {  	s1 =	rddreg [dreg:$0x0]  }
0x2: {  	s0 =	rddreg [dreg:$0x1]  }
0x3: {  	s3 =	rddreg [dreg:$0x2];
	s4 =	simm.s32 $0x0;
	s9 =	stileid.u32  }
0x4: {  	s2 =	srdreg.scid;
	s30 =	simm.s32 $0x9000;
	s28 =	simm.s32 $0x4  }
0x5: {  	s29 =	simm.s32 $0xF000;
	s31 =	simm.s32 $0x0;
	[smem:$0x7FF] =	sst s4  }
0x6: {  	s7 =	smul.u32 $0x500, s9;
	s5 =	sand.u32 $0x1, s2;
	s6 =	sadd.s32 $0x16600, s0  }
0x7: {  	s19 =	sadd.s32 $0xC200, s0;
	s9 =	smul.u32 $0x14000, s9;
	s17 =	sadd.s32 $0x2A600, s0  }
0x8: {  	_ =	strace $0x80000050;
	[dreg:$0x4] =	wrdreg s19;
	s20 =	ssub.s32 $0x2, s5  }
0x9: {  	p0 =	seq.s32 s5, $0x0;
	s7 =	sadd.s32 s7, s0;
	s8 =	sshrl.u32 s20, $0x1  }
0xa: {  	s0 =	sadd.s32 $0x3E600, s0;
	s22 =	sadd.s32 $0x4000, s9;
	s23 =	sshrl.u32 s9, $0x1  }
0xb: {  	s24 =	sadd.s32 $0x8000, s9;
	s15 =	sadd.s32 $0xC000, s9;
	s16 =	sadd.s32 $0x10000, s9  }
0xc: {  	s9 =	sshrl.u32 s9, $0x4;
	s2 =	ssub.s32 s20, s8;
	s21 =	sadd.s32 $0xC600, s7  }
0xd: {  	s7 =	sadd.s32 $0x11600, s7;
	s11 =	sshrl.u32 s22, $0x1;
	s10 =	sadd.s32 s23, s3  }
0xe: {  	s12 =	sshrl.u32 s24, $0x1;
	s13 =	sshrl.u32 s15, $0x1;
	s14 =	sshrl.u32 s16, $0x1  }
0xf: {  	s8 =	sshrl.u32 s24, $0x4;
	s20 =	sshrl.u32 s15, $0x4;
	s0 =	smov.u32 @p0 s17  }
0x10: {  	s24 =	simm.s32 $0xD000;
	s23 =	simm.s32 $0x3;
	[dreg:$0x5] =	wrdreg s21  }
0x11: {  	[dreg:$0x6] =	wrdreg s7;
	s11 =	sadd.s32 s11, s3;
	s12 =	sadd.s32 s12, s3  }
0x12: {  	s13 =	sadd.s32 s13, s3;
	s14 =	sadd.s32 s14, s3;
	s7 =	sshrl.u32 s22, $0x4  }
0x13: {  	s21 =	sshrl.u32 s16, $0x4;
	s2 =	smax.u32 s2, $0x1;
	s16 =	smov.u32 s6  }
.Ltmp0:
0x14: {  	s25 =	sadd.s32 s0, s9;
	s19 =	sadd.s32 s0, s8;
	(pc) =	sbr.rel .LBB2_1-.Ltmp0, $4  }
0x15: {  	s20 =	sadd.s32 s0, s20;
	s22 =	simm.s32 $0x5;
	[dreg:$0x7] =	wrdreg s2  }
0x16: {  	s16 =	smov.u32 @p0 s1;
	[dreg:$0x8] =	wrdreg s25;
	s26 =	sadd.s32 s0, s7  }
0x17: {  	s21 =	sadd.s32 s0, s21;
	s25 =	simm.s32 $0x80;
	s0 =	simm.s32 $0xB000  }
0x18: {  	s2 =	simm.s32 $0x1;
	[dreg:$0x9] =	wrdreg s26;
	s26 =	simm.s32 $0x5000  }
.LBB2_4:
0x19: {  	_ =	swait.ge [sflag:s28], $0x2000  }
0x1a: {  	[sflag:s28] =	ssyncset.done $0x0  }
0x1b: {  	[sflag:s28] =	ssyncadd.s32 $0xFFFFE000  }
0x1c: {  	[spmem:s3] =	stream.indirect.scatter.add.bf16 [tilespmem:s0], [sflag:$0x5], $0x40, s9, s25, $0xb8;
	[tilespmem:$0x1B000] =	vst v63  }
0x1d: {  	_ =	swait.ge [sflag:s22], $0x2000  }
0x1e: {  	[sflag:s22] =	ssyncset.done $0x0  }
0x1f: {  	[sflag:s22] =	ssyncadd.s32 $0xFFFFE000  }
0x20: {  	[bflag:$0x0] =	sbarrier.arrive $0xFFFF  }
0x21: {  	[tilespmem:s29], [sflag:$0x5] =	stream.linear.gather [spmem:s10], $0x2000, $0x38;
	[tilespmem:$0x1B000] =	vst v63  }
0x22: {  	_ =	swait.ge [sflag:s22], $0x2000  }
0x23: {  	[sflag:s22] =	ssyncset.done $0x0  }
0x24: {  	s7 =	rddreg [dreg:$0x8];
	[sflag:s22] =	ssyncadd.s32 $0xFFFFE000  }
0x25: {  	[hbm4b:s7+s4] =	stream.linear.scatter [tilespmem:s29], [sflag:$0x5], $0x2000, $0x38;
	[tilespmem:$0x1B000] =	vst v63  }
0x26: {  	_ =	swait.ge [sflag:s22], $0x2000  }
0x27: {  	[sflag:s22] =	ssyncset.done $0x0  }
0x28: {  	[sflag:s22] =	ssyncadd.s32 $0xFFFFE000  }
0x29: {  	[tilespmem:s29], [sflag:$0x5] =	stream.linear.gather [spmem:s11], $0x2000, $0x38;
	[tilespmem:$0x1B000] =	vst v63  }
0x2a: {  	_ =	swait.ge [sflag:s22], $0x2000  }
0x2b: {  	[sflag:s22] =	ssyncset.done $0x0  }
0x2c: {  	s17 =	rddreg [dreg:$0x9];
	[sflag:s22] =	ssyncadd.s32 $0xFFFFE000  }
0x2d: {  	[hbm4b:s17+s4] =	stream.linear.scatter [tilespmem:s29], [sflag:$0x5], $0x2000, $0x38;
	[tilespmem:$0x1B000] =	vst v63  }
0x2e: {  	_ =	swait.ge [sflag:s22], $0x2000  }
0x2f: {  	[sflag:s22] =	ssyncset.done $0x0  }
0x30: {  	[sflag:s22] =	ssyncadd.s32 $0xFFFFE000  }
0x31: {  	[tilespmem:s29], [sflag:$0x5] =	stream.linear.gather [spmem:s12], $0x2000, $0x38;
	[tilespmem:$0x1B000] =	vst v63  }
0x32: {  	_ =	swait.ge [sflag:s22], $0x2000  }
0x33: {  	[sflag:s22] =	ssyncset.done $0x0  }
0x34: {  	[sflag:s22] =	ssyncadd.s32 $0xFFFFE000  }
0x35: {  	[hbm4b:s19+s4] =	stream.linear.scatter [tilespmem:s29], [sflag:$0x5], $0x2000, $0x38;
	[tilespmem:$0x1B000] =	vst v63  }
0x36: {  	_ =	swait.ge [sflag:s22], $0x2000  }
0x37: {  	[sflag:s22] =	ssyncset.done $0x0  }
0x38: {  	[sflag:s22] =	ssyncadd.s32 $0xFFFFE000  }
0x39: {  	[tilespmem:s29], [sflag:$0x5] =	stream.linear.gather [spmem:s13], $0x2000, $0x38;
	[tilespmem:$0x1B000] =	vst v63  }
0x3a: {  	_ =	swait.ge [sflag:s22], $0x2000  }
0x3b: {  	[sflag:s22] =	ssyncset.done $0x0  }
0x3c: {  	[sflag:s22] =	ssyncadd.s32 $0xFFFFE000  }
0x3d: {  	[hbm4b:s20+s4] =	stream.linear.scatter [tilespmem:s29], [sflag:$0x5], $0x2000, $0x38;
	[tilespmem:$0x1B000] =	vst v63  }
0x3e: {  	_ =	swait.ge [sflag:s22], $0x2000  }
0x3f: {  	[sflag:s22] =	ssyncset.done $0x0  }
0x40: {  	[sflag:s22] =	ssyncadd.s32 $0xFFFFE000  }
0x41: {  	[tilespmem:s29], [sflag:$0x5] =	stream.linear.gather [spmem:s14], $0x2000, $0x38;
	[tilespmem:$0x1B000] =	vst v63  }
0x42: {  	_ =	swait.ge [sflag:s22], $0x2000  }
0x43: {  	[sflag:s22] =	ssyncset.done $0x0  }
0x44: {  	[sflag:s22] =	ssyncadd.s32 $0xFFFFE000  }
0x45: {  	[hbm4b:s21+s4] =	stream.linear.scatter [tilespmem:s29], [sflag:$0x5], $0x2000, $0x38;
	[tilespmem:$0x1B000] =	vst v63  }
0x46: {  	_ =	swait.ge [sflag:s22], $0x2000  }
0x47: {  	s31 =	sadd.s32 $0x1, s31;
	s18 =	rddreg [dreg:$0x7]  }
0x48: {  	p0 =	sne.s32 s31, s18  }
.Ltmp1:
0x49: {  	_ = 	snop;
	(pc) =	sbr.rel @!p0 .LBB2_5-.Ltmp1, $3  }
0x4a: {  	_ =	sdelay $0x1  }
0x4b: {  	[sflag:s22] =	ssyncset.done $0x0  }
0x4c: {  	[sflag:s22] =	ssyncadd.s32 $0xFFFFE000  }
.LBB2_1:
0x4d: {  	s7 =	rddreg [dreg:$0x5]  }
0x4e: {  	[tilespmem:s4], [sflag:$0x5] =	stream.linear.gather [hbm4b:s7+s4], $0x2800, $0x38;
	[tilespmem:$0x1B000] =	vst v63  }
0x4f: {  	_ =	swait.ge [sflag:s22], $0x2800  }
0x50: {  	[sflag:s22] =	ssyncset.done $0x0  }
0x51: {  	s8 =	simm.s32 $0x2800;
	s18 =	rddreg [dreg:$0x6];
	[sflag:s22] =	ssyncadd.s32 $0xFFFFD800  }
0x52: {  	[tilespmem:s8], [sflag:$0x5] =	stream.linear.gather [hbm4b:s18+s4], $0x2800, $0x38;
	[tilespmem:$0x1B000] =	vst v63  }
0x53: {  	_ =	swait.ge [sflag:s22], $0x2800  }
0x54: {  	[sflag:s22] =	ssyncset.done $0x0  }
0x55: {  	s9 =	rddreg [dreg:$0x4];
	[sflag:s22] =	ssyncadd.s32 $0xFFFFD800  }
0x56: {  	[tilespmem:s24], [sflag:$0x5] =	stream.linear.gather [hbm4b:s9+s4], $0x2000, $0x38;
	[tilespmem:$0x1B000] =	vst v63  }
0x57: {  	_ =	swait.ge [sflag:s22], $0x2000  }
0x58: {  	[sflag:s22] =	ssyncset.done $0x0  }
0x59: {  	[sflag:s22] =	ssyncadd.s32 $0xFFFFE000  }
0x5a: {  	[tilespmem:s26], [sflag:$0x1] =	stream.indirect.gather [hbm4b:s16+s25], $0x40, s4, s25, $0xb8;
	[tilespmem:$0x1B000] =	vst v63  }
0x5b: {  	s15 =	simm.s32 $0x7000  }
0x5c: {  	[tilespmem:s15], [sflag:$0x2] =	stream.indirect.gather [hbm4b:s16+s25], $0x40, s25, s25, $0xb8;
	[tilespmem:$0x1B000] =	vst v63  }
0x5d: {  	s17 =	simm.s32 $0x100  }
0x5e: {  	[tilespmem:s30], [sflag:$0x3] =	stream.indirect.gather [hbm4b:s16+s25], $0x40, s17, s25, $0xb8;
	[tilespmem:$0x1B000] =	vst v63  }
0x5f: {  	s18 =	simm.s32 $0x180  }
0x60: {  	[tilespmem:s0], [sflag:$0x4] =	stream.indirect.gather [hbm4b:s16+s25], $0x40, s18, s25, $0xb8;
	[tilespmem:$0x1B000] =	vst v63  }
0x61: {  	_ = 	snop  }
0x62: {  	[spmem:s10] =	stream.linear.scatter [tilespmem:s24], [sflag:$0x5], $0x2000, $0x38;
	[tilespmem:$0x1B000] =	vst v63  }
0x63: {  	_ =	swait.ge [sflag:s22], $0x2000  }
0x64: {  	[sflag:s22] =	ssyncset.done $0x0  }
0x65: {  	[sflag:s22] =	ssyncadd.s32 $0xFFFFE000  }
0x66: {  	[spmem:s11] =	stream.linear.scatter [tilespmem:s24], [sflag:$0x5], $0x2000, $0x38;
	[tilespmem:$0x1B000] =	vst v63  }
0x67: {  	_ =	swait.ge [sflag:s22], $0x2000  }
0x68: {  	[sflag:s22] =	ssyncset.done $0x0  }
0x69: {  	[sflag:s22] =	ssyncadd.s32 $0xFFFFE000  }
0x6a: {  	[spmem:s12] =	stream.linear.scatter [tilespmem:s24], [sflag:$0x5], $0x2000, $0x38;
	[tilespmem:$0x1B000] =	vst v63  }
0x6b: {  	_ =	swait.ge [sflag:s22], $0x2000  }
0x6c: {  	[sflag:s22] =	ssyncset.done $0x0  }
0x6d: {  	[sflag:s22] =	ssyncadd.s32 $0xFFFFE000  }
0x6e: {  	[spmem:s13] =	stream.linear.scatter [tilespmem:s24], [sflag:$0x5], $0x2000, $0x38;
	[tilespmem:$0x1B000] =	vst v63  }
0x6f: {  	_ =	swait.ge [sflag:s22], $0x2000  }
0x70: {  	[sflag:s22] =	ssyncset.done $0x0  }
0x71: {  	[sflag:s22] =	ssyncadd.s32 $0xFFFFE000  }
0x72: {  	[spmem:s14] =	stream.linear.scatter [tilespmem:s24], [sflag:$0x5], $0x2000, $0x38;
	[tilespmem:$0x1B000] =	vst v63  }
0x73: {  	_ =	swait.ge [sflag:s22], $0x2000  }
0x74: {  	[sflag:s22] =	ssyncset.done $0x0  }
0x75: {  	[sflag:s22] =	ssyncadd.s32 $0xFFFFE000  }
0x76: {  	s7 =	simm.s32 $0x0;
	[bflag:$0x0] =	sbarrier.arrive $0xFFFF  }
.LBB2_2:
0x77: {  	_ =	swait.ge [sflag:s2], $0x2000  }
0x78: {  	s8 =	sshra.s32 s7, $0x2;
	[sflag:s2] =	ssyncset.done $0x0  }
0x79: {  	s9 =	sadd.s32 $0x2800, s8;
	[sflag:s2] =	ssyncadd.s32 $0xFFFFE000  }
0x7a: {  	[spmem:s3] =	stream.indirect.scatter.add.bf16 [tilespmem:s26], [sflag:$0x5], $0x40, s9, s25, $0xb8;
	[tilespmem:$0x1B000] =	vst v63  }
0x7b: {  	_ =	swait.ge [sflag:s22], $0x2000  }
0x7c: {  	p0 =	seq.s32 s7, $0x9800;
	[sflag:s22] =	ssyncset.done $0x0  }
0x7d: {  	s9 =	simm.s32 @p0 $0x2;
	[sflag:s22] =	ssyncadd.s32 $0xFFFFE000  }
0x7e: {  	_ =	swait.ge @p0 [sflag:s9], $0x2000  }
0x7f: {  	[sflag:s9] =	ssyncset.done @p0 $0x0  }
0x80: {  	[sflag:s9] =	ssyncadd.s32 @p0 $0xFFFFE000;
	s9 =	sshra.s32 @p0 s7, $0x2  }
0x81: {  	s15 =	simm.s32 @p0 $0x80;
	s17 =	simm.s32 @p0 $0x7000;
	s9 =	sadd.s32 @p0 $0x2880, s9  }
0x82: {  	[spmem:s3] =	stream.indirect.scatter.add.bf16 @p0 [tilespmem:s17], [sflag:$0x5], $0x40, s9, s15, $0xb8;
	[tilespmem:$0x1B000] =	vst v63  }
0x83: {  	s9 =	simm.s32 @p0 $0x5  }
0x84: {  	_ =	swait.ge @p0 [sflag:s9], $0x2000  }
0x85: {  	[sflag:s9] =	ssyncset.done @p0 $0x0  }
0x86: {  	[sflag:s9] =	ssyncadd.s32 @p0 $0xFFFFE000;
	s9 =	sshra.s32 @!p0 s7, $0x2  }
0x87: {  	s18 =	simm.s32 @!p0 $0x5000;
	s17 =	simm.s32 @!p0 $0x80;
	s15 =	sadd.s32 @!p0 $0x200, s9  }
0x88: {  	[tilespmem:s18], [sflag:$0x1] =	stream.indirect.gather @!p0 [hbm4b:s16+s17], $0x40, s15, s17, $0xb8;
	[tilespmem:$0x1B000] =	vst v63  }
0x89: {  	s15 =	simm.s32 @!p0 $0x2  }
0x8a: {  	_ =	swait.ge @!p0 [sflag:s15], $0x2000  }
0x8b: {  	[sflag:s15] =	ssyncset.done @!p0 $0x0  }
0x8c: {  	s18 =	simm.s32 @!p0 $0x7000;
	[sflag:s15] =	ssyncadd.s32 @!p0 $0xFFFFE000;
	s15 =	sadd.s32 @!p0 $0x2880, s9  }
0x8d: {  	[spmem:s3] =	stream.indirect.scatter.add.bf16 @!p0 [tilespmem:s18], [sflag:$0x5], $0x40, s15, s17, $0xb8;
	[tilespmem:$0x1B000] =	vst v63  }
0x8e: {  	p1 =	sne.s32 @!p0 s5, $0x0;
	s15 =	simm.s32 @!p0 $0x5  }
0x8f: {  	p2 =	por !p1, p0;
	_ =	swait.ge @!p0 [sflag:s15], $0x2000  }
0x90: {  	p1 =	por p1, p0;
	s9 =	sadd.s32 @!p0 $0x280, s9;
	[sflag:s15] =	ssyncset.done @!p0 $0x0  }
0x91: {  	s17 =	simm.s32 @!p2 $0x7000;
	[sflag:s15] =	ssyncadd.s32 @!p0 $0xFFFFE000;
	s15 =	simm.s32 @!p2 $0x80  }
0x92: {  	[tilespmem:s17], [sflag:$0x2] =	stream.indirect.gather @!p2 [hbm4b:s6+s15], $0x40, s9, s15, $0xb8;
	[tilespmem:$0x1B000] =	vst v63  }
0x93: {  	s15 =	simm.s32 @!p1 $0x80;
	s17 =	simm.s32 @!p1 $0x7000  }
0x94: {  	[tilespmem:s17], [sflag:$0x2] =	stream.indirect.gather @!p1 [hbm4b:s1+s15], $0x40, s9, s15, $0xb8;
	[tilespmem:$0x1B000] =	vst v63  }
0x95: {  	_ =	swait.ge [sflag:s23], $0x2000  }
0x96: {  	[sflag:s23] =	ssyncset.done $0x0  }
.Ltmp2:
0x97: {  	s18 =	sadd.s32 $0x2900, s8;
	[sflag:s23] =	ssyncadd.s32 $0xFFFFE000;
	(pc) =	sbr.rel @p0 .LBB2_4-.Ltmp2, $4  }
0x98: {  	[spmem:s3] =	stream.indirect.scatter.add.bf16 [tilespmem:s30], [sflag:$0x5], $0x40, s18, s25, $0xb8;
	[tilespmem:$0x1B000] =	vst v63  }
0x99: {  	_ =	swait.ge [sflag:s22], $0x2000  }
0x9a: {  	[sflag:s22] =	ssyncset.done $0x0  }
0x9b: {  	s9 =	sadd.s32 $0x2980, s8;
	[sflag:s22] =	ssyncadd.s32 $0xFFFFE000  }
0x9c: {  	s15 =	sadd.s32 $0x300, s8  }
0x9d: {  	[tilespmem:s30], [sflag:$0x3] =	stream.indirect.gather [hbm4b:s16+s25], $0x40, s15, s25, $0xb8;
	[tilespmem:$0x1B000] =	vst v63  }
0x9e: {  	_ =	swait.ge [sflag:s28], $0x2000  }
0x9f: {  	[sflag:s28] =	ssyncset.done $0x0  }
0xa0: {  	[sflag:s28] =	ssyncadd.s32 $0xFFFFE000  }
0xa1: {  	[spmem:s3] =	stream.indirect.scatter.add.bf16 [tilespmem:s0], [sflag:$0x5], $0x40, s9, s25, $0xb8;
	[tilespmem:$0x1B000] =	vst v63  }
.Ltmp3:
0xa2: {  	_ = 	snop;
	(pc) =	sbr.rel .LBB2_2-.Ltmp3, $4  }
0xa3: {  	_ =	swait.ge [sflag:s22], $0x2000  }
0xa4: {  	[sflag:s22] =	ssyncset.done $0x0  }
0xa5: {  	s18 =	sadd.s32 $0x380, s8;
	s7 =	sadd.s32 $0x800, s7;
	[sflag:s22] =	ssyncadd.s32 $0xFFFFE000  }
0xa6: {  	[tilespmem:s0], [sflag:$0x4] =	stream.indirect.gather [hbm4b:s16+s25], $0x40, s18, s25, $0xb8;
	[tilespmem:$0x1B000] =	vst v63  }
.LBB2_5:
0xa7: {  	_ =	sfence.sel $0x180000  }
0xa8: {  	[bflag:$0x0] =	sbarrier.arrive $0xFFFF  }
0xa9: {  	_ =	strace $0x90000050  }
0xaa: {  	s0 =	stileid.u32;
	[bflag:$0x2] =	sbarrier.arrive $0xFFFF  }
0xab: {  	p0 =	sne.s32 s0, $0x0;
	s0 =	rddreg [dreg:$0x3]  }
0xac: {  	s0 =	sadd.s32 @!p0 $0x100000, s0  }
0xad: {  	[sflag:s0] =	ssyncadd.tile.s32 @!p0 $0x1;
	_ =	shalt  }
.Lfunc_end2:
_tile_overlayer_lowered:
.L_overlay_start_2:
0xae: {  	(tag) =	ssettag $0x2  }
0xaf: {  	s0 =	rddreg [dreg:$0x0];
	s2 =	stileid.u32  }
0xb0: {  	s1 =	rddreg [dreg:$0x1];
	p0 =	sne.s32 s2, $0x0  }
0xb1: {  	s3 =	rddreg [dreg:$0x2];
	[bflag:$0x3] =	sbarrier.arrive $0xFFFF;
	s2 =	simm.s32 @!p0 $0x1C05  }
0xb2: {  	[timem:s3], [sflag:s2] =	dma.local @!p0 [hbm:s0], s1  }
0xb3: {  	s0 =	simm.s32 @!p0 $0x5  }
0xb4: {  	_ =	swait.ge @!p0 [sflag:s0], s1  }
0xb5: {  	s1 =	ssub.s32 @!p0 $0x0, s1;
	[sflag:s0] =	ssyncset.done @!p0 $0x0  }
0xb6: {  	[sflag:s0] =	ssyncadd.s32 @!p0 s1  }
0xb7: {  	[bflag:$0x3] =	sbarrier.arrive $0xFFFF  }
0xb8: {  	_ =	shalt  }

</sc_bundles>
